<compile_context>
chip_gen: v7x
topology: tpu7x:2x2x1
jax: 0.10.2.dev20260603
libtpu: 0.0.44.dev20260713+nightly
codegen_flags: <defaults>
</compile_context>

<pallas_src>
import functools

import jax
import jax.numpy as jnp
from jax import lax
from jax.experimental import pallas as pl
from jax.experimental.pallas import tpu as pltpu
from jax.experimental.pallas import tpu_sc as plsc

BATCH = 16384
BASE_DIM = 64
D1 = 32
D2 = 16
OFF1 = 100000
OFF2 = 400000

N0 = 100001
N1 = 300001
N2 = 600001

PACK = 128
FBT = 8192
N0P = 13 * FBT
N1P = 37 * FBT
N2P = 74 * FBT
G0 = FBT * BASE_DIM // PACK
G1 = FBT * D1 // PACK
G2 = FBT * D2 // PACK

NUM_CORES = 2
NUM_SUBCORES = 16
NW = NUM_CORES * NUM_SUBCORES
BPW = BATCH // NW
CHUNK = 128
NCHUNK = BPW // CHUNK
LANES = 16


def _fmt_body(n, d, xt_ref, w_ref, out_ref):
    cols = pl.program_id(0) * FBT + lax.broadcasted_iota(jnp.int32, (d, FBT), 1)
    x = jnp.where(cols < n, xt_ref[...], 0.0)
    xr = x.reshape(PACK, (FBT * d) // PACK)
    out_ref[...] = lax.dot_general(xr, w_ref[...], (((0,), (0,)), ((), ())),
                                   preferred_element_type=jnp.float32)


def _perm(d):
    s = PACK // d
    m = jnp.arange(PACK)
    cols = d * (m % s) + m // s
    return jnp.zeros((PACK, PACK), jnp.float32).at[m, cols].set(1.0)


def _fmt(xt, d, n, np_):
    g = (FBT * d) // PACK
    return pl.pallas_call(
        functools.partial(_fmt_body, n, d),
        grid=(np_ // FBT,),
        in_specs=[
            pl.BlockSpec((d, FBT), lambda i: (0, i)),
            pl.BlockSpec((PACK, PACK), lambda i: (0, 0)),
        ],
        out_specs=pl.BlockSpec((g, PACK), lambda i: (i, 0)),
        out_shape=jax.ShapeDtypeStruct((np_ * d // PACK, PACK), jnp.float32),
    )(xt, _perm(d))


def _gather_body(ids_hbm, t0_hbm, t1_hbm, t2_hbm, e0_hbm, e1_hbm, e2_hbm,
                 ids_v, r0i_v, r1i_v, r2i_v,
                 r0a, r1a, r2a, r0b, r1b, r2b, gsa, gsb, wsa, wsb):
    wid = lax.axis_index("s") * NUM_CORES + lax.axis_index("c")
    base = wid * BPW
    pltpu.sync_copy(ids_hbm.at[pl.ds(base, BPW)], ids_v)
    for j in range(NCHUNK):
        for t in range(CHUNK // LANES):
            off = j * CHUNK + t * LANES
            ids16 = ids_v[pl.ds(off, LANES)]
            lt1 = ids16 < OFF1
            lt2 = ids16 < OFF2
            loc0 = jnp.where(lt1, ids16 + 1, (ids16 >> 4) + 1)
            dummy1 = (ids16 >> 2) + 1
            loc1 = jnp.where(lt1, dummy1,
                             jnp.where(lt2, ids16 - (OFF1 - 1), dummy1))
            loc2 = jnp.where(lt2, (ids16 >> 1) + 1, ids16 - (OFF2 - 1))
            sl = pl.ds(t * LANES, LANES)
            r0i_v[j, sl] = ((loc0 >> 13) << 12) + (loc0 & (G0 - 1))
            r1i_v[j, sl] = ((loc1 >> 13) << 11) + (loc1 & (G1 - 1))
            r2i_v[j, sl] = ((loc2 >> 13) << 10) + (loc2 & (G2 - 1))
    bufs = [(r0a, r1a, r2a, gsa, wsa), (r0b, r1b, r2b, gsb, wsb)]
    cps = {}

    def fire(j):
        r0, r1, r2, gsem, _ = bufs[j % 2]
        cps[j] = [
            pltpu.async_copy(t0_hbm.at[r0i_v.at[j]], r0, gsem),
            pltpu.async_copy(t1_hbm.at[r1i_v.at[j]], r1, gsem),
            pltpu.async_copy(t2_hbm.at[r2i_v.at[j]], r2, gsem),
        ]

    fire(0)
    pend_w = {}
    for j in range(NCHUNK):
        for cp in cps[j]:
            cp.wait()
        if j + 1 < NCHUNK:
            if j - 1 >= 0:
                for wp in pend_w[j - 1]:
                    wp.wait()
            fire(j + 1)
        r0, r1, r2, _, wsem = bufs[j % 2]
        rows = pl.ds(base + j * CHUNK, CHUNK)
        pend_w[j] = [
            pltpu.async_copy(r0, e0_hbm.at[rows], wsem),
            pltpu.async_copy(r1, e1_hbm.at[rows], wsem),
            pltpu.async_copy(r2, e2_hbm.at[rows], wsem),
        ]
    for j in (NCHUNK - 2, NCHUNK - 1):
        for wp in pend_w[j]:
            wp.wait()


def _sc_gather(ids, t0, t1, t2):
    mesh = plsc.VectorSubcoreMesh(
        core_axis_name="c", subcore_axis_name="s",
        num_cores=NUM_CORES, num_subcores=NUM_SUBCORES)
    f = pl.kernel(
        _gather_body,
        out_type=(
            jax.ShapeDtypeStruct((BATCH, PACK), jnp.float32),
            jax.ShapeDtypeStruct((BATCH, PACK), jnp.float32),
            jax.ShapeDtypeStruct((BATCH, PACK), jnp.float32),
        ),
        mesh=mesh,
        compiler_params=pltpu.CompilerParams(use_tc_tiling_on_sc=False),
        scratch_types=[
            pltpu.VMEM((BPW,), jnp.int32),
            pltpu.VMEM((NCHUNK, CHUNK), jnp.int32),
            pltpu.VMEM((NCHUNK, CHUNK), jnp.int32),
            pltpu.VMEM((NCHUNK, CHUNK), jnp.int32),
            pltpu.VMEM((CHUNK, PACK), jnp.float32),
            pltpu.VMEM((CHUNK, PACK), jnp.float32),
            pltpu.VMEM((CHUNK, PACK), jnp.float32),
            pltpu.VMEM((CHUNK, PACK), jnp.float32),
            pltpu.VMEM((CHUNK, PACK), jnp.float32),
            pltpu.VMEM((CHUNK, PACK), jnp.float32),
            pltpu.SemaphoreType.DMA,
            pltpu.SemaphoreType.DMA,
            pltpu.SemaphoreType.DMA,
            pltpu.SemaphoreType.DMA,
        ],
    )
    return f(ids, t0, t1, t2)


BT = 2048


def _proj_body(ids_ref, ea_ref, eb_ref, ec_ref, w1_ref, b1_ref, w2_ref, b2_ref,
               out_ref):
    ids = ids_ref[...]
    lt1 = ids < OFF1
    lt2 = ids < OFF2
    loc0 = jnp.where(lt1, ids + 1, (ids >> 4) + 1)
    d1v = (ids >> 2) + 1
    loc1 = jnp.where(lt1, d1v, jnp.where(lt2, ids - (OFF1 - 1), d1v))
    loc2 = jnp.where(lt2, (ids >> 1) + 1, ids - (OFF2 - 1))
    a0 = (loc0 >> 12) & 1
    a1 = (loc1 >> 11) & 3
    a2 = (loc2 >> 10) & 7
    ea = ea_ref[...]
    eb = eb_ref[...]
    ec = ec_ref[...]
    e0 = jnp.where(a0 == 0, ea[:, 0:BASE_DIM], ea[:, BASE_DIM:2 * BASE_DIM])
    e1 = eb[:, 0:D1]
    for a in (1, 2, 3):
        e1 = jnp.where(a1 == a, eb[:, D1 * a:D1 * a + D1], e1)
    e2 = ec[:, 0:D2]
    for a in range(1, 8):
        e2 = jnp.where(a2 == a, ec[:, D2 * a:D2 * a + D2], e2)
    p1 = jnp.dot(e1, w1_ref[...], preferred_element_type=jnp.float32) + b1_ref[...]
    p2 = jnp.dot(e2, w2_ref[...], preferred_element_type=jnp.float32) + b2_ref[...]
    out_ref[...] = jnp.where(lt1, e0, jnp.where(lt2, p1, p2))


def _tc_project(ids2d, ea, eb, ec, W1, b1, W2, b2):
    grid = (BATCH // BT,)
    return pl.pallas_call(
        _proj_body,
        grid=grid,
        in_specs=[
            pl.BlockSpec((BT, 1), lambda i: (i, 0)),
            pl.BlockSpec((BT, PACK), lambda i: (i, 0)),
            pl.BlockSpec((BT, PACK), lambda i: (i, 0)),
            pl.BlockSpec((BT, PACK), lambda i: (i, 0)),
            pl.BlockSpec((D1, BASE_DIM), lambda i: (0, 0)),
            pl.BlockSpec((1, BASE_DIM), lambda i: (0, 0)),
            pl.BlockSpec((D2, BASE_DIM), lambda i: (0, 0)),
            pl.BlockSpec((1, BASE_DIM), lambda i: (0, 0)),
        ],
        out_specs=pl.BlockSpec((BT, BASE_DIM), lambda i: (i, 0)),
        out_shape=jax.ShapeDtypeStruct((BATCH, BASE_DIM), jnp.float32),
    )(ids2d, ea, eb, ec, W1, b1, W2, b2)


def kernel(inputs, T0, T1, W1, b1, T2, W2, b2):
    ids = inputs.astype(jnp.int32)
    t0 = _fmt(T0.T, BASE_DIM, N0, N0P)
    t1 = _fmt(T1.T, D1, N1, N1P)
    t2 = _fmt(T2.T, D2, N2, N2P)
    ea, eb, ec = _sc_gather(ids, t0, t1, t2)
    return _tc_project(ids.reshape(BATCH, 1), ea, eb, ec,
                       W1, b1.reshape(1, BASE_DIM), W2, b2.reshape(1, BASE_DIM))

# --- scband reference (transcript-rebuilt; emitter-appended) ---
"""Pipeline reference for scband-mdembedding-28355374088890 (READ-ONLY COPY).

The authoritative reference and input builder live on the scoring server;
editing this copy changes nothing except your own understanding.
"""

import jax, jax.numpy as jnp
import numpy as np

# Mixed-dimension embedding: 3 frequency blocks over a 1M vocab.
# Block 0: 100k items, dim 64 (== base, identity projector)
# Block 1: 300k items, dim 32 (Dense projector 32->64)
# Block 2: 600k items, dim 16 (Dense projector 16->64)
# String vocabularies are abstracted to contiguous integer id ranges;
# StringLookup(num_oov_indices=1) maps out-of-block ids to OOV index 0,
# in-block id i to local index (i - offset + 1). Embedding tables have V+1 rows.
BLOCK_SIZES = [100000, 300000, 600000]
BLOCK_DIMS = [64, 32, 16]
OFFSETS = [0, 100000, 400000]
BASE_DIM = 64
BATCH = 16384
TOTAL_VOCAB = 1000000


def setup_inputs(seed: int = 0) -> dict:
    key = jax.random.key(seed)
    ks = jax.random.split(key, 8)
    inputs = jax.random.randint(ks[0], (BATCH,), 0, TOTAL_VOCAB, dtype=jnp.int64 if jax.config.jax_enable_x64 else jnp.int32)
    T0 = jax.random.normal(ks[1], (BLOCK_SIZES[0] + 1, BLOCK_DIMS[0]), jnp.float32) * 0.05
    T1 = jax.random.normal(ks[2], (BLOCK_SIZES[1] + 1, BLOCK_DIMS[1]), jnp.float32) * 0.05
    T2 = jax.random.normal(ks[3], (BLOCK_SIZES[2] + 1, BLOCK_DIMS[2]), jnp.float32) * 0.05
    W1 = jax.random.normal(ks[4], (BLOCK_DIMS[1], BASE_DIM), jnp.float32) * (1.0 / np.sqrt(BLOCK_DIMS[1]))
    b1 = jnp.zeros((BASE_DIM,), jnp.float32)
    W2 = jax.random.normal(ks[5], (BLOCK_DIMS[2], BASE_DIM), jnp.float32) * (1.0 / np.sqrt(BLOCK_DIMS[2]))
    b2 = jnp.zeros((BASE_DIM,), jnp.float32)
    return {"inputs": inputs, "T0": T0, "T1": T1, "W1": W1, "b1": b1, "T2": T2, "W2": W2, "b2": b2}


def reference(inputs, T0, T1, W1, b1, T2, W2, b2):
    inputs = inputs.astype(jnp.int32)
    # vocab_to_block lookup (StaticHashTable, default -1; all ids in-range here)
    block_id = jnp.where(inputs < OFFSETS[1], 0, jnp.where(inputs < OFFSETS[2], 1, 2))
    B = inputs.shape[0]
    embeddings = jnp.zeros((B, BASE_DIM), jnp.float32)
    # Block 0: StringLookup -> local index (0 = OOV), embedding lookup, identity projector
    loc0 = jnp.where(block_id == 0, inputs - OFFSETS[0] + 1, 0)
    e0 = jnp.take(T0, loc0, axis=0)
    mask0 = (block_id == 0).astype(jnp.float32)[:, None]
    embeddings = embeddings + e0 * mask0
    # Block 1: lookup + Dense(32 -> 64) projector
    loc1 = jnp.where(block_id == 1, inputs - OFFSETS[1] + 1, 0)
    e1 = jnp.take(T1, loc1, axis=0) @ W1 + b1
    mask1 = (block_id == 1).astype(jnp.float32)[:, None]
    embeddings = embeddings + e1 * mask1
    # Block 2: lookup + Dense(16 -> 64) projector
    loc2 = jnp.where(block_id == 2, inputs - OFFSETS[2] + 1, 0)
    e2 = jnp.take(T2, loc2, axis=0) @ W2 + b2
    mask2 = (block_id == 2).astype(jnp.float32)[:, None]
    embeddings = embeddings + e2 * mask2
    return embeddings

if __name__ == "__main__":
    import jax
    _d = setup_inputs()
    print(jax.jit(kernel)(*tuple(_d.values())))

</pallas_src>

<mosaic_0001>
#map = affine_map<(d0, d1) -> (0)>
#map1 = affine_map<(d0, d1) -> (0, 0)>
module attributes {stable_mosaic.version = 14 : i64} {
  func.func @_gather_body(%arg0: i32, %arg1: i32, %arg2: memref<16384xi32, #tpu.memory_space<hbm>>, %arg3: memref<53248x128xf32, #tpu.memory_space<hbm>>, %arg4: memref<75776x128xf32, #tpu.memory_space<hbm>>, %arg5: memref<75776x128xf32, #tpu.memory_space<hbm>>, %arg6: memref<16384x128xf32, #tpu.memory_space<hbm>>, %arg7: memref<16384x128xf32, #tpu.memory_space<hbm>>, %arg8: memref<16384x128xf32, #tpu.memory_space<hbm>>, %arg9: memref<512xi32, #tpu.memory_space<vmem>>, %arg10: memref<4x128xi32, #tpu.memory_space<vmem>>, %arg11: memref<4x128xi32, #tpu.memory_space<vmem>>, %arg12: memref<4x128xi32, #tpu.memory_space<vmem>>, %arg13: memref<128x128xf32, #tpu.memory_space<vmem>>, %arg14: memref<128x128xf32, #tpu.memory_space<vmem>>, %arg15: memref<128x128xf32, #tpu.memory_space<vmem>>, %arg16: memref<128x128xf32, #tpu.memory_space<vmem>>, %arg17: memref<128x128xf32, #tpu.memory_space<vmem>>, %arg18: memref<128x128xf32, #tpu.memory_space<vmem>>, %arg19: memref<!tpu.dma_semaphore, #tpu.memory_space<semaphore_mem>>, %arg20: memref<!tpu.dma_semaphore, #tpu.memory_space<semaphore_mem>>, %arg21: memref<!tpu.dma_semaphore, #tpu.memory_space<semaphore_mem>>, %arg22: memref<!tpu.dma_semaphore, #tpu.memory_space<semaphore_mem>>) attributes {dimension_semantics = [#tpu.dimension_semantics<core_parallel>, #tpu.dimension_semantics<subcore_parallel>], iteration_bounds = array<i64: 2, 16>, scalar_prefetch = 0 : i64, scratch_operands = 14 : i64, tpu.core_type = #tpu.core_type<sc_vector_subcore>, window_params = [{transform_indices = #map}, {transform_indices = #map1}, {transform_indices = #map1}, {transform_indices = #map1}, {transform_indices = #map1}, {transform_indices = #map1}, {transform_indices = #map1}]} {
    %mul3A = arith.constant 2 : i32
    %mul3A_0 = arith.muli %arg1, %mul3A : i32
    %add3A = arith.addi %mul3A_0, %arg0 : i32
    %mul3A_1 = arith.constant 512 : i32
    %mul3A_2 = arith.muli %add3A, %mul3A_1 : i32
    "tpu.region"() ({
      %run_scoped3A = tpu.sem_alloc : memref<!tpu.dma_semaphore, #tpu.memory_space<semaphore_mem>>
      %dma_start3A_3081 = tpu.memref_slice %arg2[%mul3A_2] : memref<16384xi32, #tpu.memory_space<hbm>> -> memref<512xi32, #tpu.memory_space<hbm>>
      %dma_start3A_3082 = tpu.memref_slice %arg2[%mul3A_2] : memref<16384xi32, #tpu.memory_space<hbm>> -> memref<512xi32, #tpu.memory_space<hbm>>
      tpu.enqueue_dma source(%dma_start3A_3082 : memref<512xi32, #tpu.memory_space<hbm>>) target(%arg9 : memref<512xi32, #tpu.memory_space<vmem>>) target_semaphore(%run_scoped3A : memref<!tpu.dma_semaphore, #tpu.memory_space<semaphore_mem>>)
      %dma_wait3A_3083 = tpu.memref_slice %arg2[%mul3A_2] : memref<16384xi32, #tpu.memory_space<hbm>> -> memref<512xi32, #tpu.memory_space<hbm>>
      %dma_wait3A_3084 = tpu.memref_slice %arg2[%mul3A_2] : memref<16384xi32, #tpu.memory_space<hbm>> -> memref<512xi32, #tpu.memory_space<hbm>>
      tpu.wait_dma2 semaphore(%run_scoped3A : memref<!tpu.dma_semaphore, #tpu.memory_space<semaphore_mem>>) src(%dma_wait3A_3084 : memref<512xi32, #tpu.memory_space<hbm>>) dst(%arg9 : memref<512xi32, #tpu.memory_space<vmem>>)
      tpu.yield
    }) : () -> ()
    %get3A = arith.constant 0 : index
    %get3A_3 = tpu.vector_load %arg9[%get3A] {strides = array<i32>} : memref<512xi32, #tpu.memory_space<vmem>>, vector<16xi32>,
    %get3A_4 = vector.shape_cast %get3A_3 : vector<16xi32> to vector<16xi32>
    %lt3A = arith.constant 100000 : i32
    %lt3A_5 = vector.broadcast %lt3A : i32 to vector<16xi32>
    %lt3A_6 = arith.cmpi slt, %get3A_4, %lt3A_5 : vector<16xi32>
    %lt3A_7 = arith.constant 400000 : i32
    %lt3A_8 = vector.broadcast %lt3A_7 : i32 to vector<16xi32>
    %lt3A_9 = arith.cmpi slt, %get3A_4, %lt3A_8 : vector<16xi32>
    %add3A_10 = arith.constant 1 : i32
    %add3A_11 = vector.broadcast %add3A_10 : i32 to vector<16xi32>
    %add3A_12 = arith.addi %get3A_4, %add3A_11 : vector<16xi32>
    %shift_right_arithmetic3A = arith.constant 4 : i32
    %shift_right_arithmetic3A_13 = vector.broadcast %shift_right_arithmetic3A : i32 to vector<16xi32>
    %shift_right_arithmetic3A_14 = arith.shrsi %get3A_4, %shift_right_arithmetic3A_13 : vector<16xi32>
    %add3A_15 = arith.constant 1 : i32
    %add3A_16 = vector.broadcast %add3A_15 : i32 to vector<16xi32>
    %add3A_17 = arith.addi %shift_right_arithmetic3A_14, %add3A_16 : vector<16xi32>
    %select_n3A = arith.select %lt3A_6, %add3A_12, %add3A_17 : vector<16xi1>, vector<16xi32>
    %shift_right_arithmetic3A_18 = arith.constant 2 : i32
    %shift_right_arithmetic3A_19 = vector.broadcast %shift_right_arithmetic3A_18 : i32 to vector<16xi32>
    %shift_right_arithmetic3A_20 = arith.shrsi %get3A_4, %shift_right_arithmetic3A_19 : vector<16xi32>
    %add3A_21 = arith.constant 1 : i32
    %add3A_22 = vector.broadcast %add3A_21 : i32 to vector<16xi32>
    %add3A_23 = arith.addi %shift_right_arithmetic3A_20, %add3A_22 : vector<16xi32>
    %sub3A = arith.constant 99999 : i32
    %sub3A_24 = vector.broadcast %sub3A : i32 to vector<16xi32>
    %sub3A_25 = arith.subi %get3A_4, %sub3A_24 : vector<16xi32>
    %select_n3A_26 = arith.select %lt3A_9, %sub3A_25, %add3A_23 : vector<16xi1>, vector<16xi32>
    %select_n3A_27 = arith.select %lt3A_6, %add3A_23, %select_n3A_26 : vector<16xi1>, vector<16xi32>
    %shift_right_arithmetic3A_28 = arith.constant 1 : i32
    %shift_right_arithmetic3A_29 = vector.broadcast %shift_right_arithmetic3A_28 : i32 to vector<16xi32>
    %shift_right_arithmetic3A_30 = arith.shrsi %get3A_4, %shift_right_arithmetic3A_29 : vector<16xi32>
    %add3A_31 = arith.constant 1 : i32
    %add3A_32 = vector.broadcast %add3A_31 : i32 to vector<16xi32>
    %add3A_33 = arith.addi %shift_right_arithmetic3A_30, %add3A_32 : vector<16xi32>
    %sub3A_34 = arith.constant 399999 : i32
    %sub3A_35 = vector.broadcast %sub3A_34 : i32 to vector<16xi32>
    %sub3A_36 = arith.subi %get3A_4, %sub3A_35 : vector<16xi32>
    %select_n3A_37 = arith.select %lt3A_9, %add3A_33, %sub3A_36 : vector<16xi1>, vector<16xi32>
    %shift_right_arithmetic3A_38 = arith.constant 13 : i32
    %shift_right_arithmetic3A_39 = vector.broadcast %shift_right_arithmetic3A_38 : i32 to vector<16xi32>
    %shift_right_arithmetic3A_40 = arith.shrsi %select_n3A, %shift_right_arithmetic3A_39 : vector<16xi32>
    %shift_left3A = arith.constant 12 : i32
    %shift_left3A_41 = vector.broadcast %shift_left3A : i32 to vector<16xi32>
    %shift_left3A_42 = arith.shli %shift_right_arithmetic3A_40, %shift_left3A_41 : vector<16xi32>
    %and3A = arith.constant 4095 : i32
    %and3A_43 = vector.broadcast %and3A : i32 to vector<16xi32>
    %and3A_44 = arith.andi %select_n3A, %and3A_43 : vector<16xi32>
    %add3A_45 = arith.addi %shift_left3A_42, %and3A_44 : vector<16xi32>
    %swap3A = arith.constant 0 : i32
    %swap3A_46 = arith.index_cast %swap3A : i32 to index
    %swap3A_47 = arith.constant 0 : index
    %swap3A_48 = tpu.vector_load %arg10[%swap3A_46, %swap3A_47] {strides = array<i32>} : memref<4x128xi32, #tpu.memory_space<vmem>>, vector<1x16xi32>,
    %swap3A_49 = vector.shape_cast %swap3A_48 : vector<1x16xi32> to vector<16xi32>
    %swap3A_50 = vector.shape_cast %add3A_45 : vector<16xi32> to vector<1x16xi32>
    tpu.vector_store %arg10[%swap3A_46, %swap3A_47], %swap3A_50 {strides = array<i32>} : memref<4x128xi32, #tpu.memory_space<vmem>>, vector<1x16xi32>,
    %shift_right_arithmetic3A_51 = arith.constant 13 : i32
    %shift_right_arithmetic3A_52 = vector.broadcast %shift_right_arithmetic3A_51 : i32 to vector<16xi32>
    %shift_right_arithmetic3A_53 = arith.shrsi %select_n3A_27, %shift_right_arithmetic3A_52 : vector<16xi32>
    %shift_left3A_54 = arith.constant 11 : i32
    %shift_left3A_55 = vector.broadcast %shift_left3A_54 : i32 to vector<16xi32>
    %shift_left3A_56 = arith.shli %shift_right_arithmetic3A_53, %shift_left3A_55 : vector<16xi32>
    %and3A_57 = arith.constant 2047 : i32
    %and3A_58 = vector.broadcast %and3A_57 : i32 to vector<16xi32>
    %and3A_59 = arith.andi %select_n3A_27, %and3A_58 : vector<16xi32>
    %add3A_60 = arith.addi %shift_left3A_56, %and3A_59 : vector<16xi32>
    %swap3A_61 = arith.constant 0 : i32
    %swap3A_62 = arith.index_cast %swap3A_61 : i32 to index
    %swap3A_63 = arith.constant 0 : index
    %swap3A_64 = tpu.vector_load %arg11[%swap3A_62, %swap3A_63] {strides = array<i32>} : memref<4x128xi32, #tpu.memory_space<vmem>>, vector<1x16xi32>,
    %swap3A_65 = vector.shape_cast %swap3A_64 : vector<1x16xi32> to vector<16xi32>
    %swap3A_66 = vector.shape_cast %add3A_60 : vector<16xi32> to vector<1x16xi32>
    tpu.vector_store %arg11[%swap3A_62, %swap3A_63], %swap3A_66 {strides = array<i32>} : memref<4x128xi32, #tpu.memory_space<vmem>>, vector<1x16xi32>,
    %shift_right_arithmetic3A_67 = arith.constant 13 : i32
    %shift_right_arithmetic3A_68 = vector.broadcast %shift_right_arithmetic3A_67 : i32 to vector<16xi32>
    %shift_right_arithmetic3A_69 = arith.shrsi %select_n3A_37, %shift_right_arithmetic3A_68 : vector<16xi32>
    %shift_left3A_70 = arith.constant 10 : i32
    %shift_left3A_71 = vector.broadcast %shift_left3A_70 : i32 to vector<16xi32>
    %shift_left3A_72 = arith.shli %shift_right_arithmetic3A_69, %shift_left3A_71 : vector<16xi32>
    %and3A_73 = arith.constant 1023 : i32
    %and3A_74 = vector.broadcast %and3A_73 : i32 to vector<16xi32>
    %and3A_75 = arith.andi %select_n3A_37, %and3A_74 : vector<16xi32>
    %add3A_76 = arith.addi %shift_left3A_72, %and3A_75 : vector<16xi32>
    %swap3A_77 = arith.constant 0 : i32
    %swap3A_78 = arith.index_cast %swap3A_77 : i32 to index
    %swap3A_79 = arith.constant 0 : index
    %swap3A_80 = tpu.vector_load %arg12[%swap3A_78, %swap3A_79] {strides = array<i32>} : memref<4x128xi32, #tpu.memory_space<vmem>>, vector<1x16xi32>,
    %swap3A_81 = vector.shape_cast %swap3A_80 : vector<1x16xi32> to vector<16xi32>
    %swap3A_82 = vector.shape_cast %add3A_76 : vector<16xi32> to vector<1x16xi32>
    tpu.vector_store %arg12[%swap3A_78, %swap3A_79], %swap3A_82 {strides = array<i32>} : memref<4x128xi32, #tpu.memory_space<vmem>>, vector<1x16xi32>,
    %get3A_83 = arith.constant 16 : index
    %get3A_84 = tpu.vector_load %arg9[%get3A_83] {strides = array<i32>} : memref<512xi32, #tpu.memory_space<vmem>>, vector<16xi32>,
    %get3A_85 = vector.shape_cast %get3A_84 : vector<16xi32> to vector<16xi32>
    %lt3A_86 = arith.constant 100000 : i32
    %lt3A_87 = vector.broadcast %lt3A_86 : i32 to vector<16xi32>
    %lt3A_88 = arith.cmpi slt, %get3A_85, %lt3A_87 : vector<16xi32>
    %lt3A_89 = arith.constant 400000 : i32
    %lt3A_90 = vector.broadcast %lt3A_89 : i32 to vector<16xi32>
    %lt3A_91 = arith.cmpi slt, %get3A_85, %lt3A_90 : vector<16xi32>
    %add3A_92 = arith.constant 1 : i32
    %add3A_93 = vector.broadcast %add3A_92 : i32 to vector<16xi32>
    %add3A_94 = arith.addi %get3A_85, %add3A_93 : vector<16xi32>
    %shift_right_arithmetic3A_95 = arith.constant 4 : i32
    %shift_right_arithmetic3A_96 = vector.broadcast %shift_right_arithmetic3A_95 : i32 to vector<16xi32>
    %shift_right_arithmetic3A_97 = arith.shrsi %get3A_85, %shift_right_arithmetic3A_96 : vector<16xi32>
    %add3A_98 = arith.constant 1 : i32
    %add3A_99 = vector.broadcast %add3A_98 : i32 to vector<16xi32>
    %add3A_100 = arith.addi %shift_right_arithmetic3A_97, %add3A_99 : vector<16xi32>
    %select_n3A_101 = arith.select %lt3A_88, %add3A_94, %add3A_100 : vector<16xi1>, vector<16xi32>
    %shift_right_arithmetic3A_102 = arith.constant 2 : i32
    %shift_right_arithmetic3A_103 = vector.broadcast %shift_right_arithmetic3A_102 : i32 to vector<16xi32>
    %shift_right_arithmetic3A_104 = arith.shrsi %get3A_85, %shift_right_arithmetic3A_103 : vector<16xi32>
    %add3A_105 = arith.constant 1 : i32
    %add3A_106 = vector.broadcast %add3A_105 : i32 to vector<16xi32>
    %add3A_107 = arith.addi %shift_right_arithmetic3A_104, %add3A_106 : vector<16xi32>
    %sub3A_108 = arith.constant 99999 : i32
    %sub3A_109 = vector.broadcast %sub3A_108 : i32 to vector<16xi32>
    %sub3A_110 = arith.subi %get3A_85, %sub3A_109 : vector<16xi32>
    %select_n3A_111 = arith.select %lt3A_91, %sub3A_110, %add3A_107 : vector<16xi1>, vector<16xi32>
    %select_n3A_112 = arith.select %lt3A_88, %add3A_107, %select_n3A_111 : vector<16xi1>, vector<16xi32>
    %shift_right_arithmetic3A_113 = arith.constant 1 : i32
    %shift_right_arithmetic3A_114 = vector.broadcast %shift_right_arithmetic3A_113 : i32 to vector<16xi32>
    %shift_right_arithmetic3A_115 = arith.shrsi %get3A_85, %shift_right_arithmetic3A_114 : vector<16xi32>
    %add3A_116 = arith.constant 1 : i32
    %add3A_117 = vector.broadcast %add3A_116 : i32 to vector<16xi32>
    %add3A_118 = arith.addi %shift_right_arithmetic3A_115, %add3A_117 : vector<16xi32>
    %sub3A_119 = arith.constant 399999 : i32
    %sub3A_120 = vector.broadcast %sub3A_119 : i32 to vector<16xi32>
    %sub3A_121 = arith.subi %get3A_85, %sub3A_120 : vector<16xi32>
    %select_n3A_122 = arith.select %lt3A_91, %add3A_118, %sub3A_121 : vector<16xi1>, vector<16xi32>
    %shift_right_arithmetic3A_123 = arith.constant 13 : i32
    %shift_right_arithmetic3A_124 = vector.broadcast %shift_right_arithmetic3A_123 : i32 to vector<16xi32>
    %shift_right_arithmetic3A_125 = arith.shrsi %select_n3A_101, %shift_right_arithmetic3A_124 : vector<16xi32>
    %shift_left3A_126 = arith.constant 12 : i32
    %shift_left3A_127 = vector.broadcast %shift_left3A_126 : i32 to vector<16xi32>
    %shift_left3A_128 = arith.shli %shift_right_arithmetic3A_125, %shift_left3A_127 : vector<16xi32>
    %and3A_129 = arith.constant 4095 : i32
    %and3A_130 = vector.broadcast %and3A_129 : i32 to vector<16xi32>
    %and3A_131 = arith.andi %select_n3A_101, %and3A_130 : vector<16xi32>
    %add3A_132 = arith.addi %shift_left3A_128, %and3A_131 : vector<16xi32>
    %swap3A_133 = arith.constant 0 : i32
    %swap3A_134 = arith.index_cast %swap3A_133 : i32 to index
    %swap3A_135 = arith.constant 16 : index
    %swap3A_136 = tpu.vector_load %arg10[%swap3A_134, %swap3A_135] {strides = array<i32>} : memref<4x128xi32, #tpu.memory_space<vmem>>, vector<1x16xi32>,
    %swap3A_137 = vector.shape_cast %swap3A_136 : vector<1x16xi32> to vector<16xi32>
    %swap3A_138 = vector.shape_cast %add3A_132 : vector<16xi32> to vector<1x16xi32>
    tpu.vector_store %arg10[%swap3A_134, %swap3A_135], %swap3A_138 {strides = array<i32>} : memref<4x128xi32, #tpu.memory_space<vmem>>, vector<1x16xi32>,
    %shift_right_arithmetic3A_139 = arith.constant 13 : i32
    %shift_right_arithmetic3A_140 = vector.broadcast %shift_right_arithmetic3A_139 : i32 to vector<16xi32>
    %shift_right_arithmetic3A_141 = arith.shrsi %select_n3A_112, %shift_right_arithmetic3A_140 : vector<16xi32>
    %shift_left3A_142 = arith.constant 11 : i32
    %shift_left3A_143 = vector.broadcast %shift_left3A_142 : i32 to vector<16xi32>
    %shift_left3A_144 = arith.shli %shift_right_arithmetic3A_141, %shift_left3A_143 : vector<16xi32>
    %and3A_145 = arith.constant 2047 : i32
    %and3A_146 = vector.broadcast %and3A_145 : i32 to vector<16xi32>
    %and3A_147 = arith.andi %select_n3A_112, %and3A_146 : vector<16xi32>
    %add3A_148 = arith.addi %shift_left3A_144, %and3A_147 : vector<16xi32>
    %swap3A_149 = arith.constant 0 : i32
    %swap3A_150 = arith.index_cast %swap3A_149 : i32 to index
    %swap3A_151 = arith.constant 16 : index
    %swap3A_152 = tpu.vector_load %arg11[%swap3A_150, %swap3A_151] {strides = array<i32>} : memref<4x128xi32, #tpu.memory_space<vmem>>, vector<1x16xi32>,
    %swap3A_153 = vector.shape_cast %swap3A_152 : vector<1x16xi32> to vector<16xi32>
    %swap3A_154 = vector.shape_cast %add3A_148 : vector<16xi32> to vector<1x16xi32>
    tpu.vector_store %arg11[%swap3A_150, %swap3A_151], %swap3A_154 {strides = array<i32>} : memref<4x128xi32, #tpu.memory_space<vmem>>, vector<1x16xi32>,
    %shift_right_arithmetic3A_155 = arith.constant 13 : i32
    %shift_right_arithmetic3A_156 = vector.broadcast %shift_right_arithmetic3A_155 : i32 to vector<16xi32>
    %shift_right_arithmetic3A_157 = arith.shrsi %select_n3A_122, %shift_right_arithmetic3A_156 : vector<16xi32>
    %shift_left3A_158 = arith.constant 10 : i32
    %shift_left3A_159 = vector.broadcast %shift_left3A_158 : i32 to vector<16xi32>
    %shift_left3A_160 = arith.shli %shift_right_arithmetic3A_157, %shift_left3A_159 : vector<16xi32>
    %and3A_161 = arith.constant 1023 : i32
    %and3A_162 = vector.broadcast %and3A_161 : i32 to vector<16xi32>
    %and3A_163 = arith.andi %select_n3A_122, %and3A_162 : vector<16xi32>
    %add3A_164 = arith.addi %shift_left3A_160, %and3A_163 : vector<16xi32>
    %swap3A_165 = arith.constant 0 : i32
    %swap3A_166 = arith.index_cast %swap3A_165 : i32 to index
    %swap3A_167 = arith.constant 16 : index
    %swap3A_168 = tpu.vector_load %arg12[%swap3A_166, %swap3A_167] {strides = array<i32>} : memref<4x128xi32, #tpu.memory_space<vmem>>, vector<1x16xi32>,
    %swap3A_169 = vector.shape_cast %swap3A_168 : vector<1x16xi32> to vector<16xi32>
    %swap3A_170 = vector.shape_cast %add3A_164 : vector<16xi32> to vector<1x16xi32>
    tpu.vector_store %arg12[%swap3A_166, %swap3A_167], %swap3A_170 {strides = array<i32>} : memref<4x128xi32, #tpu.memory_space<vmem>>, vector<1x16xi32>,
    %get3A_171 = arith.constant 32 : index
    %get3A_172 = tpu.vector_load %arg9[%get3A_171] {strides = array<i32>} : memref<512xi32, #tpu.memory_space<vmem>>, vector<16xi32>,
    %get3A_173 = vector.shape_cast %get3A_172 : vector<16xi32> to vector<16xi32>
    %lt3A_174 = arith.constant 100000 : i32
    %lt3A_175 = vector.broadcast %lt3A_174 : i32 to vector<16xi32>
    %lt3A_176 = arith.cmpi slt, %get3A_173, %lt3A_175 : vector<16xi32>
    %lt3A_177 = arith.constant 400000 : i32
    %lt3A_178 = vector.broadcast %lt3A_177 : i32 to vector<16xi32>
    %lt3A_179 = arith.cmpi slt, %get3A_173, %lt3A_178 : vector<16xi32>
    %add3A_180 = arith.constant 1 : i32
    %add3A_181 = vector.broadcast %add3A_180 : i32 to vector<16xi32>
    %add3A_182 = arith.addi %get3A_173, %add3A_181 : vector<16xi32>
    %shift_right_arithmetic3A_183 = arith.constant 4 : i32
    %shift_right_arithmetic3A_184 = vector.broadcast %shift_right_arithmetic3A_183 : i32 to vector<16xi32>
    %shift_right_arithmetic3A_185 = arith.shrsi %get3A_173, %shift_right_arithmetic3A_184 : vector<16xi32>
    %add3A_186 = arith.constant 1 : i32
    %add3A_187 = vector.broadcast %add3A_186 : i32 to vector<16xi32>
    %add3A_188 = arith.addi %shift_right_arithmetic3A_185, %add3A_187 : vector<16xi32>
    %select_n3A_189 = arith.select %lt3A_176, %add3A_182, %add3A_188 : vector<16xi1>, vector<16xi32>
    %shift_right_arithmetic3A_190 = arith.constant 2 : i32
    %shift_right_arithmetic3A_191 = vector.broadcast %shift_right_arithmetic3A_190 : i32 to vector<16xi32>
    %shift_right_arithmetic3A_192 = arith.shrsi %get3A_173, %shift_right_arithmetic3A_191 : vector<16xi32>
    %add3A_193 = arith.constant 1 : i32
    %add3A_194 = vector.broadcast %add3A_193 : i32 to vector<16xi32>
    %add3A_195 = arith.addi %shift_right_arithmetic3A_192, %add3A_194 : vector<16xi32>
    %sub3A_196 = arith.constant 99999 : i32
    %sub3A_197 = vector.broadcast %sub3A_196 : i32 to vector<16xi32>
    %sub3A_198 = arith.subi %get3A_173, %sub3A_197 : vector<16xi32>
    %select_n3A_199 = arith.select %lt3A_179, %sub3A_198, %add3A_195 : vector<16xi1>, vector<16xi32>
    %select_n3A_200 = arith.select %lt3A_176, %add3A_195, %select_n3A_199 : vector<16xi1>, vector<16xi32>
    %shift_right_arithmetic3A_201 = arith.constant 1 : i32
    %shift_right_arithmetic3A_202 = vector.broadcast %shift_right_arithmetic3A_201 : i32 to vector<16xi32>
    %shift_right_arithmetic3A_203 = arith.shrsi %get3A_173, %shift_right_arithmetic3A_202 : vector<16xi32>
    %add3A_204 = arith.constant 1 : i32
    %add3A_205 = vector.broadcast %add3A_204 : i32 to vector<16xi32>
    %add3A_206 = arith.addi %shift_right_arithmetic3A_203, %add3A_205 : vector<16xi32>
    %sub3A_207 = arith.constant 399999 : i32
    %sub3A_208 = vector.broadcast %sub3A_207 : i32 to vector<16xi32>
    %sub3A_209 = arith.subi %get3A_173, %sub3A_208 : vector<16xi32>
    %select_n3A_210 = arith.select %lt3A_179, %add3A_206, %sub3A_209 : vector<16xi1>, vector<16xi32>
    %shift_right_arithmetic3A_211 = arith.constant 13 : i32
    %shift_right_arithmetic3A_212 = vector.broadcast %shift_right_arithmetic3A_211 : i32 to vector<16xi32>
    %shift_right_arithmetic3A_213 = arith.shrsi %select_n3A_189, %shift_right_arithmetic3A_212 : vector<16xi32>
    %shift_left3A_214 = arith.constant 12 : i32
    %shift_left3A_215 = vector.broadcast %shift_left3A_214 : i32 to vector<16xi32>
    %shift_left3A_216 = arith.shli %shift_right_arithmetic3A_213, %shift_left3A_215 : vector<16xi32>
    %and3A_217 = arith.constant 4095 : i32
    %and3A_218 = vector.broadcast %and3A_217 : i32 to vector<16xi32>
    %and3A_219 = arith.andi %select_n3A_189, %and3A_218 : vector<16xi32>
    %add3A_220 = arith.addi %shift_left3A_216, %and3A_219 : vector<16xi32>
    %swap3A_221 = arith.constant 0 : i32
    %swap3A_222 = arith.index_cast %swap3A_221 : i32 to index
    %swap3A_223 = arith.constant 32 : index
    %swap3A_224 = tpu.vector_load %arg10[%swap3A_222, %swap3A_223] {strides = array<i32>} : memref<4x128xi32, #tpu.memory_space<vmem>>, vector<1x16xi32>,
    %swap3A_225 = vector.shape_cast %swap3A_224 : vector<1x16xi32> to vector<16xi32>
    %swap3A_226 = vector.shape_cast %add3A_220 : vector<16xi32> to vector<1x16xi32>
    tpu.vector_store %arg10[%swap3A_222, %swap3A_223], %swap3A_226 {strides = array<i32>} : memref<4x128xi32, #tpu.memory_space<vmem>>, vector<1x16xi32>,
    %shift_right_arithmetic3A_227 = arith.constant 13 : i32
    %shift_right_arithmetic3A_228 = vector.broadcast %shift_right_arithmetic3A_227 : i32 to vector<16xi32>
    %shift_right_arithmetic3A_229 = arith.shrsi %select_n3A_200, %shift_right_arithmetic3A_228 : vector<16xi32>
    %shift_left3A_230 = arith.constant 11 : i32
    %shift_left3A_231 = vector.broadcast %shift_left3A_230 : i32 to vector<16xi32>
    %shift_left3A_232 = arith.shli %shift_right_arithmetic3A_229, %shift_left3A_231 : vector<16xi32>
    %and3A_233 = arith.constant 2047 : i32
    %and3A_234 = vector.broadcast %and3A_233 : i32 to vector<16xi32>
    %and3A_235 = arith.andi %select_n3A_200, %and3A_234 : vector<16xi32>
    %add3A_236 = arith.addi %shift_left3A_232, %and3A_235 : vector<16xi32>
    %swap3A_237 = arith.constant 0 : i32
    %swap3A_238 = arith.index_cast %swap3A_237 : i32 to index
    %swap3A_239 = arith.constant 32 : index
    %swap3A_240 = tpu.vector_load %arg11[%swap3A_238, %swap3A_239] {strides = array<i32>} : memref<4x128xi32, #tpu.memory_space<vmem>>, vector<1x16xi32>,
    %swap3A_241 = vector.shape_cast %swap3A_240 : vector<1x16xi32> to vector<16xi32>
    %swap3A_242 = vector.shape_cast %add3A_236 : vector<16xi32> to vector<1x16xi32>
    tpu.vector_store %arg11[%swap3A_238, %swap3A_239], %swap3A_242 {strides = array<i32>} : memref<4x128xi32, #tpu.memory_space<vmem>>, vector<1x16xi32>,
    %shift_right_arithmetic3A_243 = arith.constant 13 : i32
    %shift_right_arithmetic3A_244 = vector.broadcast %shift_right_arithmetic3A_243 : i32 to vector<16xi32>
    %shift_right_arithmetic3A_245 = arith.shrsi %select_n3A_210, %shift_right_arithmetic3A_244 : vector<16xi32>
    %shift_left3A_246 = arith.constant 10 : i32
    %shift_left3A_247 = vector.broadcast %shift_left3A_246 : i32 to vector<16xi32>
    %shift_left3A_248 = arith.shli %shift_right_arithmetic3A_245, %shift_left3A_247 : vector<16xi32>
    %and3A_249 = arith.constant 1023 : i32
    %and3A_250 = vector.broadcast %and3A_249 : i32 to vector<16xi32>
    %and3A_251 = arith.andi %select_n3A_210, %and3A_250 : vector<16xi32>
    %add3A_252 = arith.addi %shift_left3A_248, %and3A_251 : vector<16xi32>
    %swap3A_253 = arith.constant 0 : i32
    %swap3A_254 = arith.index_cast %swap3A_253 : i32 to index
    %swap3A_255 = arith.constant 32 : index
    %swap3A_256 = tpu.vector_load %arg12[%swap3A_254, %swap3A_255] {strides = array<i32>} : memref<4x128xi32, #tpu.memory_space<vmem>>, vector<1x16xi32>,
    %swap3A_257 = vector.shape_cast %swap3A_256 : vector<1x16xi32> to vector<16xi32>
    %swap3A_258 = vector.shape_cast %add3A_252 : vector<16xi32> to vector<1x16xi32>
    tpu.vector_store %arg12[%swap3A_254, %swap3A_255], %swap3A_258 {strides = array<i32>} : memref<4x128xi32, #tpu.memory_space<vmem>>, vector<1x16xi32>,
    %get3A_259 = arith.constant 48 : index
    %get3A_260 = tpu.vector_load %arg9[%get3A_259] {strides = array<i32>} : memref<512xi32, #tpu.memory_space<vmem>>, vector<16xi32>,
    %get3A_261 = vector.shape_cast %get3A_260 : vector<16xi32> to vector<16xi32>
    %lt3A_262 = arith.constant 100000 : i32
    %lt3A_263 = vector.broadcast %lt3A_262 : i32 to vector<16xi32>
    %lt3A_264 = arith.cmpi slt, %get3A_261, %lt3A_263 : vector<16xi32>
    %lt3A_265 = arith.constant 400000 : i32
    %lt3A_266 = vector.broadcast %lt3A_265 : i32 to vector<16xi32>
    %lt3A_267 = arith.cmpi slt, %get3A_261, %lt3A_266 : vector<16xi32>
    %add3A_268 = arith.constant 1 : i32
    %add3A_269 = vector.broadcast %add3A_268 : i32 to vector<16xi32>
    %add3A_270 = arith.addi %get3A_261, %add3A_269 : vector<16xi32>
    %shift_right_arithmetic3A_271 = arith.constant 4 : i32
    %shift_right_arithmetic3A_272 = vector.broadcast %shift_right_arithmetic3A_271 : i32 to vector<16xi32>
    %shift_right_arithmetic3A_273 = arith.shrsi %get3A_261, %shift_right_arithmetic3A_272 : vector<16xi32>
    %add3A_274 = arith.constant 1 : i32
    %add3A_275 = vector.broadcast %add3A_274 : i32 to vector<16xi32>
    %add3A_276 = arith.addi %shift_right_arithmetic3A_273, %add3A_275 : vector<16xi32>
    %select_n3A_277 = arith.select %lt3A_264, %add3A_270, %add3A_276 : vector<16xi1>, vector<16xi32>
    %shift_right_arithmetic3A_278 = arith.constant 2 : i32
    %shift_right_arithmetic3A_279 = vector.broadcast %shift_right_arithmetic3A_278 : i32 to vector<16xi32>
    %shift_right_arithmetic3A_280 = arith.shrsi %get3A_261, %shift_right_arithmetic3A_279 : vector<16xi32>
    %add3A_281 = arith.constant 1 : i32
    %add3A_282 = vector.broadcast %add3A_281 : i32 to vector<16xi32>
    %add3A_283 = arith.addi %shift_right_arithmetic3A_280, %add3A_282 : vector<16xi32>
    %sub3A_284 = arith.constant 99999 : i32
    %sub3A_285 = vector.broadcast %sub3A_284 : i32 to vector<16xi32>
    %sub3A_286 = arith.subi %get3A_261, %sub3A_285 : vector<16xi32>
    %select_n3A_287 = arith.select %lt3A_267, %sub3A_286, %add3A_283 : vector<16xi1>, vector<16xi32>
    %select_n3A_288 = arith.select %lt3A_264, %add3A_283, %select_n3A_287 : vector<16xi1>, vector<16xi32>
    %shift_right_arithmetic3A_289 = arith.constant 1 : i32
    %shift_right_arithmetic3A_290 = vector.broadcast %shift_right_arithmetic3A_289 : i32 to vector<16xi32>
    %shift_right_arithmetic3A_291 = arith.shrsi %get3A_261, %shift_right_arithmetic3A_290 : vector<16xi32>
    %add3A_292 = arith.constant 1 : i32
    %add3A_293 = vector.broadcast %add3A_292 : i32 to vector<16xi32>
    %add3A_294 = arith.addi %shift_right_arithmetic3A_291, %add3A_293 : vector<16xi32>
    %sub3A_295 = arith.constant 399999 : i32
    %sub3A_296 = vector.broadcast %sub3A_295 : i32 to vector<16xi32>
    %sub3A_297 = arith.subi %get3A_261, %sub3A_296 : vector<16xi32>
    %select_n3A_298 = arith.select %lt3A_267, %add3A_294, %sub3A_297 : vector<16xi1>, vector<16xi32>
    %shift_right_arithmetic3A_299 = arith.constant 13 : i32
    %shift_right_arithmetic3A_300 = vector.broadcast %shift_right_arithmetic3A_299 : i32 to vector<16xi32>
    %shift_right_arithmetic3A_301 = arith.shrsi %select_n3A_277, %shift_right_arithmetic3A_300 : vector<16xi32>
    %shift_left3A_302 = arith.constant 12 : i32
    %shift_left3A_303 = vector.broadcast %shift_left3A_302 : i32 to vector<16xi32>
    %shift_left3A_304 = arith.shli %shift_right_arithmetic3A_301, %shift_left3A_303 : vector<16xi32>
    %and3A_305 = arith.constant 4095 : i32
    %and3A_306 = vector.broadcast %and3A_305 : i32 to vector<16xi32>
    %and3A_307 = arith.andi %select_n3A_277, %and3A_306 : vector<16xi32>
    %add3A_308 = arith.addi %shift_left3A_304, %and3A_307 : vector<16xi32>
    %swap3A_309 = arith.constant 0 : i32
    %swap3A_310 = arith.index_cast %swap3A_309 : i32 to index
    %swap3A_311 = arith.constant 48 : index
    %swap3A_312 = tpu.vector_load %arg10[%swap3A_310, %swap3A_311] {strides = array<i32>} : memref<4x128xi32, #tpu.memory_space<vmem>>, vector<1x16xi32>,
    %swap3A_313 = vector.shape_cast %swap3A_312 : vector<1x16xi32> to vector<16xi32>
    %swap3A_314 = vector.shape_cast %add3A_308 : vector<16xi32> to vector<1x16xi32>
    tpu.vector_store %arg10[%swap3A_310, %swap3A_311], %swap3A_314 {strides = array<i32>} : memref<4x128xi32, #tpu.memory_space<vmem>>, vector<1x16xi32>,
    %shift_right_arithmetic3A_315 = arith.constant 13 : i32
    %shift_right_arithmetic3A_316 = vector.broadcast %shift_right_arithmetic3A_315 : i32 to vector<16xi32>
    %shift_right_arithmetic3A_317 = arith.shrsi %select_n3A_288, %shift_right_arithmetic3A_316 : vector<16xi32>
    %shift_left3A_318 = arith.constant 11 : i32
    %shift_left3A_319 = vector.broadcast %shift_left3A_318 : i32 to vector<16xi32>
    %shift_left3A_320 = arith.shli %shift_right_arithmetic3A_317, %shift_left3A_319 : vector<16xi32>
    %and3A_321 = arith.constant 2047 : i32
    %and3A_322 = vector.broadcast %and3A_321 : i32 to vector<16xi32>
    %and3A_323 = arith.andi %select_n3A_288, %and3A_322 : vector<16xi32>
    %add3A_324 = arith.addi %shift_left3A_320, %and3A_323 : vector<16xi32>
    %swap3A_325 = arith.constant 0 : i32
    %swap3A_326 = arith.index_cast %swap3A_325 : i32 to index
    %swap3A_327 = arith.constant 48 : index
    %swap3A_328 = tpu.vector_load %arg11[%swap3A_326, %swap3A_327] {strides = array<i32>} : memref<4x128xi32, #tpu.memory_space<vmem>>, vector<1x16xi32>,
    %swap3A_329 = vector.shape_cast %swap3A_328 : vector<1x16xi32> to vector<16xi32>
    %swap3A_330 = vector.shape_cast %add3A_324 : vector<16xi32> to vector<1x16xi32>
    tpu.vector_store %arg11[%swap3A_326, %swap3A_327], %swap3A_330 {strides = array<i32>} : memref<4x128xi32, #tpu.memory_space<vmem>>, vector<1x16xi32>,
    %shift_right_arithmetic3A_331 = arith.constant 13 : i32
    %shift_right_arithmetic3A_332 = vector.broadcast %shift_right_arithmetic3A_331 : i32 to vector<16xi32>
    %shift_right_arithmetic3A_333 = arith.shrsi %select_n3A_298, %shift_right_arithmetic3A_332 : vector<16xi32>
    %shift_left3A_334 = arith.constant 10 : i32
    %shift_left3A_335 = vector.broadcast %shift_left3A_334 : i32 to vector<16xi32>
    %shift_left3A_336 = arith.shli %shift_right_arithmetic3A_333, %shift_left3A_335 : vector<16xi32>
    %and3A_337 = arith.constant 1023 : i32
    %and3A_338 = vector.broadcast %and3A_337 : i32 to vector<16xi32>
    %and3A_339 = arith.andi %select_n3A_298, %and3A_338 : vector<16xi32>
    %add3A_340 = arith.addi %shift_left3A_336, %and3A_339 : vector<16xi32>
    %swap3A_341 = arith.constant 0 : i32
    %swap3A_342 = arith.index_cast %swap3A_341 : i32 to index
    %swap3A_343 = arith.constant 48 : index
    %swap3A_344 = tpu.vector_load %arg12[%swap3A_342, %swap3A_343] {strides = array<i32>} : memref<4x128xi32, #tpu.memory_space<vmem>>, vector<1x16xi32>,
    %swap3A_345 = vector.shape_cast %swap3A_344 : vector<1x16xi32> to vector<16xi32>
    %swap3A_346 = vector.shape_cast %add3A_340 : vector<16xi32> to vector<1x16xi32>
    tpu.vector_store %arg12[%swap3A_342, %swap3A_343], %swap3A_346 {strides = array<i32>} : memref<4x128xi32, #tpu.memory_space<vmem>>, vector<1x16xi32>,
    %get3A_347 = arith.constant 64 : index
    %get3A_348 = tpu.vector_load %arg9[%get3A_347] {strides = array<i32>} : memref<512xi32, #tpu.memory_space<vmem>>, vector<16xi32>,
    %get3A_349 = vector.shape_cast %get3A_348 : vector<16xi32> to vector<16xi32>
    %lt3A_350 = arith.constant 100000 : i32
    %lt3A_351 = vector.broadcast %lt3A_350 : i32 to vector<16xi32>
    %lt3A_352 = arith.cmpi slt, %get3A_349, %lt3A_351 : vector<16xi32>
    %lt3A_353 = arith.constant 400000 : i32
    %lt3A_354 = vector.broadcast %lt3A_353 : i32 to vector<16xi32>
    %lt3A_355 = arith.cmpi slt, %get3A_349, %lt3A_354 : vector<16xi32>
    %add3A_356 = arith.constant 1 : i32
    %add3A_357 = vector.broadcast %add3A_356 : i32 to vector<16xi32>
    %add3A_358 = arith.addi %get3A_349, %add3A_357 : vector<16xi32>
    %shift_right_arithmetic3A_359 = arith.constant 4 : i32
    %shift_right_arithmetic3A_360 = vector.broadcast %shift_right_arithmetic3A_359 : i32 to vector<16xi32>
    %shift_right_arithmetic3A_361 = arith.shrsi %get3A_349, %shift_right_arithmetic3A_360 : vector<16xi32>
    %add3A_362 = arith.constant 1 : i32
    %add3A_363 = vector.broadcast %add3A_362 : i32 to vector<16xi32>
    %add3A_364 = arith.addi %shift_right_arithmetic3A_361, %add3A_363 : vector<16xi32>
    %select_n3A_365 = arith.select %lt3A_352, %add3A_358, %add3A_364 : vector<16xi1>, vector<16xi32>
    %shift_right_arithmetic3A_366 = arith.constant 2 : i32
    %shift_right_arithmetic3A_367 = vector.broadcast %shift_right_arithmetic3A_366 : i32 to vector<16xi32>
    %shift_right_arithmetic3A_368 = arith.shrsi %get3A_349, %shift_right_arithmetic3A_367 : vector<16xi32>
    %add3A_369 = arith.constant 1 : i32
    %add3A_370 = vector.broadcast %add3A_369 : i32 to vector<16xi32>
    %add3A_371 = arith.addi %shift_right_arithmetic3A_368, %add3A_370 : vector<16xi32>
    %sub3A_372 = arith.constant 99999 : i32
    %sub3A_373 = vector.broadcast %sub3A_372 : i32 to vector<16xi32>
    %sub3A_374 = arith.subi %get3A_349, %sub3A_373 : vector<16xi32>
    %select_n3A_375 = arith.select %lt3A_355, %sub3A_374, %add3A_371 : vector<16xi1>, vector<16xi32>
    %select_n3A_376 = arith.select %lt3A_352, %add3A_371, %select_n3A_375 : vector<16xi1>, vector<16xi32>
    %shift_right_arithmetic3A_377 = arith.constant 1 : i32
    %shift_right_arithmetic3A_378 = vector.broadcast %shift_right_arithmetic3A_377 : i32 to vector<16xi32>
    %shift_right_arithmetic3A_379 = arith.shrsi %get3A_349, %shift_right_arithmetic3A_378 : vector<16xi32>
    %add3A_380 = arith.constant 1 : i32
    %add3A_381 = vector.broadcast %add3A_380 : i32 to vector<16xi32>
    %add3A_382 = arith.addi %shift_right_arithmetic3A_379, %add3A_381 : vector<16xi32>
    %sub3A_383 = arith.constant 399999 : i32
    %sub3A_384 = vector.broadcast %sub3A_383 : i32 to vector<16xi32>
    %sub3A_385 = arith.subi %get3A_349, %sub3A_384 : vector<16xi32>
    %select_n3A_386 = arith.select %lt3A_355, %add3A_382, %sub3A_385 : vector<16xi1>, vector<16xi32>
    %shift_right_arithmetic3A_387 = arith.constant 13 : i32
    %shift_right_arithmetic3A_388 = vector.broadcast %shift_right_arithmetic3A_387 : i32 to vector<16xi32>
    %shift_right_arithmetic3A_389 = arith.shrsi %select_n3A_365, %shift_right_arithmetic3A_388 : vector<16xi32>
    %shift_left3A_390 = arith.constant 12 : i32
    %shift_left3A_391 = vector.broadcast %shift_left3A_390 : i32 to vector<16xi32>
    %shift_left3A_392 = arith.shli %shift_right_arithmetic3A_389, %shift_left3A_391 : vector<16xi32>
    %and3A_393 = arith.constant 4095 : i32
    %and3A_394 = vector.broadcast %and3A_393 : i32 to vector<16xi32>
    %and3A_395 = arith.andi %select_n3A_365, %and3A_394 : vector<16xi32>
    %add3A_396 = arith.addi %shift_left3A_392, %and3A_395 : vector<16xi32>
    %swap3A_397 = arith.constant 0 : i32
    %swap3A_398 = arith.index_cast %swap3A_397 : i32 to index
    %swap3A_399 = arith.constant 64 : index
    %swap3A_400 = tpu.vector_load %arg10[%swap3A_398, %swap3A_399] {strides = array<i32>} : memref<4x128xi32, #tpu.memory_space<vmem>>, vector<1x16xi32>,
    %swap3A_401 = vector.shape_cast %swap3A_400 : vector<1x16xi32> to vector<16xi32>
    %swap3A_402 = vector.shape_cast %add3A_396 : vector<16xi32> to vector<1x16xi32>
    tpu.vector_store %arg10[%swap3A_398, %swap3A_399], %swap3A_402 {strides = array<i32>} : memref<4x128xi32, #tpu.memory_space<vmem>>, vector<1x16xi32>,
    %shift_right_arithmetic3A_403 = arith.constant 13 : i32
    %shift_right_arithmetic3A_404 = vector.broadcast %shift_right_arithmetic3A_403 : i32 to vector<16xi32>
    %shift_right_arithmetic3A_405 = arith.shrsi %select_n3A_376, %shift_right_arithmetic3A_404 : vector<16xi32>
    %shift_left3A_406 = arith.constant 11 : i32
    %shift_left3A_407 = vector.broadcast %shift_left3A_406 : i32 to vector<16xi32>
    %shift_left3A_408 = arith.shli %shift_right_arithmetic3A_405, %shift_left3A_407 : vector<16xi32>
    %and3A_409 = arith.constant 2047 : i32
    %and3A_410 = vector.broadcast %and3A_409 : i32 to vector<16xi32>
    %and3A_411 = arith.andi %select_n3A_376, %and3A_410 : vector<16xi32>
    %add3A_412 = arith.addi %shift_left3A_408, %and3A_411 : vector<16xi32>
    %swap3A_413 = arith.constant 0 : i32
    %swap3A_414 = arith.index_cast %swap3A_413 : i32 to index
    %swap3A_415 = arith.constant 64 : index
    %swap3A_416 = tpu.vector_load %arg11[%swap3A_414, %swap3A_415] {strides = array<i32>} : memref<4x128xi32, #tpu.memory_space<vmem>>, vector<1x16xi32>,
    %swap3A_417 = vector.shape_cast %swap3A_416 : vector<1x16xi32> to vector<16xi32>
    %swap3A_418 = vector.shape_cast %add3A_412 : vector<16xi32> to vector<1x16xi32>
    tpu.vector_store %arg11[%swap3A_414, %swap3A_415], %swap3A_418 {strides = array<i32>} : memref<4x128xi32, #tpu.memory_space<vmem>>, vector<1x16xi32>,
    %shift_right_arithmetic3A_419 = arith.constant 13 : i32
    %shift_right_arithmetic3A_420 = vector.broadcast %shift_right_arithmetic3A_419 : i32 to vector<16xi32>
    %shift_right_arithmetic3A_421 = arith.shrsi %select_n3A_386, %shift_right_arithmetic3A_420 : vector<16xi32>
    %shift_left3A_422 = arith.constant 10 : i32
    %shift_left3A_423 = vector.broadcast %shift_left3A_422 : i32 to vector<16xi32>
    %shift_left3A_424 = arith.shli %shift_right_arithmetic3A_421, %shift_left3A_423 : vector<16xi32>
    %and3A_425 = arith.constant 1023 : i32
    %and3A_426 = vector.broadcast %and3A_425 : i32 to vector<16xi32>
    %and3A_427 = arith.andi %select_n3A_386, %and3A_426 : vector<16xi32>
    %add3A_428 = arith.addi %shift_left3A_424, %and3A_427 : vector<16xi32>
    %swap3A_429 = arith.constant 0 : i32
    %swap3A_430 = arith.index_cast %swap3A_429 : i32 to index
    %swap3A_431 = arith.constant 64 : index
    %swap3A_432 = tpu.vector_load %arg12[%swap3A_430, %swap3A_431] {strides = array<i32>} : memref<4x128xi32, #tpu.memory_space<vmem>>, vector<1x16xi32>,
    %swap3A_433 = vector.shape_cast %swap3A_432 : vector<1x16xi32> to vector<16xi32>
    %swap3A_434 = vector.shape_cast %add3A_428 : vector<16xi32> to vector<1x16xi32>
    tpu.vector_store %arg12[%swap3A_430, %swap3A_431], %swap3A_434 {strides = array<i32>} : memref<4x128xi32, #tpu.memory_space<vmem>>, vector<1x16xi32>,
    %get3A_435 = arith.constant 80 : index
    %get3A_436 = tpu.vector_load %arg9[%get3A_435] {strides = array<i32>} : memref<512xi32, #tpu.memory_space<vmem>>, vector<16xi32>,
    %get3A_437 = vector.shape_cast %get3A_436 : vector<16xi32> to vector<16xi32>
    %lt3A_438 = arith.constant 100000 : i32
    %lt3A_439 = vector.broadcast %lt3A_438 : i32 to vector<16xi32>
    %lt3A_440 = arith.cmpi slt, %get3A_437, %lt3A_439 : vector<16xi32>
    %lt3A_441 = arith.constant 400000 : i32
    %lt3A_442 = vector.broadcast %lt3A_441 : i32 to vector<16xi32>
    %lt3A_443 = arith.cmpi slt, %get3A_437, %lt3A_442 : vector<16xi32>
    %add3A_444 = arith.constant 1 : i32
    %add3A_445 = vector.broadcast %add3A_444 : i32 to vector<16xi32>
    %add3A_446 = arith.addi %get3A_437, %add3A_445 : vector<16xi32>
    %shift_right_arithmetic3A_447 = arith.constant 4 : i32
    %shift_right_arithmetic3A_448 = vector.broadcast %shift_right_arithmetic3A_447 : i32 to vector<16xi32>
    %shift_right_arithmetic3A_449 = arith.shrsi %get3A_437, %shift_right_arithmetic3A_448 : vector<16xi32>
    %add3A_450 = arith.constant 1 : i32
    %add3A_451 = vector.broadcast %add3A_450 : i32 to vector<16xi32>
    %add3A_452 = arith.addi %shift_right_arithmetic3A_449, %add3A_451 : vector<16xi32>
    %select_n3A_453 = arith.select %lt3A_440, %add3A_446, %add3A_452 : vector<16xi1>, vector<16xi32>
    %shift_right_arithmetic3A_454 = arith.constant 2 : i32
    %shift_right_arithmetic3A_455 = vector.broadcast %shift_right_arithmetic3A_454 : i32 to vector<16xi32>
    %shift_right_arithmetic3A_456 = arith.shrsi %get3A_437, %shift_right_arithmetic3A_455 : vector<16xi32>
    %add3A_457 = arith.constant 1 : i32
    %add3A_458 = vector.broadcast %add3A_457 : i32 to vector<16xi32>
    %add3A_459 = arith.addi %shift_right_arithmetic3A_456, %add3A_458 : vector<16xi32>
    %sub3A_460 = arith.constant 99999 : i32
    %sub3A_461 = vector.broadcast %sub3A_460 : i32 to vector<16xi32>
    %sub3A_462 = arith.subi %get3A_437, %sub3A_461 : vector<16xi32>
    %select_n3A_463 = arith.select %lt3A_443, %sub3A_462, %add3A_459 : vector<16xi1>, vector<16xi32>
    %select_n3A_464 = arith.select %lt3A_440, %add3A_459, %select_n3A_463 : vector<16xi1>, vector<16xi32>
    %shift_right_arithmetic3A_465 = arith.constant 1 : i32
    %shift_right_arithmetic3A_466 = vector.broadcast %shift_right_arithmetic3A_465 : i32 to vector<16xi32>
    %shift_right_arithmetic3A_467 = arith.shrsi %get3A_437, %shift_right_arithmetic3A_466 : vector<16xi32>
    %add3A_468 = arith.constant 1 : i32
    %add3A_469 = vector.broadcast %add3A_468 : i32 to vector<16xi32>
    %add3A_470 = arith.addi %shift_right_arithmetic3A_467, %add3A_469 : vector<16xi32>
    %sub3A_471 = arith.constant 399999 : i32
    %sub3A_472 = vector.broadcast %sub3A_471 : i32 to vector<16xi32>
    %sub3A_473 = arith.subi %get3A_437, %sub3A_472 : vector<16xi32>
    %select_n3A_474 = arith.select %lt3A_443, %add3A_470, %sub3A_473 : vector<16xi1>, vector<16xi32>
    %shift_right_arithmetic3A_475 = arith.constant 13 : i32
    %shift_right_arithmetic3A_476 = vector.broadcast %shift_right_arithmetic3A_475 : i32 to vector<16xi32>
    %shift_right_arithmetic3A_477 = arith.shrsi %select_n3A_453, %shift_right_arithmetic3A_476 : vector<16xi32>
    %shift_left3A_478 = arith.constant 12 : i32
    %shift_left3A_479 = vector.broadcast %shift_left3A_478 : i32 to vector<16xi32>
    %shift_left3A_480 = arith.shli %shift_right_arithmetic3A_477, %shift_left3A_479 : vector<16xi32>
    %and3A_481 = arith.constant 4095 : i32
    %and3A_482 = vector.broadcast %and3A_481 : i32 to vector<16xi32>
    %and3A_483 = arith.andi %select_n3A_453, %and3A_482 : vector<16xi32>
    %add3A_484 = arith.addi %shift_left3A_480, %and3A_483 : vector<16xi32>
    %swap3A_485 = arith.constant 0 : i32
    %swap3A_486 = arith.index_cast %swap3A_485 : i32 to index
    %swap3A_487 = arith.constant 80 : index
    %swap3A_488 = tpu.vector_load %arg10[%swap3A_486, %swap3A_487] {strides = array<i32>} : memref<4x128xi32, #tpu.memory_space<vmem>>, vector<1x16xi32>,
    %swap3A_489 = vector.shape_cast %swap3A_488 : vector<1x16xi32> to vector<16xi32>
    %swap3A_490 = vector.shape_cast %add3A_484 : vector<16xi32> to vector<1x16xi32>
    tpu.vector_store %arg10[%swap3A_486, %swap3A_487], %swap3A_490 {strides = array<i32>} : memref<4x128xi32, #tpu.memory_space<vmem>>, vector<1x16xi32>,
    %shift_right_arithmetic3A_491 = arith.constant 13 : i32
    %shift_right_arithmetic3A_492 = vector.broadcast %shift_right_arithmetic3A_491 : i32 to vector<16xi32>
    %shift_right_arithmetic3A_493 = arith.shrsi %select_n3A_464, %shift_right_arithmetic3A_492 : vector<16xi32>
    %shift_left3A_494 = arith.constant 11 : i32
    %shift_left3A_495 = vector.broadcast %shift_left3A_494 : i32 to vector<16xi32>
    %shift_left3A_496 = arith.shli %shift_right_arithmetic3A_493, %shift_left3A_495 : vector<16xi32>
    %and3A_497 = arith.constant 2047 : i32
    %and3A_498 = vector.broadcast %and3A_497 : i32 to vector<16xi32>
    %and3A_499 = arith.andi %select_n3A_464, %and3A_498 : vector<16xi32>
    %add3A_500 = arith.addi %shift_left3A_496, %and3A_499 : vector<16xi32>
    %swap3A_501 = arith.constant 0 : i32
    %swap3A_502 = arith.index_cast %swap3A_501 : i32 to index
    %swap3A_503 = arith.constant 80 : index
    %swap3A_504 = tpu.vector_load %arg11[%swap3A_502, %swap3A_503] {strides = array<i32>} : memref<4x128xi32, #tpu.memory_space<vmem>>, vector<1x16xi32>,
    %swap3A_505 = vector.shape_cast %swap3A_504 : vector<1x16xi32> to vector<16xi32>
    %swap3A_506 = vector.shape_cast %add3A_500 : vector<16xi32> to vector<1x16xi32>
    tpu.vector_store %arg11[%swap3A_502, %swap3A_503], %swap3A_506 {strides = array<i32>} : memref<4x128xi32, #tpu.memory_space<vmem>>, vector<1x16xi32>,
    %shift_right_arithmetic3A_507 = arith.constant 13 : i32
    %shift_right_arithmetic3A_508 = vector.broadcast %shift_right_arithmetic3A_507 : i32 to vector<16xi32>
    %shift_right_arithmetic3A_509 = arith.shrsi %select_n3A_474, %shift_right_arithmetic3A_508 : vector<16xi32>
    %shift_left3A_510 = arith.constant 10 : i32
    %shift_left3A_511 = vector.broadcast %shift_left3A_510 : i32 to vector<16xi32>
    %shift_left3A_512 = arith.shli %shift_right_arithmetic3A_509, %shift_left3A_511 : vector<16xi32>
    %and3A_513 = arith.constant 1023 : i32
    %and3A_514 = vector.broadcast %and3A_513 : i32 to vector<16xi32>
    %and3A_515 = arith.andi %select_n3A_474, %and3A_514 : vector<16xi32>
    %add3A_516 = arith.addi %shift_left3A_512, %and3A_515 : vector<16xi32>
    %swap3A_517 = arith.constant 0 : i32
    %swap3A_518 = arith.index_cast %swap3A_517 : i32 to index
    %swap3A_519 = arith.constant 80 : index
    %swap3A_520 = tpu.vector_load %arg12[%swap3A_518, %swap3A_519] {strides = array<i32>} : memref<4x128xi32, #tpu.memory_space<vmem>>, vector<1x16xi32>,
    %swap3A_521 = vector.shape_cast %swap3A_520 : vector<1x16xi32> to vector<16xi32>
    %swap3A_522 = vector.shape_cast %add3A_516 : vector<16xi32> to vector<1x16xi32>
    tpu.vector_store %arg12[%swap3A_518, %swap3A_519], %swap3A_522 {strides = array<i32>} : memref<4x128xi32, #tpu.memory_space<vmem>>, vector<1x16xi32>,
    %get3A_523 = arith.constant 96 : index
    %get3A_524 = tpu.vector_load %arg9[%get3A_523] {strides = array<i32>} : memref<512xi32, #tpu.memory_space<vmem>>, vector<16xi32>,
    %get3A_525 = vector.shape_cast %get3A_524 : vector<16xi32> to vector<16xi32>
    %lt3A_526 = arith.constant 100000 : i32
    %lt3A_527 = vector.broadcast %lt3A_526 : i32 to vector<16xi32>
    %lt3A_528 = arith.cmpi slt, %get3A_525, %lt3A_527 : vector<16xi32>
    %lt3A_529 = arith.constant 400000 : i32
    %lt3A_530 = vector.broadcast %lt3A_529 : i32 to vector<16xi32>
    %lt3A_531 = arith.cmpi slt, %get3A_525, %lt3A_530 : vector<16xi32>
    %add3A_532 = arith.constant 1 : i32
    %add3A_533 = vector.broadcast %add3A_532 : i32 to vector<16xi32>
    %add3A_534 = arith.addi %get3A_525, %add3A_533 : vector<16xi32>
    %shift_right_arithmetic3A_535 = arith.constant 4 : i32
    %shift_right_arithmetic3A_536 = vector.broadcast %shift_right_arithmetic3A_535 : i32 to vector<16xi32>
    %shift_right_arithmetic3A_537 = arith.shrsi %get3A_525, %shift_right_arithmetic3A_536 : vector<16xi32>
    %add3A_538 = arith.constant 1 : i32
    %add3A_539 = vector.broadcast %add3A_538 : i32 to vector<16xi32>
    %add3A_540 = arith.addi %shift_right_arithmetic3A_537, %add3A_539 : vector<16xi32>
    %select_n3A_541 = arith.select %lt3A_528, %add3A_534, %add3A_540 : vector<16xi1>, vector<16xi32>
    %shift_right_arithmetic3A_542 = arith.constant 2 : i32
    %shift_right_arithmetic3A_543 = vector.broadcast %shift_right_arithmetic3A_542 : i32 to vector<16xi32>
    %shift_right_arithmetic3A_544 = arith.shrsi %get3A_525, %shift_right_arithmetic3A_543 : vector<16xi32>
    %add3A_545 = arith.constant 1 : i32
    %add3A_546 = vector.broadcast %add3A_545 : i32 to vector<16xi32>
    %add3A_547 = arith.addi %shift_right_arithmetic3A_544, %add3A_546 : vector<16xi32>
    %sub3A_548 = arith.constant 99999 : i32
    %sub3A_549 = vector.broadcast %sub3A_548 : i32 to vector<16xi32>
    %sub3A_550 = arith.subi %get3A_525, %sub3A_549 : vector<16xi32>
    %select_n3A_551 = arith.select %lt3A_531, %sub3A_550, %add3A_547 : vector<16xi1>, vector<16xi32>
    %select_n3A_552 = arith.select %lt3A_528, %add3A_547, %select_n3A_551 : vector<16xi1>, vector<16xi32>
    %shift_right_arithmetic3A_553 = arith.constant 1 : i32
    %shift_right_arithmetic3A_554 = vector.broadcast %shift_right_arithmetic3A_553 : i32 to vector<16xi32>
    %shift_right_arithmetic3A_555 = arith.shrsi %get3A_525, %shift_right_arithmetic3A_554 : vector<16xi32>
    %add3A_556 = arith.constant 1 : i32
    %add3A_557 = vector.broadcast %add3A_556 : i32 to vector<16xi32>
    %add3A_558 = arith.addi %shift_right_arithmetic3A_555, %add3A_557 : vector<16xi32>
    %sub3A_559 = arith.constant 399999 : i32
    %sub3A_560 = vector.broadcast %sub3A_559 : i32 to vector<16xi32>
    %sub3A_561 = arith.subi %get3A_525, %sub3A_560 : vector<16xi32>
    %select_n3A_562 = arith.select %lt3A_531, %add3A_558, %sub3A_561 : vector<16xi1>, vector<16xi32>
    %shift_right_arithmetic3A_563 = arith.constant 13 : i32
    %shift_right_arithmetic3A_564 = vector.broadcast %shift_right_arithmetic3A_563 : i32 to vector<16xi32>
    %shift_right_arithmetic3A_565 = arith.shrsi %select_n3A_541, %shift_right_arithmetic3A_564 : vector<16xi32>
    %shift_left3A_566 = arith.constant 12 : i32
    %shift_left3A_567 = vector.broadcast %shift_left3A_566 : i32 to vector<16xi32>
    %shift_left3A_568 = arith.shli %shift_right_arithmetic3A_565, %shift_left3A_567 : vector<16xi32>
    %and3A_569 = arith.constant 4095 : i32
    %and3A_570 = vector.broadcast %and3A_569 : i32 to vector<16xi32>
    %and3A_571 = arith.andi %select_n3A_541, %and3A_570 : vector<16xi32>
    %add3A_572 = arith.addi %shift_left3A_568, %and3A_571 : vector<16xi32>
    %swap3A_573 = arith.constant 0 : i32
    %swap3A_574 = arith.index_cast %swap3A_573 : i32 to index
    %swap3A_575 = arith.constant 96 : index
    %swap3A_576 = tpu.vector_load %arg10[%swap3A_574, %swap3A_575] {strides = array<i32>} : memref<4x128xi32, #tpu.memory_space<vmem>>, vector<1x16xi32>,
    %swap3A_577 = vector.shape_cast %swap3A_576 : vector<1x16xi32> to vector<16xi32>
    %swap3A_578 = vector.shape_cast %add3A_572 : vector<16xi32> to vector<1x16xi32>
    tpu.vector_store %arg10[%swap3A_574, %swap3A_575], %swap3A_578 {strides = array<i32>} : memref<4x128xi32, #tpu.memory_space<vmem>>, vector<1x16xi32>,
    %shift_right_arithmetic3A_579 = arith.constant 13 : i32
    %shift_right_arithmetic3A_580 = vector.broadcast %shift_right_arithmetic3A_579 : i32 to vector<16xi32>
    %shift_right_arithmetic3A_581 = arith.shrsi %select_n3A_552, %shift_right_arithmetic3A_580 : vector<16xi32>
    %shift_left3A_582 = arith.constant 11 : i32
    %shift_left3A_583 = vector.broadcast %shift_left3A_582 : i32 to vector<16xi32>
    %shift_left3A_584 = arith.shli %shift_right_arithmetic3A_581, %shift_left3A_583 : vector<16xi32>
    %and3A_585 = arith.constant 2047 : i32
    %and3A_586 = vector.broadcast %and3A_585 : i32 to vector<16xi32>
    %and3A_587 = arith.andi %select_n3A_552, %and3A_586 : vector<16xi32>
    %add3A_588 = arith.addi %shift_left3A_584, %and3A_587 : vector<16xi32>
    %swap3A_589 = arith.constant 0 : i32
    %swap3A_590 = arith.index_cast %swap3A_589 : i32 to index
    %swap3A_591 = arith.constant 96 : index
    %swap3A_592 = tpu.vector_load %arg11[%swap3A_590, %swap3A_591] {strides = array<i32>} : memref<4x128xi32, #tpu.memory_space<vmem>>, vector<1x16xi32>,
    %swap3A_593 = vector.shape_cast %swap3A_592 : vector<1x16xi32> to vector<16xi32>
    %swap3A_594 = vector.shape_cast %add3A_588 : vector<16xi32> to vector<1x16xi32>
    tpu.vector_store %arg11[%swap3A_590, %swap3A_591], %swap3A_594 {strides = array<i32>} : memref<4x128xi32, #tpu.memory_space<vmem>>, vector<1x16xi32>,
    %shift_right_arithmetic3A_595 = arith.constant 13 : i32
    %shift_right_arithmetic3A_596 = vector.broadcast %shift_right_arithmetic3A_595 : i32 to vector<16xi32>
    %shift_right_arithmetic3A_597 = arith.shrsi %select_n3A_562, %shift_right_arithmetic3A_596 : vector<16xi32>
    %shift_left3A_598 = arith.constant 10 : i32
    %shift_left3A_599 = vector.broadcast %shift_left3A_598 : i32 to vector<16xi32>
    %shift_left3A_600 = arith.shli %shift_right_arithmetic3A_597, %shift_left3A_599 : vector<16xi32>
    %and3A_601 = arith.constant 1023 : i32
    %and3A_602 = vector.broadcast %and3A_601 : i32 to vector<16xi32>
    %and3A_603 = arith.andi %select_n3A_562, %and3A_602 : vector<16xi32>
    %add3A_604 = arith.addi %shift_left3A_600, %and3A_603 : vector<16xi32>
    %swap3A_605 = arith.constant 0 : i32
    %swap3A_606 = arith.index_cast %swap3A_605 : i32 to index
    %swap3A_607 = arith.constant 96 : index
    %swap3A_608 = tpu.vector_load %arg12[%swap3A_606, %swap3A_607] {strides = array<i32>} : memref<4x128xi32, #tpu.memory_space<vmem>>, vector<1x16xi32>,
    %swap3A_609 = vector.shape_cast %swap3A_608 : vector<1x16xi32> to vector<16xi32>
    %swap3A_610 = vector.shape_cast %add3A_604 : vector<16xi32> to vector<1x16xi32>
    tpu.vector_store %arg12[%swap3A_606, %swap3A_607], %swap3A_610 {strides = array<i32>} : memref<4x128xi32, #tpu.memory_space<vmem>>, vector<1x16xi32>,
    %get3A_611 = arith.constant 112 : index
    %get3A_612 = tpu.vector_load %arg9[%get3A_611] {strides = array<i32>} : memref<512xi32, #tpu.memory_space<vmem>>, vector<16xi32>,
    %get3A_613 = vector.shape_cast %get3A_612 : vector<16xi32> to vector<16xi32>
    %lt3A_614 = arith.constant 100000 : i32
    %lt3A_615 = vector.broadcast %lt3A_614 : i32 to vector<16xi32>
    %lt3A_616 = arith.cmpi slt, %get3A_613, %lt3A_615 : vector<16xi32>
    %lt3A_617 = arith.constant 400000 : i32
    %lt3A_618 = vector.broadcast %lt3A_617 : i32 to vector<16xi32>
    %lt3A_619 = arith.cmpi slt, %get3A_613, %lt3A_618 : vector<16xi32>
    %add3A_620 = arith.constant 1 : i32
    %add3A_621 = vector.broadcast %add3A_620 : i32 to vector<16xi32>
    %add3A_622 = arith.addi %get3A_613, %add3A_621 : vector<16xi32>
    %shift_right_arithmetic3A_623 = arith.constant 4 : i32
    %shift_right_arithmetic3A_624 = vector.broadcast %shift_right_arithmetic3A_623 : i32 to vector<16xi32>
    %shift_right_arithmetic3A_625 = arith.shrsi %get3A_613, %shift_right_arithmetic3A_624 : vector<16xi32>
    %add3A_626 = arith.constant 1 : i32
    %add3A_627 = vector.broadcast %add3A_626 : i32 to vector<16xi32>
    %add3A_628 = arith.addi %shift_right_arithmetic3A_625, %add3A_627 : vector<16xi32>
    %select_n3A_629 = arith.select %lt3A_616, %add3A_622, %add3A_628 : vector<16xi1>, vector<16xi32>
    %shift_right_arithmetic3A_630 = arith.constant 2 : i32
    %shift_right_arithmetic3A_631 = vector.broadcast %shift_right_arithmetic3A_630 : i32 to vector<16xi32>
    %shift_right_arithmetic3A_632 = arith.shrsi %get3A_613, %shift_right_arithmetic3A_631 : vector<16xi32>
    %add3A_633 = arith.constant 1 : i32
    %add3A_634 = vector.broadcast %add3A_633 : i32 to vector<16xi32>
    %add3A_635 = arith.addi %shift_right_arithmetic3A_632, %add3A_634 : vector<16xi32>
    %sub3A_636 = arith.constant 99999 : i32
    %sub3A_637 = vector.broadcast %sub3A_636 : i32 to vector<16xi32>
    %sub3A_638 = arith.subi %get3A_613, %sub3A_637 : vector<16xi32>
    %select_n3A_639 = arith.select %lt3A_619, %sub3A_638, %add3A_635 : vector<16xi1>, vector<16xi32>
    %select_n3A_640 = arith.select %lt3A_616, %add3A_635, %select_n3A_639 : vector<16xi1>, vector<16xi32>
    %shift_right_arithmetic3A_641 = arith.constant 1 : i32
    %shift_right_arithmetic3A_642 = vector.broadcast %shift_right_arithmetic3A_641 : i32 to vector<16xi32>
    %shift_right_arithmetic3A_643 = arith.shrsi %get3A_613, %shift_right_arithmetic3A_642 : vector<16xi32>
    %add3A_644 = arith.constant 1 : i32
    %add3A_645 = vector.broadcast %add3A_644 : i32 to vector<16xi32>
    %add3A_646 = arith.addi %shift_right_arithmetic3A_643, %add3A_645 : vector<16xi32>
    %sub3A_647 = arith.constant 399999 : i32
    %sub3A_648 = vector.broadcast %sub3A_647 : i32 to vector<16xi32>
    %sub3A_649 = arith.subi %get3A_613, %sub3A_648 : vector<16xi32>
    %select_n3A_650 = arith.select %lt3A_619, %add3A_646, %sub3A_649 : vector<16xi1>, vector<16xi32>
    %shift_right_arithmetic3A_651 = arith.constant 13 : i32
    %shift_right_arithmetic3A_652 = vector.broadcast %shift_right_arithmetic3A_651 : i32 to vector<16xi32>
    %shift_right_arithmetic3A_653 = arith.shrsi %select_n3A_629, %shift_right_arithmetic3A_652 : vector<16xi32>
    %shift_left3A_654 = arith.constant 12 : i32
    %shift_left3A_655 = vector.broadcast %shift_left3A_654 : i32 to vector<16xi32>
    %shift_left3A_656 = arith.shli %shift_right_arithmetic3A_653, %shift_left3A_655 : vector<16xi32>
    %and3A_657 = arith.constant 4095 : i32
    %and3A_658 = vector.broadcast %and3A_657 : i32 to vector<16xi32>
    %and3A_659 = arith.andi %select_n3A_629, %and3A_658 : vector<16xi32>
    %add3A_660 = arith.addi %shift_left3A_656, %and3A_659 : vector<16xi32>
    %swap3A_661 = arith.constant 0 : i32
    %swap3A_662 = arith.index_cast %swap3A_661 : i32 to index
    %swap3A_663 = arith.constant 112 : index
    %swap3A_664 = tpu.vector_load %arg10[%swap3A_662, %swap3A_663] {strides = array<i32>} : memref<4x128xi32, #tpu.memory_space<vmem>>, vector<1x16xi32>,
    %swap3A_665 = vector.shape_cast %swap3A_664 : vector<1x16xi32> to vector<16xi32>
    %swap3A_666 = vector.shape_cast %add3A_660 : vector<16xi32> to vector<1x16xi32>
    tpu.vector_store %arg10[%swap3A_662, %swap3A_663], %swap3A_666 {strides = array<i32>} : memref<4x128xi32, #tpu.memory_space<vmem>>, vector<1x16xi32>,
    %shift_right_arithmetic3A_667 = arith.constant 13 : i32
    %shift_right_arithmetic3A_668 = vector.broadcast %shift_right_arithmetic3A_667 : i32 to vector<16xi32>
    %shift_right_arithmetic3A_669 = arith.shrsi %select_n3A_640, %shift_right_arithmetic3A_668 : vector<16xi32>
    %shift_left3A_670 = arith.constant 11 : i32
    %shift_left3A_671 = vector.broadcast %shift_left3A_670 : i32 to vector<16xi32>
    %shift_left3A_672 = arith.shli %shift_right_arithmetic3A_669, %shift_left3A_671 : vector<16xi32>
    %and3A_673 = arith.constant 2047 : i32
    %and3A_674 = vector.broadcast %and3A_673 : i32 to vector<16xi32>
    %and3A_675 = arith.andi %select_n3A_640, %and3A_674 : vector<16xi32>
    %add3A_676 = arith.addi %shift_left3A_672, %and3A_675 : vector<16xi32>
    %swap3A_677 = arith.constant 0 : i32
    %swap3A_678 = arith.index_cast %swap3A_677 : i32 to index
    %swap3A_679 = arith.constant 112 : index
    %swap3A_680 = tpu.vector_load %arg11[%swap3A_678, %swap3A_679] {strides = array<i32>} : memref<4x128xi32, #tpu.memory_space<vmem>>, vector<1x16xi32>,
    %swap3A_681 = vector.shape_cast %swap3A_680 : vector<1x16xi32> to vector<16xi32>
    %swap3A_682 = vector.shape_cast %add3A_676 : vector<16xi32> to vector<1x16xi32>
    tpu.vector_store %arg11[%swap3A_678, %swap3A_679], %swap3A_682 {strides = array<i32>} : memref<4x128xi32, #tpu.memory_space<vmem>>, vector<1x16xi32>,
    %shift_right_arithmetic3A_683 = arith.constant 13 : i32
    %shift_right_arithmetic3A_684 = vector.broadcast %shift_right_arithmetic3A_683 : i32 to vector<16xi32>
    %shift_right_arithmetic3A_685 = arith.shrsi %select_n3A_650, %shift_right_arithmetic3A_684 : vector<16xi32>
    %shift_left3A_686 = arith.constant 10 : i32
    %shift_left3A_687 = vector.broadcast %shift_left3A_686 : i32 to vector<16xi32>
    %shift_left3A_688 = arith.shli %shift_right_arithmetic3A_685, %shift_left3A_687 : vector<16xi32>
    %and3A_689 = arith.constant 1023 : i32
    %and3A_690 = vector.broadcast %and3A_689 : i32 to vector<16xi32>
    %and3A_691 = arith.andi %select_n3A_650, %and3A_690 : vector<16xi32>
    %add3A_692 = arith.addi %shift_left3A_688, %and3A_691 : vector<16xi32>
    %swap3A_693 = arith.constant 0 : i32
    %swap3A_694 = arith.index_cast %swap3A_693 : i32 to index
    %swap3A_695 = arith.constant 112 : index
    %swap3A_696 = tpu.vector_load %arg12[%swap3A_694, %swap3A_695] {strides = array<i32>} : memref<4x128xi32, #tpu.memory_space<vmem>>, vector<1x16xi32>,
    %swap3A_697 = vector.shape_cast %swap3A_696 : vector<1x16xi32> to vector<16xi32>
    %swap3A_698 = vector.shape_cast %add3A_692 : vector<16xi32> to vector<1x16xi32>
    tpu.vector_store %arg12[%swap3A_694, %swap3A_695], %swap3A_698 {strides = array<i32>} : memref<4x128xi32, #tpu.memory_space<vmem>>, vector<1x16xi32>,
    %get3A_699 = arith.constant 128 : index
    %get3A_700 = tpu.vector_load %arg9[%get3A_699] {strides = array<i32>} : memref<512xi32, #tpu.memory_space<vmem>>, vector<16xi32>,
    %get3A_701 = vector.shape_cast %get3A_700 : vector<16xi32> to vector<16xi32>
    %lt3A_702 = arith.constant 100000 : i32
    %lt3A_703 = vector.broadcast %lt3A_702 : i32 to vector<16xi32>
    %lt3A_704 = arith.cmpi slt, %get3A_701, %lt3A_703 : vector<16xi32>
    %lt3A_705 = arith.constant 400000 : i32
    %lt3A_706 = vector.broadcast %lt3A_705 : i32 to vector<16xi32>
    %lt3A_707 = arith.cmpi slt, %get3A_701, %lt3A_706 : vector<16xi32>
    %add3A_708 = arith.constant 1 : i32
    %add3A_709 = vector.broadcast %add3A_708 : i32 to vector<16xi32>
    %add3A_710 = arith.addi %get3A_701, %add3A_709 : vector<16xi32>
    %shift_right_arithmetic3A_711 = arith.constant 4 : i32
    %shift_right_arithmetic3A_712 = vector.broadcast %shift_right_arithmetic3A_711 : i32 to vector<16xi32>
    %shift_right_arithmetic3A_713 = arith.shrsi %get3A_701, %shift_right_arithmetic3A_712 : vector<16xi32>
    %add3A_714 = arith.constant 1 : i32
    %add3A_715 = vector.broadcast %add3A_714 : i32 to vector<16xi32>
    %add3A_716 = arith.addi %shift_right_arithmetic3A_713, %add3A_715 : vector<16xi32>
    %select_n3A_717 = arith.select %lt3A_704, %add3A_710, %add3A_716 : vector<16xi1>, vector<16xi32>
    %shift_right_arithmetic3A_718 = arith.constant 2 : i32
    %shift_right_arithmetic3A_719 = vector.broadcast %shift_right_arithmetic3A_718 : i32 to vector<16xi32>
    %shift_right_arithmetic3A_720 = arith.shrsi %get3A_701, %shift_right_arithmetic3A_719 : vector<16xi32>
    %add3A_721 = arith.constant 1 : i32
    %add3A_722 = vector.broadcast %add3A_721 : i32 to vector<16xi32>
    %add3A_723 = arith.addi %shift_right_arithmetic3A_720, %add3A_722 : vector<16xi32>
    %sub3A_724 = arith.constant 99999 : i32
    %sub3A_725 = vector.broadcast %sub3A_724 : i32 to vector<16xi32>
    %sub3A_726 = arith.subi %get3A_701, %sub3A_725 : vector<16xi32>
    %select_n3A_727 = arith.select %lt3A_707, %sub3A_726, %add3A_723 : vector<16xi1>, vector<16xi32>
    %select_n3A_728 = arith.select %lt3A_704, %add3A_723, %select_n3A_727 : vector<16xi1>, vector<16xi32>
    %shift_right_arithmetic3A_729 = arith.constant 1 : i32
    %shift_right_arithmetic3A_730 = vector.broadcast %shift_right_arithmetic3A_729 : i32 to vector<16xi32>
    %shift_right_arithmetic3A_731 = arith.shrsi %get3A_701, %shift_right_arithmetic3A_730 : vector<16xi32>
    %add3A_732 = arith.constant 1 : i32
    %add3A_733 = vector.broadcast %add3A_732 : i32 to vector<16xi32>
    %add3A_734 = arith.addi %shift_right_arithmetic3A_731, %add3A_733 : vector<16xi32>
    %sub3A_735 = arith.constant 399999 : i32
    %sub3A_736 = vector.broadcast %sub3A_735 : i32 to vector<16xi32>
    %sub3A_737 = arith.subi %get3A_701, %sub3A_736 : vector<16xi32>
    %select_n3A_738 = arith.select %lt3A_707, %add3A_734, %sub3A_737 : vector<16xi1>, vector<16xi32>
    %shift_right_arithmetic3A_739 = arith.constant 13 : i32
    %shift_right_arithmetic3A_740 = vector.broadcast %shift_right_arithmetic3A_739 : i32 to vector<16xi32>
    %shift_right_arithmetic3A_741 = arith.shrsi %select_n3A_717, %shift_right_arithmetic3A_740 : vector<16xi32>
    %shift_left3A_742 = arith.constant 12 : i32
    %shift_left3A_743 = vector.broadcast %shift_left3A_742 : i32 to vector<16xi32>
    %shift_left3A_744 = arith.shli %shift_right_arithmetic3A_741, %shift_left3A_743 : vector<16xi32>
    %and3A_745 = arith.constant 4095 : i32
    %and3A_746 = vector.broadcast %and3A_745 : i32 to vector<16xi32>
    %and3A_747 = arith.andi %select_n3A_717, %and3A_746 : vector<16xi32>
    %add3A_748 = arith.addi %shift_left3A_744, %and3A_747 : vector<16xi32>
    %swap3A_749 = arith.constant 1 : i32
    %swap3A_750 = arith.index_cast %swap3A_749 : i32 to index
    %swap3A_751 = arith.constant 0 : index
    %swap3A_752 = tpu.vector_load %arg10[%swap3A_750, %swap3A_751] {strides = array<i32>} : memref<4x128xi32, #tpu.memory_space<vmem>>, vector<1x16xi32>,
    %swap3A_753 = vector.shape_cast %swap3A_752 : vector<1x16xi32> to vector<16xi32>
    %swap3A_754 = vector.shape_cast %add3A_748 : vector<16xi32> to vector<1x16xi32>
    tpu.vector_store %arg10[%swap3A_750, %swap3A_751], %swap3A_754 {strides = array<i32>} : memref<4x128xi32, #tpu.memory_space<vmem>>, vector<1x16xi32>,
    %shift_right_arithmetic3A_755 = arith.constant 13 : i32
    %shift_right_arithmetic3A_756 = vector.broadcast %shift_right_arithmetic3A_755 : i32 to vector<16xi32>
    %shift_right_arithmetic3A_757 = arith.shrsi %select_n3A_728, %shift_right_arithmetic3A_756 : vector<16xi32>
    %shift_left3A_758 = arith.constant 11 : i32
    %shift_left3A_759 = vector.broadcast %shift_left3A_758 : i32 to vector<16xi32>
    %shift_left3A_760 = arith.shli %shift_right_arithmetic3A_757, %shift_left3A_759 : vector<16xi32>
    %and3A_761 = arith.constant 2047 : i32
    %and3A_762 = vector.broadcast %and3A_761 : i32 to vector<16xi32>
    %and3A_763 = arith.andi %select_n3A_728, %and3A_762 : vector<16xi32>
    %add3A_764 = arith.addi %shift_left3A_760, %and3A_763 : vector<16xi32>
    %swap3A_765 = arith.constant 1 : i32
    %swap3A_766 = arith.index_cast %swap3A_765 : i32 to index
    %swap3A_767 = arith.constant 0 : index
    %swap3A_768 = tpu.vector_load %arg11[%swap3A_766, %swap3A_767] {strides = array<i32>} : memref<4x128xi32, #tpu.memory_space<vmem>>, vector<1x16xi32>,
    %swap3A_769 = vector.shape_cast %swap3A_768 : vector<1x16xi32> to vector<16xi32>
    %swap3A_770 = vector.shape_cast %add3A_764 : vector<16xi32> to vector<1x16xi32>
    tpu.vector_store %arg11[%swap3A_766, %swap3A_767], %swap3A_770 {strides = array<i32>} : memref<4x128xi32, #tpu.memory_space<vmem>>, vector<1x16xi32>,
    %shift_right_arithmetic3A_771 = arith.constant 13 : i32
    %shift_right_arithmetic3A_772 = vector.broadcast %shift_right_arithmetic3A_771 : i32 to vector<16xi32>
    %shift_right_arithmetic3A_773 = arith.shrsi %select_n3A_738, %shift_right_arithmetic3A_772 : vector<16xi32>
    %shift_left3A_774 = arith.constant 10 : i32
    %shift_left3A_775 = vector.broadcast %shift_left3A_774 : i32 to vector<16xi32>
    %shift_left3A_776 = arith.shli %shift_right_arithmetic3A_773, %shift_left3A_775 : vector<16xi32>
    %and3A_777 = arith.constant 1023 : i32
    %and3A_778 = vector.broadcast %and3A_777 : i32 to vector<16xi32>
    %and3A_779 = arith.andi %select_n3A_738, %and3A_778 : vector<16xi32>
    %add3A_780 = arith.addi %shift_left3A_776, %and3A_779 : vector<16xi32>
    %swap3A_781 = arith.constant 1 : i32
    %swap3A_782 = arith.index_cast %swap3A_781 : i32 to index
    %swap3A_783 = arith.constant 0 : index
    %swap3A_784 = tpu.vector_load %arg12[%swap3A_782, %swap3A_783] {strides = array<i32>} : memref<4x128xi32, #tpu.memory_space<vmem>>, vector<1x16xi32>,
    %swap3A_785 = vector.shape_cast %swap3A_784 : vector<1x16xi32> to vector<16xi32>
    %swap3A_786 = vector.shape_cast %add3A_780 : vector<16xi32> to vector<1x16xi32>
    tpu.vector_store %arg12[%swap3A_782, %swap3A_783], %swap3A_786 {strides = array<i32>} : memref<4x128xi32, #tpu.memory_space<vmem>>, vector<1x16xi32>,
    %get3A_787 = arith.constant 144 : index
    %get3A_788 = tpu.vector_load %arg9[%get3A_787] {strides = array<i32>} : memref<512xi32, #tpu.memory_space<vmem>>, vector<16xi32>,
    %get3A_789 = vector.shape_cast %get3A_788 : vector<16xi32> to vector<16xi32>
    %lt3A_790 = arith.constant 100000 : i32
    %lt3A_791 = vector.broadcast %lt3A_790 : i32 to vector<16xi32>
    %lt3A_792 = arith.cmpi slt, %get3A_789, %lt3A_791 : vector<16xi32>
    %lt3A_793 = arith.constant 400000 : i32
    %lt3A_794 = vector.broadcast %lt3A_793 : i32 to vector<16xi32>
    %lt3A_795 = arith.cmpi slt, %get3A_789, %lt3A_794 : vector<16xi32>
    %add3A_796 = arith.constant 1 : i32
    %add3A_797 = vector.broadcast %add3A_796 : i32 to vector<16xi32>
    %add3A_798 = arith.addi %get3A_789, %add3A_797 : vector<16xi32>
    %shift_right_arithmetic3A_799 = arith.constant 4 : i32
    %shift_right_arithmetic3A_800 = vector.broadcast %shift_right_arithmetic3A_799 : i32 to vector<16xi32>
    %shift_right_arithmetic3A_801 = arith.shrsi %get3A_789, %shift_right_arithmetic3A_800 : vector<16xi32>
    %add3A_802 = arith.constant 1 : i32
    %add3A_803 = vector.broadcast %add3A_802 : i32 to vector<16xi32>
    %add3A_804 = arith.addi %shift_right_arithmetic3A_801, %add3A_803 : vector<16xi32>
    %select_n3A_805 = arith.select %lt3A_792, %add3A_798, %add3A_804 : vector<16xi1>, vector<16xi32>
    %shift_right_arithmetic3A_806 = arith.constant 2 : i32
    %shift_right_arithmetic3A_807 = vector.broadcast %shift_right_arithmetic3A_806 : i32 to vector<16xi32>
    %shift_right_arithmetic3A_808 = arith.shrsi %get3A_789, %shift_right_arithmetic3A_807 : vector<16xi32>
    %add3A_809 = arith.constant 1 : i32
    %add3A_810 = vector.broadcast %add3A_809 : i32 to vector<16xi32>
    %add3A_811 = arith.addi %shift_right_arithmetic3A_808, %add3A_810 : vector<16xi32>
    %sub3A_812 = arith.constant 99999 : i32
    %sub3A_813 = vector.broadcast %sub3A_812 : i32 to vector<16xi32>
    %sub3A_814 = arith.subi %get3A_789, %sub3A_813 : vector<16xi32>
    %select_n3A_815 = arith.select %lt3A_795, %sub3A_814, %add3A_811 : vector<16xi1>, vector<16xi32>
    %select_n3A_816 = arith.select %lt3A_792, %add3A_811, %select_n3A_815 : vector<16xi1>, vector<16xi32>
    %shift_right_arithmetic3A_817 = arith.constant 1 : i32
    %shift_right_arithmetic3A_818 = vector.broadcast %shift_right_arithmetic3A_817 : i32 to vector<16xi32>
    %shift_right_arithmetic3A_819 = arith.shrsi %get3A_789, %shift_right_arithmetic3A_818 : vector<16xi32>
    %add3A_820 = arith.constant 1 : i32
    %add3A_821 = vector.broadcast %add3A_820 : i32 to vector<16xi32>
    %add3A_822 = arith.addi %shift_right_arithmetic3A_819, %add3A_821 : vector<16xi32>
    %sub3A_823 = arith.constant 399999 : i32
    %sub3A_824 = vector.broadcast %sub3A_823 : i32 to vector<16xi32>
    %sub3A_825 = arith.subi %get3A_789, %sub3A_824 : vector<16xi32>
    %select_n3A_826 = arith.select %lt3A_795, %add3A_822, %sub3A_825 : vector<16xi1>, vector<16xi32>
    %shift_right_arithmetic3A_827 = arith.constant 13 : i32
    %shift_right_arithmetic3A_828 = vector.broadcast %shift_right_arithmetic3A_827 : i32 to vector<16xi32>
    %shift_right_arithmetic3A_829 = arith.shrsi %select_n3A_805, %shift_right_arithmetic3A_828 : vector<16xi32>
    %shift_left3A_830 = arith.constant 12 : i32
    %shift_left3A_831 = vector.broadcast %shift_left3A_830 : i32 to vector<16xi32>
    %shift_left3A_832 = arith.shli %shift_right_arithmetic3A_829, %shift_left3A_831 : vector<16xi32>
    %and3A_833 = arith.constant 4095 : i32
    %and3A_834 = vector.broadcast %and3A_833 : i32 to vector<16xi32>
    %and3A_835 = arith.andi %select_n3A_805, %and3A_834 : vector<16xi32>
    %add3A_836 = arith.addi %shift_left3A_832, %and3A_835 : vector<16xi32>
    %swap3A_837 = arith.constant 1 : i32
    %swap3A_838 = arith.index_cast %swap3A_837 : i32 to index
    %swap3A_839 = arith.constant 16 : index
    %swap3A_840 = tpu.vector_load %arg10[%swap3A_838, %swap3A_839] {strides = array<i32>} : memref<4x128xi32, #tpu.memory_space<vmem>>, vector<1x16xi32>,
    %swap3A_841 = vector.shape_cast %swap3A_840 : vector<1x16xi32> to vector<16xi32>
    %swap3A_842 = vector.shape_cast %add3A_836 : vector<16xi32> to vector<1x16xi32>
    tpu.vector_store %arg10[%swap3A_838, %swap3A_839], %swap3A_842 {strides = array<i32>} : memref<4x128xi32, #tpu.memory_space<vmem>>, vector<1x16xi32>,
    %shift_right_arithmetic3A_843 = arith.constant 13 : i32
    %shift_right_arithmetic3A_844 = vector.broadcast %shift_right_arithmetic3A_843 : i32 to vector<16xi32>
    %shift_right_arithmetic3A_845 = arith.shrsi %select_n3A_816, %shift_right_arithmetic3A_844 : vector<16xi32>
    %shift_left3A_846 = arith.constant 11 : i32
    %shift_left3A_847 = vector.broadcast %shift_left3A_846 : i32 to vector<16xi32>
    %shift_left3A_848 = arith.shli %shift_right_arithmetic3A_845, %shift_left3A_847 : vector<16xi32>
    %and3A_849 = arith.constant 2047 : i32
    %and3A_850 = vector.broadcast %and3A_849 : i32 to vector<16xi32>
    %and3A_851 = arith.andi %select_n3A_816, %and3A_850 : vector<16xi32>
    %add3A_852 = arith.addi %shift_left3A_848, %and3A_851 : vector<16xi32>
    %swap3A_853 = arith.constant 1 : i32
    %swap3A_854 = arith.index_cast %swap3A_853 : i32 to index
    %swap3A_855 = arith.constant 16 : index
    %swap3A_856 = tpu.vector_load %arg11[%swap3A_854, %swap3A_855] {strides = array<i32>} : memref<4x128xi32, #tpu.memory_space<vmem>>, vector<1x16xi32>,
    %swap3A_857 = vector.shape_cast %swap3A_856 : vector<1x16xi32> to vector<16xi32>
    %swap3A_858 = vector.shape_cast %add3A_852 : vector<16xi32> to vector<1x16xi32>
    tpu.vector_store %arg11[%swap3A_854, %swap3A_855], %swap3A_858 {strides = array<i32>} : memref<4x128xi32, #tpu.memory_space<vmem>>, vector<1x16xi32>,
    %shift_right_arithmetic3A_859 = arith.constant 13 : i32
    %shift_right_arithmetic3A_860 = vector.broadcast %shift_right_arithmetic3A_859 : i32 to vector<16xi32>
    %shift_right_arithmetic3A_861 = arith.shrsi %select_n3A_826, %shift_right_arithmetic3A_860 : vector<16xi32>
    %shift_left3A_862 = arith.constant 10 : i32
    %shift_left3A_863 = vector.broadcast %shift_left3A_862 : i32 to vector<16xi32>
    %shift_left3A_864 = arith.shli %shift_right_arithmetic3A_861, %shift_left3A_863 : vector<16xi32>
    %and3A_865 = arith.constant 1023 : i32
    %and3A_866 = vector.broadcast %and3A_865 : i32 to vector<16xi32>
    %and3A_867 = arith.andi %select_n3A_826, %and3A_866 : vector<16xi32>
    %add3A_868 = arith.addi %shift_left3A_864, %and3A_867 : vector<16xi32>
    %swap3A_869 = arith.constant 1 : i32
    %swap3A_870 = arith.index_cast %swap3A_869 : i32 to index
    %swap3A_871 = arith.constant 16 : index
    %swap3A_872 = tpu.vector_load %arg12[%swap3A_870, %swap3A_871] {strides = array<i32>} : memref<4x128xi32, #tpu.memory_space<vmem>>, vector<1x16xi32>,
    %swap3A_873 = vector.shape_cast %swap3A_872 : vector<1x16xi32> to vector<16xi32>
    %swap3A_874 = vector.shape_cast %add3A_868 : vector<16xi32> to vector<1x16xi32>
    tpu.vector_store %arg12[%swap3A_870, %swap3A_871], %swap3A_874 {strides = array<i32>} : memref<4x128xi32, #tpu.memory_space<vmem>>, vector<1x16xi32>,
    %get3A_875 = arith.constant 160 : index
    %get3A_876 = tpu.vector_load %arg9[%get3A_875] {strides = array<i32>} : memref<512xi32, #tpu.memory_space<vmem>>, vector<16xi32>,
    %get3A_877 = vector.shape_cast %get3A_876 : vector<16xi32> to vector<16xi32>
    %lt3A_878 = arith.constant 100000 : i32
    %lt3A_879 = vector.broadcast %lt3A_878 : i32 to vector<16xi32>
    %lt3A_880 = arith.cmpi slt, %get3A_877, %lt3A_879 : vector<16xi32>
    %lt3A_881 = arith.constant 400000 : i32
    %lt3A_882 = vector.broadcast %lt3A_881 : i32 to vector<16xi32>
    %lt3A_883 = arith.cmpi slt, %get3A_877, %lt3A_882 : vector<16xi32>
    %add3A_884 = arith.constant 1 : i32
    %add3A_885 = vector.broadcast %add3A_884 : i32 to vector<16xi32>
    %add3A_886 = arith.addi %get3A_877, %add3A_885 : vector<16xi32>
    %shift_right_arithmetic3A_887 = arith.constant 4 : i32
    %shift_right_arithmetic3A_888 = vector.broadcast %shift_right_arithmetic3A_887 : i32 to vector<16xi32>
    %shift_right_arithmetic3A_889 = arith.shrsi %get3A_877, %shift_right_arithmetic3A_888 : vector<16xi32>
    %add3A_890 = arith.constant 1 : i32
    %add3A_891 = vector.broadcast %add3A_890 : i32 to vector<16xi32>
    %add3A_892 = arith.addi %shift_right_arithmetic3A_889, %add3A_891 : vector<16xi32>
    %select_n3A_893 = arith.select %lt3A_880, %add3A_886, %add3A_892 : vector<16xi1>, vector<16xi32>
    %shift_right_arithmetic3A_894 = arith.constant 2 : i32
    %shift_right_arithmetic3A_895 = vector.broadcast %shift_right_arithmetic3A_894 : i32 to vector<16xi32>
    %shift_right_arithmetic3A_896 = arith.shrsi %get3A_877, %shift_right_arithmetic3A_895 : vector<16xi32>
    %add3A_897 = arith.constant 1 : i32
    %add3A_898 = vector.broadcast %add3A_897 : i32 to vector<16xi32>
    %add3A_899 = arith.addi %shift_right_arithmetic3A_896, %add3A_898 : vector<16xi32>
    %sub3A_900 = arith.constant 99999 : i32
    %sub3A_901 = vector.broadcast %sub3A_900 : i32 to vector<16xi32>
    %sub3A_902 = arith.subi %get3A_877, %sub3A_901 : vector<16xi32>
    %select_n3A_903 = arith.select %lt3A_883, %sub3A_902, %add3A_899 : vector<16xi1>, vector<16xi32>
    %select_n3A_904 = arith.select %lt3A_880, %add3A_899, %select_n3A_903 : vector<16xi1>, vector<16xi32>
    %shift_right_arithmetic3A_905 = arith.constant 1 : i32
    %shift_right_arithmetic3A_906 = vector.broadcast %shift_right_arithmetic3A_905 : i32 to vector<16xi32>
    %shift_right_arithmetic3A_907 = arith.shrsi %get3A_877, %shift_right_arithmetic3A_906 : vector<16xi32>
    %add3A_908 = arith.constant 1 : i32
    %add3A_909 = vector.broadcast %add3A_908 : i32 to vector<16xi32>
    %add3A_910 = arith.addi %shift_right_arithmetic3A_907, %add3A_909 : vector<16xi32>
    %sub3A_911 = arith.constant 399999 : i32
    %sub3A_912 = vector.broadcast %sub3A_911 : i32 to vector<16xi32>
    %sub3A_913 = arith.subi %get3A_877, %sub3A_912 : vector<16xi32>
    %select_n3A_914 = arith.select %lt3A_883, %add3A_910, %sub3A_913 : vector<16xi1>, vector<16xi32>
    %shift_right_arithmetic3A_915 = arith.constant 13 : i32
    %shift_right_arithmetic3A_916 = vector.broadcast %shift_right_arithmetic3A_915 : i32 to vector<16xi32>
    %shift_right_arithmetic3A_917 = arith.shrsi %select_n3A_893, %shift_right_arithmetic3A_916 : vector<16xi32>
    %shift_left3A_918 = arith.constant 12 : i32
    %shift_left3A_919 = vector.broadcast %shift_left3A_918 : i32 to vector<16xi32>
    %shift_left3A_920 = arith.shli %shift_right_arithmetic3A_917, %shift_left3A_919 : vector<16xi32>
    %and3A_921 = arith.constant 4095 : i32
    %and3A_922 = vector.broadcast %and3A_921 : i32 to vector<16xi32>
    %and3A_923 = arith.andi %select_n3A_893, %and3A_922 : vector<16xi32>
    %add3A_924 = arith.addi %shift_left3A_920, %and3A_923 : vector<16xi32>
    %swap3A_925 = arith.constant 1 : i32
    %swap3A_926 = arith.index_cast %swap3A_925 : i32 to index
    %swap3A_927 = arith.constant 32 : index
    %swap3A_928 = tpu.vector_load %arg10[%swap3A_926, %swap3A_927] {strides = array<i32>} : memref<4x128xi32, #tpu.memory_space<vmem>>, vector<1x16xi32>,
    %swap3A_929 = vector.shape_cast %swap3A_928 : vector<1x16xi32> to vector<16xi32>
    %swap3A_930 = vector.shape_cast %add3A_924 : vector<16xi32> to vector<1x16xi32>
    tpu.vector_store %arg10[%swap3A_926, %swap3A_927], %swap3A_930 {strides = array<i32>} : memref<4x128xi32, #tpu.memory_space<vmem>>, vector<1x16xi32>,
    %shift_right_arithmetic3A_931 = arith.constant 13 : i32
    %shift_right_arithmetic3A_932 = vector.broadcast %shift_right_arithmetic3A_931 : i32 to vector<16xi32>
    %shift_right_arithmetic3A_933 = arith.shrsi %select_n3A_904, %shift_right_arithmetic3A_932 : vector<16xi32>
    %shift_left3A_934 = arith.constant 11 : i32
    %shift_left3A_935 = vector.broadcast %shift_left3A_934 : i32 to vector<16xi32>
    %shift_left3A_936 = arith.shli %shift_right_arithmetic3A_933, %shift_left3A_935 : vector<16xi32>
    %and3A_937 = arith.constant 2047 : i32
    %and3A_938 = vector.broadcast %and3A_937 : i32 to vector<16xi32>
    %and3A_939 = arith.andi %select_n3A_904, %and3A_938 : vector<16xi32>
    %add3A_940 = arith.addi %shift_left3A_936, %and3A_939 : vector<16xi32>
    %swap3A_941 = arith.constant 1 : i32
    %swap3A_942 = arith.index_cast %swap3A_941 : i32 to index
    %swap3A_943 = arith.constant 32 : index
    %swap3A_944 = tpu.vector_load %arg11[%swap3A_942, %swap3A_943] {strides = array<i32>} : memref<4x128xi32, #tpu.memory_space<vmem>>, vector<1x16xi32>,
    %swap3A_945 = vector.shape_cast %swap3A_944 : vector<1x16xi32> to vector<16xi32>
    %swap3A_946 = vector.shape_cast %add3A_940 : vector<16xi32> to vector<1x16xi32>
    tpu.vector_store %arg11[%swap3A_942, %swap3A_943], %swap3A_946 {strides = array<i32>} : memref<4x128xi32, #tpu.memory_space<vmem>>, vector<1x16xi32>,
    %shift_right_arithmetic3A_947 = arith.constant 13 : i32
    %shift_right_arithmetic3A_948 = vector.broadcast %shift_right_arithmetic3A_947 : i32 to vector<16xi32>
    %shift_right_arithmetic3A_949 = arith.shrsi %select_n3A_914, %shift_right_arithmetic3A_948 : vector<16xi32>
    %shift_left3A_950 = arith.constant 10 : i32
    %shift_left3A_951 = vector.broadcast %shift_left3A_950 : i32 to vector<16xi32>
    %shift_left3A_952 = arith.shli %shift_right_arithmetic3A_949, %shift_left3A_951 : vector<16xi32>
    %and3A_953 = arith.constant 1023 : i32
    %and3A_954 = vector.broadcast %and3A_953 : i32 to vector<16xi32>
    %and3A_955 = arith.andi %select_n3A_914, %and3A_954 : vector<16xi32>
    %add3A_956 = arith.addi %shift_left3A_952, %and3A_955 : vector<16xi32>
    %swap3A_957 = arith.constant 1 : i32
    %swap3A_958 = arith.index_cast %swap3A_957 : i32 to index
    %swap3A_959 = arith.constant 32 : index
    %swap3A_960 = tpu.vector_load %arg12[%swap3A_958, %swap3A_959] {strides = array<i32>} : memref<4x128xi32, #tpu.memory_space<vmem>>, vector<1x16xi32>,
    %swap3A_961 = vector.shape_cast %swap3A_960 : vector<1x16xi32> to vector<16xi32>
    %swap3A_962 = vector.shape_cast %add3A_956 : vector<16xi32> to vector<1x16xi32>
    tpu.vector_store %arg12[%swap3A_958, %swap3A_959], %swap3A_962 {strides = array<i32>} : memref<4x128xi32, #tpu.memory_space<vmem>>, vector<1x16xi32>,
    %get3A_963 = arith.constant 176 : index
    %get3A_964 = tpu.vector_load %arg9[%get3A_963] {strides = array<i32>} : memref<512xi32, #tpu.memory_space<vmem>>, vector<16xi32>,
    %get3A_965 = vector.shape_cast %get3A_964 : vector<16xi32> to vector<16xi32>
    %lt3A_966 = arith.constant 100000 : i32
    %lt3A_967 = vector.broadcast %lt3A_966 : i32 to vector<16xi32>
    %lt3A_968 = arith.cmpi slt, %get3A_965, %lt3A_967 : vector<16xi32>
    %lt3A_969 = arith.constant 400000 : i32
    %lt3A_970 = vector.broadcast %lt3A_969 : i32 to vector<16xi32>
    %lt3A_971 = arith.cmpi slt, %get3A_965, %lt3A_970 : vector<16xi32>
    %add3A_972 = arith.constant 1 : i32
    %add3A_973 = vector.broadcast %add3A_972 : i32 to vector<16xi32>
    %add3A_974 = arith.addi %get3A_965, %add3A_973 : vector<16xi32>
    %shift_right_arithmetic3A_975 = arith.constant 4 : i32
    %shift_right_arithmetic3A_976 = vector.broadcast %shift_right_arithmetic3A_975 : i32 to vector<16xi32>
    %shift_right_arithmetic3A_977 = arith.shrsi %get3A_965, %shift_right_arithmetic3A_976 : vector<16xi32>
    %add3A_978 = arith.constant 1 : i32
    %add3A_979 = vector.broadcast %add3A_978 : i32 to vector<16xi32>
    %add3A_980 = arith.addi %shift_right_arithmetic3A_977, %add3A_979 : vector<16xi32>
    %select_n3A_981 = arith.select %lt3A_968, %add3A_974, %add3A_980 : vector<16xi1>, vector<16xi32>
    %shift_right_arithmetic3A_982 = arith.constant 2 : i32
    %shift_right_arithmetic3A_983 = vector.broadcast %shift_right_arithmetic3A_982 : i32 to vector<16xi32>
    %shift_right_arithmetic3A_984 = arith.shrsi %get3A_965, %shift_right_arithmetic3A_983 : vector<16xi32>
    %add3A_985 = arith.constant 1 : i32
    %add3A_986 = vector.broadcast %add3A_985 : i32 to vector<16xi32>
    %add3A_987 = arith.addi %shift_right_arithmetic3A_984, %add3A_986 : vector<16xi32>
    %sub3A_988 = arith.constant 99999 : i32
    %sub3A_989 = vector.broadcast %sub3A_988 : i32 to vector<16xi32>
    %sub3A_990 = arith.subi %get3A_965, %sub3A_989 : vector<16xi32>
    %select_n3A_991 = arith.select %lt3A_971, %sub3A_990, %add3A_987 : vector<16xi1>, vector<16xi32>
    %select_n3A_992 = arith.select %lt3A_968, %add3A_987, %select_n3A_991 : vector<16xi1>, vector<16xi32>
    %shift_right_arithmetic3A_993 = arith.constant 1 : i32
    %shift_right_arithmetic3A_994 = vector.broadcast %shift_right_arithmetic3A_993 : i32 to vector<16xi32>
    %shift_right_arithmetic3A_995 = arith.shrsi %get3A_965, %shift_right_arithmetic3A_994 : vector<16xi32>
    %add3A_996 = arith.constant 1 : i32
    %add3A_997 = vector.broadcast %add3A_996 : i32 to vector<16xi32>
    %add3A_998 = arith.addi %shift_right_arithmetic3A_995, %add3A_997 : vector<16xi32>
    %sub3A_999 = arith.constant 399999 : i32
    %sub3A_1000 = vector.broadcast %sub3A_999 : i32 to vector<16xi32>
    %sub3A_1001 = arith.subi %get3A_965, %sub3A_1000 : vector<16xi32>
    %select_n3A_1002 = arith.select %lt3A_971, %add3A_998, %sub3A_1001 : vector<16xi1>, vector<16xi32>
    %shift_right_arithmetic3A_1003 = arith.constant 13 : i32
    %shift_right_arithmetic3A_1004 = vector.broadcast %shift_right_arithmetic3A_1003 : i32 to vector<16xi32>
    %shift_right_arithmetic3A_1005 = arith.shrsi %select_n3A_981, %shift_right_arithmetic3A_1004 : vector<16xi32>
    %shift_left3A_1006 = arith.constant 12 : i32
    %shift_left3A_1007 = vector.broadcast %shift_left3A_1006 : i32 to vector<16xi32>
    %shift_left3A_1008 = arith.shli %shift_right_arithmetic3A_1005, %shift_left3A_1007 : vector<16xi32>
    %and3A_1009 = arith.constant 4095 : i32
    %and3A_1010 = vector.broadcast %and3A_1009 : i32 to vector<16xi32>
    %and3A_1011 = arith.andi %select_n3A_981, %and3A_1010 : vector<16xi32>
    %add3A_1012 = arith.addi %shift_left3A_1008, %and3A_1011 : vector<16xi32>
    %swap3A_1013 = arith.constant 1 : i32
    %swap3A_1014 = arith.index_cast %swap3A_1013 : i32 to index
    %swap3A_1015 = arith.constant 48 : index
    %swap3A_1016 = tpu.vector_load %arg10[%swap3A_1014, %swap3A_1015] {strides = array<i32>} : memref<4x128xi32, #tpu.memory_space<vmem>>, vector<1x16xi32>,
    %swap3A_1017 = vector.shape_cast %swap3A_1016 : vector<1x16xi32> to vector<16xi32>
    %swap3A_1018 = vector.shape_cast %add3A_1012 : vector<16xi32> to vector<1x16xi32>
    tpu.vector_store %arg10[%swap3A_1014, %swap3A_1015], %swap3A_1018 {strides = array<i32>} : memref<4x128xi32, #tpu.memory_space<vmem>>, vector<1x16xi32>,
    %shift_right_arithmetic3A_1019 = arith.constant 13 : i32
    %shift_right_arithmetic3A_1020 = vector.broadcast %shift_right_arithmetic3A_1019 : i32 to vector<16xi32>
    %shift_right_arithmetic3A_1021 = arith.shrsi %select_n3A_992, %shift_right_arithmetic3A_1020 : vector<16xi32>
    %shift_left3A_1022 = arith.constant 11 : i32
    %shift_left3A_1023 = vector.broadcast %shift_left3A_1022 : i32 to vector<16xi32>
    %shift_left3A_1024 = arith.shli %shift_right_arithmetic3A_1021, %shift_left3A_1023 : vector<16xi32>
    %and3A_1025 = arith.constant 2047 : i32
    %and3A_1026 = vector.broadcast %and3A_1025 : i32 to vector<16xi32>
    %and3A_1027 = arith.andi %select_n3A_992, %and3A_1026 : vector<16xi32>
    %add3A_1028 = arith.addi %shift_left3A_1024, %and3A_1027 : vector<16xi32>
    %swap3A_1029 = arith.constant 1 : i32
    %swap3A_1030 = arith.index_cast %swap3A_1029 : i32 to index
    %swap3A_1031 = arith.constant 48 : index
    %swap3A_1032 = tpu.vector_load %arg11[%swap3A_1030, %swap3A_1031] {strides = array<i32>} : memref<4x128xi32, #tpu.memory_space<vmem>>, vector<1x16xi32>,
    %swap3A_1033 = vector.shape_cast %swap3A_1032 : vector<1x16xi32> to vector<16xi32>
    %swap3A_1034 = vector.shape_cast %add3A_1028 : vector<16xi32> to vector<1x16xi32>
    tpu.vector_store %arg11[%swap3A_1030, %swap3A_1031], %swap3A_1034 {strides = array<i32>} : memref<4x128xi32, #tpu.memory_space<vmem>>, vector<1x16xi32>,
    %shift_right_arithmetic3A_1035 = arith.constant 13 : i32
    %shift_right_arithmetic3A_1036 = vector.broadcast %shift_right_arithmetic3A_1035 : i32 to vector<16xi32>
    %shift_right_arithmetic3A_1037 = arith.shrsi %select_n3A_1002, %shift_right_arithmetic3A_1036 : vector<16xi32>
    %shift_left3A_1038 = arith.constant 10 : i32
    %shift_left3A_1039 = vector.broadcast %shift_left3A_1038 : i32 to vector<16xi32>
    %shift_left3A_1040 = arith.shli %shift_right_arithmetic3A_1037, %shift_left3A_1039 : vector<16xi32>
    %and3A_1041 = arith.constant 1023 : i32
    %and3A_1042 = vector.broadcast %and3A_1041 : i32 to vector<16xi32>
    %and3A_1043 = arith.andi %select_n3A_1002, %and3A_1042 : vector<16xi32>
    %add3A_1044 = arith.addi %shift_left3A_1040, %and3A_1043 : vector<16xi32>
    %swap3A_1045 = arith.constant 1 : i32
    %swap3A_1046 = arith.index_cast %swap3A_1045 : i32 to index
    %swap3A_1047 = arith.constant 48 : index
    %swap3A_1048 = tpu.vector_load %arg12[%swap3A_1046, %swap3A_1047] {strides = array<i32>} : memref<4x128xi32, #tpu.memory_space<vmem>>, vector<1x16xi32>,
    %swap3A_1049 = vector.shape_cast %swap3A_1048 : vector<1x16xi32> to vector<16xi32>
    %swap3A_1050 = vector.shape_cast %add3A_1044 : vector<16xi32> to vector<1x16xi32>
    tpu.vector_store %arg12[%swap3A_1046, %swap3A_1047], %swap3A_1050 {strides = array<i32>} : memref<4x128xi32, #tpu.memory_space<vmem>>, vector<1x16xi32>,
    %get3A_1051 = arith.constant 192 : index
    %get3A_1052 = tpu.vector_load %arg9[%get3A_1051] {strides = array<i32>} : memref<512xi32, #tpu.memory_space<vmem>>, vector<16xi32>,
    %get3A_1053 = vector.shape_cast %get3A_1052 : vector<16xi32> to vector<16xi32>
    %lt3A_1054 = arith.constant 100000 : i32
    %lt3A_1055 = vector.broadcast %lt3A_1054 : i32 to vector<16xi32>
    %lt3A_1056 = arith.cmpi slt, %get3A_1053, %lt3A_1055 : vector<16xi32>
    %lt3A_1057 = arith.constant 400000 : i32
    %lt3A_1058 = vector.broadcast %lt3A_1057 : i32 to vector<16xi32>
    %lt3A_1059 = arith.cmpi slt, %get3A_1053, %lt3A_1058 : vector<16xi32>
    %add3A_1060 = arith.constant 1 : i32
    %add3A_1061 = vector.broadcast %add3A_1060 : i32 to vector<16xi32>
    %add3A_1062 = arith.addi %get3A_1053, %add3A_1061 : vector<16xi32>
    %shift_right_arithmetic3A_1063 = arith.constant 4 : i32
    %shift_right_arithmetic3A_1064 = vector.broadcast %shift_right_arithmetic3A_1063 : i32 to vector<16xi32>
    %shift_right_arithmetic3A_1065 = arith.shrsi %get3A_1053, %shift_right_arithmetic3A_1064 : vector<16xi32>
    %add3A_1066 = arith.constant 1 : i32
    %add3A_1067 = vector.broadcast %add3A_1066 : i32 to vector<16xi32>
    %add3A_1068 = arith.addi %shift_right_arithmetic3A_1065, %add3A_1067 : vector<16xi32>
    %select_n3A_1069 = arith.select %lt3A_1056, %add3A_1062, %add3A_1068 : vector<16xi1>, vector<16xi32>
    %shift_right_arithmetic3A_1070 = arith.constant 2 : i32
    %shift_right_arithmetic3A_1071 = vector.broadcast %shift_right_arithmetic3A_1070 : i32 to vector<16xi32>
    %shift_right_arithmetic3A_1072 = arith.shrsi %get3A_1053, %shift_right_arithmetic3A_1071 : vector<16xi32>
    %add3A_1073 = arith.constant 1 : i32
    %add3A_1074 = vector.broadcast %add3A_1073 : i32 to vector<16xi32>
    %add3A_1075 = arith.addi %shift_right_arithmetic3A_1072, %add3A_1074 : vector<16xi32>
    %sub3A_1076 = arith.constant 99999 : i32
    %sub3A_1077 = vector.broadcast %sub3A_1076 : i32 to vector<16xi32>
    %sub3A_1078 = arith.subi %get3A_1053, %sub3A_1077 : vector<16xi32>
    %select_n3A_1079 = arith.select %lt3A_1059, %sub3A_1078, %add3A_1075 : vector<16xi1>, vector<16xi32>
    %select_n3A_1080 = arith.select %lt3A_1056, %add3A_1075, %select_n3A_1079 : vector<16xi1>, vector<16xi32>
    %shift_right_arithmetic3A_1081 = arith.constant 1 : i32
    %shift_right_arithmetic3A_1082 = vector.broadcast %shift_right_arithmetic3A_1081 : i32 to vector<16xi32>
    %shift_right_arithmetic3A_1083 = arith.shrsi %get3A_1053, %shift_right_arithmetic3A_1082 : vector<16xi32>
    %add3A_1084 = arith.constant 1 : i32
    %add3A_1085 = vector.broadcast %add3A_1084 : i32 to vector<16xi32>
    %add3A_1086 = arith.addi %shift_right_arithmetic3A_1083, %add3A_1085 : vector<16xi32>
    %sub3A_1087 = arith.constant 399999 : i32
    %sub3A_1088 = vector.broadcast %sub3A_1087 : i32 to vector<16xi32>
    %sub3A_1089 = arith.subi %get3A_1053, %sub3A_1088 : vector<16xi32>
    %select_n3A_1090 = arith.select %lt3A_1059, %add3A_1086, %sub3A_1089 : vector<16xi1>, vector<16xi32>
    %shift_right_arithmetic3A_1091 = arith.constant 13 : i32
    %shift_right_arithmetic3A_1092 = vector.broadcast %shift_right_arithmetic3A_1091 : i32 to vector<16xi32>
    %shift_right_arithmetic3A_1093 = arith.shrsi %select_n3A_1069, %shift_right_arithmetic3A_1092 : vector<16xi32>
    %shift_left3A_1094 = arith.constant 12 : i32
    %shift_left3A_1095 = vector.broadcast %shift_left3A_1094 : i32 to vector<16xi32>
    %shift_left3A_1096 = arith.shli %shift_right_arithmetic3A_1093, %shift_left3A_1095 : vector<16xi32>
    %and3A_1097 = arith.constant 4095 : i32
    %and3A_1098 = vector.broadcast %and3A_1097 : i32 to vector<16xi32>
    %and3A_1099 = arith.andi %select_n3A_1069, %and3A_1098 : vector<16xi32>
    %add3A_1100 = arith.addi %shift_left3A_1096, %and3A_1099 : vector<16xi32>
    %swap3A_1101 = arith.constant 1 : i32
    %swap3A_1102 = arith.index_cast %swap3A_1101 : i32 to index
    %swap3A_1103 = arith.constant 64 : index
    %swap3A_1104 = tpu.vector_load %arg10[%swap3A_1102, %swap3A_1103] {strides = array<i32>} : memref<4x128xi32, #tpu.memory_space<vmem>>, vector<1x16xi32>,
    %swap3A_1105 = vector.shape_cast %swap3A_1104 : vector<1x16xi32> to vector<16xi32>
    %swap3A_1106 = vector.shape_cast %add3A_1100 : vector<16xi32> to vector<1x16xi32>
    tpu.vector_store %arg10[%swap3A_1102, %swap3A_1103], %swap3A_1106 {strides = array<i32>} : memref<4x128xi32, #tpu.memory_space<vmem>>, vector<1x16xi32>,
    %shift_right_arithmetic3A_1107 = arith.constant 13 : i32
    %shift_right_arithmetic3A_1108 = vector.broadcast %shift_right_arithmetic3A_1107 : i32 to vector<16xi32>
    %shift_right_arithmetic3A_1109 = arith.shrsi %select_n3A_1080, %shift_right_arithmetic3A_1108 : vector<16xi32>
    %shift_left3A_1110 = arith.constant 11 : i32
    %shift_left3A_1111 = vector.broadcast %shift_left3A_1110 : i32 to vector<16xi32>
    %shift_left3A_1112 = arith.shli %shift_right_arithmetic3A_1109, %shift_left3A_1111 : vector<16xi32>
    %and3A_1113 = arith.constant 2047 : i32
    %and3A_1114 = vector.broadcast %and3A_1113 : i32 to vector<16xi32>
    %and3A_1115 = arith.andi %select_n3A_1080, %and3A_1114 : vector<16xi32>
    %add3A_1116 = arith.addi %shift_left3A_1112, %and3A_1115 : vector<16xi32>
    %swap3A_1117 = arith.constant 1 : i32
    %swap3A_1118 = arith.index_cast %swap3A_1117 : i32 to index
    %swap3A_1119 = arith.constant 64 : index
    %swap3A_1120 = tpu.vector_load %arg11[%swap3A_1118, %swap3A_1119] {strides = array<i32>} : memref<4x128xi32, #tpu.memory_space<vmem>>, vector<1x16xi32>,
    %swap3A_1121 = vector.shape_cast %swap3A_1120 : vector<1x16xi32> to vector<16xi32>
    %swap3A_1122 = vector.shape_cast %add3A_1116 : vector<16xi32> to vector<1x16xi32>
    tpu.vector_store %arg11[%swap3A_1118, %swap3A_1119], %swap3A_1122 {strides = array<i32>} : memref<4x128xi32, #tpu.memory_space<vmem>>, vector<1x16xi32>,
    %shift_right_arithmetic3A_1123 = arith.constant 13 : i32
    %shift_right_arithmetic3A_1124 = vector.broadcast %shift_right_arithmetic3A_1123 : i32 to vector<16xi32>
    %shift_right_arithmetic3A_1125 = arith.shrsi %select_n3A_1090, %shift_right_arithmetic3A_1124 : vector<16xi32>
    %shift_left3A_1126 = arith.constant 10 : i32
    %shift_left3A_1127 = vector.broadcast %shift_left3A_1126 : i32 to vector<16xi32>
    %shift_left3A_1128 = arith.shli %shift_right_arithmetic3A_1125, %shift_left3A_1127 : vector<16xi32>
    %and3A_1129 = arith.constant 1023 : i32
    %and3A_1130 = vector.broadcast %and3A_1129 : i32 to vector<16xi32>
    %and3A_1131 = arith.andi %select_n3A_1090, %and3A_1130 : vector<16xi32>
    %add3A_1132 = arith.addi %shift_left3A_1128, %and3A_1131 : vector<16xi32>
    %swap3A_1133 = arith.constant 1 : i32
    %swap3A_1134 = arith.index_cast %swap3A_1133 : i32 to index
    %swap3A_1135 = arith.constant 64 : index
    %swap3A_1136 = tpu.vector_load %arg12[%swap3A_1134, %swap3A_1135] {strides = array<i32>} : memref<4x128xi32, #tpu.memory_space<vmem>>, vector<1x16xi32>,
    %swap3A_1137 = vector.shape_cast %swap3A_1136 : vector<1x16xi32> to vector<16xi32>
    %swap3A_1138 = vector.shape_cast %add3A_1132 : vector<16xi32> to vector<1x16xi32>
    tpu.vector_store %arg12[%swap3A_1134, %swap3A_1135], %swap3A_1138 {strides = array<i32>} : memref<4x128xi32, #tpu.memory_space<vmem>>, vector<1x16xi32>,
    %get3A_1139 = arith.constant 208 : index
    %get3A_1140 = tpu.vector_load %arg9[%get3A_1139] {strides = array<i32>} : memref<512xi32, #tpu.memory_space<vmem>>, vector<16xi32>,
    %get3A_1141 = vector.shape_cast %get3A_1140 : vector<16xi32> to vector<16xi32>
    %lt3A_1142 = arith.constant 100000 : i32
    %lt3A_1143 = vector.broadcast %lt3A_1142 : i32 to vector<16xi32>
    %lt3A_1144 = arith.cmpi slt, %get3A_1141, %lt3A_1143 : vector<16xi32>
    %lt3A_1145 = arith.constant 400000 : i32
    %lt3A_1146 = vector.broadcast %lt3A_1145 : i32 to vector<16xi32>
    %lt3A_1147 = arith.cmpi slt, %get3A_1141, %lt3A_1146 : vector<16xi32>
    %add3A_1148 = arith.constant 1 : i32
    %add3A_1149 = vector.broadcast %add3A_1148 : i32 to vector<16xi32>
    %add3A_1150 = arith.addi %get3A_1141, %add3A_1149 : vector<16xi32>
    %shift_right_arithmetic3A_1151 = arith.constant 4 : i32
    %shift_right_arithmetic3A_1152 = vector.broadcast %shift_right_arithmetic3A_1151 : i32 to vector<16xi32>
    %shift_right_arithmetic3A_1153 = arith.shrsi %get3A_1141, %shift_right_arithmetic3A_1152 : vector<16xi32>
    %add3A_1154 = arith.constant 1 : i32
    %add3A_1155 = vector.broadcast %add3A_1154 : i32 to vector<16xi32>
    %add3A_1156 = arith.addi %shift_right_arithmetic3A_1153, %add3A_1155 : vector<16xi32>
    %select_n3A_1157 = arith.select %lt3A_1144, %add3A_1150, %add3A_1156 : vector<16xi1>, vector<16xi32>
    %shift_right_arithmetic3A_1158 = arith.constant 2 : i32
    %shift_right_arithmetic3A_1159 = vector.broadcast %shift_right_arithmetic3A_1158 : i32 to vector<16xi32>
    %shift_right_arithmetic3A_1160 = arith.shrsi %get3A_1141, %shift_right_arithmetic3A_1159 : vector<16xi32>
    %add3A_1161 = arith.constant 1 : i32
    %add3A_1162 = vector.broadcast %add3A_1161 : i32 to vector<16xi32>
    %add3A_1163 = arith.addi %shift_right_arithmetic3A_1160, %add3A_1162 : vector<16xi32>
    %sub3A_1164 = arith.constant 99999 : i32
    %sub3A_1165 = vector.broadcast %sub3A_1164 : i32 to vector<16xi32>
    %sub3A_1166 = arith.subi %get3A_1141, %sub3A_1165 : vector<16xi32>
    %select_n3A_1167 = arith.select %lt3A_1147, %sub3A_1166, %add3A_1163 : vector<16xi1>, vector<16xi32>
    %select_n3A_1168 = arith.select %lt3A_1144, %add3A_1163, %select_n3A_1167 : vector<16xi1>, vector<16xi32>
    %shift_right_arithmetic3A_1169 = arith.constant 1 : i32
    %shift_right_arithmetic3A_1170 = vector.broadcast %shift_right_arithmetic3A_1169 : i32 to vector<16xi32>
    %shift_right_arithmetic3A_1171 = arith.shrsi %get3A_1141, %shift_right_arithmetic3A_1170 : vector<16xi32>
    %add3A_1172 = arith.constant 1 : i32
    %add3A_1173 = vector.broadcast %add3A_1172 : i32 to vector<16xi32>
    %add3A_1174 = arith.addi %shift_right_arithmetic3A_1171, %add3A_1173 : vector<16xi32>
    %sub3A_1175 = arith.constant 399999 : i32
    %sub3A_1176 = vector.broadcast %sub3A_1175 : i32 to vector<16xi32>
    %sub3A_1177 = arith.subi %get3A_1141, %sub3A_1176 : vector<16xi32>
    %select_n3A_1178 = arith.select %lt3A_1147, %add3A_1174, %sub3A_1177 : vector<16xi1>, vector<16xi32>
    %shift_right_arithmetic3A_1179 = arith.constant 13 : i32
    %shift_right_arithmetic3A_1180 = vector.broadcast %shift_right_arithmetic3A_1179 : i32 to vector<16xi32>
    %shift_right_arithmetic3A_1181 = arith.shrsi %select_n3A_1157, %shift_right_arithmetic3A_1180 : vector<16xi32>
    %shift_left3A_1182 = arith.constant 12 : i32
    %shift_left3A_1183 = vector.broadcast %shift_left3A_1182 : i32 to vector<16xi32>
    %shift_left3A_1184 = arith.shli %shift_right_arithmetic3A_1181, %shift_left3A_1183 : vector<16xi32>
    %and3A_1185 = arith.constant 4095 : i32
    %and3A_1186 = vector.broadcast %and3A_1185 : i32 to vector<16xi32>
    %and3A_1187 = arith.andi %select_n3A_1157, %and3A_1186 : vector<16xi32>
    %add3A_1188 = arith.addi %shift_left3A_1184, %and3A_1187 : vector<16xi32>
    %swap3A_1189 = arith.constant 1 : i32
    %swap3A_1190 = arith.index_cast %swap3A_1189 : i32 to index
    %swap3A_1191 = arith.constant 80 : index
    %swap3A_1192 = tpu.vector_load %arg10[%swap3A_1190, %swap3A_1191] {strides = array<i32>} : memref<4x128xi32, #tpu.memory_space<vmem>>, vector<1x16xi32>,
    %swap3A_1193 = vector.shape_cast %swap3A_1192 : vector<1x16xi32> to vector<16xi32>
    %swap3A_1194 = vector.shape_cast %add3A_1188 : vector<16xi32> to vector<1x16xi32>
    tpu.vector_store %arg10[%swap3A_1190, %swap3A_1191], %swap3A_1194 {strides = array<i32>} : memref<4x128xi32, #tpu.memory_space<vmem>>, vector<1x16xi32>,
    %shift_right_arithmetic3A_1195 = arith.constant 13 : i32
    %shift_right_arithmetic3A_1196 = vector.broadcast %shift_right_arithmetic3A_1195 : i32 to vector<16xi32>
    %shift_right_arithmetic3A_1197 = arith.shrsi %select_n3A_1168, %shift_right_arithmetic3A_1196 : vector<16xi32>
    %shift_left3A_1198 = arith.constant 11 : i32
    %shift_left3A_1199 = vector.broadcast %shift_left3A_1198 : i32 to vector<16xi32>
    %shift_left3A_1200 = arith.shli %shift_right_arithmetic3A_1197, %shift_left3A_1199 : vector<16xi32>
    %and3A_1201 = arith.constant 2047 : i32
    %and3A_1202 = vector.broadcast %and3A_1201 : i32 to vector<16xi32>
    %and3A_1203 = arith.andi %select_n3A_1168, %and3A_1202 : vector<16xi32>
    %add3A_1204 = arith.addi %shift_left3A_1200, %and3A_1203 : vector<16xi32>
    %swap3A_1205 = arith.constant 1 : i32
    %swap3A_1206 = arith.index_cast %swap3A_1205 : i32 to index
    %swap3A_1207 = arith.constant 80 : index
    %swap3A_1208 = tpu.vector_load %arg11[%swap3A_1206, %swap3A_1207] {strides = array<i32>} : memref<4x128xi32, #tpu.memory_space<vmem>>, vector<1x16xi32>,
    %swap3A_1209 = vector.shape_cast %swap3A_1208 : vector<1x16xi32> to vector<16xi32>
    %swap3A_1210 = vector.shape_cast %add3A_1204 : vector<16xi32> to vector<1x16xi32>
    tpu.vector_store %arg11[%swap3A_1206, %swap3A_1207], %swap3A_1210 {strides = array<i32>} : memref<4x128xi32, #tpu.memory_space<vmem>>, vector<1x16xi32>,
    %shift_right_arithmetic3A_1211 = arith.constant 13 : i32
    %shift_right_arithmetic3A_1212 = vector.broadcast %shift_right_arithmetic3A_1211 : i32 to vector<16xi32>
    %shift_right_arithmetic3A_1213 = arith.shrsi %select_n3A_1178, %shift_right_arithmetic3A_1212 : vector<16xi32>
    %shift_left3A_1214 = arith.constant 10 : i32
    %shift_left3A_1215 = vector.broadcast %shift_left3A_1214 : i32 to vector<16xi32>
    %shift_left3A_1216 = arith.shli %shift_right_arithmetic3A_1213, %shift_left3A_1215 : vector<16xi32>
    %and3A_1217 = arith.constant 1023 : i32
    %and3A_1218 = vector.broadcast %and3A_1217 : i32 to vector<16xi32>
    %and3A_1219 = arith.andi %select_n3A_1178, %and3A_1218 : vector<16xi32>
    %add3A_1220 = arith.addi %shift_left3A_1216, %and3A_1219 : vector<16xi32>
    %swap3A_1221 = arith.constant 1 : i32
    %swap3A_1222 = arith.index_cast %swap3A_1221 : i32 to index
    %swap3A_1223 = arith.constant 80 : index
    %swap3A_1224 = tpu.vector_load %arg12[%swap3A_1222, %swap3A_1223] {strides = array<i32>} : memref<4x128xi32, #tpu.memory_space<vmem>>, vector<1x16xi32>,
    %swap3A_1225 = vector.shape_cast %swap3A_1224 : vector<1x16xi32> to vector<16xi32>
    %swap3A_1226 = vector.shape_cast %add3A_1220 : vector<16xi32> to vector<1x16xi32>
    tpu.vector_store %arg12[%swap3A_1222, %swap3A_1223], %swap3A_1226 {strides = array<i32>} : memref<4x128xi32, #tpu.memory_space<vmem>>, vector<1x16xi32>,
    %get3A_1227 = arith.constant 224 : index
    %get3A_1228 = tpu.vector_load %arg9[%get3A_1227] {strides = array<i32>} : memref<512xi32, #tpu.memory_space<vmem>>, vector<16xi32>,
    %get3A_1229 = vector.shape_cast %get3A_1228 : vector<16xi32> to vector<16xi32>
    %lt3A_1230 = arith.constant 100000 : i32
    %lt3A_1231 = vector.broadcast %lt3A_1230 : i32 to vector<16xi32>
    %lt3A_1232 = arith.cmpi slt, %get3A_1229, %lt3A_1231 : vector<16xi32>
    %lt3A_1233 = arith.constant 400000 : i32
    %lt3A_1234 = vector.broadcast %lt3A_1233 : i32 to vector<16xi32>
    %lt3A_1235 = arith.cmpi slt, %get3A_1229, %lt3A_1234 : vector<16xi32>
    %add3A_1236 = arith.constant 1 : i32
    %add3A_1237 = vector.broadcast %add3A_1236 : i32 to vector<16xi32>
    %add3A_1238 = arith.addi %get3A_1229, %add3A_1237 : vector<16xi32>
    %shift_right_arithmetic3A_1239 = arith.constant 4 : i32
    %shift_right_arithmetic3A_1240 = vector.broadcast %shift_right_arithmetic3A_1239 : i32 to vector<16xi32>
    %shift_right_arithmetic3A_1241 = arith.shrsi %get3A_1229, %shift_right_arithmetic3A_1240 : vector<16xi32>
    %add3A_1242 = arith.constant 1 : i32
    %add3A_1243 = vector.broadcast %add3A_1242 : i32 to vector<16xi32>
    %add3A_1244 = arith.addi %shift_right_arithmetic3A_1241, %add3A_1243 : vector<16xi32>
    %select_n3A_1245 = arith.select %lt3A_1232, %add3A_1238, %add3A_1244 : vector<16xi1>, vector<16xi32>
    %shift_right_arithmetic3A_1246 = arith.constant 2 : i32
    %shift_right_arithmetic3A_1247 = vector.broadcast %shift_right_arithmetic3A_1246 : i32 to vector<16xi32>
    %shift_right_arithmetic3A_1248 = arith.shrsi %get3A_1229, %shift_right_arithmetic3A_1247 : vector<16xi32>
    %add3A_1249 = arith.constant 1 : i32
    %add3A_1250 = vector.broadcast %add3A_1249 : i32 to vector<16xi32>
    %add3A_1251 = arith.addi %shift_right_arithmetic3A_1248, %add3A_1250 : vector<16xi32>
    %sub3A_1252 = arith.constant 99999 : i32
    %sub3A_1253 = vector.broadcast %sub3A_1252 : i32 to vector<16xi32>
    %sub3A_1254 = arith.subi %get3A_1229, %sub3A_1253 : vector<16xi32>
    %select_n3A_1255 = arith.select %lt3A_1235, %sub3A_1254, %add3A_1251 : vector<16xi1>, vector<16xi32>
    %select_n3A_1256 = arith.select %lt3A_1232, %add3A_1251, %select_n3A_1255 : vector<16xi1>, vector<16xi32>
    %shift_right_arithmetic3A_1257 = arith.constant 1 : i32
    %shift_right_arithmetic3A_1258 = vector.broadcast %shift_right_arithmetic3A_1257 : i32 to vector<16xi32>
    %shift_right_arithmetic3A_1259 = arith.shrsi %get3A_1229, %shift_right_arithmetic3A_1258 : vector<16xi32>
    %add3A_1260 = arith.constant 1 : i32
    %add3A_1261 = vector.broadcast %add3A_1260 : i32 to vector<16xi32>
    %add3A_1262 = arith.addi %shift_right_arithmetic3A_1259, %add3A_1261 : vector<16xi32>
    %sub3A_1263 = arith.constant 399999 : i32
    %sub3A_1264 = vector.broadcast %sub3A_1263 : i32 to vector<16xi32>
    %sub3A_1265 = arith.subi %get3A_1229, %sub3A_1264 : vector<16xi32>
    %select_n3A_1266 = arith.select %lt3A_1235, %add3A_1262, %sub3A_1265 : vector<16xi1>, vector<16xi32>
    %shift_right_arithmetic3A_1267 = arith.constant 13 : i32
    %shift_right_arithmetic3A_1268 = vector.broadcast %shift_right_arithmetic3A_1267 : i32 to vector<16xi32>
    %shift_right_arithmetic3A_1269 = arith.shrsi %select_n3A_1245, %shift_right_arithmetic3A_1268 : vector<16xi32>
    %shift_left3A_1270 = arith.constant 12 : i32
    %shift_left3A_1271 = vector.broadcast %shift_left3A_1270 : i32 to vector<16xi32>
    %shift_left3A_1272 = arith.shli %shift_right_arithmetic3A_1269, %shift_left3A_1271 : vector<16xi32>
    %and3A_1273 = arith.constant 4095 : i32
    %and3A_1274 = vector.broadcast %and3A_1273 : i32 to vector<16xi32>
    %and3A_1275 = arith.andi %select_n3A_1245, %and3A_1274 : vector<16xi32>
    %add3A_1276 = arith.addi %shift_left3A_1272, %and3A_1275 : vector<16xi32>
    %swap3A_1277 = arith.constant 1 : i32
    %swap3A_1278 = arith.index_cast %swap3A_1277 : i32 to index
    %swap3A_1279 = arith.constant 96 : index
    %swap3A_1280 = tpu.vector_load %arg10[%swap3A_1278, %swap3A_1279] {strides = array<i32>} : memref<4x128xi32, #tpu.memory_space<vmem>>, vector<1x16xi32>,
    %swap3A_1281 = vector.shape_cast %swap3A_1280 : vector<1x16xi32> to vector<16xi32>
    %swap3A_1282 = vector.shape_cast %add3A_1276 : vector<16xi32> to vector<1x16xi32>
    tpu.vector_store %arg10[%swap3A_1278, %swap3A_1279], %swap3A_1282 {strides = array<i32>} : memref<4x128xi32, #tpu.memory_space<vmem>>, vector<1x16xi32>,
    %shift_right_arithmetic3A_1283 = arith.constant 13 : i32
    %shift_right_arithmetic3A_1284 = vector.broadcast %shift_right_arithmetic3A_1283 : i32 to vector<16xi32>
    %shift_right_arithmetic3A_1285 = arith.shrsi %select_n3A_1256, %shift_right_arithmetic3A_1284 : vector<16xi32>
    %shift_left3A_1286 = arith.constant 11 : i32
    %shift_left3A_1287 = vector.broadcast %shift_left3A_1286 : i32 to vector<16xi32>
    %shift_left3A_1288 = arith.shli %shift_right_arithmetic3A_1285, %shift_left3A_1287 : vector<16xi32>
    %and3A_1289 = arith.constant 2047 : i32
    %and3A_1290 = vector.broadcast %and3A_1289 : i32 to vector<16xi32>
    %and3A_1291 = arith.andi %select_n3A_1256, %and3A_1290 : vector<16xi32>
    %add3A_1292 = arith.addi %shift_left3A_1288, %and3A_1291 : vector<16xi32>
    %swap3A_1293 = arith.constant 1 : i32
    %swap3A_1294 = arith.index_cast %swap3A_1293 : i32 to index
    %swap3A_1295 = arith.constant 96 : index
    %swap3A_1296 = tpu.vector_load %arg11[%swap3A_1294, %swap3A_1295] {strides = array<i32>} : memref<4x128xi32, #tpu.memory_space<vmem>>, vector<1x16xi32>,
    %swap3A_1297 = vector.shape_cast %swap3A_1296 : vector<1x16xi32> to vector<16xi32>
    %swap3A_1298 = vector.shape_cast %add3A_1292 : vector<16xi32> to vector<1x16xi32>
    tpu.vector_store %arg11[%swap3A_1294, %swap3A_1295], %swap3A_1298 {strides = array<i32>} : memref<4x128xi32, #tpu.memory_space<vmem>>, vector<1x16xi32>,
    %shift_right_arithmetic3A_1299 = arith.constant 13 : i32
    %shift_right_arithmetic3A_1300 = vector.broadcast %shift_right_arithmetic3A_1299 : i32 to vector<16xi32>
    %shift_right_arithmetic3A_1301 = arith.shrsi %select_n3A_1266, %shift_right_arithmetic3A_1300 : vector<16xi32>
    %shift_left3A_1302 = arith.constant 10 : i32
    %shift_left3A_1303 = vector.broadcast %shift_left3A_1302 : i32 to vector<16xi32>
    %shift_left3A_1304 = arith.shli %shift_right_arithmetic3A_1301, %shift_left3A_1303 : vector<16xi32>
    %and3A_1305 = arith.constant 1023 : i32
    %and3A_1306 = vector.broadcast %and3A_1305 : i32 to vector<16xi32>
    %and3A_1307 = arith.andi %select_n3A_1266, %and3A_1306 : vector<16xi32>
    %add3A_1308 = arith.addi %shift_left3A_1304, %and3A_1307 : vector<16xi32>
    %swap3A_1309 = arith.constant 1 : i32
    %swap3A_1310 = arith.index_cast %swap3A_1309 : i32 to index
    %swap3A_1311 = arith.constant 96 : index
    %swap3A_1312 = tpu.vector_load %arg12[%swap3A_1310, %swap3A_1311] {strides = array<i32>} : memref<4x128xi32, #tpu.memory_space<vmem>>, vector<1x16xi32>,
    %swap3A_1313 = vector.shape_cast %swap3A_1312 : vector<1x16xi32> to vector<16xi32>
    %swap3A_1314 = vector.shape_cast %add3A_1308 : vector<16xi32> to vector<1x16xi32>
    tpu.vector_store %arg12[%swap3A_1310, %swap3A_1311], %swap3A_1314 {strides = array<i32>} : memref<4x128xi32, #tpu.memory_space<vmem>>, vector<1x16xi32>,
    %get3A_1315 = arith.constant 240 : index
    %get3A_1316 = tpu.vector_load %arg9[%get3A_1315] {strides = array<i32>} : memref<512xi32, #tpu.memory_space<vmem>>, vector<16xi32>,
    %get3A_1317 = vector.shape_cast %get3A_1316 : vector<16xi32> to vector<16xi32>
    %lt3A_1318 = arith.constant 100000 : i32
    %lt3A_1319 = vector.broadcast %lt3A_1318 : i32 to vector<16xi32>
    %lt3A_1320 = arith.cmpi slt, %get3A_1317, %lt3A_1319 : vector<16xi32>
    %lt3A_1321 = arith.constant 400000 : i32
    %lt3A_1322 = vector.broadcast %lt3A_1321 : i32 to vector<16xi32>
    %lt3A_1323 = arith.cmpi slt, %get3A_1317, %lt3A_1322 : vector<16xi32>
    %add3A_1324 = arith.constant 1 : i32
    %add3A_1325 = vector.broadcast %add3A_1324 : i32 to vector<16xi32>
    %add3A_1326 = arith.addi %get3A_1317, %add3A_1325 : vector<16xi32>
    %shift_right_arithmetic3A_1327 = arith.constant 4 : i32
    %shift_right_arithmetic3A_1328 = vector.broadcast %shift_right_arithmetic3A_1327 : i32 to vector<16xi32>
    %shift_right_arithmetic3A_1329 = arith.shrsi %get3A_1317, %shift_right_arithmetic3A_1328 : vector<16xi32>
    %add3A_1330 = arith.constant 1 : i32
    %add3A_1331 = vector.broadcast %add3A_1330 : i32 to vector<16xi32>
    %add3A_1332 = arith.addi %shift_right_arithmetic3A_1329, %add3A_1331 : vector<16xi32>
    %select_n3A_1333 = arith.select %lt3A_1320, %add3A_1326, %add3A_1332 : vector<16xi1>, vector<16xi32>
    %shift_right_arithmetic3A_1334 = arith.constant 2 : i32
    %shift_right_arithmetic3A_1335 = vector.broadcast %shift_right_arithmetic3A_1334 : i32 to vector<16xi32>
    %shift_right_arithmetic3A_1336 = arith.shrsi %get3A_1317, %shift_right_arithmetic3A_1335 : vector<16xi32>
    %add3A_1337 = arith.constant 1 : i32
    %add3A_1338 = vector.broadcast %add3A_1337 : i32 to vector<16xi32>
    %add3A_1339 = arith.addi %shift_right_arithmetic3A_1336, %add3A_1338 : vector<16xi32>
    %sub3A_1340 = arith.constant 99999 : i32
    %sub3A_1341 = vector.broadcast %sub3A_1340 : i32 to vector<16xi32>
    %sub3A_1342 = arith.subi %get3A_1317, %sub3A_1341 : vector<16xi32>
    %select_n3A_1343 = arith.select %lt3A_1323, %sub3A_1342, %add3A_1339 : vector<16xi1>, vector<16xi32>
    %select_n3A_1344 = arith.select %lt3A_1320, %add3A_1339, %select_n3A_1343 : vector<16xi1>, vector<16xi32>
    %shift_right_arithmetic3A_1345 = arith.constant 1 : i32
    %shift_right_arithmetic3A_1346 = vector.broadcast %shift_right_arithmetic3A_1345 : i32 to vector<16xi32>
    %shift_right_arithmetic3A_1347 = arith.shrsi %get3A_1317, %shift_right_arithmetic3A_1346 : vector<16xi32>
    %add3A_1348 = arith.constant 1 : i32
    %add3A_1349 = vector.broadcast %add3A_1348 : i32 to vector<16xi32>
    %add3A_1350 = arith.addi %shift_right_arithmetic3A_1347, %add3A_1349 : vector<16xi32>
    %sub3A_1351 = arith.constant 399999 : i32
    %sub3A_1352 = vector.broadcast %sub3A_1351 : i32 to vector<16xi32>
    %sub3A_1353 = arith.subi %get3A_1317, %sub3A_1352 : vector<16xi32>
    %select_n3A_1354 = arith.select %lt3A_1323, %add3A_1350, %sub3A_1353 : vector<16xi1>, vector<16xi32>
    %shift_right_arithmetic3A_1355 = arith.constant 13 : i32
    %shift_right_arithmetic3A_1356 = vector.broadcast %shift_right_arithmetic3A_1355 : i32 to vector<16xi32>
    %shift_right_arithmetic3A_1357 = arith.shrsi %select_n3A_1333, %shift_right_arithmetic3A_1356 : vector<16xi32>
    %shift_left3A_1358 = arith.constant 12 : i32
    %shift_left3A_1359 = vector.broadcast %shift_left3A_1358 : i32 to vector<16xi32>
    %shift_left3A_1360 = arith.shli %shift_right_arithmetic3A_1357, %shift_left3A_1359 : vector<16xi32>
    %and3A_1361 = arith.constant 4095 : i32
    %and3A_1362 = vector.broadcast %and3A_1361 : i32 to vector<16xi32>
    %and3A_1363 = arith.andi %select_n3A_1333, %and3A_1362 : vector<16xi32>
    %add3A_1364 = arith.addi %shift_left3A_1360, %and3A_1363 : vector<16xi32>
    %swap3A_1365 = arith.constant 1 : i32
    %swap3A_1366 = arith.index_cast %swap3A_1365 : i32 to index
    %swap3A_1367 = arith.constant 112 : index
    %swap3A_1368 = tpu.vector_load %arg10[%swap3A_1366, %swap3A_1367] {strides = array<i32>} : memref<4x128xi32, #tpu.memory_space<vmem>>, vector<1x16xi32>,
    %swap3A_1369 = vector.shape_cast %swap3A_1368 : vector<1x16xi32> to vector<16xi32>
    %swap3A_1370 = vector.shape_cast %add3A_1364 : vector<16xi32> to vector<1x16xi32>
    tpu.vector_store %arg10[%swap3A_1366, %swap3A_1367], %swap3A_1370 {strides = array<i32>} : memref<4x128xi32, #tpu.memory_space<vmem>>, vector<1x16xi32>,
    %shift_right_arithmetic3A_1371 = arith.constant 13 : i32
    %shift_right_arithmetic3A_1372 = vector.broadcast %shift_right_arithmetic3A_1371 : i32 to vector<16xi32>
    %shift_right_arithmetic3A_1373 = arith.shrsi %select_n3A_1344, %shift_right_arithmetic3A_1372 : vector<16xi32>
    %shift_left3A_1374 = arith.constant 11 : i32
    %shift_left3A_1375 = vector.broadcast %shift_left3A_1374 : i32 to vector<16xi32>
    %shift_left3A_1376 = arith.shli %shift_right_arithmetic3A_1373, %shift_left3A_1375 : vector<16xi32>
    %and3A_1377 = arith.constant 2047 : i32
    %and3A_1378 = vector.broadcast %and3A_1377 : i32 to vector<16xi32>
    %and3A_1379 = arith.andi %select_n3A_1344, %and3A_1378 : vector<16xi32>
    %add3A_1380 = arith.addi %shift_left3A_1376, %and3A_1379 : vector<16xi32>
    %swap3A_1381 = arith.constant 1 : i32
    %swap3A_1382 = arith.index_cast %swap3A_1381 : i32 to index
    %swap3A_1383 = arith.constant 112 : index
    %swap3A_1384 = tpu.vector_load %arg11[%swap3A_1382, %swap3A_1383] {strides = array<i32>} : memref<4x128xi32, #tpu.memory_space<vmem>>, vector<1x16xi32>,
    %swap3A_1385 = vector.shape_cast %swap3A_1384 : vector<1x16xi32> to vector<16xi32>
    %swap3A_1386 = vector.shape_cast %add3A_1380 : vector<16xi32> to vector<1x16xi32>
    tpu.vector_store %arg11[%swap3A_1382, %swap3A_1383], %swap3A_1386 {strides = array<i32>} : memref<4x128xi32, #tpu.memory_space<vmem>>, vector<1x16xi32>,
    %shift_right_arithmetic3A_1387 = arith.constant 13 : i32
    %shift_right_arithmetic3A_1388 = vector.broadcast %shift_right_arithmetic3A_1387 : i32 to vector<16xi32>
    %shift_right_arithmetic3A_1389 = arith.shrsi %select_n3A_1354, %shift_right_arithmetic3A_1388 : vector<16xi32>
    %shift_left3A_1390 = arith.constant 10 : i32
    %shift_left3A_1391 = vector.broadcast %shift_left3A_1390 : i32 to vector<16xi32>
    %shift_left3A_1392 = arith.shli %shift_right_arithmetic3A_1389, %shift_left3A_1391 : vector<16xi32>
    %and3A_1393 = arith.constant 1023 : i32
    %and3A_1394 = vector.broadcast %and3A_1393 : i32 to vector<16xi32>
    %and3A_1395 = arith.andi %select_n3A_1354, %and3A_1394 : vector<16xi32>
    %add3A_1396 = arith.addi %shift_left3A_1392, %and3A_1395 : vector<16xi32>
    %swap3A_1397 = arith.constant 1 : i32
    %swap3A_1398 = arith.index_cast %swap3A_1397 : i32 to index
    %swap3A_1399 = arith.constant 112 : index
    %swap3A_1400 = tpu.vector_load %arg12[%swap3A_1398, %swap3A_1399] {strides = array<i32>} : memref<4x128xi32, #tpu.memory_space<vmem>>, vector<1x16xi32>,
    %swap3A_1401 = vector.shape_cast %swap3A_1400 : vector<1x16xi32> to vector<16xi32>
    %swap3A_1402 = vector.shape_cast %add3A_1396 : vector<16xi32> to vector<1x16xi32>
    tpu.vector_store %arg12[%swap3A_1398, %swap3A_1399], %swap3A_1402 {strides = array<i32>} : memref<4x128xi32, #tpu.memory_space<vmem>>, vector<1x16xi32>,
    %get3A_1403 = arith.constant 256 : index
    %get3A_1404 = tpu.vector_load %arg9[%get3A_1403] {strides = array<i32>} : memref<512xi32, #tpu.memory_space<vmem>>, vector<16xi32>,
    %get3A_1405 = vector.shape_cast %get3A_1404 : vector<16xi32> to vector<16xi32>
    %lt3A_1406 = arith.constant 100000 : i32
    %lt3A_1407 = vector.broadcast %lt3A_1406 : i32 to vector<16xi32>
    %lt3A_1408 = arith.cmpi slt, %get3A_1405, %lt3A_1407 : vector<16xi32>
    %lt3A_1409 = arith.constant 400000 : i32
    %lt3A_1410 = vector.broadcast %lt3A_1409 : i32 to vector<16xi32>
    %lt3A_1411 = arith.cmpi slt, %get3A_1405, %lt3A_1410 : vector<16xi32>
    %add3A_1412 = arith.constant 1 : i32
    %add3A_1413 = vector.broadcast %add3A_1412 : i32 to vector<16xi32>
    %add3A_1414 = arith.addi %get3A_1405, %add3A_1413 : vector<16xi32>
    %shift_right_arithmetic3A_1415 = arith.constant 4 : i32
    %shift_right_arithmetic3A_1416 = vector.broadcast %shift_right_arithmetic3A_1415 : i32 to vector<16xi32>
    %shift_right_arithmetic3A_1417 = arith.shrsi %get3A_1405, %shift_right_arithmetic3A_1416 : vector<16xi32>
    %add3A_1418 = arith.constant 1 : i32
    %add3A_1419 = vector.broadcast %add3A_1418 : i32 to vector<16xi32>
    %add3A_1420 = arith.addi %shift_right_arithmetic3A_1417, %add3A_1419 : vector<16xi32>
    %select_n3A_1421 = arith.select %lt3A_1408, %add3A_1414, %add3A_1420 : vector<16xi1>, vector<16xi32>
    %shift_right_arithmetic3A_1422 = arith.constant 2 : i32
    %shift_right_arithmetic3A_1423 = vector.broadcast %shift_right_arithmetic3A_1422 : i32 to vector<16xi32>
    %shift_right_arithmetic3A_1424 = arith.shrsi %get3A_1405, %shift_right_arithmetic3A_1423 : vector<16xi32>
    %add3A_1425 = arith.constant 1 : i32
    %add3A_1426 = vector.broadcast %add3A_1425 : i32 to vector<16xi32>
    %add3A_1427 = arith.addi %shift_right_arithmetic3A_1424, %add3A_1426 : vector<16xi32>
    %sub3A_1428 = arith.constant 99999 : i32
    %sub3A_1429 = vector.broadcast %sub3A_1428 : i32 to vector<16xi32>
    %sub3A_1430 = arith.subi %get3A_1405, %sub3A_1429 : vector<16xi32>
    %select_n3A_1431 = arith.select %lt3A_1411, %sub3A_1430, %add3A_1427 : vector<16xi1>, vector<16xi32>
    %select_n3A_1432 = arith.select %lt3A_1408, %add3A_1427, %select_n3A_1431 : vector<16xi1>, vector<16xi32>
    %shift_right_arithmetic3A_1433 = arith.constant 1 : i32
    %shift_right_arithmetic3A_1434 = vector.broadcast %shift_right_arithmetic3A_1433 : i32 to vector<16xi32>
    %shift_right_arithmetic3A_1435 = arith.shrsi %get3A_1405, %shift_right_arithmetic3A_1434 : vector<16xi32>
    %add3A_1436 = arith.constant 1 : i32
    %add3A_1437 = vector.broadcast %add3A_1436 : i32 to vector<16xi32>
    %add3A_1438 = arith.addi %shift_right_arithmetic3A_1435, %add3A_1437 : vector<16xi32>
    %sub3A_1439 = arith.constant 399999 : i32
    %sub3A_1440 = vector.broadcast %sub3A_1439 : i32 to vector<16xi32>
    %sub3A_1441 = arith.subi %get3A_1405, %sub3A_1440 : vector<16xi32>
    %select_n3A_1442 = arith.select %lt3A_1411, %add3A_1438, %sub3A_1441 : vector<16xi1>, vector<16xi32>
    %shift_right_arithmetic3A_1443 = arith.constant 13 : i32
    %shift_right_arithmetic3A_1444 = vector.broadcast %shift_right_arithmetic3A_1443 : i32 to vector<16xi32>
    %shift_right_arithmetic3A_1445 = arith.shrsi %select_n3A_1421, %shift_right_arithmetic3A_1444 : vector<16xi32>
    %shift_left3A_1446 = arith.constant 12 : i32
    %shift_left3A_1447 = vector.broadcast %shift_left3A_1446 : i32 to vector<16xi32>
    %shift_left3A_1448 = arith.shli %shift_right_arithmetic3A_1445, %shift_left3A_1447 : vector<16xi32>
    %and3A_1449 = arith.constant 4095 : i32
    %and3A_1450 = vector.broadcast %and3A_1449 : i32 to vector<16xi32>
    %and3A_1451 = arith.andi %select_n3A_1421, %and3A_1450 : vector<16xi32>
    %add3A_1452 = arith.addi %shift_left3A_1448, %and3A_1451 : vector<16xi32>
    %swap3A_1453 = arith.constant 2 : i32
    %swap3A_1454 = arith.index_cast %swap3A_1453 : i32 to index
    %swap3A_1455 = arith.constant 0 : index
    %swap3A_1456 = tpu.vector_load %arg10[%swap3A_1454, %swap3A_1455] {strides = array<i32>} : memref<4x128xi32, #tpu.memory_space<vmem>>, vector<1x16xi32>,
    %swap3A_1457 = vector.shape_cast %swap3A_1456 : vector<1x16xi32> to vector<16xi32>
    %swap3A_1458 = vector.shape_cast %add3A_1452 : vector<16xi32> to vector<1x16xi32>
    tpu.vector_store %arg10[%swap3A_1454, %swap3A_1455], %swap3A_1458 {strides = array<i32>} : memref<4x128xi32, #tpu.memory_space<vmem>>, vector<1x16xi32>,
    %shift_right_arithmetic3A_1459 = arith.constant 13 : i32
    %shift_right_arithmetic3A_1460 = vector.broadcast %shift_right_arithmetic3A_1459 : i32 to vector<16xi32>
    %shift_right_arithmetic3A_1461 = arith.shrsi %select_n3A_1432, %shift_right_arithmetic3A_1460 : vector<16xi32>
    %shift_left3A_1462 = arith.constant 11 : i32
    %shift_left3A_1463 = vector.broadcast %shift_left3A_1462 : i32 to vector<16xi32>
    %shift_left3A_1464 = arith.shli %shift_right_arithmetic3A_1461, %shift_left3A_1463 : vector<16xi32>
    %and3A_1465 = arith.constant 2047 : i32
    %and3A_1466 = vector.broadcast %and3A_1465 : i32 to vector<16xi32>
    %and3A_1467 = arith.andi %select_n3A_1432, %and3A_1466 : vector<16xi32>
    %add3A_1468 = arith.addi %shift_left3A_1464, %and3A_1467 : vector<16xi32>
    %swap3A_1469 = arith.constant 2 : i32
    %swap3A_1470 = arith.index_cast %swap3A_1469 : i32 to index
    %swap3A_1471 = arith.constant 0 : index
    %swap3A_1472 = tpu.vector_load %arg11[%swap3A_1470, %swap3A_1471] {strides = array<i32>} : memref<4x128xi32, #tpu.memory_space<vmem>>, vector<1x16xi32>,
    %swap3A_1473 = vector.shape_cast %swap3A_1472 : vector<1x16xi32> to vector<16xi32>
    %swap3A_1474 = vector.shape_cast %add3A_1468 : vector<16xi32> to vector<1x16xi32>
    tpu.vector_store %arg11[%swap3A_1470, %swap3A_1471], %swap3A_1474 {strides = array<i32>} : memref<4x128xi32, #tpu.memory_space<vmem>>, vector<1x16xi32>,
    %shift_right_arithmetic3A_1475 = arith.constant 13 : i32
    %shift_right_arithmetic3A_1476 = vector.broadcast %shift_right_arithmetic3A_1475 : i32 to vector<16xi32>
    %shift_right_arithmetic3A_1477 = arith.shrsi %select_n3A_1442, %shift_right_arithmetic3A_1476 : vector<16xi32>
    %shift_left3A_1478 = arith.constant 10 : i32
    %shift_left3A_1479 = vector.broadcast %shift_left3A_1478 : i32 to vector<16xi32>
    %shift_left3A_1480 = arith.shli %shift_right_arithmetic3A_1477, %shift_left3A_1479 : vector<16xi32>
    %and3A_1481 = arith.constant 1023 : i32
    %and3A_1482 = vector.broadcast %and3A_1481 : i32 to vector<16xi32>
    %and3A_1483 = arith.andi %select_n3A_1442, %and3A_1482 : vector<16xi32>
    %add3A_1484 = arith.addi %shift_left3A_1480, %and3A_1483 : vector<16xi32>
    %swap3A_1485 = arith.constant 2 : i32
    %swap3A_1486 = arith.index_cast %swap3A_1485 : i32 to index
    %swap3A_1487 = arith.constant 0 : index
    %swap3A_1488 = tpu.vector_load %arg12[%swap3A_1486, %swap3A_1487] {strides = array<i32>} : memref<4x128xi32, #tpu.memory_space<vmem>>, vector<1x16xi32>,
    %swap3A_1489 = vector.shape_cast %swap3A_1488 : vector<1x16xi32> to vector<16xi32>
    %swap3A_1490 = vector.shape_cast %add3A_1484 : vector<16xi32> to vector<1x16xi32>
    tpu.vector_store %arg12[%swap3A_1486, %swap3A_1487], %swap3A_1490 {strides = array<i32>} : memref<4x128xi32, #tpu.memory_space<vmem>>, vector<1x16xi32>,
    %get3A_1491 = arith.constant 272 : index
    %get3A_1492 = tpu.vector_load %arg9[%get3A_1491] {strides = array<i32>} : memref<512xi32, #tpu.memory_space<vmem>>, vector<16xi32>,
    %get3A_1493 = vector.shape_cast %get3A_1492 : vector<16xi32> to vector<16xi32>
    %lt3A_1494 = arith.constant 100000 : i32
    %lt3A_1495 = vector.broadcast %lt3A_1494 : i32 to vector<16xi32>
    %lt3A_1496 = arith.cmpi slt, %get3A_1493, %lt3A_1495 : vector<16xi32>
    %lt3A_1497 = arith.constant 400000 : i32
    %lt3A_1498 = vector.broadcast %lt3A_1497 : i32 to vector<16xi32>
    %lt3A_1499 = arith.cmpi slt, %get3A_1493, %lt3A_1498 : vector<16xi32>
    %add3A_1500 = arith.constant 1 : i32
    %add3A_1501 = vector.broadcast %add3A_1500 : i32 to vector<16xi32>
    %add3A_1502 = arith.addi %get3A_1493, %add3A_1501 : vector<16xi32>
    %shift_right_arithmetic3A_1503 = arith.constant 4 : i32
    %shift_right_arithmetic3A_1504 = vector.broadcast %shift_right_arithmetic3A_1503 : i32 to vector<16xi32>
    %shift_right_arithmetic3A_1505 = arith.shrsi %get3A_1493, %shift_right_arithmetic3A_1504 : vector<16xi32>
    %add3A_1506 = arith.constant 1 : i32
    %add3A_1507 = vector.broadcast %add3A_1506 : i32 to vector<16xi32>
    %add3A_1508 = arith.addi %shift_right_arithmetic3A_1505, %add3A_1507 : vector<16xi32>
    %select_n3A_1509 = arith.select %lt3A_1496, %add3A_1502, %add3A_1508 : vector<16xi1>, vector<16xi32>
    %shift_right_arithmetic3A_1510 = arith.constant 2 : i32
    %shift_right_arithmetic3A_1511 = vector.broadcast %shift_right_arithmetic3A_1510 : i32 to vector<16xi32>
    %shift_right_arithmetic3A_1512 = arith.shrsi %get3A_1493, %shift_right_arithmetic3A_1511 : vector<16xi32>
    %add3A_1513 = arith.constant 1 : i32
    %add3A_1514 = vector.broadcast %add3A_1513 : i32 to vector<16xi32>
    %add3A_1515 = arith.addi %shift_right_arithmetic3A_1512, %add3A_1514 : vector<16xi32>
    %sub3A_1516 = arith.constant 99999 : i32
    %sub3A_1517 = vector.broadcast %sub3A_1516 : i32 to vector<16xi32>
    %sub3A_1518 = arith.subi %get3A_1493, %sub3A_1517 : vector<16xi32>
    %select_n3A_1519 = arith.select %lt3A_1499, %sub3A_1518, %add3A_1515 : vector<16xi1>, vector<16xi32>
    %select_n3A_1520 = arith.select %lt3A_1496, %add3A_1515, %select_n3A_1519 : vector<16xi1>, vector<16xi32>
    %shift_right_arithmetic3A_1521 = arith.constant 1 : i32
    %shift_right_arithmetic3A_1522 = vector.broadcast %shift_right_arithmetic3A_1521 : i32 to vector<16xi32>
    %shift_right_arithmetic3A_1523 = arith.shrsi %get3A_1493, %shift_right_arithmetic3A_1522 : vector<16xi32>
    %add3A_1524 = arith.constant 1 : i32
    %add3A_1525 = vector.broadcast %add3A_1524 : i32 to vector<16xi32>
    %add3A_1526 = arith.addi %shift_right_arithmetic3A_1523, %add3A_1525 : vector<16xi32>
    %sub3A_1527 = arith.constant 399999 : i32
    %sub3A_1528 = vector.broadcast %sub3A_1527 : i32 to vector<16xi32>
    %sub3A_1529 = arith.subi %get3A_1493, %sub3A_1528 : vector<16xi32>
    %select_n3A_1530 = arith.select %lt3A_1499, %add3A_1526, %sub3A_1529 : vector<16xi1>, vector<16xi32>
    %shift_right_arithmetic3A_1531 = arith.constant 13 : i32
    %shift_right_arithmetic3A_1532 = vector.broadcast %shift_right_arithmetic3A_1531 : i32 to vector<16xi32>
    %shift_right_arithmetic3A_1533 = arith.shrsi %select_n3A_1509, %shift_right_arithmetic3A_1532 : vector<16xi32>
    %shift_left3A_1534 = arith.constant 12 : i32
    %shift_left3A_1535 = vector.broadcast %shift_left3A_1534 : i32 to vector<16xi32>
    %shift_left3A_1536 = arith.shli %shift_right_arithmetic3A_1533, %shift_left3A_1535 : vector<16xi32>
    %and3A_1537 = arith.constant 4095 : i32
    %and3A_1538 = vector.broadcast %and3A_1537 : i32 to vector<16xi32>
    %and3A_1539 = arith.andi %select_n3A_1509, %and3A_1538 : vector<16xi32>
    %add3A_1540 = arith.addi %shift_left3A_1536, %and3A_1539 : vector<16xi32>
    %swap3A_1541 = arith.constant 2 : i32
    %swap3A_1542 = arith.index_cast %swap3A_1541 : i32 to index
    %swap3A_1543 = arith.constant 16 : index
    %swap3A_1544 = tpu.vector_load %arg10[%swap3A_1542, %swap3A_1543] {strides = array<i32>} : memref<4x128xi32, #tpu.memory_space<vmem>>, vector<1x16xi32>,
    %swap3A_1545 = vector.shape_cast %swap3A_1544 : vector<1x16xi32> to vector<16xi32>
    %swap3A_1546 = vector.shape_cast %add3A_1540 : vector<16xi32> to vector<1x16xi32>
    tpu.vector_store %arg10[%swap3A_1542, %swap3A_1543], %swap3A_1546 {strides = array<i32>} : memref<4x128xi32, #tpu.memory_space<vmem>>, vector<1x16xi32>,
    %shift_right_arithmetic3A_1547 = arith.constant 13 : i32
    %shift_right_arithmetic3A_1548 = vector.broadcast %shift_right_arithmetic3A_1547 : i32 to vector<16xi32>
    %shift_right_arithmetic3A_1549 = arith.shrsi %select_n3A_1520, %shift_right_arithmetic3A_1548 : vector<16xi32>
    %shift_left3A_1550 = arith.constant 11 : i32
    %shift_left3A_1551 = vector.broadcast %shift_left3A_1550 : i32 to vector<16xi32>
    %shift_left3A_1552 = arith.shli %shift_right_arithmetic3A_1549, %shift_left3A_1551 : vector<16xi32>
    %and3A_1553 = arith.constant 2047 : i32
    %and3A_1554 = vector.broadcast %and3A_1553 : i32 to vector<16xi32>
    %and3A_1555 = arith.andi %select_n3A_1520, %and3A_1554 : vector<16xi32>
    %add3A_1556 = arith.addi %shift_left3A_1552, %and3A_1555 : vector<16xi32>
    %swap3A_1557 = arith.constant 2 : i32
    %swap3A_1558 = arith.index_cast %swap3A_1557 : i32 to index
    %swap3A_1559 = arith.constant 16 : index
    %swap3A_1560 = tpu.vector_load %arg11[%swap3A_1558, %swap3A_1559] {strides = array<i32>} : memref<4x128xi32, #tpu.memory_space<vmem>>, vector<1x16xi32>,
    %swap3A_1561 = vector.shape_cast %swap3A_1560 : vector<1x16xi32> to vector<16xi32>
    %swap3A_1562 = vector.shape_cast %add3A_1556 : vector<16xi32> to vector<1x16xi32>
    tpu.vector_store %arg11[%swap3A_1558, %swap3A_1559], %swap3A_1562 {strides = array<i32>} : memref<4x128xi32, #tpu.memory_space<vmem>>, vector<1x16xi32>,
    %shift_right_arithmetic3A_1563 = arith.constant 13 : i32
    %shift_right_arithmetic3A_1564 = vector.broadcast %shift_right_arithmetic3A_1563 : i32 to vector<16xi32>
    %shift_right_arithmetic3A_1565 = arith.shrsi %select_n3A_1530, %shift_right_arithmetic3A_1564 : vector<16xi32>
    %shift_left3A_1566 = arith.constant 10 : i32
    %shift_left3A_1567 = vector.broadcast %shift_left3A_1566 : i32 to vector<16xi32>
    %shift_left3A_1568 = arith.shli %shift_right_arithmetic3A_1565, %shift_left3A_1567 : vector<16xi32>
    %and3A_1569 = arith.constant 1023 : i32
    %and3A_1570 = vector.broadcast %and3A_1569 : i32 to vector<16xi32>
    %and3A_1571 = arith.andi %select_n3A_1530, %and3A_1570 : vector<16xi32>
    %add3A_1572 = arith.addi %shift_left3A_1568, %and3A_1571 : vector<16xi32>
    %swap3A_1573 = arith.constant 2 : i32
    %swap3A_1574 = arith.index_cast %swap3A_1573 : i32 to index
    %swap3A_1575 = arith.constant 16 : index
    %swap3A_1576 = tpu.vector_load %arg12[%swap3A_1574, %swap3A_1575] {strides = array<i32>} : memref<4x128xi32, #tpu.memory_space<vmem>>, vector<1x16xi32>,
    %swap3A_1577 = vector.shape_cast %swap3A_1576 : vector<1x16xi32> to vector<16xi32>
    %swap3A_1578 = vector.shape_cast %add3A_1572 : vector<16xi32> to vector<1x16xi32>
    tpu.vector_store %arg12[%swap3A_1574, %swap3A_1575], %swap3A_1578 {strides = array<i32>} : memref<4x128xi32, #tpu.memory_space<vmem>>, vector<1x16xi32>,
    %get3A_1579 = arith.constant 288 : index
    %get3A_1580 = tpu.vector_load %arg9[%get3A_1579] {strides = array<i32>} : memref<512xi32, #tpu.memory_space<vmem>>, vector<16xi32>,
    %get3A_1581 = vector.shape_cast %get3A_1580 : vector<16xi32> to vector<16xi32>
    %lt3A_1582 = arith.constant 100000 : i32
    %lt3A_1583 = vector.broadcast %lt3A_1582 : i32 to vector<16xi32>
    %lt3A_1584 = arith.cmpi slt, %get3A_1581, %lt3A_1583 : vector<16xi32>
    %lt3A_1585 = arith.constant 400000 : i32
    %lt3A_1586 = vector.broadcast %lt3A_1585 : i32 to vector<16xi32>
    %lt3A_1587 = arith.cmpi slt, %get3A_1581, %lt3A_1586 : vector<16xi32>
    %add3A_1588 = arith.constant 1 : i32
    %add3A_1589 = vector.broadcast %add3A_1588 : i32 to vector<16xi32>
    %add3A_1590 = arith.addi %get3A_1581, %add3A_1589 : vector<16xi32>
    %shift_right_arithmetic3A_1591 = arith.constant 4 : i32
    %shift_right_arithmetic3A_1592 = vector.broadcast %shift_right_arithmetic3A_1591 : i32 to vector<16xi32>
    %shift_right_arithmetic3A_1593 = arith.shrsi %get3A_1581, %shift_right_arithmetic3A_1592 : vector<16xi32>
    %add3A_1594 = arith.constant 1 : i32
    %add3A_1595 = vector.broadcast %add3A_1594 : i32 to vector<16xi32>
    %add3A_1596 = arith.addi %shift_right_arithmetic3A_1593, %add3A_1595 : vector<16xi32>
    %select_n3A_1597 = arith.select %lt3A_1584, %add3A_1590, %add3A_1596 : vector<16xi1>, vector<16xi32>
    %shift_right_arithmetic3A_1598 = arith.constant 2 : i32
    %shift_right_arithmetic3A_1599 = vector.broadcast %shift_right_arithmetic3A_1598 : i32 to vector<16xi32>
    %shift_right_arithmetic3A_1600 = arith.shrsi %get3A_1581, %shift_right_arithmetic3A_1599 : vector<16xi32>
    %add3A_1601 = arith.constant 1 : i32
    %add3A_1602 = vector.broadcast %add3A_1601 : i32 to vector<16xi32>
    %add3A_1603 = arith.addi %shift_right_arithmetic3A_1600, %add3A_1602 : vector<16xi32>
    %sub3A_1604 = arith.constant 99999 : i32
    %sub3A_1605 = vector.broadcast %sub3A_1604 : i32 to vector<16xi32>
    %sub3A_1606 = arith.subi %get3A_1581, %sub3A_1605 : vector<16xi32>
    %select_n3A_1607 = arith.select %lt3A_1587, %sub3A_1606, %add3A_1603 : vector<16xi1>, vector<16xi32>
    %select_n3A_1608 = arith.select %lt3A_1584, %add3A_1603, %select_n3A_1607 : vector<16xi1>, vector<16xi32>
    %shift_right_arithmetic3A_1609 = arith.constant 1 : i32
    %shift_right_arithmetic3A_1610 = vector.broadcast %shift_right_arithmetic3A_1609 : i32 to vector<16xi32>
    %shift_right_arithmetic3A_1611 = arith.shrsi %get3A_1581, %shift_right_arithmetic3A_1610 : vector<16xi32>
    %add3A_1612 = arith.constant 1 : i32
    %add3A_1613 = vector.broadcast %add3A_1612 : i32 to vector<16xi32>
    %add3A_1614 = arith.addi %shift_right_arithmetic3A_1611, %add3A_1613 : vector<16xi32>
    %sub3A_1615 = arith.constant 399999 : i32
    %sub3A_1616 = vector.broadcast %sub3A_1615 : i32 to vector<16xi32>
    %sub3A_1617 = arith.subi %get3A_1581, %sub3A_1616 : vector<16xi32>
    %select_n3A_1618 = arith.select %lt3A_1587, %add3A_1614, %sub3A_1617 : vector<16xi1>, vector<16xi32>
    %shift_right_arithmetic3A_1619 = arith.constant 13 : i32
    %shift_right_arithmetic3A_1620 = vector.broadcast %shift_right_arithmetic3A_1619 : i32 to vector<16xi32>
    %shift_right_arithmetic3A_1621 = arith.shrsi %select_n3A_1597, %shift_right_arithmetic3A_1620 : vector<16xi32>
    %shift_left3A_1622 = arith.constant 12 : i32
    %shift_left3A_1623 = vector.broadcast %shift_left3A_1622 : i32 to vector<16xi32>
    %shift_left3A_1624 = arith.shli %shift_right_arithmetic3A_1621, %shift_left3A_1623 : vector<16xi32>
    %and3A_1625 = arith.constant 4095 : i32
    %and3A_1626 = vector.broadcast %and3A_1625 : i32 to vector<16xi32>
    %and3A_1627 = arith.andi %select_n3A_1597, %and3A_1626 : vector<16xi32>
    %add3A_1628 = arith.addi %shift_left3A_1624, %and3A_1627 : vector<16xi32>
    %swap3A_1629 = arith.constant 2 : i32
    %swap3A_1630 = arith.index_cast %swap3A_1629 : i32 to index
    %swap3A_1631 = arith.constant 32 : index
    %swap3A_1632 = tpu.vector_load %arg10[%swap3A_1630, %swap3A_1631] {strides = array<i32>} : memref<4x128xi32, #tpu.memory_space<vmem>>, vector<1x16xi32>,
    %swap3A_1633 = vector.shape_cast %swap3A_1632 : vector<1x16xi32> to vector<16xi32>
    %swap3A_1634 = vector.shape_cast %add3A_1628 : vector<16xi32> to vector<1x16xi32>
    tpu.vector_store %arg10[%swap3A_1630, %swap3A_1631], %swap3A_1634 {strides = array<i32>} : memref<4x128xi32, #tpu.memory_space<vmem>>, vector<1x16xi32>,
    %shift_right_arithmetic3A_1635 = arith.constant 13 : i32
    %shift_right_arithmetic3A_1636 = vector.broadcast %shift_right_arithmetic3A_1635 : i32 to vector<16xi32>
    %shift_right_arithmetic3A_1637 = arith.shrsi %select_n3A_1608, %shift_right_arithmetic3A_1636 : vector<16xi32>
    %shift_left3A_1638 = arith.constant 11 : i32
    %shift_left3A_1639 = vector.broadcast %shift_left3A_1638 : i32 to vector<16xi32>
    %shift_left3A_1640 = arith.shli %shift_right_arithmetic3A_1637, %shift_left3A_1639 : vector<16xi32>
    %and3A_1641 = arith.constant 2047 : i32
    %and3A_1642 = vector.broadcast %and3A_1641 : i32 to vector<16xi32>
    %and3A_1643 = arith.andi %select_n3A_1608, %and3A_1642 : vector<16xi32>
    %add3A_1644 = arith.addi %shift_left3A_1640, %and3A_1643 : vector<16xi32>
    %swap3A_1645 = arith.constant 2 : i32
    %swap3A_1646 = arith.index_cast %swap3A_1645 : i32 to index
    %swap3A_1647 = arith.constant 32 : index
    %swap3A_1648 = tpu.vector_load %arg11[%swap3A_1646, %swap3A_1647] {strides = array<i32>} : memref<4x128xi32, #tpu.memory_space<vmem>>, vector<1x16xi32>,
    %swap3A_1649 = vector.shape_cast %swap3A_1648 : vector<1x16xi32> to vector<16xi32>
    %swap3A_1650 = vector.shape_cast %add3A_1644 : vector<16xi32> to vector<1x16xi32>
    tpu.vector_store %arg11[%swap3A_1646, %swap3A_1647], %swap3A_1650 {strides = array<i32>} : memref<4x128xi32, #tpu.memory_space<vmem>>, vector<1x16xi32>,
    %shift_right_arithmetic3A_1651 = arith.constant 13 : i32
    %shift_right_arithmetic3A_1652 = vector.broadcast %shift_right_arithmetic3A_1651 : i32 to vector<16xi32>
    %shift_right_arithmetic3A_1653 = arith.shrsi %select_n3A_1618, %shift_right_arithmetic3A_1652 : vector<16xi32>
    %shift_left3A_1654 = arith.constant 10 : i32
    %shift_left3A_1655 = vector.broadcast %shift_left3A_1654 : i32 to vector<16xi32>
    %shift_left3A_1656 = arith.shli %shift_right_arithmetic3A_1653, %shift_left3A_1655 : vector<16xi32>
    %and3A_1657 = arith.constant 1023 : i32
    %and3A_1658 = vector.broadcast %and3A_1657 : i32 to vector<16xi32>
    %and3A_1659 = arith.andi %select_n3A_1618, %and3A_1658 : vector<16xi32>
    %add3A_1660 = arith.addi %shift_left3A_1656, %and3A_1659 : vector<16xi32>
    %swap3A_1661 = arith.constant 2 : i32
    %swap3A_1662 = arith.index_cast %swap3A_1661 : i32 to index
    %swap3A_1663 = arith.constant 32 : index
    %swap3A_1664 = tpu.vector_load %arg12[%swap3A_1662, %swap3A_1663] {strides = array<i32>} : memref<4x128xi32, #tpu.memory_space<vmem>>, vector<1x16xi32>,
    %swap3A_1665 = vector.shape_cast %swap3A_1664 : vector<1x16xi32> to vector<16xi32>
    %swap3A_1666 = vector.shape_cast %add3A_1660 : vector<16xi32> to vector<1x16xi32>
    tpu.vector_store %arg12[%swap3A_1662, %swap3A_1663], %swap3A_1666 {strides = array<i32>} : memref<4x128xi32, #tpu.memory_space<vmem>>, vector<1x16xi32>,
    %get3A_1667 = arith.constant 304 : index
    %get3A_1668 = tpu.vector_load %arg9[%get3A_1667] {strides = array<i32>} : memref<512xi32, #tpu.memory_space<vmem>>, vector<16xi32>,
    %get3A_1669 = vector.shape_cast %get3A_1668 : vector<16xi32> to vector<16xi32>
    %lt3A_1670 = arith.constant 100000 : i32
    %lt3A_1671 = vector.broadcast %lt3A_1670 : i32 to vector<16xi32>
    %lt3A_1672 = arith.cmpi slt, %get3A_1669, %lt3A_1671 : vector<16xi32>
    %lt3A_1673 = arith.constant 400000 : i32
    %lt3A_1674 = vector.broadcast %lt3A_1673 : i32 to vector<16xi32>
    %lt3A_1675 = arith.cmpi slt, %get3A_1669, %lt3A_1674 : vector<16xi32>
    %add3A_1676 = arith.constant 1 : i32
    %add3A_1677 = vector.broadcast %add3A_1676 : i32 to vector<16xi32>
    %add3A_1678 = arith.addi %get3A_1669, %add3A_1677 : vector<16xi32>
    %shift_right_arithmetic3A_1679 = arith.constant 4 : i32
    %shift_right_arithmetic3A_1680 = vector.broadcast %shift_right_arithmetic3A_1679 : i32 to vector<16xi32>
    %shift_right_arithmetic3A_1681 = arith.shrsi %get3A_1669, %shift_right_arithmetic3A_1680 : vector<16xi32>
    %add3A_1682 = arith.constant 1 : i32
    %add3A_1683 = vector.broadcast %add3A_1682 : i32 to vector<16xi32>
    %add3A_1684 = arith.addi %shift_right_arithmetic3A_1681, %add3A_1683 : vector<16xi32>
    %select_n3A_1685 = arith.select %lt3A_1672, %add3A_1678, %add3A_1684 : vector<16xi1>, vector<16xi32>
    %shift_right_arithmetic3A_1686 = arith.constant 2 : i32
    %shift_right_arithmetic3A_1687 = vector.broadcast %shift_right_arithmetic3A_1686 : i32 to vector<16xi32>
    %shift_right_arithmetic3A_1688 = arith.shrsi %get3A_1669, %shift_right_arithmetic3A_1687 : vector<16xi32>
    %add3A_1689 = arith.constant 1 : i32
    %add3A_1690 = vector.broadcast %add3A_1689 : i32 to vector<16xi32>
    %add3A_1691 = arith.addi %shift_right_arithmetic3A_1688, %add3A_1690 : vector<16xi32>
    %sub3A_1692 = arith.constant 99999 : i32
    %sub3A_1693 = vector.broadcast %sub3A_1692 : i32 to vector<16xi32>
    %sub3A_1694 = arith.subi %get3A_1669, %sub3A_1693 : vector<16xi32>
    %select_n3A_1695 = arith.select %lt3A_1675, %sub3A_1694, %add3A_1691 : vector<16xi1>, vector<16xi32>
    %select_n3A_1696 = arith.select %lt3A_1672, %add3A_1691, %select_n3A_1695 : vector<16xi1>, vector<16xi32>
    %shift_right_arithmetic3A_1697 = arith.constant 1 : i32
    %shift_right_arithmetic3A_1698 = vector.broadcast %shift_right_arithmetic3A_1697 : i32 to vector<16xi32>
    %shift_right_arithmetic3A_1699 = arith.shrsi %get3A_1669, %shift_right_arithmetic3A_1698 : vector<16xi32>
    %add3A_1700 = arith.constant 1 : i32
    %add3A_1701 = vector.broadcast %add3A_1700 : i32 to vector<16xi32>
    %add3A_1702 = arith.addi %shift_right_arithmetic3A_1699, %add3A_1701 : vector<16xi32>
    %sub3A_1703 = arith.constant 399999 : i32
    %sub3A_1704 = vector.broadcast %sub3A_1703 : i32 to vector<16xi32>
    %sub3A_1705 = arith.subi %get3A_1669, %sub3A_1704 : vector<16xi32>
    %select_n3A_1706 = arith.select %lt3A_1675, %add3A_1702, %sub3A_1705 : vector<16xi1>, vector<16xi32>
    %shift_right_arithmetic3A_1707 = arith.constant 13 : i32
    %shift_right_arithmetic3A_1708 = vector.broadcast %shift_right_arithmetic3A_1707 : i32 to vector<16xi32>
    %shift_right_arithmetic3A_1709 = arith.shrsi %select_n3A_1685, %shift_right_arithmetic3A_1708 : vector<16xi32>
    %shift_left3A_1710 = arith.constant 12 : i32
    %shift_left3A_1711 = vector.broadcast %shift_left3A_1710 : i32 to vector<16xi32>
    %shift_left3A_1712 = arith.shli %shift_right_arithmetic3A_1709, %shift_left3A_1711 : vector<16xi32>
    %and3A_1713 = arith.constant 4095 : i32
    %and3A_1714 = vector.broadcast %and3A_1713 : i32 to vector<16xi32>
    %and3A_1715 = arith.andi %select_n3A_1685, %and3A_1714 : vector<16xi32>
    %add3A_1716 = arith.addi %shift_left3A_1712, %and3A_1715 : vector<16xi32>
    %swap3A_1717 = arith.constant 2 : i32
    %swap3A_1718 = arith.index_cast %swap3A_1717 : i32 to index
    %swap3A_1719 = arith.constant 48 : index
    %swap3A_1720 = tpu.vector_load %arg10[%swap3A_1718, %swap3A_1719] {strides = array<i32>} : memref<4x128xi32, #tpu.memory_space<vmem>>, vector<1x16xi32>,
    %swap3A_1721 = vector.shape_cast %swap3A_1720 : vector<1x16xi32> to vector<16xi32>
    %swap3A_1722 = vector.shape_cast %add3A_1716 : vector<16xi32> to vector<1x16xi32>
    tpu.vector_store %arg10[%swap3A_1718, %swap3A_1719], %swap3A_1722 {strides = array<i32>} : memref<4x128xi32, #tpu.memory_space<vmem>>, vector<1x16xi32>,
    %shift_right_arithmetic3A_1723 = arith.constant 13 : i32
    %shift_right_arithmetic3A_1724 = vector.broadcast %shift_right_arithmetic3A_1723 : i32 to vector<16xi32>
    %shift_right_arithmetic3A_1725 = arith.shrsi %select_n3A_1696, %shift_right_arithmetic3A_1724 : vector<16xi32>
    %shift_left3A_1726 = arith.constant 11 : i32
    %shift_left3A_1727 = vector.broadcast %shift_left3A_1726 : i32 to vector<16xi32>
    %shift_left3A_1728 = arith.shli %shift_right_arithmetic3A_1725, %shift_left3A_1727 : vector<16xi32>
    %and3A_1729 = arith.constant 2047 : i32
    %and3A_1730 = vector.broadcast %and3A_1729 : i32 to vector<16xi32>
    %and3A_1731 = arith.andi %select_n3A_1696, %and3A_1730 : vector<16xi32>
    %add3A_1732 = arith.addi %shift_left3A_1728, %and3A_1731 : vector<16xi32>
    %swap3A_1733 = arith.constant 2 : i32
    %swap3A_1734 = arith.index_cast %swap3A_1733 : i32 to index
    %swap3A_1735 = arith.constant 48 : index
    %swap3A_1736 = tpu.vector_load %arg11[%swap3A_1734, %swap3A_1735] {strides = array<i32>} : memref<4x128xi32, #tpu.memory_space<vmem>>, vector<1x16xi32>,
    %swap3A_1737 = vector.shape_cast %swap3A_1736 : vector<1x16xi32> to vector<16xi32>
    %swap3A_1738 = vector.shape_cast %add3A_1732 : vector<16xi32> to vector<1x16xi32>
    tpu.vector_store %arg11[%swap3A_1734, %swap3A_1735], %swap3A_1738 {strides = array<i32>} : memref<4x128xi32, #tpu.memory_space<vmem>>, vector<1x16xi32>,
    %shift_right_arithmetic3A_1739 = arith.constant 13 : i32
    %shift_right_arithmetic3A_1740 = vector.broadcast %shift_right_arithmetic3A_1739 : i32 to vector<16xi32>
    %shift_right_arithmetic3A_1741 = arith.shrsi %select_n3A_1706, %shift_right_arithmetic3A_1740 : vector<16xi32>
    %shift_left3A_1742 = arith.constant 10 : i32
    %shift_left3A_1743 = vector.broadcast %shift_left3A_1742 : i32 to vector<16xi32>
    %shift_left3A_1744 = arith.shli %shift_right_arithmetic3A_1741, %shift_left3A_1743 : vector<16xi32>
    %and3A_1745 = arith.constant 1023 : i32
    %and3A_1746 = vector.broadcast %and3A_1745 : i32 to vector<16xi32>
    %and3A_1747 = arith.andi %select_n3A_1706, %and3A_1746 : vector<16xi32>
    %add3A_1748 = arith.addi %shift_left3A_1744, %and3A_1747 : vector<16xi32>
    %swap3A_1749 = arith.constant 2 : i32
    %swap3A_1750 = arith.index_cast %swap3A_1749 : i32 to index
    %swap3A_1751 = arith.constant 48 : index
    %swap3A_1752 = tpu.vector_load %arg12[%swap3A_1750, %swap3A_1751] {strides = array<i32>} : memref<4x128xi32, #tpu.memory_space<vmem>>, vector<1x16xi32>,
    %swap3A_1753 = vector.shape_cast %swap3A_1752 : vector<1x16xi32> to vector<16xi32>
    %swap3A_1754 = vector.shape_cast %add3A_1748 : vector<16xi32> to vector<1x16xi32>
    tpu.vector_store %arg12[%swap3A_1750, %swap3A_1751], %swap3A_1754 {strides = array<i32>} : memref<4x128xi32, #tpu.memory_space<vmem>>, vector<1x16xi32>,
    %get3A_1755 = arith.constant 320 : index
    %get3A_1756 = tpu.vector_load %arg9[%get3A_1755] {strides = array<i32>} : memref<512xi32, #tpu.memory_space<vmem>>, vector<16xi32>,
    %get3A_1757 = vector.shape_cast %get3A_1756 : vector<16xi32> to vector<16xi32>
    %lt3A_1758 = arith.constant 100000 : i32
    %lt3A_1759 = vector.broadcast %lt3A_1758 : i32 to vector<16xi32>
    %lt3A_1760 = arith.cmpi slt, %get3A_1757, %lt3A_1759 : vector<16xi32>
    %lt3A_1761 = arith.constant 400000 : i32
    %lt3A_1762 = vector.broadcast %lt3A_1761 : i32 to vector<16xi32>
    %lt3A_1763 = arith.cmpi slt, %get3A_1757, %lt3A_1762 : vector<16xi32>
    %add3A_1764 = arith.constant 1 : i32
    %add3A_1765 = vector.broadcast %add3A_1764 : i32 to vector<16xi32>
    %add3A_1766 = arith.addi %get3A_1757, %add3A_1765 : vector<16xi32>
    %shift_right_arithmetic3A_1767 = arith.constant 4 : i32
    %shift_right_arithmetic3A_1768 = vector.broadcast %shift_right_arithmetic3A_1767 : i32 to vector<16xi32>
    %shift_right_arithmetic3A_1769 = arith.shrsi %get3A_1757, %shift_right_arithmetic3A_1768 : vector<16xi32>
    %add3A_1770 = arith.constant 1 : i32
    %add3A_1771 = vector.broadcast %add3A_1770 : i32 to vector<16xi32>
    %add3A_1772 = arith.addi %shift_right_arithmetic3A_1769, %add3A_1771 : vector<16xi32>
    %select_n3A_1773 = arith.select %lt3A_1760, %add3A_1766, %add3A_1772 : vector<16xi1>, vector<16xi32>
    %shift_right_arithmetic3A_1774 = arith.constant 2 : i32
    %shift_right_arithmetic3A_1775 = vector.broadcast %shift_right_arithmetic3A_1774 : i32 to vector<16xi32>
    %shift_right_arithmetic3A_1776 = arith.shrsi %get3A_1757, %shift_right_arithmetic3A_1775 : vector<16xi32>
    %add3A_1777 = arith.constant 1 : i32
    %add3A_1778 = vector.broadcast %add3A_1777 : i32 to vector<16xi32>
    %add3A_1779 = arith.addi %shift_right_arithmetic3A_1776, %add3A_1778 : vector<16xi32>
    %sub3A_1780 = arith.constant 99999 : i32
    %sub3A_1781 = vector.broadcast %sub3A_1780 : i32 to vector<16xi32>
    %sub3A_1782 = arith.subi %get3A_1757, %sub3A_1781 : vector<16xi32>
    %select_n3A_1783 = arith.select %lt3A_1763, %sub3A_1782, %add3A_1779 : vector<16xi1>, vector<16xi32>
    %select_n3A_1784 = arith.select %lt3A_1760, %add3A_1779, %select_n3A_1783 : vector<16xi1>, vector<16xi32>
    %shift_right_arithmetic3A_1785 = arith.constant 1 : i32
    %shift_right_arithmetic3A_1786 = vector.broadcast %shift_right_arithmetic3A_1785 : i32 to vector<16xi32>
    %shift_right_arithmetic3A_1787 = arith.shrsi %get3A_1757, %shift_right_arithmetic3A_1786 : vector<16xi32>
    %add3A_1788 = arith.constant 1 : i32
    %add3A_1789 = vector.broadcast %add3A_1788 : i32 to vector<16xi32>
    %add3A_1790 = arith.addi %shift_right_arithmetic3A_1787, %add3A_1789 : vector<16xi32>
    %sub3A_1791 = arith.constant 399999 : i32
    %sub3A_1792 = vector.broadcast %sub3A_1791 : i32 to vector<16xi32>
    %sub3A_1793 = arith.subi %get3A_1757, %sub3A_1792 : vector<16xi32>
    %select_n3A_1794 = arith.select %lt3A_1763, %add3A_1790, %sub3A_1793 : vector<16xi1>, vector<16xi32>
    %shift_right_arithmetic3A_1795 = arith.constant 13 : i32
    %shift_right_arithmetic3A_1796 = vector.broadcast %shift_right_arithmetic3A_1795 : i32 to vector<16xi32>
    %shift_right_arithmetic3A_1797 = arith.shrsi %select_n3A_1773, %shift_right_arithmetic3A_1796 : vector<16xi32>
    %shift_left3A_1798 = arith.constant 12 : i32
    %shift_left3A_1799 = vector.broadcast %shift_left3A_1798 : i32 to vector<16xi32>
    %shift_left3A_1800 = arith.shli %shift_right_arithmetic3A_1797, %shift_left3A_1799 : vector<16xi32>
    %and3A_1801 = arith.constant 4095 : i32
    %and3A_1802 = vector.broadcast %and3A_1801 : i32 to vector<16xi32>
    %and3A_1803 = arith.andi %select_n3A_1773, %and3A_1802 : vector<16xi32>
    %add3A_1804 = arith.addi %shift_left3A_1800, %and3A_1803 : vector<16xi32>
    %swap3A_1805 = arith.constant 2 : i32
    %swap3A_1806 = arith.index_cast %swap3A_1805 : i32 to index
    %swap3A_1807 = arith.constant 64 : index
    %swap3A_1808 = tpu.vector_load %arg10[%swap3A_1806, %swap3A_1807] {strides = array<i32>} : memref<4x128xi32, #tpu.memory_space<vmem>>, vector<1x16xi32>,
    %swap3A_1809 = vector.shape_cast %swap3A_1808 : vector<1x16xi32> to vector<16xi32>
    %swap3A_1810 = vector.shape_cast %add3A_1804 : vector<16xi32> to vector<1x16xi32>
    tpu.vector_store %arg10[%swap3A_1806, %swap3A_1807], %swap3A_1810 {strides = array<i32>} : memref<4x128xi32, #tpu.memory_space<vmem>>, vector<1x16xi32>,
    %shift_right_arithmetic3A_1811 = arith.constant 13 : i32
    %shift_right_arithmetic3A_1812 = vector.broadcast %shift_right_arithmetic3A_1811 : i32 to vector<16xi32>
    %shift_right_arithmetic3A_1813 = arith.shrsi %select_n3A_1784, %shift_right_arithmetic3A_1812 : vector<16xi32>
    %shift_left3A_1814 = arith.constant 11 : i32
    %shift_left3A_1815 = vector.broadcast %shift_left3A_1814 : i32 to vector<16xi32>
    %shift_left3A_1816 = arith.shli %shift_right_arithmetic3A_1813, %shift_left3A_1815 : vector<16xi32>
    %and3A_1817 = arith.constant 2047 : i32
    %and3A_1818 = vector.broadcast %and3A_1817 : i32 to vector<16xi32>
    %and3A_1819 = arith.andi %select_n3A_1784, %and3A_1818 : vector<16xi32>
    %add3A_1820 = arith.addi %shift_left3A_1816, %and3A_1819 : vector<16xi32>
    %swap3A_1821 = arith.constant 2 : i32
    %swap3A_1822 = arith.index_cast %swap3A_1821 : i32 to index
    %swap3A_1823 = arith.constant 64 : index
    %swap3A_1824 = tpu.vector_load %arg11[%swap3A_1822, %swap3A_1823] {strides = array<i32>} : memref<4x128xi32, #tpu.memory_space<vmem>>, vector<1x16xi32>,
    %swap3A_1825 = vector.shape_cast %swap3A_1824 : vector<1x16xi32> to vector<16xi32>
    %swap3A_1826 = vector.shape_cast %add3A_1820 : vector<16xi32> to vector<1x16xi32>
    tpu.vector_store %arg11[%swap3A_1822, %swap3A_1823], %swap3A_1826 {strides = array<i32>} : memref<4x128xi32, #tpu.memory_space<vmem>>, vector<1x16xi32>,
    %shift_right_arithmetic3A_1827 = arith.constant 13 : i32
    %shift_right_arithmetic3A_1828 = vector.broadcast %shift_right_arithmetic3A_1827 : i32 to vector<16xi32>
    %shift_right_arithmetic3A_1829 = arith.shrsi %select_n3A_1794, %shift_right_arithmetic3A_1828 : vector<16xi32>
    %shift_left3A_1830 = arith.constant 10 : i32
    %shift_left3A_1831 = vector.broadcast %shift_left3A_1830 : i32 to vector<16xi32>
    %shift_left3A_1832 = arith.shli %shift_right_arithmetic3A_1829, %shift_left3A_1831 : vector<16xi32>
    %and3A_1833 = arith.constant 1023 : i32
    %and3A_1834 = vector.broadcast %and3A_1833 : i32 to vector<16xi32>
    %and3A_1835 = arith.andi %select_n3A_1794, %and3A_1834 : vector<16xi32>
    %add3A_1836 = arith.addi %shift_left3A_1832, %and3A_1835 : vector<16xi32>
    %swap3A_1837 = arith.constant 2 : i32
    %swap3A_1838 = arith.index_cast %swap3A_1837 : i32 to index
    %swap3A_1839 = arith.constant 64 : index
    %swap3A_1840 = tpu.vector_load %arg12[%swap3A_1838, %swap3A_1839] {strides = array<i32>} : memref<4x128xi32, #tpu.memory_space<vmem>>, vector<1x16xi32>,
    %swap3A_1841 = vector.shape_cast %swap3A_1840 : vector<1x16xi32> to vector<16xi32>
    %swap3A_1842 = vector.shape_cast %add3A_1836 : vector<16xi32> to vector<1x16xi32>
    tpu.vector_store %arg12[%swap3A_1838, %swap3A_1839], %swap3A_1842 {strides = array<i32>} : memref<4x128xi32, #tpu.memory_space<vmem>>, vector<1x16xi32>,
    %get3A_1843 = arith.constant 336 : index
    %get3A_1844 = tpu.vector_load %arg9[%get3A_1843] {strides = array<i32>} : memref<512xi32, #tpu.memory_space<vmem>>, vector<16xi32>,
    %get3A_1845 = vector.shape_cast %get3A_1844 : vector<16xi32> to vector<16xi32>
    %lt3A_1846 = arith.constant 100000 : i32
    %lt3A_1847 = vector.broadcast %lt3A_1846 : i32 to vector<16xi32>
    %lt3A_1848 = arith.cmpi slt, %get3A_1845, %lt3A_1847 : vector<16xi32>
    %lt3A_1849 = arith.constant 400000 : i32
    %lt3A_1850 = vector.broadcast %lt3A_1849 : i32 to vector<16xi32>
    %lt3A_1851 = arith.cmpi slt, %get3A_1845, %lt3A_1850 : vector<16xi32>
    %add3A_1852 = arith.constant 1 : i32
    %add3A_1853 = vector.broadcast %add3A_1852 : i32 to vector<16xi32>
    %add3A_1854 = arith.addi %get3A_1845, %add3A_1853 : vector<16xi32>
    %shift_right_arithmetic3A_1855 = arith.constant 4 : i32
    %shift_right_arithmetic3A_1856 = vector.broadcast %shift_right_arithmetic3A_1855 : i32 to vector<16xi32>
    %shift_right_arithmetic3A_1857 = arith.shrsi %get3A_1845, %shift_right_arithmetic3A_1856 : vector<16xi32>
    %add3A_1858 = arith.constant 1 : i32
    %add3A_1859 = vector.broadcast %add3A_1858 : i32 to vector<16xi32>
    %add3A_1860 = arith.addi %shift_right_arithmetic3A_1857, %add3A_1859 : vector<16xi32>
    %select_n3A_1861 = arith.select %lt3A_1848, %add3A_1854, %add3A_1860 : vector<16xi1>, vector<16xi32>
    %shift_right_arithmetic3A_1862 = arith.constant 2 : i32
    %shift_right_arithmetic3A_1863 = vector.broadcast %shift_right_arithmetic3A_1862 : i32 to vector<16xi32>
    %shift_right_arithmetic3A_1864 = arith.shrsi %get3A_1845, %shift_right_arithmetic3A_1863 : vector<16xi32>
    %add3A_1865 = arith.constant 1 : i32
    %add3A_1866 = vector.broadcast %add3A_1865 : i32 to vector<16xi32>
    %add3A_1867 = arith.addi %shift_right_arithmetic3A_1864, %add3A_1866 : vector<16xi32>
    %sub3A_1868 = arith.constant 99999 : i32
    %sub3A_1869 = vector.broadcast %sub3A_1868 : i32 to vector<16xi32>
    %sub3A_1870 = arith.subi %get3A_1845, %sub3A_1869 : vector<16xi32>
    %select_n3A_1871 = arith.select %lt3A_1851, %sub3A_1870, %add3A_1867 : vector<16xi1>, vector<16xi32>
    %select_n3A_1872 = arith.select %lt3A_1848, %add3A_1867, %select_n3A_1871 : vector<16xi1>, vector<16xi32>
    %shift_right_arithmetic3A_1873 = arith.constant 1 : i32
    %shift_right_arithmetic3A_1874 = vector.broadcast %shift_right_arithmetic3A_1873 : i32 to vector<16xi32>
    %shift_right_arithmetic3A_1875 = arith.shrsi %get3A_1845, %shift_right_arithmetic3A_1874 : vector<16xi32>
    %add3A_1876 = arith.constant 1 : i32
    %add3A_1877 = vector.broadcast %add3A_1876 : i32 to vector<16xi32>
    %add3A_1878 = arith.addi %shift_right_arithmetic3A_1875, %add3A_1877 : vector<16xi32>
    %sub3A_1879 = arith.constant 399999 : i32
    %sub3A_1880 = vector.broadcast %sub3A_1879 : i32 to vector<16xi32>
    %sub3A_1881 = arith.subi %get3A_1845, %sub3A_1880 : vector<16xi32>
    %select_n3A_1882 = arith.select %lt3A_1851, %add3A_1878, %sub3A_1881 : vector<16xi1>, vector<16xi32>
    %shift_right_arithmetic3A_1883 = arith.constant 13 : i32
    %shift_right_arithmetic3A_1884 = vector.broadcast %shift_right_arithmetic3A_1883 : i32 to vector<16xi32>
    %shift_right_arithmetic3A_1885 = arith.shrsi %select_n3A_1861, %shift_right_arithmetic3A_1884 : vector<16xi32>
    %shift_left3A_1886 = arith.constant 12 : i32
    %shift_left3A_1887 = vector.broadcast %shift_left3A_1886 : i32 to vector<16xi32>
    %shift_left3A_1888 = arith.shli %shift_right_arithmetic3A_1885, %shift_left3A_1887 : vector<16xi32>
    %and3A_1889 = arith.constant 4095 : i32
    %and3A_1890 = vector.broadcast %and3A_1889 : i32 to vector<16xi32>
    %and3A_1891 = arith.andi %select_n3A_1861, %and3A_1890 : vector<16xi32>
    %add3A_1892 = arith.addi %shift_left3A_1888, %and3A_1891 : vector<16xi32>
    %swap3A_1893 = arith.constant 2 : i32
    %swap3A_1894 = arith.index_cast %swap3A_1893 : i32 to index
    %swap3A_1895 = arith.constant 80 : index
    %swap3A_1896 = tpu.vector_load %arg10[%swap3A_1894, %swap3A_1895] {strides = array<i32>} : memref<4x128xi32, #tpu.memory_space<vmem>>, vector<1x16xi32>,
    %swap3A_1897 = vector.shape_cast %swap3A_1896 : vector<1x16xi32> to vector<16xi32>
    %swap3A_1898 = vector.shape_cast %add3A_1892 : vector<16xi32> to vector<1x16xi32>
    tpu.vector_store %arg10[%swap3A_1894, %swap3A_1895], %swap3A_1898 {strides = array<i32>} : memref<4x128xi32, #tpu.memory_space<vmem>>, vector<1x16xi32>,
    %shift_right_arithmetic3A_1899 = arith.constant 13 : i32
    %shift_right_arithmetic3A_1900 = vector.broadcast %shift_right_arithmetic3A_1899 : i32 to vector<16xi32>
    %shift_right_arithmetic3A_1901 = arith.shrsi %select_n3A_1872, %shift_right_arithmetic3A_1900 : vector<16xi32>
    %shift_left3A_1902 = arith.constant 11 : i32
    %shift_left3A_1903 = vector.broadcast %shift_left3A_1902 : i32 to vector<16xi32>
    %shift_left3A_1904 = arith.shli %shift_right_arithmetic3A_1901, %shift_left3A_1903 : vector<16xi32>
    %and3A_1905 = arith.constant 2047 : i32
    %and3A_1906 = vector.broadcast %and3A_1905 : i32 to vector<16xi32>
    %and3A_1907 = arith.andi %select_n3A_1872, %and3A_1906 : vector<16xi32>
    %add3A_1908 = arith.addi %shift_left3A_1904, %and3A_1907 : vector<16xi32>
    %swap3A_1909 = arith.constant 2 : i32
    %swap3A_1910 = arith.index_cast %swap3A_1909 : i32 to index
    %swap3A_1911 = arith.constant 80 : index
    %swap3A_1912 = tpu.vector_load %arg11[%swap3A_1910, %swap3A_1911] {strides = array<i32>} : memref<4x128xi32, #tpu.memory_space<vmem>>, vector<1x16xi32>,
    %swap3A_1913 = vector.shape_cast %swap3A_1912 : vector<1x16xi32> to vector<16xi32>
    %swap3A_1914 = vector.shape_cast %add3A_1908 : vector<16xi32> to vector<1x16xi32>
    tpu.vector_store %arg11[%swap3A_1910, %swap3A_1911], %swap3A_1914 {strides = array<i32>} : memref<4x128xi32, #tpu.memory_space<vmem>>, vector<1x16xi32>,
    %shift_right_arithmetic3A_1915 = arith.constant 13 : i32
    %shift_right_arithmetic3A_1916 = vector.broadcast %shift_right_arithmetic3A_1915 : i32 to vector<16xi32>
    %shift_right_arithmetic3A_1917 = arith.shrsi %select_n3A_1882, %shift_right_arithmetic3A_1916 : vector<16xi32>
    %shift_left3A_1918 = arith.constant 10 : i32
    %shift_left3A_1919 = vector.broadcast %shift_left3A_1918 : i32 to vector<16xi32>
    %shift_left3A_1920 = arith.shli %shift_right_arithmetic3A_1917, %shift_left3A_1919 : vector<16xi32>
    %and3A_1921 = arith.constant 1023 : i32
    %and3A_1922 = vector.broadcast %and3A_1921 : i32 to vector<16xi32>
    %and3A_1923 = arith.andi %select_n3A_1882, %and3A_1922 : vector<16xi32>
    %add3A_1924 = arith.addi %shift_left3A_1920, %and3A_1923 : vector<16xi32>
    %swap3A_1925 = arith.constant 2 : i32
    %swap3A_1926 = arith.index_cast %swap3A_1925 : i32 to index
    %swap3A_1927 = arith.constant 80 : index
    %swap3A_1928 = tpu.vector_load %arg12[%swap3A_1926, %swap3A_1927] {strides = array<i32>} : memref<4x128xi32, #tpu.memory_space<vmem>>, vector<1x16xi32>,
    %swap3A_1929 = vector.shape_cast %swap3A_1928 : vector<1x16xi32> to vector<16xi32>
    %swap3A_1930 = vector.shape_cast %add3A_1924 : vector<16xi32> to vector<1x16xi32>
    tpu.vector_store %arg12[%swap3A_1926, %swap3A_1927], %swap3A_1930 {strides = array<i32>} : memref<4x128xi32, #tpu.memory_space<vmem>>, vector<1x16xi32>,
    %get3A_1931 = arith.constant 352 : index
    %get3A_1932 = tpu.vector_load %arg9[%get3A_1931] {strides = array<i32>} : memref<512xi32, #tpu.memory_space<vmem>>, vector<16xi32>,
    %get3A_1933 = vector.shape_cast %get3A_1932 : vector<16xi32> to vector<16xi32>
    %lt3A_1934 = arith.constant 100000 : i32
    %lt3A_1935 = vector.broadcast %lt3A_1934 : i32 to vector<16xi32>
    %lt3A_1936 = arith.cmpi slt, %get3A_1933, %lt3A_1935 : vector<16xi32>
    %lt3A_1937 = arith.constant 400000 : i32
    %lt3A_1938 = vector.broadcast %lt3A_1937 : i32 to vector<16xi32>
    %lt3A_1939 = arith.cmpi slt, %get3A_1933, %lt3A_1938 : vector<16xi32>
    %add3A_1940 = arith.constant 1 : i32
    %add3A_1941 = vector.broadcast %add3A_1940 : i32 to vector<16xi32>
    %add3A_1942 = arith.addi %get3A_1933, %add3A_1941 : vector<16xi32>
    %shift_right_arithmetic3A_1943 = arith.constant 4 : i32
    %shift_right_arithmetic3A_1944 = vector.broadcast %shift_right_arithmetic3A_1943 : i32 to vector<16xi32>
    %shift_right_arithmetic3A_1945 = arith.shrsi %get3A_1933, %shift_right_arithmetic3A_1944 : vector<16xi32>
    %add3A_1946 = arith.constant 1 : i32
    %add3A_1947 = vector.broadcast %add3A_1946 : i32 to vector<16xi32>
    %add3A_1948 = arith.addi %shift_right_arithmetic3A_1945, %add3A_1947 : vector<16xi32>
    %select_n3A_1949 = arith.select %lt3A_1936, %add3A_1942, %add3A_1948 : vector<16xi1>, vector<16xi32>
    %shift_right_arithmetic3A_1950 = arith.constant 2 : i32
    %shift_right_arithmetic3A_1951 = vector.broadcast %shift_right_arithmetic3A_1950 : i32 to vector<16xi32>
    %shift_right_arithmetic3A_1952 = arith.shrsi %get3A_1933, %shift_right_arithmetic3A_1951 : vector<16xi32>
    %add3A_1953 = arith.constant 1 : i32
    %add3A_1954 = vector.broadcast %add3A_1953 : i32 to vector<16xi32>
    %add3A_1955 = arith.addi %shift_right_arithmetic3A_1952, %add3A_1954 : vector<16xi32>
    %sub3A_1956 = arith.constant 99999 : i32
    %sub3A_1957 = vector.broadcast %sub3A_1956 : i32 to vector<16xi32>
    %sub3A_1958 = arith.subi %get3A_1933, %sub3A_1957 : vector<16xi32>
    %select_n3A_1959 = arith.select %lt3A_1939, %sub3A_1958, %add3A_1955 : vector<16xi1>, vector<16xi32>
    %select_n3A_1960 = arith.select %lt3A_1936, %add3A_1955, %select_n3A_1959 : vector<16xi1>, vector<16xi32>
    %shift_right_arithmetic3A_1961 = arith.constant 1 : i32
    %shift_right_arithmetic3A_1962 = vector.broadcast %shift_right_arithmetic3A_1961 : i32 to vector<16xi32>
    %shift_right_arithmetic3A_1963 = arith.shrsi %get3A_1933, %shift_right_arithmetic3A_1962 : vector<16xi32>
    %add3A_1964 = arith.constant 1 : i32
    %add3A_1965 = vector.broadcast %add3A_1964 : i32 to vector<16xi32>
    %add3A_1966 = arith.addi %shift_right_arithmetic3A_1963, %add3A_1965 : vector<16xi32>
    %sub3A_1967 = arith.constant 399999 : i32
    %sub3A_1968 = vector.broadcast %sub3A_1967 : i32 to vector<16xi32>
    %sub3A_1969 = arith.subi %get3A_1933, %sub3A_1968 : vector<16xi32>
    %select_n3A_1970 = arith.select %lt3A_1939, %add3A_1966, %sub3A_1969 : vector<16xi1>, vector<16xi32>
    %shift_right_arithmetic3A_1971 = arith.constant 13 : i32
    %shift_right_arithmetic3A_1972 = vector.broadcast %shift_right_arithmetic3A_1971 : i32 to vector<16xi32>
    %shift_right_arithmetic3A_1973 = arith.shrsi %select_n3A_1949, %shift_right_arithmetic3A_1972 : vector<16xi32>
    %shift_left3A_1974 = arith.constant 12 : i32
    %shift_left3A_1975 = vector.broadcast %shift_left3A_1974 : i32 to vector<16xi32>
    %shift_left3A_1976 = arith.shli %shift_right_arithmetic3A_1973, %shift_left3A_1975 : vector<16xi32>
    %and3A_1977 = arith.constant 4095 : i32
    %and3A_1978 = vector.broadcast %and3A_1977 : i32 to vector<16xi32>
    %and3A_1979 = arith.andi %select_n3A_1949, %and3A_1978 : vector<16xi32>
    %add3A_1980 = arith.addi %shift_left3A_1976, %and3A_1979 : vector<16xi32>
    %swap3A_1981 = arith.constant 2 : i32
    %swap3A_1982 = arith.index_cast %swap3A_1981 : i32 to index
    %swap3A_1983 = arith.constant 96 : index
    %swap3A_1984 = tpu.vector_load %arg10[%swap3A_1982, %swap3A_1983] {strides = array<i32>} : memref<4x128xi32, #tpu.memory_space<vmem>>, vector<1x16xi32>,
    %swap3A_1985 = vector.shape_cast %swap3A_1984 : vector<1x16xi32> to vector<16xi32>
    %swap3A_1986 = vector.shape_cast %add3A_1980 : vector<16xi32> to vector<1x16xi32>
    tpu.vector_store %arg10[%swap3A_1982, %swap3A_1983], %swap3A_1986 {strides = array<i32>} : memref<4x128xi32, #tpu.memory_space<vmem>>, vector<1x16xi32>,
    %shift_right_arithmetic3A_1987 = arith.constant 13 : i32
    %shift_right_arithmetic3A_1988 = vector.broadcast %shift_right_arithmetic3A_1987 : i32 to vector<16xi32>
    %shift_right_arithmetic3A_1989 = arith.shrsi %select_n3A_1960, %shift_right_arithmetic3A_1988 : vector<16xi32>
    %shift_left3A_1990 = arith.constant 11 : i32
    %shift_left3A_1991 = vector.broadcast %shift_left3A_1990 : i32 to vector<16xi32>
    %shift_left3A_1992 = arith.shli %shift_right_arithmetic3A_1989, %shift_left3A_1991 : vector<16xi32>
    %and3A_1993 = arith.constant 2047 : i32
    %and3A_1994 = vector.broadcast %and3A_1993 : i32 to vector<16xi32>
    %and3A_1995 = arith.andi %select_n3A_1960, %and3A_1994 : vector<16xi32>
    %add3A_1996 = arith.addi %shift_left3A_1992, %and3A_1995 : vector<16xi32>
    %swap3A_1997 = arith.constant 2 : i32
    %swap3A_1998 = arith.index_cast %swap3A_1997 : i32 to index
    %swap3A_1999 = arith.constant 96 : index
    %swap3A_2000 = tpu.vector_load %arg11[%swap3A_1998, %swap3A_1999] {strides = array<i32>} : memref<4x128xi32, #tpu.memory_space<vmem>>, vector<1x16xi32>,
    %swap3A_2001 = vector.shape_cast %swap3A_2000 : vector<1x16xi32> to vector<16xi32>
    %swap3A_2002 = vector.shape_cast %add3A_1996 : vector<16xi32> to vector<1x16xi32>
    tpu.vector_store %arg11[%swap3A_1998, %swap3A_1999], %swap3A_2002 {strides = array<i32>} : memref<4x128xi32, #tpu.memory_space<vmem>>, vector<1x16xi32>,
    %shift_right_arithmetic3A_2003 = arith.constant 13 : i32
    %shift_right_arithmetic3A_2004 = vector.broadcast %shift_right_arithmetic3A_2003 : i32 to vector<16xi32>
    %shift_right_arithmetic3A_2005 = arith.shrsi %select_n3A_1970, %shift_right_arithmetic3A_2004 : vector<16xi32>
    %shift_left3A_2006 = arith.constant 10 : i32
    %shift_left3A_2007 = vector.broadcast %shift_left3A_2006 : i32 to vector<16xi32>
    %shift_left3A_2008 = arith.shli %shift_right_arithmetic3A_2005, %shift_left3A_2007 : vector<16xi32>
    %and3A_2009 = arith.constant 1023 : i32
    %and3A_2010 = vector.broadcast %and3A_2009 : i32 to vector<16xi32>
    %and3A_2011 = arith.andi %select_n3A_1970, %and3A_2010 : vector<16xi32>
    %add3A_2012 = arith.addi %shift_left3A_2008, %and3A_2011 : vector<16xi32>
    %swap3A_2013 = arith.constant 2 : i32
    %swap3A_2014 = arith.index_cast %swap3A_2013 : i32 to index
    %swap3A_2015 = arith.constant 96 : index
    %swap3A_2016 = tpu.vector_load %arg12[%swap3A_2014, %swap3A_2015] {strides = array<i32>} : memref<4x128xi32, #tpu.memory_space<vmem>>, vector<1x16xi32>,
    %swap3A_2017 = vector.shape_cast %swap3A_2016 : vector<1x16xi32> to vector<16xi32>
    %swap3A_2018 = vector.shape_cast %add3A_2012 : vector<16xi32> to vector<1x16xi32>
    tpu.vector_store %arg12[%swap3A_2014, %swap3A_2015], %swap3A_2018 {strides = array<i32>} : memref<4x128xi32, #tpu.memory_space<vmem>>, vector<1x16xi32>,
    %get3A_2019 = arith.constant 368 : index
    %get3A_2020 = tpu.vector_load %arg9[%get3A_2019] {strides = array<i32>} : memref<512xi32, #tpu.memory_space<vmem>>, vector<16xi32>,
    %get3A_2021 = vector.shape_cast %get3A_2020 : vector<16xi32> to vector<16xi32>
    %lt3A_2022 = arith.constant 100000 : i32
    %lt3A_2023 = vector.broadcast %lt3A_2022 : i32 to vector<16xi32>
    %lt3A_2024 = arith.cmpi slt, %get3A_2021, %lt3A_2023 : vector<16xi32>
    %lt3A_2025 = arith.constant 400000 : i32
    %lt3A_2026 = vector.broadcast %lt3A_2025 : i32 to vector<16xi32>
    %lt3A_2027 = arith.cmpi slt, %get3A_2021, %lt3A_2026 : vector<16xi32>
    %add3A_2028 = arith.constant 1 : i32
    %add3A_2029 = vector.broadcast %add3A_2028 : i32 to vector<16xi32>
    %add3A_2030 = arith.addi %get3A_2021, %add3A_2029 : vector<16xi32>
    %shift_right_arithmetic3A_2031 = arith.constant 4 : i32
    %shift_right_arithmetic3A_2032 = vector.broadcast %shift_right_arithmetic3A_2031 : i32 to vector<16xi32>
    %shift_right_arithmetic3A_2033 = arith.shrsi %get3A_2021, %shift_right_arithmetic3A_2032 : vector<16xi32>
    %add3A_2034 = arith.constant 1 : i32
    %add3A_2035 = vector.broadcast %add3A_2034 : i32 to vector<16xi32>
    %add3A_2036 = arith.addi %shift_right_arithmetic3A_2033, %add3A_2035 : vector<16xi32>
    %select_n3A_2037 = arith.select %lt3A_2024, %add3A_2030, %add3A_2036 : vector<16xi1>, vector<16xi32>
    %shift_right_arithmetic3A_2038 = arith.constant 2 : i32
    %shift_right_arithmetic3A_2039 = vector.broadcast %shift_right_arithmetic3A_2038 : i32 to vector<16xi32>
    %shift_right_arithmetic3A_2040 = arith.shrsi %get3A_2021, %shift_right_arithmetic3A_2039 : vector<16xi32>
    %add3A_2041 = arith.constant 1 : i32
    %add3A_2042 = vector.broadcast %add3A_2041 : i32 to vector<16xi32>
    %add3A_2043 = arith.addi %shift_right_arithmetic3A_2040, %add3A_2042 : vector<16xi32>
    %sub3A_2044 = arith.constant 99999 : i32
    %sub3A_2045 = vector.broadcast %sub3A_2044 : i32 to vector<16xi32>
    %sub3A_2046 = arith.subi %get3A_2021, %sub3A_2045 : vector<16xi32>
    %select_n3A_2047 = arith.select %lt3A_2027, %sub3A_2046, %add3A_2043 : vector<16xi1>, vector<16xi32>
    %select_n3A_2048 = arith.select %lt3A_2024, %add3A_2043, %select_n3A_2047 : vector<16xi1>, vector<16xi32>
    %shift_right_arithmetic3A_2049 = arith.constant 1 : i32
    %shift_right_arithmetic3A_2050 = vector.broadcast %shift_right_arithmetic3A_2049 : i32 to vector<16xi32>
    %shift_right_arithmetic3A_2051 = arith.shrsi %get3A_2021, %shift_right_arithmetic3A_2050 : vector<16xi32>
    %add3A_2052 = arith.constant 1 : i32
    %add3A_2053 = vector.broadcast %add3A_2052 : i32 to vector<16xi32>
    %add3A_2054 = arith.addi %shift_right_arithmetic3A_2051, %add3A_2053 : vector<16xi32>
    %sub3A_2055 = arith.constant 399999 : i32
    %sub3A_2056 = vector.broadcast %sub3A_2055 : i32 to vector<16xi32>
    %sub3A_2057 = arith.subi %get3A_2021, %sub3A_2056 : vector<16xi32>
    %select_n3A_2058 = arith.select %lt3A_2027, %add3A_2054, %sub3A_2057 : vector<16xi1>, vector<16xi32>
    %shift_right_arithmetic3A_2059 = arith.constant 13 : i32
    %shift_right_arithmetic3A_2060 = vector.broadcast %shift_right_arithmetic3A_2059 : i32 to vector<16xi32>
    %shift_right_arithmetic3A_2061 = arith.shrsi %select_n3A_2037, %shift_right_arithmetic3A_2060 : vector<16xi32>
    %shift_left3A_2062 = arith.constant 12 : i32
    %shift_left3A_2063 = vector.broadcast %shift_left3A_2062 : i32 to vector<16xi32>
    %shift_left3A_2064 = arith.shli %shift_right_arithmetic3A_2061, %shift_left3A_2063 : vector<16xi32>
    %and3A_2065 = arith.constant 4095 : i32
    %and3A_2066 = vector.broadcast %and3A_2065 : i32 to vector<16xi32>
    %and3A_2067 = arith.andi %select_n3A_2037, %and3A_2066 : vector<16xi32>
    %add3A_2068 = arith.addi %shift_left3A_2064, %and3A_2067 : vector<16xi32>
    %swap3A_2069 = arith.constant 2 : i32
    %swap3A_2070 = arith.index_cast %swap3A_2069 : i32 to index
    %swap3A_2071 = arith.constant 112 : index
    %swap3A_2072 = tpu.vector_load %arg10[%swap3A_2070, %swap3A_2071] {strides = array<i32>} : memref<4x128xi32, #tpu.memory_space<vmem>>, vector<1x16xi32>,
    %swap3A_2073 = vector.shape_cast %swap3A_2072 : vector<1x16xi32> to vector<16xi32>
    %swap3A_2074 = vector.shape_cast %add3A_2068 : vector<16xi32> to vector<1x16xi32>
    tpu.vector_store %arg10[%swap3A_2070, %swap3A_2071], %swap3A_2074 {strides = array<i32>} : memref<4x128xi32, #tpu.memory_space<vmem>>, vector<1x16xi32>,
    %shift_right_arithmetic3A_2075 = arith.constant 13 : i32
    %shift_right_arithmetic3A_2076 = vector.broadcast %shift_right_arithmetic3A_2075 : i32 to vector<16xi32>
    %shift_right_arithmetic3A_2077 = arith.shrsi %select_n3A_2048, %shift_right_arithmetic3A_2076 : vector<16xi32>
    %shift_left3A_2078 = arith.constant 11 : i32
    %shift_left3A_2079 = vector.broadcast %shift_left3A_2078 : i32 to vector<16xi32>
    %shift_left3A_2080 = arith.shli %shift_right_arithmetic3A_2077, %shift_left3A_2079 : vector<16xi32>
    %and3A_2081 = arith.constant 2047 : i32
    %and3A_2082 = vector.broadcast %and3A_2081 : i32 to vector<16xi32>
    %and3A_2083 = arith.andi %select_n3A_2048, %and3A_2082 : vector<16xi32>
    %add3A_2084 = arith.addi %shift_left3A_2080, %and3A_2083 : vector<16xi32>
    %swap3A_2085 = arith.constant 2 : i32
    %swap3A_2086 = arith.index_cast %swap3A_2085 : i32 to index
    %swap3A_2087 = arith.constant 112 : index
    %swap3A_2088 = tpu.vector_load %arg11[%swap3A_2086, %swap3A_2087] {strides = array<i32>} : memref<4x128xi32, #tpu.memory_space<vmem>>, vector<1x16xi32>,
    %swap3A_2089 = vector.shape_cast %swap3A_2088 : vector<1x16xi32> to vector<16xi32>
    %swap3A_2090 = vector.shape_cast %add3A_2084 : vector<16xi32> to vector<1x16xi32>
    tpu.vector_store %arg11[%swap3A_2086, %swap3A_2087], %swap3A_2090 {strides = array<i32>} : memref<4x128xi32, #tpu.memory_space<vmem>>, vector<1x16xi32>,
    %shift_right_arithmetic3A_2091 = arith.constant 13 : i32
    %shift_right_arithmetic3A_2092 = vector.broadcast %shift_right_arithmetic3A_2091 : i32 to vector<16xi32>
    %shift_right_arithmetic3A_2093 = arith.shrsi %select_n3A_2058, %shift_right_arithmetic3A_2092 : vector<16xi32>
    %shift_left3A_2094 = arith.constant 10 : i32
    %shift_left3A_2095 = vector.broadcast %shift_left3A_2094 : i32 to vector<16xi32>
    %shift_left3A_2096 = arith.shli %shift_right_arithmetic3A_2093, %shift_left3A_2095 : vector<16xi32>
    %and3A_2097 = arith.constant 1023 : i32
    %and3A_2098 = vector.broadcast %and3A_2097 : i32 to vector<16xi32>
    %and3A_2099 = arith.andi %select_n3A_2058, %and3A_2098 : vector<16xi32>
    %add3A_2100 = arith.addi %shift_left3A_2096, %and3A_2099 : vector<16xi32>
    %swap3A_2101 = arith.constant 2 : i32
    %swap3A_2102 = arith.index_cast %swap3A_2101 : i32 to index
    %swap3A_2103 = arith.constant 112 : index
    %swap3A_2104 = tpu.vector_load %arg12[%swap3A_2102, %swap3A_2103] {strides = array<i32>} : memref<4x128xi32, #tpu.memory_space<vmem>>, vector<1x16xi32>,
    %swap3A_2105 = vector.shape_cast %swap3A_2104 : vector<1x16xi32> to vector<16xi32>
    %swap3A_2106 = vector.shape_cast %add3A_2100 : vector<16xi32> to vector<1x16xi32>
    tpu.vector_store %arg12[%swap3A_2102, %swap3A_2103], %swap3A_2106 {strides = array<i32>} : memref<4x128xi32, #tpu.memory_space<vmem>>, vector<1x16xi32>,
    %get3A_2107 = arith.constant 384 : index
    %get3A_2108 = tpu.vector_load %arg9[%get3A_2107] {strides = array<i32>} : memref<512xi32, #tpu.memory_space<vmem>>, vector<16xi32>,
    %get3A_2109 = vector.shape_cast %get3A_2108 : vector<16xi32> to vector<16xi32>
    %lt3A_2110 = arith.constant 100000 : i32
    %lt3A_2111 = vector.broadcast %lt3A_2110 : i32 to vector<16xi32>
    %lt3A_2112 = arith.cmpi slt, %get3A_2109, %lt3A_2111 : vector<16xi32>
    %lt3A_2113 = arith.constant 400000 : i32
    %lt3A_2114 = vector.broadcast %lt3A_2113 : i32 to vector<16xi32>
    %lt3A_2115 = arith.cmpi slt, %get3A_2109, %lt3A_2114 : vector<16xi32>
    %add3A_2116 = arith.constant 1 : i32
    %add3A_2117 = vector.broadcast %add3A_2116 : i32 to vector<16xi32>
    %add3A_2118 = arith.addi %get3A_2109, %add3A_2117 : vector<16xi32>
    %shift_right_arithmetic3A_2119 = arith.constant 4 : i32
    %shift_right_arithmetic3A_2120 = vector.broadcast %shift_right_arithmetic3A_2119 : i32 to vector<16xi32>
    %shift_right_arithmetic3A_2121 = arith.shrsi %get3A_2109, %shift_right_arithmetic3A_2120 : vector<16xi32>
    %add3A_2122 = arith.constant 1 : i32
    %add3A_2123 = vector.broadcast %add3A_2122 : i32 to vector<16xi32>
    %add3A_2124 = arith.addi %shift_right_arithmetic3A_2121, %add3A_2123 : vector<16xi32>
    %select_n3A_2125 = arith.select %lt3A_2112, %add3A_2118, %add3A_2124 : vector<16xi1>, vector<16xi32>
    %shift_right_arithmetic3A_2126 = arith.constant 2 : i32
    %shift_right_arithmetic3A_2127 = vector.broadcast %shift_right_arithmetic3A_2126 : i32 to vector<16xi32>
    %shift_right_arithmetic3A_2128 = arith.shrsi %get3A_2109, %shift_right_arithmetic3A_2127 : vector<16xi32>
    %add3A_2129 = arith.constant 1 : i32
    %add3A_2130 = vector.broadcast %add3A_2129 : i32 to vector<16xi32>
    %add3A_2131 = arith.addi %shift_right_arithmetic3A_2128, %add3A_2130 : vector<16xi32>
    %sub3A_2132 = arith.constant 99999 : i32
    %sub3A_2133 = vector.broadcast %sub3A_2132 : i32 to vector<16xi32>
    %sub3A_2134 = arith.subi %get3A_2109, %sub3A_2133 : vector<16xi32>
    %select_n3A_2135 = arith.select %lt3A_2115, %sub3A_2134, %add3A_2131 : vector<16xi1>, vector<16xi32>
    %select_n3A_2136 = arith.select %lt3A_2112, %add3A_2131, %select_n3A_2135 : vector<16xi1>, vector<16xi32>
    %shift_right_arithmetic3A_2137 = arith.constant 1 : i32
    %shift_right_arithmetic3A_2138 = vector.broadcast %shift_right_arithmetic3A_2137 : i32 to vector<16xi32>
    %shift_right_arithmetic3A_2139 = arith.shrsi %get3A_2109, %shift_right_arithmetic3A_2138 : vector<16xi32>
    %add3A_2140 = arith.constant 1 : i32
    %add3A_2141 = vector.broadcast %add3A_2140 : i32 to vector<16xi32>
    %add3A_2142 = arith.addi %shift_right_arithmetic3A_2139, %add3A_2141 : vector<16xi32>
    %sub3A_2143 = arith.constant 399999 : i32
    %sub3A_2144 = vector.broadcast %sub3A_2143 : i32 to vector<16xi32>
    %sub3A_2145 = arith.subi %get3A_2109, %sub3A_2144 : vector<16xi32>
    %select_n3A_2146 = arith.select %lt3A_2115, %add3A_2142, %sub3A_2145 : vector<16xi1>, vector<16xi32>
    %shift_right_arithmetic3A_2147 = arith.constant 13 : i32
    %shift_right_arithmetic3A_2148 = vector.broadcast %shift_right_arithmetic3A_2147 : i32 to vector<16xi32>
    %shift_right_arithmetic3A_2149 = arith.shrsi %select_n3A_2125, %shift_right_arithmetic3A_2148 : vector<16xi32>
    %shift_left3A_2150 = arith.constant 12 : i32
    %shift_left3A_2151 = vector.broadcast %shift_left3A_2150 : i32 to vector<16xi32>
    %shift_left3A_2152 = arith.shli %shift_right_arithmetic3A_2149, %shift_left3A_2151 : vector<16xi32>
    %and3A_2153 = arith.constant 4095 : i32
    %and3A_2154 = vector.broadcast %and3A_2153 : i32 to vector<16xi32>
    %and3A_2155 = arith.andi %select_n3A_2125, %and3A_2154 : vector<16xi32>
    %add3A_2156 = arith.addi %shift_left3A_2152, %and3A_2155 : vector<16xi32>
    %swap3A_2157 = arith.constant 3 : i32
    %swap3A_2158 = arith.index_cast %swap3A_2157 : i32 to index
    %swap3A_2159 = arith.constant 0 : index
    %swap3A_2160 = tpu.vector_load %arg10[%swap3A_2158, %swap3A_2159] {strides = array<i32>} : memref<4x128xi32, #tpu.memory_space<vmem>>, vector<1x16xi32>,
    %swap3A_2161 = vector.shape_cast %swap3A_2160 : vector<1x16xi32> to vector<16xi32>
    %swap3A_2162 = vector.shape_cast %add3A_2156 : vector<16xi32> to vector<1x16xi32>
    tpu.vector_store %arg10[%swap3A_2158, %swap3A_2159], %swap3A_2162 {strides = array<i32>} : memref<4x128xi32, #tpu.memory_space<vmem>>, vector<1x16xi32>,
    %shift_right_arithmetic3A_2163 = arith.constant 13 : i32
    %shift_right_arithmetic3A_2164 = vector.broadcast %shift_right_arithmetic3A_2163 : i32 to vector<16xi32>
    %shift_right_arithmetic3A_2165 = arith.shrsi %select_n3A_2136, %shift_right_arithmetic3A_2164 : vector<16xi32>
    %shift_left3A_2166 = arith.constant 11 : i32
    %shift_left3A_2167 = vector.broadcast %shift_left3A_2166 : i32 to vector<16xi32>
    %shift_left3A_2168 = arith.shli %shift_right_arithmetic3A_2165, %shift_left3A_2167 : vector<16xi32>
    %and3A_2169 = arith.constant 2047 : i32
    %and3A_2170 = vector.broadcast %and3A_2169 : i32 to vector<16xi32>
    %and3A_2171 = arith.andi %select_n3A_2136, %and3A_2170 : vector<16xi32>
    %add3A_2172 = arith.addi %shift_left3A_2168, %and3A_2171 : vector<16xi32>
    %swap3A_2173 = arith.constant 3 : i32
    %swap3A_2174 = arith.index_cast %swap3A_2173 : i32 to index
    %swap3A_2175 = arith.constant 0 : index
    %swap3A_2176 = tpu.vector_load %arg11[%swap3A_2174, %swap3A_2175] {strides = array<i32>} : memref<4x128xi32, #tpu.memory_space<vmem>>, vector<1x16xi32>,
    %swap3A_2177 = vector.shape_cast %swap3A_2176 : vector<1x16xi32> to vector<16xi32>
    %swap3A_2178 = vector.shape_cast %add3A_2172 : vector<16xi32> to vector<1x16xi32>
    tpu.vector_store %arg11[%swap3A_2174, %swap3A_2175], %swap3A_2178 {strides = array<i32>} : memref<4x128xi32, #tpu.memory_space<vmem>>, vector<1x16xi32>,
    %shift_right_arithmetic3A_2179 = arith.constant 13 : i32
    %shift_right_arithmetic3A_2180 = vector.broadcast %shift_right_arithmetic3A_2179 : i32 to vector<16xi32>
    %shift_right_arithmetic3A_2181 = arith.shrsi %select_n3A_2146, %shift_right_arithmetic3A_2180 : vector<16xi32>
    %shift_left3A_2182 = arith.constant 10 : i32
    %shift_left3A_2183 = vector.broadcast %shift_left3A_2182 : i32 to vector<16xi32>
    %shift_left3A_2184 = arith.shli %shift_right_arithmetic3A_2181, %shift_left3A_2183 : vector<16xi32>
    %and3A_2185 = arith.constant 1023 : i32
    %and3A_2186 = vector.broadcast %and3A_2185 : i32 to vector<16xi32>
    %and3A_2187 = arith.andi %select_n3A_2146, %and3A_2186 : vector<16xi32>
    %add3A_2188 = arith.addi %shift_left3A_2184, %and3A_2187 : vector<16xi32>
    %swap3A_2189 = arith.constant 3 : i32
    %swap3A_2190 = arith.index_cast %swap3A_2189 : i32 to index
    %swap3A_2191 = arith.constant 0 : index
    %swap3A_2192 = tpu.vector_load %arg12[%swap3A_2190, %swap3A_2191] {strides = array<i32>} : memref<4x128xi32, #tpu.memory_space<vmem>>, vector<1x16xi32>,
    %swap3A_2193 = vector.shape_cast %swap3A_2192 : vector<1x16xi32> to vector<16xi32>
    %swap3A_2194 = vector.shape_cast %add3A_2188 : vector<16xi32> to vector<1x16xi32>
    tpu.vector_store %arg12[%swap3A_2190, %swap3A_2191], %swap3A_2194 {strides = array<i32>} : memref<4x128xi32, #tpu.memory_space<vmem>>, vector<1x16xi32>,
    %get3A_2195 = arith.constant 400 : index
    %get3A_2196 = tpu.vector_load %arg9[%get3A_2195] {strides = array<i32>} : memref<512xi32, #tpu.memory_space<vmem>>, vector<16xi32>,
    %get3A_2197 = vector.shape_cast %get3A_2196 : vector<16xi32> to vector<16xi32>
    %lt3A_2198 = arith.constant 100000 : i32
    %lt3A_2199 = vector.broadcast %lt3A_2198 : i32 to vector<16xi32>
    %lt3A_2200 = arith.cmpi slt, %get3A_2197, %lt3A_2199 : vector<16xi32>
    %lt3A_2201 = arith.constant 400000 : i32
    %lt3A_2202 = vector.broadcast %lt3A_2201 : i32 to vector<16xi32>
    %lt3A_2203 = arith.cmpi slt, %get3A_2197, %lt3A_2202 : vector<16xi32>
    %add3A_2204 = arith.constant 1 : i32
    %add3A_2205 = vector.broadcast %add3A_2204 : i32 to vector<16xi32>
    %add3A_2206 = arith.addi %get3A_2197, %add3A_2205 : vector<16xi32>
    %shift_right_arithmetic3A_2207 = arith.constant 4 : i32
    %shift_right_arithmetic3A_2208 = vector.broadcast %shift_right_arithmetic3A_2207 : i32 to vector<16xi32>
    %shift_right_arithmetic3A_2209 = arith.shrsi %get3A_2197, %shift_right_arithmetic3A_2208 : vector<16xi32>
    %add3A_2210 = arith.constant 1 : i32
    %add3A_2211 = vector.broadcast %add3A_2210 : i32 to vector<16xi32>
    %add3A_2212 = arith.addi %shift_right_arithmetic3A_2209, %add3A_2211 : vector<16xi32>
    %select_n3A_2213 = arith.select %lt3A_2200, %add3A_2206, %add3A_2212 : vector<16xi1>, vector<16xi32>
    %shift_right_arithmetic3A_2214 = arith.constant 2 : i32
    %shift_right_arithmetic3A_2215 = vector.broadcast %shift_right_arithmetic3A_2214 : i32 to vector<16xi32>
    %shift_right_arithmetic3A_2216 = arith.shrsi %get3A_2197, %shift_right_arithmetic3A_2215 : vector<16xi32>
    %add3A_2217 = arith.constant 1 : i32
    %add3A_2218 = vector.broadcast %add3A_2217 : i32 to vector<16xi32>
    %add3A_2219 = arith.addi %shift_right_arithmetic3A_2216, %add3A_2218 : vector<16xi32>
    %sub3A_2220 = arith.constant 99999 : i32
    %sub3A_2221 = vector.broadcast %sub3A_2220 : i32 to vector<16xi32>
    %sub3A_2222 = arith.subi %get3A_2197, %sub3A_2221 : vector<16xi32>
    %select_n3A_2223 = arith.select %lt3A_2203, %sub3A_2222, %add3A_2219 : vector<16xi1>, vector<16xi32>
    %select_n3A_2224 = arith.select %lt3A_2200, %add3A_2219, %select_n3A_2223 : vector<16xi1>, vector<16xi32>
    %shift_right_arithmetic3A_2225 = arith.constant 1 : i32
    %shift_right_arithmetic3A_2226 = vector.broadcast %shift_right_arithmetic3A_2225 : i32 to vector<16xi32>
    %shift_right_arithmetic3A_2227 = arith.shrsi %get3A_2197, %shift_right_arithmetic3A_2226 : vector<16xi32>
    %add3A_2228 = arith.constant 1 : i32
    %add3A_2229 = vector.broadcast %add3A_2228 : i32 to vector<16xi32>
    %add3A_2230 = arith.addi %shift_right_arithmetic3A_2227, %add3A_2229 : vector<16xi32>
    %sub3A_2231 = arith.constant 399999 : i32
    %sub3A_2232 = vector.broadcast %sub3A_2231 : i32 to vector<16xi32>
    %sub3A_2233 = arith.subi %get3A_2197, %sub3A_2232 : vector<16xi32>
    %select_n3A_2234 = arith.select %lt3A_2203, %add3A_2230, %sub3A_2233 : vector<16xi1>, vector<16xi32>
    %shift_right_arithmetic3A_2235 = arith.constant 13 : i32
    %shift_right_arithmetic3A_2236 = vector.broadcast %shift_right_arithmetic3A_2235 : i32 to vector<16xi32>
    %shift_right_arithmetic3A_2237 = arith.shrsi %select_n3A_2213, %shift_right_arithmetic3A_2236 : vector<16xi32>
    %shift_left3A_2238 = arith.constant 12 : i32
    %shift_left3A_2239 = vector.broadcast %shift_left3A_2238 : i32 to vector<16xi32>
    %shift_left3A_2240 = arith.shli %shift_right_arithmetic3A_2237, %shift_left3A_2239 : vector<16xi32>
    %and3A_2241 = arith.constant 4095 : i32
    %and3A_2242 = vector.broadcast %and3A_2241 : i32 to vector<16xi32>
    %and3A_2243 = arith.andi %select_n3A_2213, %and3A_2242 : vector<16xi32>
    %add3A_2244 = arith.addi %shift_left3A_2240, %and3A_2243 : vector<16xi32>
    %swap3A_2245 = arith.constant 3 : i32
    %swap3A_2246 = arith.index_cast %swap3A_2245 : i32 to index
    %swap3A_2247 = arith.constant 16 : index
    %swap3A_2248 = tpu.vector_load %arg10[%swap3A_2246, %swap3A_2247] {strides = array<i32>} : memref<4x128xi32, #tpu.memory_space<vmem>>, vector<1x16xi32>,
    %swap3A_2249 = vector.shape_cast %swap3A_2248 : vector<1x16xi32> to vector<16xi32>
    %swap3A_2250 = vector.shape_cast %add3A_2244 : vector<16xi32> to vector<1x16xi32>
    tpu.vector_store %arg10[%swap3A_2246, %swap3A_2247], %swap3A_2250 {strides = array<i32>} : memref<4x128xi32, #tpu.memory_space<vmem>>, vector<1x16xi32>,
    %shift_right_arithmetic3A_2251 = arith.constant 13 : i32
    %shift_right_arithmetic3A_2252 = vector.broadcast %shift_right_arithmetic3A_2251 : i32 to vector<16xi32>
    %shift_right_arithmetic3A_2253 = arith.shrsi %select_n3A_2224, %shift_right_arithmetic3A_2252 : vector<16xi32>
    %shift_left3A_2254 = arith.constant 11 : i32
    %shift_left3A_2255 = vector.broadcast %shift_left3A_2254 : i32 to vector<16xi32>
    %shift_left3A_2256 = arith.shli %shift_right_arithmetic3A_2253, %shift_left3A_2255 : vector<16xi32>
    %and3A_2257 = arith.constant 2047 : i32
    %and3A_2258 = vector.broadcast %and3A_2257 : i32 to vector<16xi32>
    %and3A_2259 = arith.andi %select_n3A_2224, %and3A_2258 : vector<16xi32>
    %add3A_2260 = arith.addi %shift_left3A_2256, %and3A_2259 : vector<16xi32>
    %swap3A_2261 = arith.constant 3 : i32
    %swap3A_2262 = arith.index_cast %swap3A_2261 : i32 to index
    %swap3A_2263 = arith.constant 16 : index
    %swap3A_2264 = tpu.vector_load %arg11[%swap3A_2262, %swap3A_2263] {strides = array<i32>} : memref<4x128xi32, #tpu.memory_space<vmem>>, vector<1x16xi32>,
    %swap3A_2265 = vector.shape_cast %swap3A_2264 : vector<1x16xi32> to vector<16xi32>
    %swap3A_2266 = vector.shape_cast %add3A_2260 : vector<16xi32> to vector<1x16xi32>
    tpu.vector_store %arg11[%swap3A_2262, %swap3A_2263], %swap3A_2266 {strides = array<i32>} : memref<4x128xi32, #tpu.memory_space<vmem>>, vector<1x16xi32>,
    %shift_right_arithmetic3A_2267 = arith.constant 13 : i32
    %shift_right_arithmetic3A_2268 = vector.broadcast %shift_right_arithmetic3A_2267 : i32 to vector<16xi32>
    %shift_right_arithmetic3A_2269 = arith.shrsi %select_n3A_2234, %shift_right_arithmetic3A_2268 : vector<16xi32>
    %shift_left3A_2270 = arith.constant 10 : i32
    %shift_left3A_2271 = vector.broadcast %shift_left3A_2270 : i32 to vector<16xi32>
    %shift_left3A_2272 = arith.shli %shift_right_arithmetic3A_2269, %shift_left3A_2271 : vector<16xi32>
    %and3A_2273 = arith.constant 1023 : i32
    %and3A_2274 = vector.broadcast %and3A_2273 : i32 to vector<16xi32>
    %and3A_2275 = arith.andi %select_n3A_2234, %and3A_2274 : vector<16xi32>
    %add3A_2276 = arith.addi %shift_left3A_2272, %and3A_2275 : vector<16xi32>
    %swap3A_2277 = arith.constant 3 : i32
    %swap3A_2278 = arith.index_cast %swap3A_2277 : i32 to index
    %swap3A_2279 = arith.constant 16 : index
    %swap3A_2280 = tpu.vector_load %arg12[%swap3A_2278, %swap3A_2279] {strides = array<i32>} : memref<4x128xi32, #tpu.memory_space<vmem>>, vector<1x16xi32>,
    %swap3A_2281 = vector.shape_cast %swap3A_2280 : vector<1x16xi32> to vector<16xi32>
    %swap3A_2282 = vector.shape_cast %add3A_2276 : vector<16xi32> to vector<1x16xi32>
    tpu.vector_store %arg12[%swap3A_2278, %swap3A_2279], %swap3A_2282 {strides = array<i32>} : memref<4x128xi32, #tpu.memory_space<vmem>>, vector<1x16xi32>,
    %get3A_2283 = arith.constant 416 : index
    %get3A_2284 = tpu.vector_load %arg9[%get3A_2283] {strides = array<i32>} : memref<512xi32, #tpu.memory_space<vmem>>, vector<16xi32>,
    %get3A_2285 = vector.shape_cast %get3A_2284 : vector<16xi32> to vector<16xi32>
    %lt3A_2286 = arith.constant 100000 : i32
    %lt3A_2287 = vector.broadcast %lt3A_2286 : i32 to vector<16xi32>
    %lt3A_2288 = arith.cmpi slt, %get3A_2285, %lt3A_2287 : vector<16xi32>
    %lt3A_2289 = arith.constant 400000 : i32
    %lt3A_2290 = vector.broadcast %lt3A_2289 : i32 to vector<16xi32>
    %lt3A_2291 = arith.cmpi slt, %get3A_2285, %lt3A_2290 : vector<16xi32>
    %add3A_2292 = arith.constant 1 : i32
    %add3A_2293 = vector.broadcast %add3A_2292 : i32 to vector<16xi32>
    %add3A_2294 = arith.addi %get3A_2285, %add3A_2293 : vector<16xi32>
    %shift_right_arithmetic3A_2295 = arith.constant 4 : i32
    %shift_right_arithmetic3A_2296 = vector.broadcast %shift_right_arithmetic3A_2295 : i32 to vector<16xi32>
    %shift_right_arithmetic3A_2297 = arith.shrsi %get3A_2285, %shift_right_arithmetic3A_2296 : vector<16xi32>
    %add3A_2298 = arith.constant 1 : i32
    %add3A_2299 = vector.broadcast %add3A_2298 : i32 to vector<16xi32>
    %add3A_2300 = arith.addi %shift_right_arithmetic3A_2297, %add3A_2299 : vector<16xi32>
    %select_n3A_2301 = arith.select %lt3A_2288, %add3A_2294, %add3A_2300 : vector<16xi1>, vector<16xi32>
    %shift_right_arithmetic3A_2302 = arith.constant 2 : i32
    %shift_right_arithmetic3A_2303 = vector.broadcast %shift_right_arithmetic3A_2302 : i32 to vector<16xi32>
    %shift_right_arithmetic3A_2304 = arith.shrsi %get3A_2285, %shift_right_arithmetic3A_2303 : vector<16xi32>
    %add3A_2305 = arith.constant 1 : i32
    %add3A_2306 = vector.broadcast %add3A_2305 : i32 to vector<16xi32>
    %add3A_2307 = arith.addi %shift_right_arithmetic3A_2304, %add3A_2306 : vector<16xi32>
    %sub3A_2308 = arith.constant 99999 : i32
    %sub3A_2309 = vector.broadcast %sub3A_2308 : i32 to vector<16xi32>
    %sub3A_2310 = arith.subi %get3A_2285, %sub3A_2309 : vector<16xi32>
    %select_n3A_2311 = arith.select %lt3A_2291, %sub3A_2310, %add3A_2307 : vector<16xi1>, vector<16xi32>
    %select_n3A_2312 = arith.select %lt3A_2288, %add3A_2307, %select_n3A_2311 : vector<16xi1>, vector<16xi32>
    %shift_right_arithmetic3A_2313 = arith.constant 1 : i32
    %shift_right_arithmetic3A_2314 = vector.broadcast %shift_right_arithmetic3A_2313 : i32 to vector<16xi32>
    %shift_right_arithmetic3A_2315 = arith.shrsi %get3A_2285, %shift_right_arithmetic3A_2314 : vector<16xi32>
    %add3A_2316 = arith.constant 1 : i32
    %add3A_2317 = vector.broadcast %add3A_2316 : i32 to vector<16xi32>
    %add3A_2318 = arith.addi %shift_right_arithmetic3A_2315, %add3A_2317 : vector<16xi32>
    %sub3A_2319 = arith.constant 399999 : i32
    %sub3A_2320 = vector.broadcast %sub3A_2319 : i32 to vector<16xi32>
    %sub3A_2321 = arith.subi %get3A_2285, %sub3A_2320 : vector<16xi32>
    %select_n3A_2322 = arith.select %lt3A_2291, %add3A_2318, %sub3A_2321 : vector<16xi1>, vector<16xi32>
    %shift_right_arithmetic3A_2323 = arith.constant 13 : i32
    %shift_right_arithmetic3A_2324 = vector.broadcast %shift_right_arithmetic3A_2323 : i32 to vector<16xi32>
    %shift_right_arithmetic3A_2325 = arith.shrsi %select_n3A_2301, %shift_right_arithmetic3A_2324 : vector<16xi32>
    %shift_left3A_2326 = arith.constant 12 : i32
    %shift_left3A_2327 = vector.broadcast %shift_left3A_2326 : i32 to vector<16xi32>
    %shift_left3A_2328 = arith.shli %shift_right_arithmetic3A_2325, %shift_left3A_2327 : vector<16xi32>
    %and3A_2329 = arith.constant 4095 : i32
    %and3A_2330 = vector.broadcast %and3A_2329 : i32 to vector<16xi32>
    %and3A_2331 = arith.andi %select_n3A_2301, %and3A_2330 : vector<16xi32>
    %add3A_2332 = arith.addi %shift_left3A_2328, %and3A_2331 : vector<16xi32>
    %swap3A_2333 = arith.constant 3 : i32
    %swap3A_2334 = arith.index_cast %swap3A_2333 : i32 to index
    %swap3A_2335 = arith.constant 32 : index
    %swap3A_2336 = tpu.vector_load %arg10[%swap3A_2334, %swap3A_2335] {strides = array<i32>} : memref<4x128xi32, #tpu.memory_space<vmem>>, vector<1x16xi32>,
    %swap3A_2337 = vector.shape_cast %swap3A_2336 : vector<1x16xi32> to vector<16xi32>
    %swap3A_2338 = vector.shape_cast %add3A_2332 : vector<16xi32> to vector<1x16xi32>
    tpu.vector_store %arg10[%swap3A_2334, %swap3A_2335], %swap3A_2338 {strides = array<i32>} : memref<4x128xi32, #tpu.memory_space<vmem>>, vector<1x16xi32>,
    %shift_right_arithmetic3A_2339 = arith.constant 13 : i32
    %shift_right_arithmetic3A_2340 = vector.broadcast %shift_right_arithmetic3A_2339 : i32 to vector<16xi32>
    %shift_right_arithmetic3A_2341 = arith.shrsi %select_n3A_2312, %shift_right_arithmetic3A_2340 : vector<16xi32>
    %shift_left3A_2342 = arith.constant 11 : i32
    %shift_left3A_2343 = vector.broadcast %shift_left3A_2342 : i32 to vector<16xi32>
    %shift_left3A_2344 = arith.shli %shift_right_arithmetic3A_2341, %shift_left3A_2343 : vector<16xi32>
    %and3A_2345 = arith.constant 2047 : i32
    %and3A_2346 = vector.broadcast %and3A_2345 : i32 to vector<16xi32>
    %and3A_2347 = arith.andi %select_n3A_2312, %and3A_2346 : vector<16xi32>
    %add3A_2348 = arith.addi %shift_left3A_2344, %and3A_2347 : vector<16xi32>
    %swap3A_2349 = arith.constant 3 : i32
    %swap3A_2350 = arith.index_cast %swap3A_2349 : i32 to index
    %swap3A_2351 = arith.constant 32 : index
    %swap3A_2352 = tpu.vector_load %arg11[%swap3A_2350, %swap3A_2351] {strides = array<i32>} : memref<4x128xi32, #tpu.memory_space<vmem>>, vector<1x16xi32>,
    %swap3A_2353 = vector.shape_cast %swap3A_2352 : vector<1x16xi32> to vector<16xi32>
    %swap3A_2354 = vector.shape_cast %add3A_2348 : vector<16xi32> to vector<1x16xi32>
    tpu.vector_store %arg11[%swap3A_2350, %swap3A_2351], %swap3A_2354 {strides = array<i32>} : memref<4x128xi32, #tpu.memory_space<vmem>>, vector<1x16xi32>,
    %shift_right_arithmetic3A_2355 = arith.constant 13 : i32
    %shift_right_arithmetic3A_2356 = vector.broadcast %shift_right_arithmetic3A_2355 : i32 to vector<16xi32>
    %shift_right_arithmetic3A_2357 = arith.shrsi %select_n3A_2322, %shift_right_arithmetic3A_2356 : vector<16xi32>
    %shift_left3A_2358 = arith.constant 10 : i32
    %shift_left3A_2359 = vector.broadcast %shift_left3A_2358 : i32 to vector<16xi32>
    %shift_left3A_2360 = arith.shli %shift_right_arithmetic3A_2357, %shift_left3A_2359 : vector<16xi32>
    %and3A_2361 = arith.constant 1023 : i32
    %and3A_2362 = vector.broadcast %and3A_2361 : i32 to vector<16xi32>
    %and3A_2363 = arith.andi %select_n3A_2322, %and3A_2362 : vector<16xi32>
    %add3A_2364 = arith.addi %shift_left3A_2360, %and3A_2363 : vector<16xi32>
    %swap3A_2365 = arith.constant 3 : i32
    %swap3A_2366 = arith.index_cast %swap3A_2365 : i32 to index
    %swap3A_2367 = arith.constant 32 : index
    %swap3A_2368 = tpu.vector_load %arg12[%swap3A_2366, %swap3A_2367] {strides = array<i32>} : memref<4x128xi32, #tpu.memory_space<vmem>>, vector<1x16xi32>,
    %swap3A_2369 = vector.shape_cast %swap3A_2368 : vector<1x16xi32> to vector<16xi32>
    %swap3A_2370 = vector.shape_cast %add3A_2364 : vector<16xi32> to vector<1x16xi32>
    tpu.vector_store %arg12[%swap3A_2366, %swap3A_2367], %swap3A_2370 {strides = array<i32>} : memref<4x128xi32, #tpu.memory_space<vmem>>, vector<1x16xi32>,
    %get3A_2371 = arith.constant 432 : index
    %get3A_2372 = tpu.vector_load %arg9[%get3A_2371] {strides = array<i32>} : memref<512xi32, #tpu.memory_space<vmem>>, vector<16xi32>,
    %get3A_2373 = vector.shape_cast %get3A_2372 : vector<16xi32> to vector<16xi32>
    %lt3A_2374 = arith.constant 100000 : i32
    %lt3A_2375 = vector.broadcast %lt3A_2374 : i32 to vector<16xi32>
    %lt3A_2376 = arith.cmpi slt, %get3A_2373, %lt3A_2375 : vector<16xi32>
    %lt3A_2377 = arith.constant 400000 : i32
    %lt3A_2378 = vector.broadcast %lt3A_2377 : i32 to vector<16xi32>
    %lt3A_2379 = arith.cmpi slt, %get3A_2373, %lt3A_2378 : vector<16xi32>
    %add3A_2380 = arith.constant 1 : i32
    %add3A_2381 = vector.broadcast %add3A_2380 : i32 to vector<16xi32>
    %add3A_2382 = arith.addi %get3A_2373, %add3A_2381 : vector<16xi32>
    %shift_right_arithmetic3A_2383 = arith.constant 4 : i32
    %shift_right_arithmetic3A_2384 = vector.broadcast %shift_right_arithmetic3A_2383 : i32 to vector<16xi32>
    %shift_right_arithmetic3A_2385 = arith.shrsi %get3A_2373, %shift_right_arithmetic3A_2384 : vector<16xi32>
    %add3A_2386 = arith.constant 1 : i32
    %add3A_2387 = vector.broadcast %add3A_2386 : i32 to vector<16xi32>
    %add3A_2388 = arith.addi %shift_right_arithmetic3A_2385, %add3A_2387 : vector<16xi32>
    %select_n3A_2389 = arith.select %lt3A_2376, %add3A_2382, %add3A_2388 : vector<16xi1>, vector<16xi32>
    %shift_right_arithmetic3A_2390 = arith.constant 2 : i32
    %shift_right_arithmetic3A_2391 = vector.broadcast %shift_right_arithmetic3A_2390 : i32 to vector<16xi32>
    %shift_right_arithmetic3A_2392 = arith.shrsi %get3A_2373, %shift_right_arithmetic3A_2391 : vector<16xi32>
    %add3A_2393 = arith.constant 1 : i32
    %add3A_2394 = vector.broadcast %add3A_2393 : i32 to vector<16xi32>
    %add3A_2395 = arith.addi %shift_right_arithmetic3A_2392, %add3A_2394 : vector<16xi32>
    %sub3A_2396 = arith.constant 99999 : i32
    %sub3A_2397 = vector.broadcast %sub3A_2396 : i32 to vector<16xi32>
    %sub3A_2398 = arith.subi %get3A_2373, %sub3A_2397 : vector<16xi32>
    %select_n3A_2399 = arith.select %lt3A_2379, %sub3A_2398, %add3A_2395 : vector<16xi1>, vector<16xi32>
    %select_n3A_2400 = arith.select %lt3A_2376, %add3A_2395, %select_n3A_2399 : vector<16xi1>, vector<16xi32>
    %shift_right_arithmetic3A_2401 = arith.constant 1 : i32
    %shift_right_arithmetic3A_2402 = vector.broadcast %shift_right_arithmetic3A_2401 : i32 to vector<16xi32>
    %shift_right_arithmetic3A_2403 = arith.shrsi %get3A_2373, %shift_right_arithmetic3A_2402 : vector<16xi32>
    %add3A_2404 = arith.constant 1 : i32
    %add3A_2405 = vector.broadcast %add3A_2404 : i32 to vector<16xi32>
    %add3A_2406 = arith.addi %shift_right_arithmetic3A_2403, %add3A_2405 : vector<16xi32>
    %sub3A_2407 = arith.constant 399999 : i32
    %sub3A_2408 = vector.broadcast %sub3A_2407 : i32 to vector<16xi32>
    %sub3A_2409 = arith.subi %get3A_2373, %sub3A_2408 : vector<16xi32>
    %select_n3A_2410 = arith.select %lt3A_2379, %add3A_2406, %sub3A_2409 : vector<16xi1>, vector<16xi32>
    %shift_right_arithmetic3A_2411 = arith.constant 13 : i32
    %shift_right_arithmetic3A_2412 = vector.broadcast %shift_right_arithmetic3A_2411 : i32 to vector<16xi32>
    %shift_right_arithmetic3A_2413 = arith.shrsi %select_n3A_2389, %shift_right_arithmetic3A_2412 : vector<16xi32>
    %shift_left3A_2414 = arith.constant 12 : i32
    %shift_left3A_2415 = vector.broadcast %shift_left3A_2414 : i32 to vector<16xi32>
    %shift_left3A_2416 = arith.shli %shift_right_arithmetic3A_2413, %shift_left3A_2415 : vector<16xi32>
    %and3A_2417 = arith.constant 4095 : i32
    %and3A_2418 = vector.broadcast %and3A_2417 : i32 to vector<16xi32>
    %and3A_2419 = arith.andi %select_n3A_2389, %and3A_2418 : vector<16xi32>
    %add3A_2420 = arith.addi %shift_left3A_2416, %and3A_2419 : vector<16xi32>
    %swap3A_2421 = arith.constant 3 : i32
    %swap3A_2422 = arith.index_cast %swap3A_2421 : i32 to index
    %swap3A_2423 = arith.constant 48 : index
    %swap3A_2424 = tpu.vector_load %arg10[%swap3A_2422, %swap3A_2423] {strides = array<i32>} : memref<4x128xi32, #tpu.memory_space<vmem>>, vector<1x16xi32>,
    %swap3A_2425 = vector.shape_cast %swap3A_2424 : vector<1x16xi32> to vector<16xi32>
    %swap3A_2426 = vector.shape_cast %add3A_2420 : vector<16xi32> to vector<1x16xi32>
    tpu.vector_store %arg10[%swap3A_2422, %swap3A_2423], %swap3A_2426 {strides = array<i32>} : memref<4x128xi32, #tpu.memory_space<vmem>>, vector<1x16xi32>,
    %shift_right_arithmetic3A_2427 = arith.constant 13 : i32
    %shift_right_arithmetic3A_2428 = vector.broadcast %shift_right_arithmetic3A_2427 : i32 to vector<16xi32>
    %shift_right_arithmetic3A_2429 = arith.shrsi %select_n3A_2400, %shift_right_arithmetic3A_2428 : vector<16xi32>
    %shift_left3A_2430 = arith.constant 11 : i32
    %shift_left3A_2431 = vector.broadcast %shift_left3A_2430 : i32 to vector<16xi32>
    %shift_left3A_2432 = arith.shli %shift_right_arithmetic3A_2429, %shift_left3A_2431 : vector<16xi32>
    %and3A_2433 = arith.constant 2047 : i32
    %and3A_2434 = vector.broadcast %and3A_2433 : i32 to vector<16xi32>
    %and3A_2435 = arith.andi %select_n3A_2400, %and3A_2434 : vector<16xi32>
    %add3A_2436 = arith.addi %shift_left3A_2432, %and3A_2435 : vector<16xi32>
    %swap3A_2437 = arith.constant 3 : i32
    %swap3A_2438 = arith.index_cast %swap3A_2437 : i32 to index
    %swap3A_2439 = arith.constant 48 : index
    %swap3A_2440 = tpu.vector_load %arg11[%swap3A_2438, %swap3A_2439] {strides = array<i32>} : memref<4x128xi32, #tpu.memory_space<vmem>>, vector<1x16xi32>,
    %swap3A_2441 = vector.shape_cast %swap3A_2440 : vector<1x16xi32> to vector<16xi32>
    %swap3A_2442 = vector.shape_cast %add3A_2436 : vector<16xi32> to vector<1x16xi32>
    tpu.vector_store %arg11[%swap3A_2438, %swap3A_2439], %swap3A_2442 {strides = array<i32>} : memref<4x128xi32, #tpu.memory_space<vmem>>, vector<1x16xi32>,
    %shift_right_arithmetic3A_2443 = arith.constant 13 : i32
    %shift_right_arithmetic3A_2444 = vector.broadcast %shift_right_arithmetic3A_2443 : i32 to vector<16xi32>
    %shift_right_arithmetic3A_2445 = arith.shrsi %select_n3A_2410, %shift_right_arithmetic3A_2444 : vector<16xi32>
    %shift_left3A_2446 = arith.constant 10 : i32
    %shift_left3A_2447 = vector.broadcast %shift_left3A_2446 : i32 to vector<16xi32>
    %shift_left3A_2448 = arith.shli %shift_right_arithmetic3A_2445, %shift_left3A_2447 : vector<16xi32>
    %and3A_2449 = arith.constant 1023 : i32
    %and3A_2450 = vector.broadcast %and3A_2449 : i32 to vector<16xi32>
    %and3A_2451 = arith.andi %select_n3A_2410, %and3A_2450 : vector<16xi32>
    %add3A_2452 = arith.addi %shift_left3A_2448, %and3A_2451 : vector<16xi32>
    %swap3A_2453 = arith.constant 3 : i32
    %swap3A_2454 = arith.index_cast %swap3A_2453 : i32 to index
    %swap3A_2455 = arith.constant 48 : index
    %swap3A_2456 = tpu.vector_load %arg12[%swap3A_2454, %swap3A_2455] {strides = array<i32>} : memref<4x128xi32, #tpu.memory_space<vmem>>, vector<1x16xi32>,
    %swap3A_2457 = vector.shape_cast %swap3A_2456 : vector<1x16xi32> to vector<16xi32>
    %swap3A_2458 = vector.shape_cast %add3A_2452 : vector<16xi32> to vector<1x16xi32>
    tpu.vector_store %arg12[%swap3A_2454, %swap3A_2455], %swap3A_2458 {strides = array<i32>} : memref<4x128xi32, #tpu.memory_space<vmem>>, vector<1x16xi32>,
    %get3A_2459 = arith.constant 448 : index
    %get3A_2460 = tpu.vector_load %arg9[%get3A_2459] {strides = array<i32>} : memref<512xi32, #tpu.memory_space<vmem>>, vector<16xi32>,
    %get3A_2461 = vector.shape_cast %get3A_2460 : vector<16xi32> to vector<16xi32>
    %lt3A_2462 = arith.constant 100000 : i32
    %lt3A_2463 = vector.broadcast %lt3A_2462 : i32 to vector<16xi32>
    %lt3A_2464 = arith.cmpi slt, %get3A_2461, %lt3A_2463 : vector<16xi32>
    %lt3A_2465 = arith.constant 400000 : i32
    %lt3A_2466 = vector.broadcast %lt3A_2465 : i32 to vector<16xi32>
    %lt3A_2467 = arith.cmpi slt, %get3A_2461, %lt3A_2466 : vector<16xi32>
    %add3A_2468 = arith.constant 1 : i32
    %add3A_2469 = vector.broadcast %add3A_2468 : i32 to vector<16xi32>
    %add3A_2470 = arith.addi %get3A_2461, %add3A_2469 : vector<16xi32>
    %shift_right_arithmetic3A_2471 = arith.constant 4 : i32
    %shift_right_arithmetic3A_2472 = vector.broadcast %shift_right_arithmetic3A_2471 : i32 to vector<16xi32>
    %shift_right_arithmetic3A_2473 = arith.shrsi %get3A_2461, %shift_right_arithmetic3A_2472 : vector<16xi32>
    %add3A_2474 = arith.constant 1 : i32
    %add3A_2475 = vector.broadcast %add3A_2474 : i32 to vector<16xi32>
    %add3A_2476 = arith.addi %shift_right_arithmetic3A_2473, %add3A_2475 : vector<16xi32>
    %select_n3A_2477 = arith.select %lt3A_2464, %add3A_2470, %add3A_2476 : vector<16xi1>, vector<16xi32>
    %shift_right_arithmetic3A_2478 = arith.constant 2 : i32
    %shift_right_arithmetic3A_2479 = vector.broadcast %shift_right_arithmetic3A_2478 : i32 to vector<16xi32>
    %shift_right_arithmetic3A_2480 = arith.shrsi %get3A_2461, %shift_right_arithmetic3A_2479 : vector<16xi32>
    %add3A_2481 = arith.constant 1 : i32
    %add3A_2482 = vector.broadcast %add3A_2481 : i32 to vector<16xi32>
    %add3A_2483 = arith.addi %shift_right_arithmetic3A_2480, %add3A_2482 : vector<16xi32>
    %sub3A_2484 = arith.constant 99999 : i32
    %sub3A_2485 = vector.broadcast %sub3A_2484 : i32 to vector<16xi32>
    %sub3A_2486 = arith.subi %get3A_2461, %sub3A_2485 : vector<16xi32>
    %select_n3A_2487 = arith.select %lt3A_2467, %sub3A_2486, %add3A_2483 : vector<16xi1>, vector<16xi32>
    %select_n3A_2488 = arith.select %lt3A_2464, %add3A_2483, %select_n3A_2487 : vector<16xi1>, vector<16xi32>
    %shift_right_arithmetic3A_2489 = arith.constant 1 : i32
    %shift_right_arithmetic3A_2490 = vector.broadcast %shift_right_arithmetic3A_2489 : i32 to vector<16xi32>
    %shift_right_arithmetic3A_2491 = arith.shrsi %get3A_2461, %shift_right_arithmetic3A_2490 : vector<16xi32>
    %add3A_2492 = arith.constant 1 : i32
    %add3A_2493 = vector.broadcast %add3A_2492 : i32 to vector<16xi32>
    %add3A_2494 = arith.addi %shift_right_arithmetic3A_2491, %add3A_2493 : vector<16xi32>
    %sub3A_2495 = arith.constant 399999 : i32
    %sub3A_2496 = vector.broadcast %sub3A_2495 : i32 to vector<16xi32>
    %sub3A_2497 = arith.subi %get3A_2461, %sub3A_2496 : vector<16xi32>
    %select_n3A_2498 = arith.select %lt3A_2467, %add3A_2494, %sub3A_2497 : vector<16xi1>, vector<16xi32>
    %shift_right_arithmetic3A_2499 = arith.constant 13 : i32
    %shift_right_arithmetic3A_2500 = vector.broadcast %shift_right_arithmetic3A_2499 : i32 to vector<16xi32>
    %shift_right_arithmetic3A_2501 = arith.shrsi %select_n3A_2477, %shift_right_arithmetic3A_2500 : vector<16xi32>
    %shift_left3A_2502 = arith.constant 12 : i32
    %shift_left3A_2503 = vector.broadcast %shift_left3A_2502 : i32 to vector<16xi32>
    %shift_left3A_2504 = arith.shli %shift_right_arithmetic3A_2501, %shift_left3A_2503 : vector<16xi32>
    %and3A_2505 = arith.constant 4095 : i32
    %and3A_2506 = vector.broadcast %and3A_2505 : i32 to vector<16xi32>
    %and3A_2507 = arith.andi %select_n3A_2477, %and3A_2506 : vector<16xi32>
    %add3A_2508 = arith.addi %shift_left3A_2504, %and3A_2507 : vector<16xi32>
    %swap3A_2509 = arith.constant 3 : i32
    %swap3A_2510 = arith.index_cast %swap3A_2509 : i32 to index
    %swap3A_2511 = arith.constant 64 : index
    %swap3A_2512 = tpu.vector_load %arg10[%swap3A_2510, %swap3A_2511] {strides = array<i32>} : memref<4x128xi32, #tpu.memory_space<vmem>>, vector<1x16xi32>,
    %swap3A_2513 = vector.shape_cast %swap3A_2512 : vector<1x16xi32> to vector<16xi32>
    %swap3A_2514 = vector.shape_cast %add3A_2508 : vector<16xi32> to vector<1x16xi32>
    tpu.vector_store %arg10[%swap3A_2510, %swap3A_2511], %swap3A_2514 {strides = array<i32>} : memref<4x128xi32, #tpu.memory_space<vmem>>, vector<1x16xi32>,
    %shift_right_arithmetic3A_2515 = arith.constant 13 : i32
    %shift_right_arithmetic3A_2516 = vector.broadcast %shift_right_arithmetic3A_2515 : i32 to vector<16xi32>
    %shift_right_arithmetic3A_2517 = arith.shrsi %select_n3A_2488, %shift_right_arithmetic3A_2516 : vector<16xi32>
    %shift_left3A_2518 = arith.constant 11 : i32
    %shift_left3A_2519 = vector.broadcast %shift_left3A_2518 : i32 to vector<16xi32>
    %shift_left3A_2520 = arith.shli %shift_right_arithmetic3A_2517, %shift_left3A_2519 : vector<16xi32>
    %and3A_2521 = arith.constant 2047 : i32
    %and3A_2522 = vector.broadcast %and3A_2521 : i32 to vector<16xi32>
    %and3A_2523 = arith.andi %select_n3A_2488, %and3A_2522 : vector<16xi32>
    %add3A_2524 = arith.addi %shift_left3A_2520, %and3A_2523 : vector<16xi32>
    %swap3A_2525 = arith.constant 3 : i32
    %swap3A_2526 = arith.index_cast %swap3A_2525 : i32 to index
    %swap3A_2527 = arith.constant 64 : index
    %swap3A_2528 = tpu.vector_load %arg11[%swap3A_2526, %swap3A_2527] {strides = array<i32>} : memref<4x128xi32, #tpu.memory_space<vmem>>, vector<1x16xi32>,
    %swap3A_2529 = vector.shape_cast %swap3A_2528 : vector<1x16xi32> to vector<16xi32>
    %swap3A_2530 = vector.shape_cast %add3A_2524 : vector<16xi32> to vector<1x16xi32>
    tpu.vector_store %arg11[%swap3A_2526, %swap3A_2527], %swap3A_2530 {strides = array<i32>} : memref<4x128xi32, #tpu.memory_space<vmem>>, vector<1x16xi32>,
    %shift_right_arithmetic3A_2531 = arith.constant 13 : i32
    %shift_right_arithmetic3A_2532 = vector.broadcast %shift_right_arithmetic3A_2531 : i32 to vector<16xi32>
    %shift_right_arithmetic3A_2533 = arith.shrsi %select_n3A_2498, %shift_right_arithmetic3A_2532 : vector<16xi32>
    %shift_left3A_2534 = arith.constant 10 : i32
    %shift_left3A_2535 = vector.broadcast %shift_left3A_2534 : i32 to vector<16xi32>
    %shift_left3A_2536 = arith.shli %shift_right_arithmetic3A_2533, %shift_left3A_2535 : vector<16xi32>
    %and3A_2537 = arith.constant 1023 : i32
    %and3A_2538 = vector.broadcast %and3A_2537 : i32 to vector<16xi32>
    %and3A_2539 = arith.andi %select_n3A_2498, %and3A_2538 : vector<16xi32>
    %add3A_2540 = arith.addi %shift_left3A_2536, %and3A_2539 : vector<16xi32>
    %swap3A_2541 = arith.constant 3 : i32
    %swap3A_2542 = arith.index_cast %swap3A_2541 : i32 to index
    %swap3A_2543 = arith.constant 64 : index
    %swap3A_2544 = tpu.vector_load %arg12[%swap3A_2542, %swap3A_2543] {strides = array<i32>} : memref<4x128xi32, #tpu.memory_space<vmem>>, vector<1x16xi32>,
    %swap3A_2545 = vector.shape_cast %swap3A_2544 : vector<1x16xi32> to vector<16xi32>
    %swap3A_2546 = vector.shape_cast %add3A_2540 : vector<16xi32> to vector<1x16xi32>
    tpu.vector_store %arg12[%swap3A_2542, %swap3A_2543], %swap3A_2546 {strides = array<i32>} : memref<4x128xi32, #tpu.memory_space<vmem>>, vector<1x16xi32>,
    %get3A_2547 = arith.constant 464 : index
    %get3A_2548 = tpu.vector_load %arg9[%get3A_2547] {strides = array<i32>} : memref<512xi32, #tpu.memory_space<vmem>>, vector<16xi32>,
    %get3A_2549 = vector.shape_cast %get3A_2548 : vector<16xi32> to vector<16xi32>
    %lt3A_2550 = arith.constant 100000 : i32
    %lt3A_2551 = vector.broadcast %lt3A_2550 : i32 to vector<16xi32>
    %lt3A_2552 = arith.cmpi slt, %get3A_2549, %lt3A_2551 : vector<16xi32>
    %lt3A_2553 = arith.constant 400000 : i32
    %lt3A_2554 = vector.broadcast %lt3A_2553 : i32 to vector<16xi32>
    %lt3A_2555 = arith.cmpi slt, %get3A_2549, %lt3A_2554 : vector<16xi32>
    %add3A_2556 = arith.constant 1 : i32
    %add3A_2557 = vector.broadcast %add3A_2556 : i32 to vector<16xi32>
    %add3A_2558 = arith.addi %get3A_2549, %add3A_2557 : vector<16xi32>
    %shift_right_arithmetic3A_2559 = arith.constant 4 : i32
    %shift_right_arithmetic3A_2560 = vector.broadcast %shift_right_arithmetic3A_2559 : i32 to vector<16xi32>
    %shift_right_arithmetic3A_2561 = arith.shrsi %get3A_2549, %shift_right_arithmetic3A_2560 : vector<16xi32>
    %add3A_2562 = arith.constant 1 : i32
    %add3A_2563 = vector.broadcast %add3A_2562 : i32 to vector<16xi32>
    %add3A_2564 = arith.addi %shift_right_arithmetic3A_2561, %add3A_2563 : vector<16xi32>
    %select_n3A_2565 = arith.select %lt3A_2552, %add3A_2558, %add3A_2564 : vector<16xi1>, vector<16xi32>
    %shift_right_arithmetic3A_2566 = arith.constant 2 : i32
    %shift_right_arithmetic3A_2567 = vector.broadcast %shift_right_arithmetic3A_2566 : i32 to vector<16xi32>
    %shift_right_arithmetic3A_2568 = arith.shrsi %get3A_2549, %shift_right_arithmetic3A_2567 : vector<16xi32>
    %add3A_2569 = arith.constant 1 : i32
    %add3A_2570 = vector.broadcast %add3A_2569 : i32 to vector<16xi32>
    %add3A_2571 = arith.addi %shift_right_arithmetic3A_2568, %add3A_2570 : vector<16xi32>
    %sub3A_2572 = arith.constant 99999 : i32
    %sub3A_2573 = vector.broadcast %sub3A_2572 : i32 to vector<16xi32>
    %sub3A_2574 = arith.subi %get3A_2549, %sub3A_2573 : vector<16xi32>
    %select_n3A_2575 = arith.select %lt3A_2555, %sub3A_2574, %add3A_2571 : vector<16xi1>, vector<16xi32>
    %select_n3A_2576 = arith.select %lt3A_2552, %add3A_2571, %select_n3A_2575 : vector<16xi1>, vector<16xi32>
    %shift_right_arithmetic3A_2577 = arith.constant 1 : i32
    %shift_right_arithmetic3A_2578 = vector.broadcast %shift_right_arithmetic3A_2577 : i32 to vector<16xi32>
    %shift_right_arithmetic3A_2579 = arith.shrsi %get3A_2549, %shift_right_arithmetic3A_2578 : vector<16xi32>
    %add3A_2580 = arith.constant 1 : i32
    %add3A_2581 = vector.broadcast %add3A_2580 : i32 to vector<16xi32>
    %add3A_2582 = arith.addi %shift_right_arithmetic3A_2579, %add3A_2581 : vector<16xi32>
    %sub3A_2583 = arith.constant 399999 : i32
    %sub3A_2584 = vector.broadcast %sub3A_2583 : i32 to vector<16xi32>
    %sub3A_2585 = arith.subi %get3A_2549, %sub3A_2584 : vector<16xi32>
    %select_n3A_2586 = arith.select %lt3A_2555, %add3A_2582, %sub3A_2585 : vector<16xi1>, vector<16xi32>
    %shift_right_arithmetic3A_2587 = arith.constant 13 : i32
    %shift_right_arithmetic3A_2588 = vector.broadcast %shift_right_arithmetic3A_2587 : i32 to vector<16xi32>
    %shift_right_arithmetic3A_2589 = arith.shrsi %select_n3A_2565, %shift_right_arithmetic3A_2588 : vector<16xi32>
    %shift_left3A_2590 = arith.constant 12 : i32
    %shift_left3A_2591 = vector.broadcast %shift_left3A_2590 : i32 to vector<16xi32>
    %shift_left3A_2592 = arith.shli %shift_right_arithmetic3A_2589, %shift_left3A_2591 : vector<16xi32>
    %and3A_2593 = arith.constant 4095 : i32
    %and3A_2594 = vector.broadcast %and3A_2593 : i32 to vector<16xi32>
    %and3A_2595 = arith.andi %select_n3A_2565, %and3A_2594 : vector<16xi32>
    %add3A_2596 = arith.addi %shift_left3A_2592, %and3A_2595 : vector<16xi32>
    %swap3A_2597 = arith.constant 3 : i32
    %swap3A_2598 = arith.index_cast %swap3A_2597 : i32 to index
    %swap3A_2599 = arith.constant 80 : index
    %swap3A_2600 = tpu.vector_load %arg10[%swap3A_2598, %swap3A_2599] {strides = array<i32>} : memref<4x128xi32, #tpu.memory_space<vmem>>, vector<1x16xi32>,
    %swap3A_2601 = vector.shape_cast %swap3A_2600 : vector<1x16xi32> to vector<16xi32>
    %swap3A_2602 = vector.shape_cast %add3A_2596 : vector<16xi32> to vector<1x16xi32>
    tpu.vector_store %arg10[%swap3A_2598, %swap3A_2599], %swap3A_2602 {strides = array<i32>} : memref<4x128xi32, #tpu.memory_space<vmem>>, vector<1x16xi32>,
    %shift_right_arithmetic3A_2603 = arith.constant 13 : i32
    %shift_right_arithmetic3A_2604 = vector.broadcast %shift_right_arithmetic3A_2603 : i32 to vector<16xi32>
    %shift_right_arithmetic3A_2605 = arith.shrsi %select_n3A_2576, %shift_right_arithmetic3A_2604 : vector<16xi32>
    %shift_left3A_2606 = arith.constant 11 : i32
    %shift_left3A_2607 = vector.broadcast %shift_left3A_2606 : i32 to vector<16xi32>
    %shift_left3A_2608 = arith.shli %shift_right_arithmetic3A_2605, %shift_left3A_2607 : vector<16xi32>
    %and3A_2609 = arith.constant 2047 : i32
    %and3A_2610 = vector.broadcast %and3A_2609 : i32 to vector<16xi32>
    %and3A_2611 = arith.andi %select_n3A_2576, %and3A_2610 : vector<16xi32>
    %add3A_2612 = arith.addi %shift_left3A_2608, %and3A_2611 : vector<16xi32>
    %swap3A_2613 = arith.constant 3 : i32
    %swap3A_2614 = arith.index_cast %swap3A_2613 : i32 to index
    %swap3A_2615 = arith.constant 80 : index
    %swap3A_2616 = tpu.vector_load %arg11[%swap3A_2614, %swap3A_2615] {strides = array<i32>} : memref<4x128xi32, #tpu.memory_space<vmem>>, vector<1x16xi32>,
    %swap3A_2617 = vector.shape_cast %swap3A_2616 : vector<1x16xi32> to vector<16xi32>
    %swap3A_2618 = vector.shape_cast %add3A_2612 : vector<16xi32> to vector<1x16xi32>
    tpu.vector_store %arg11[%swap3A_2614, %swap3A_2615], %swap3A_2618 {strides = array<i32>} : memref<4x128xi32, #tpu.memory_space<vmem>>, vector<1x16xi32>,
    %shift_right_arithmetic3A_2619 = arith.constant 13 : i32
    %shift_right_arithmetic3A_2620 = vector.broadcast %shift_right_arithmetic3A_2619 : i32 to vector<16xi32>
    %shift_right_arithmetic3A_2621 = arith.shrsi %select_n3A_2586, %shift_right_arithmetic3A_2620 : vector<16xi32>
    %shift_left3A_2622 = arith.constant 10 : i32
    %shift_left3A_2623 = vector.broadcast %shift_left3A_2622 : i32 to vector<16xi32>
    %shift_left3A_2624 = arith.shli %shift_right_arithmetic3A_2621, %shift_left3A_2623 : vector<16xi32>
    %and3A_2625 = arith.constant 1023 : i32
    %and3A_2626 = vector.broadcast %and3A_2625 : i32 to vector<16xi32>
    %and3A_2627 = arith.andi %select_n3A_2586, %and3A_2626 : vector<16xi32>
    %add3A_2628 = arith.addi %shift_left3A_2624, %and3A_2627 : vector<16xi32>
    %swap3A_2629 = arith.constant 3 : i32
    %swap3A_2630 = arith.index_cast %swap3A_2629 : i32 to index
    %swap3A_2631 = arith.constant 80 : index
    %swap3A_2632 = tpu.vector_load %arg12[%swap3A_2630, %swap3A_2631] {strides = array<i32>} : memref<4x128xi32, #tpu.memory_space<vmem>>, vector<1x16xi32>,
    %swap3A_2633 = vector.shape_cast %swap3A_2632 : vector<1x16xi32> to vector<16xi32>
    %swap3A_2634 = vector.shape_cast %add3A_2628 : vector<16xi32> to vector<1x16xi32>
    tpu.vector_store %arg12[%swap3A_2630, %swap3A_2631], %swap3A_2634 {strides = array<i32>} : memref<4x128xi32, #tpu.memory_space<vmem>>, vector<1x16xi32>,
    %get3A_2635 = arith.constant 480 : index
    %get3A_2636 = tpu.vector_load %arg9[%get3A_2635] {strides = array<i32>} : memref<512xi32, #tpu.memory_space<vmem>>, vector<16xi32>,
    %get3A_2637 = vector.shape_cast %get3A_2636 : vector<16xi32> to vector<16xi32>
    %lt3A_2638 = arith.constant 100000 : i32
    %lt3A_2639 = vector.broadcast %lt3A_2638 : i32 to vector<16xi32>
    %lt3A_2640 = arith.cmpi slt, %get3A_2637, %lt3A_2639 : vector<16xi32>
    %lt3A_2641 = arith.constant 400000 : i32
    %lt3A_2642 = vector.broadcast %lt3A_2641 : i32 to vector<16xi32>
    %lt3A_2643 = arith.cmpi slt, %get3A_2637, %lt3A_2642 : vector<16xi32>
    %add3A_2644 = arith.constant 1 : i32
    %add3A_2645 = vector.broadcast %add3A_2644 : i32 to vector<16xi32>
    %add3A_2646 = arith.addi %get3A_2637, %add3A_2645 : vector<16xi32>
    %shift_right_arithmetic3A_2647 = arith.constant 4 : i32
    %shift_right_arithmetic3A_2648 = vector.broadcast %shift_right_arithmetic3A_2647 : i32 to vector<16xi32>
    %shift_right_arithmetic3A_2649 = arith.shrsi %get3A_2637, %shift_right_arithmetic3A_2648 : vector<16xi32>
    %add3A_2650 = arith.constant 1 : i32
    %add3A_2651 = vector.broadcast %add3A_2650 : i32 to vector<16xi32>
    %add3A_2652 = arith.addi %shift_right_arithmetic3A_2649, %add3A_2651 : vector<16xi32>
    %select_n3A_2653 = arith.select %lt3A_2640, %add3A_2646, %add3A_2652 : vector<16xi1>, vector<16xi32>
    %shift_right_arithmetic3A_2654 = arith.constant 2 : i32
    %shift_right_arithmetic3A_2655 = vector.broadcast %shift_right_arithmetic3A_2654 : i32 to vector<16xi32>
    %shift_right_arithmetic3A_2656 = arith.shrsi %get3A_2637, %shift_right_arithmetic3A_2655 : vector<16xi32>
    %add3A_2657 = arith.constant 1 : i32
    %add3A_2658 = vector.broadcast %add3A_2657 : i32 to vector<16xi32>
    %add3A_2659 = arith.addi %shift_right_arithmetic3A_2656, %add3A_2658 : vector<16xi32>
    %sub3A_2660 = arith.constant 99999 : i32
    %sub3A_2661 = vector.broadcast %sub3A_2660 : i32 to vector<16xi32>
    %sub3A_2662 = arith.subi %get3A_2637, %sub3A_2661 : vector<16xi32>
    %select_n3A_2663 = arith.select %lt3A_2643, %sub3A_2662, %add3A_2659 : vector<16xi1>, vector<16xi32>
    %select_n3A_2664 = arith.select %lt3A_2640, %add3A_2659, %select_n3A_2663 : vector<16xi1>, vector<16xi32>
    %shift_right_arithmetic3A_2665 = arith.constant 1 : i32
    %shift_right_arithmetic3A_2666 = vector.broadcast %shift_right_arithmetic3A_2665 : i32 to vector<16xi32>
    %shift_right_arithmetic3A_2667 = arith.shrsi %get3A_2637, %shift_right_arithmetic3A_2666 : vector<16xi32>
    %add3A_2668 = arith.constant 1 : i32
    %add3A_2669 = vector.broadcast %add3A_2668 : i32 to vector<16xi32>
    %add3A_2670 = arith.addi %shift_right_arithmetic3A_2667, %add3A_2669 : vector<16xi32>
    %sub3A_2671 = arith.constant 399999 : i32
    %sub3A_2672 = vector.broadcast %sub3A_2671 : i32 to vector<16xi32>
    %sub3A_2673 = arith.subi %get3A_2637, %sub3A_2672 : vector<16xi32>
    %select_n3A_2674 = arith.select %lt3A_2643, %add3A_2670, %sub3A_2673 : vector<16xi1>, vector<16xi32>
    %shift_right_arithmetic3A_2675 = arith.constant 13 : i32
    %shift_right_arithmetic3A_2676 = vector.broadcast %shift_right_arithmetic3A_2675 : i32 to vector<16xi32>
    %shift_right_arithmetic3A_2677 = arith.shrsi %select_n3A_2653, %shift_right_arithmetic3A_2676 : vector<16xi32>
    %shift_left3A_2678 = arith.constant 12 : i32
    %shift_left3A_2679 = vector.broadcast %shift_left3A_2678 : i32 to vector<16xi32>
    %shift_left3A_2680 = arith.shli %shift_right_arithmetic3A_2677, %shift_left3A_2679 : vector<16xi32>
    %and3A_2681 = arith.constant 4095 : i32
    %and3A_2682 = vector.broadcast %and3A_2681 : i32 to vector<16xi32>
    %and3A_2683 = arith.andi %select_n3A_2653, %and3A_2682 : vector<16xi32>
    %add3A_2684 = arith.addi %shift_left3A_2680, %and3A_2683 : vector<16xi32>
    %swap3A_2685 = arith.constant 3 : i32
    %swap3A_2686 = arith.index_cast %swap3A_2685 : i32 to index
    %swap3A_2687 = arith.constant 96 : index
    %swap3A_2688 = tpu.vector_load %arg10[%swap3A_2686, %swap3A_2687] {strides = array<i32>} : memref<4x128xi32, #tpu.memory_space<vmem>>, vector<1x16xi32>,
    %swap3A_2689 = vector.shape_cast %swap3A_2688 : vector<1x16xi32> to vector<16xi32>
    %swap3A_2690 = vector.shape_cast %add3A_2684 : vector<16xi32> to vector<1x16xi32>
    tpu.vector_store %arg10[%swap3A_2686, %swap3A_2687], %swap3A_2690 {strides = array<i32>} : memref<4x128xi32, #tpu.memory_space<vmem>>, vector<1x16xi32>,
    %shift_right_arithmetic3A_2691 = arith.constant 13 : i32
    %shift_right_arithmetic3A_2692 = vector.broadcast %shift_right_arithmetic3A_2691 : i32 to vector<16xi32>
    %shift_right_arithmetic3A_2693 = arith.shrsi %select_n3A_2664, %shift_right_arithmetic3A_2692 : vector<16xi32>
    %shift_left3A_2694 = arith.constant 11 : i32
    %shift_left3A_2695 = vector.broadcast %shift_left3A_2694 : i32 to vector<16xi32>
    %shift_left3A_2696 = arith.shli %shift_right_arithmetic3A_2693, %shift_left3A_2695 : vector<16xi32>
    %and3A_2697 = arith.constant 2047 : i32
    %and3A_2698 = vector.broadcast %and3A_2697 : i32 to vector<16xi32>
    %and3A_2699 = arith.andi %select_n3A_2664, %and3A_2698 : vector<16xi32>
    %add3A_2700 = arith.addi %shift_left3A_2696, %and3A_2699 : vector<16xi32>
    %swap3A_2701 = arith.constant 3 : i32
    %swap3A_2702 = arith.index_cast %swap3A_2701 : i32 to index
    %swap3A_2703 = arith.constant 96 : index
    %swap3A_2704 = tpu.vector_load %arg11[%swap3A_2702, %swap3A_2703] {strides = array<i32>} : memref<4x128xi32, #tpu.memory_space<vmem>>, vector<1x16xi32>,
    %swap3A_2705 = vector.shape_cast %swap3A_2704 : vector<1x16xi32> to vector<16xi32>
    %swap3A_2706 = vector.shape_cast %add3A_2700 : vector<16xi32> to vector<1x16xi32>
    tpu.vector_store %arg11[%swap3A_2702, %swap3A_2703], %swap3A_2706 {strides = array<i32>} : memref<4x128xi32, #tpu.memory_space<vmem>>, vector<1x16xi32>,
    %shift_right_arithmetic3A_2707 = arith.constant 13 : i32
    %shift_right_arithmetic3A_2708 = vector.broadcast %shift_right_arithmetic3A_2707 : i32 to vector<16xi32>
    %shift_right_arithmetic3A_2709 = arith.shrsi %select_n3A_2674, %shift_right_arithmetic3A_2708 : vector<16xi32>
    %shift_left3A_2710 = arith.constant 10 : i32
    %shift_left3A_2711 = vector.broadcast %shift_left3A_2710 : i32 to vector<16xi32>
    %shift_left3A_2712 = arith.shli %shift_right_arithmetic3A_2709, %shift_left3A_2711 : vector<16xi32>
    %and3A_2713 = arith.constant 1023 : i32
    %and3A_2714 = vector.broadcast %and3A_2713 : i32 to vector<16xi32>
    %and3A_2715 = arith.andi %select_n3A_2674, %and3A_2714 : vector<16xi32>
    %add3A_2716 = arith.addi %shift_left3A_2712, %and3A_2715 : vector<16xi32>
    %swap3A_2717 = arith.constant 3 : i32
    %swap3A_2718 = arith.index_cast %swap3A_2717 : i32 to index
    %swap3A_2719 = arith.constant 96 : index
    %swap3A_2720 = tpu.vector_load %arg12[%swap3A_2718, %swap3A_2719] {strides = array<i32>} : memref<4x128xi32, #tpu.memory_space<vmem>>, vector<1x16xi32>,
    %swap3A_2721 = vector.shape_cast %swap3A_2720 : vector<1x16xi32> to vector<16xi32>
    %swap3A_2722 = vector.shape_cast %add3A_2716 : vector<16xi32> to vector<1x16xi32>
    tpu.vector_store %arg12[%swap3A_2718, %swap3A_2719], %swap3A_2722 {strides = array<i32>} : memref<4x128xi32, #tpu.memory_space<vmem>>, vector<1x16xi32>,
    %get3A_2723 = arith.constant 496 : index
    %get3A_2724 = tpu.vector_load %arg9[%get3A_2723] {strides = array<i32>} : memref<512xi32, #tpu.memory_space<vmem>>, vector<16xi32>,
    %get3A_2725 = vector.shape_cast %get3A_2724 : vector<16xi32> to vector<16xi32>
    %lt3A_2726 = arith.constant 100000 : i32
    %lt3A_2727 = vector.broadcast %lt3A_2726 : i32 to vector<16xi32>
    %lt3A_2728 = arith.cmpi slt, %get3A_2725, %lt3A_2727 : vector<16xi32>
    %lt3A_2729 = arith.constant 400000 : i32
    %lt3A_2730 = vector.broadcast %lt3A_2729 : i32 to vector<16xi32>
    %lt3A_2731 = arith.cmpi slt, %get3A_2725, %lt3A_2730 : vector<16xi32>
    %add3A_2732 = arith.constant 1 : i32
    %add3A_2733 = vector.broadcast %add3A_2732 : i32 to vector<16xi32>
    %add3A_2734 = arith.addi %get3A_2725, %add3A_2733 : vector<16xi32>
    %shift_right_arithmetic3A_2735 = arith.constant 4 : i32
    %shift_right_arithmetic3A_2736 = vector.broadcast %shift_right_arithmetic3A_2735 : i32 to vector<16xi32>
    %shift_right_arithmetic3A_2737 = arith.shrsi %get3A_2725, %shift_right_arithmetic3A_2736 : vector<16xi32>
    %add3A_2738 = arith.constant 1 : i32
    %add3A_2739 = vector.broadcast %add3A_2738 : i32 to vector<16xi32>
    %add3A_2740 = arith.addi %shift_right_arithmetic3A_2737, %add3A_2739 : vector<16xi32>
    %select_n3A_2741 = arith.select %lt3A_2728, %add3A_2734, %add3A_2740 : vector<16xi1>, vector<16xi32>
    %shift_right_arithmetic3A_2742 = arith.constant 2 : i32
    %shift_right_arithmetic3A_2743 = vector.broadcast %shift_right_arithmetic3A_2742 : i32 to vector<16xi32>
    %shift_right_arithmetic3A_2744 = arith.shrsi %get3A_2725, %shift_right_arithmetic3A_2743 : vector<16xi32>
    %add3A_2745 = arith.constant 1 : i32
    %add3A_2746 = vector.broadcast %add3A_2745 : i32 to vector<16xi32>
    %add3A_2747 = arith.addi %shift_right_arithmetic3A_2744, %add3A_2746 : vector<16xi32>
    %sub3A_2748 = arith.constant 99999 : i32
    %sub3A_2749 = vector.broadcast %sub3A_2748 : i32 to vector<16xi32>
    %sub3A_2750 = arith.subi %get3A_2725, %sub3A_2749 : vector<16xi32>
    %select_n3A_2751 = arith.select %lt3A_2731, %sub3A_2750, %add3A_2747 : vector<16xi1>, vector<16xi32>
    %select_n3A_2752 = arith.select %lt3A_2728, %add3A_2747, %select_n3A_2751 : vector<16xi1>, vector<16xi32>
    %shift_right_arithmetic3A_2753 = arith.constant 1 : i32
    %shift_right_arithmetic3A_2754 = vector.broadcast %shift_right_arithmetic3A_2753 : i32 to vector<16xi32>
    %shift_right_arithmetic3A_2755 = arith.shrsi %get3A_2725, %shift_right_arithmetic3A_2754 : vector<16xi32>
    %add3A_2756 = arith.constant 1 : i32
    %add3A_2757 = vector.broadcast %add3A_2756 : i32 to vector<16xi32>
    %add3A_2758 = arith.addi %shift_right_arithmetic3A_2755, %add3A_2757 : vector<16xi32>
    %sub3A_2759 = arith.constant 399999 : i32
    %sub3A_2760 = vector.broadcast %sub3A_2759 : i32 to vector<16xi32>
    %sub3A_2761 = arith.subi %get3A_2725, %sub3A_2760 : vector<16xi32>
    %select_n3A_2762 = arith.select %lt3A_2731, %add3A_2758, %sub3A_2761 : vector<16xi1>, vector<16xi32>
    %shift_right_arithmetic3A_2763 = arith.constant 13 : i32
    %shift_right_arithmetic3A_2764 = vector.broadcast %shift_right_arithmetic3A_2763 : i32 to vector<16xi32>
    %shift_right_arithmetic3A_2765 = arith.shrsi %select_n3A_2741, %shift_right_arithmetic3A_2764 : vector<16xi32>
    %shift_left3A_2766 = arith.constant 12 : i32
    %shift_left3A_2767 = vector.broadcast %shift_left3A_2766 : i32 to vector<16xi32>
    %shift_left3A_2768 = arith.shli %shift_right_arithmetic3A_2765, %shift_left3A_2767 : vector<16xi32>
    %and3A_2769 = arith.constant 4095 : i32
    %and3A_2770 = vector.broadcast %and3A_2769 : i32 to vector<16xi32>
    %and3A_2771 = arith.andi %select_n3A_2741, %and3A_2770 : vector<16xi32>
    %add3A_2772 = arith.addi %shift_left3A_2768, %and3A_2771 : vector<16xi32>
    %swap3A_2773 = arith.constant 3 : i32
    %swap3A_2774 = arith.index_cast %swap3A_2773 : i32 to index
    %swap3A_2775 = arith.constant 112 : index
    %swap3A_2776 = tpu.vector_load %arg10[%swap3A_2774, %swap3A_2775] {strides = array<i32>} : memref<4x128xi32, #tpu.memory_space<vmem>>, vector<1x16xi32>,
    %swap3A_2777 = vector.shape_cast %swap3A_2776 : vector<1x16xi32> to vector<16xi32>
    %swap3A_2778 = vector.shape_cast %add3A_2772 : vector<16xi32> to vector<1x16xi32>
    tpu.vector_store %arg10[%swap3A_2774, %swap3A_2775], %swap3A_2778 {strides = array<i32>} : memref<4x128xi32, #tpu.memory_space<vmem>>, vector<1x16xi32>,
    %shift_right_arithmetic3A_2779 = arith.constant 13 : i32
    %shift_right_arithmetic3A_2780 = vector.broadcast %shift_right_arithmetic3A_2779 : i32 to vector<16xi32>
    %shift_right_arithmetic3A_2781 = arith.shrsi %select_n3A_2752, %shift_right_arithmetic3A_2780 : vector<16xi32>
    %shift_left3A_2782 = arith.constant 11 : i32
    %shift_left3A_2783 = vector.broadcast %shift_left3A_2782 : i32 to vector<16xi32>
    %shift_left3A_2784 = arith.shli %shift_right_arithmetic3A_2781, %shift_left3A_2783 : vector<16xi32>
    %and3A_2785 = arith.constant 2047 : i32
    %and3A_2786 = vector.broadcast %and3A_2785 : i32 to vector<16xi32>
    %and3A_2787 = arith.andi %select_n3A_2752, %and3A_2786 : vector<16xi32>
    %add3A_2788 = arith.addi %shift_left3A_2784, %and3A_2787 : vector<16xi32>
    %swap3A_2789 = arith.constant 3 : i32
    %swap3A_2790 = arith.index_cast %swap3A_2789 : i32 to index
    %swap3A_2791 = arith.constant 112 : index
    %swap3A_2792 = tpu.vector_load %arg11[%swap3A_2790, %swap3A_2791] {strides = array<i32>} : memref<4x128xi32, #tpu.memory_space<vmem>>, vector<1x16xi32>,
    %swap3A_2793 = vector.shape_cast %swap3A_2792 : vector<1x16xi32> to vector<16xi32>
    %swap3A_2794 = vector.shape_cast %add3A_2788 : vector<16xi32> to vector<1x16xi32>
    tpu.vector_store %arg11[%swap3A_2790, %swap3A_2791], %swap3A_2794 {strides = array<i32>} : memref<4x128xi32, #tpu.memory_space<vmem>>, vector<1x16xi32>,
    %shift_right_arithmetic3A_2795 = arith.constant 13 : i32
    %shift_right_arithmetic3A_2796 = vector.broadcast %shift_right_arithmetic3A_2795 : i32 to vector<16xi32>
    %shift_right_arithmetic3A_2797 = arith.shrsi %select_n3A_2762, %shift_right_arithmetic3A_2796 : vector<16xi32>
    %shift_left3A_2798 = arith.constant 10 : i32
    %shift_left3A_2799 = vector.broadcast %shift_left3A_2798 : i32 to vector<16xi32>
    %shift_left3A_2800 = arith.shli %shift_right_arithmetic3A_2797, %shift_left3A_2799 : vector<16xi32>
    %and3A_2801 = arith.constant 1023 : i32
    %and3A_2802 = vector.broadcast %and3A_2801 : i32 to vector<16xi32>
    %and3A_2803 = arith.andi %select_n3A_2762, %and3A_2802 : vector<16xi32>
    %add3A_2804 = arith.addi %shift_left3A_2800, %and3A_2803 : vector<16xi32>
    %swap3A_2805 = arith.constant 3 : i32
    %swap3A_2806 = arith.index_cast %swap3A_2805 : i32 to index
    %swap3A_2807 = arith.constant 112 : index
    %swap3A_2808 = tpu.vector_load %arg12[%swap3A_2806, %swap3A_2807] {strides = array<i32>} : memref<4x128xi32, #tpu.memory_space<vmem>>, vector<1x16xi32>,
    %swap3A_2809 = vector.shape_cast %swap3A_2808 : vector<1x16xi32> to vector<16xi32>
    %swap3A_2810 = vector.shape_cast %add3A_2804 : vector<16xi32> to vector<1x16xi32>
    tpu.vector_store %arg12[%swap3A_2806, %swap3A_2807], %swap3A_2810 {strides = array<i32>} : memref<4x128xi32, #tpu.memory_space<vmem>>, vector<1x16xi32>,
    %dma_start3A = arith.constant 0 : i32
    %dma_start3A_2811 = arith.constant 0 : i32
    %dma_start3A_2812 = tpu.memref_slice %arg10[%dma_start3A, %dma_start3A_2811] : memref<4x128xi32, #tpu.memory_space<vmem>> -> memref<1x128xi32, #tpu.memory_space<vmem>>
    %dma_start3A_2813 = tpu.memref_squeeze %dma_start3A_2812 : memref<1x128xi32, #tpu.memory_space<vmem>> -> memref<128xi32, #tpu.memory_space<vmem>>
    %dma_start3A_2814 = arith.constant 0 : i32
    %dma_start3A_2815 = arith.constant 0 : i32
    %dma_start3A_2816 = tpu.memref_slice %arg3[%dma_start3A_2814, %dma_start3A_2815] : memref<53248x128xf32, #tpu.memory_space<hbm>> -> memref<53248x128xf32, #tpu.memory_space<hbm>>
    tpu.enqueue_indirect_dma source(%dma_start3A_2816 : memref<53248x128xf32, #tpu.memory_space<hbm>>) target(%arg13 : memref<128x128xf32, #tpu.memory_space<vmem>>) offsets(%dma_start3A_2813 : memref<128xi32, #tpu.memory_space<vmem>>) semaphore(%arg19 : memref<!tpu.dma_semaphore, #tpu.memory_space<semaphore_mem>>)
    %dma_start3A_2817 = arith.constant 0 : i32
    %dma_start3A_2818 = arith.constant 0 : i32
    %dma_start3A_2819 = tpu.memref_slice %arg11[%dma_start3A_2817, %dma_start3A_2818] : memref<4x128xi32, #tpu.memory_space<vmem>> -> memref<1x128xi32, #tpu.memory_space<vmem>>
    %dma_start3A_2820 = tpu.memref_squeeze %dma_start3A_2819 : memref<1x128xi32, #tpu.memory_space<vmem>> -> memref<128xi32, #tpu.memory_space<vmem>>
    %dma_start3A_2821 = arith.constant 0 : i32
    %dma_start3A_2822 = arith.constant 0 : i32
    %dma_start3A_2823 = tpu.memref_slice %arg4[%dma_start3A_2821, %dma_start3A_2822] : memref<75776x128xf32, #tpu.memory_space<hbm>> -> memref<75776x128xf32, #tpu.memory_space<hbm>>
    tpu.enqueue_indirect_dma source(%dma_start3A_2823 : memref<75776x128xf32, #tpu.memory_space<hbm>>) target(%arg14 : memref<128x128xf32, #tpu.memory_space<vmem>>) offsets(%dma_start3A_2820 : memref<128xi32, #tpu.memory_space<vmem>>) semaphore(%arg19 : memref<!tpu.dma_semaphore, #tpu.memory_space<semaphore_mem>>)
    %dma_start3A_2824 = arith.constant 0 : i32
    %dma_start3A_2825 = arith.constant 0 : i32
    %dma_start3A_2826 = tpu.memref_slice %arg12[%dma_start3A_2824, %dma_start3A_2825] : memref<4x128xi32, #tpu.memory_space<vmem>> -> memref<1x128xi32, #tpu.memory_space<vmem>>
    %dma_start3A_2827 = tpu.memref_squeeze %dma_start3A_2826 : memref<1x128xi32, #tpu.memory_space<vmem>> -> memref<128xi32, #tpu.memory_space<vmem>>
    %dma_start3A_2828 = arith.constant 0 : i32
    %dma_start3A_2829 = arith.constant 0 : i32
    %dma_start3A_2830 = tpu.memref_slice %arg5[%dma_start3A_2828, %dma_start3A_2829] : memref<75776x128xf32, #tpu.memory_space<hbm>> -> memref<75776x128xf32, #tpu.memory_space<hbm>>
    tpu.enqueue_indirect_dma source(%dma_start3A_2830 : memref<75776x128xf32, #tpu.memory_space<hbm>>) target(%arg15 : memref<128x128xf32, #tpu.memory_space<vmem>>) offsets(%dma_start3A_2827 : memref<128xi32, #tpu.memory_space<vmem>>) semaphore(%arg19 : memref<!tpu.dma_semaphore, #tpu.memory_space<semaphore_mem>>)
    %dma_wait3A = arith.constant 0 : i32
    %dma_wait3A_2831 = arith.constant 0 : i32
    %dma_wait3A_2832 = tpu.memref_slice %arg10[%dma_wait3A, %dma_wait3A_2831] : memref<4x128xi32, #tpu.memory_space<vmem>> -> memref<1x128xi32, #tpu.memory_space<vmem>>
    %dma_wait3A_2833 = tpu.memref_squeeze %dma_wait3A_2832 : memref<1x128xi32, #tpu.memory_space<vmem>> -> memref<128xi32, #tpu.memory_space<vmem>>
    %dma_wait3A_2834 = arith.constant 0 : i32
    %dma_wait3A_2835 = arith.constant 0 : i32
    %dma_wait3A_2836 = tpu.memref_slice %arg3[%dma_wait3A_2834, %dma_wait3A_2835] : memref<53248x128xf32, #tpu.memory_space<hbm>> -> memref<53248x128xf32, #tpu.memory_space<hbm>>
    tpu.wait_indirect_dma semaphore(%arg19 : memref<!tpu.dma_semaphore, #tpu.memory_space<semaphore_mem>>) src(%dma_wait3A_2836 : memref<53248x128xf32, #tpu.memory_space<hbm>>) dst(%arg13 : memref<128x128xf32, #tpu.memory_space<vmem>>)
    %dma_wait3A_2837 = arith.constant 0 : i32
    %dma_wait3A_2838 = arith.constant 0 : i32
    %dma_wait3A_2839 = tpu.memref_slice %arg11[%dma_wait3A_2837, %dma_wait3A_2838] : memref<4x128xi32, #tpu.memory_space<vmem>> -> memref<1x128xi32, #tpu.memory_space<vmem>>
    %dma_wait3A_2840 = tpu.memref_squeeze %dma_wait3A_2839 : memref<1x128xi32, #tpu.memory_space<vmem>> -> memref<128xi32, #tpu.memory_space<vmem>>
    %dma_wait3A_2841 = arith.constant 0 : i32
    %dma_wait3A_2842 = arith.constant 0 : i32
    %dma_wait3A_2843 = tpu.memref_slice %arg4[%dma_wait3A_2841, %dma_wait3A_2842] : memref<75776x128xf32, #tpu.memory_space<hbm>> -> memref<75776x128xf32, #tpu.memory_space<hbm>>
    tpu.wait_indirect_dma semaphore(%arg19 : memref<!tpu.dma_semaphore, #tpu.memory_space<semaphore_mem>>) src(%dma_wait3A_2843 : memref<75776x128xf32, #tpu.memory_space<hbm>>) dst(%arg14 : memref<128x128xf32, #tpu.memory_space<vmem>>)
    %dma_wait3A_2844 = arith.constant 0 : i32
    %dma_wait3A_2845 = arith.constant 0 : i32
    %dma_wait3A_2846 = tpu.memref_slice %arg12[%dma_wait3A_2844, %dma_wait3A_2845] : memref<4x128xi32, #tpu.memory_space<vmem>> -> memref<1x128xi32, #tpu.memory_space<vmem>>
    %dma_wait3A_2847 = tpu.memref_squeeze %dma_wait3A_2846 : memref<1x128xi32, #tpu.memory_space<vmem>> -> memref<128xi32, #tpu.memory_space<vmem>>
    %dma_wait3A_2848 = arith.constant 0 : i32
    %dma_wait3A_2849 = arith.constant 0 : i32
    %dma_wait3A_2850 = tpu.memref_slice %arg5[%dma_wait3A_2848, %dma_wait3A_2849] : memref<75776x128xf32, #tpu.memory_space<hbm>> -> memref<75776x128xf32, #tpu.memory_space<hbm>>
    tpu.wait_indirect_dma semaphore(%arg19 : memref<!tpu.dma_semaphore, #tpu.memory_space<semaphore_mem>>) src(%dma_wait3A_2850 : memref<75776x128xf32, #tpu.memory_space<hbm>>) dst(%arg15 : memref<128x128xf32, #tpu.memory_space<vmem>>)
    %dma_start3A_2851 = arith.constant 1 : i32
    %dma_start3A_2852 = arith.constant 0 : i32
    %dma_start3A_2853 = tpu.memref_slice %arg10[%dma_start3A_2851, %dma_start3A_2852] : memref<4x128xi32, #tpu.memory_space<vmem>> -> memref<1x128xi32, #tpu.memory_space<vmem>>
    %dma_start3A_2854 = tpu.memref_squeeze %dma_start3A_2853 : memref<1x128xi32, #tpu.memory_space<vmem>> -> memref<128xi32, #tpu.memory_space<vmem>>
    %dma_start3A_2855 = arith.constant 0 : i32
    %dma_start3A_2856 = arith.constant 0 : i32
    %dma_start3A_2857 = tpu.memref_slice %arg3[%dma_start3A_2855, %dma_start3A_2856] : memref<53248x128xf32, #tpu.memory_space<hbm>> -> memref<53248x128xf32, #tpu.memory_space<hbm>>
    tpu.enqueue_indirect_dma source(%dma_start3A_2857 : memref<53248x128xf32, #tpu.memory_space<hbm>>) target(%arg16 : memref<128x128xf32, #tpu.memory_space<vmem>>) offsets(%dma_start3A_2854 : memref<128xi32, #tpu.memory_space<vmem>>) semaphore(%arg20 : memref<!tpu.dma_semaphore, #tpu.memory_space<semaphore_mem>>)
    %dma_start3A_2858 = arith.constant 1 : i32
    %dma_start3A_2859 = arith.constant 0 : i32
    %dma_start3A_2860 = tpu.memref_slice %arg11[%dma_start3A_2858, %dma_start3A_2859] : memref<4x128xi32, #tpu.memory_space<vmem>> -> memref<1x128xi32, #tpu.memory_space<vmem>>
    %dma_start3A_2861 = tpu.memref_squeeze %dma_start3A_2860 : memref<1x128xi32, #tpu.memory_space<vmem>> -> memref<128xi32, #tpu.memory_space<vmem>>
    %dma_start3A_2862 = arith.constant 0 : i32
    %dma_start3A_2863 = arith.constant 0 : i32
    %dma_start3A_2864 = tpu.memref_slice %arg4[%dma_start3A_2862, %dma_start3A_2863] : memref<75776x128xf32, #tpu.memory_space<hbm>> -> memref<75776x128xf32, #tpu.memory_space<hbm>>
    tpu.enqueue_indirect_dma source(%dma_start3A_2864 : memref<75776x128xf32, #tpu.memory_space<hbm>>) target(%arg17 : memref<128x128xf32, #tpu.memory_space<vmem>>) offsets(%dma_start3A_2861 : memref<128xi32, #tpu.memory_space<vmem>>) semaphore(%arg20 : memref<!tpu.dma_semaphore, #tpu.memory_space<semaphore_mem>>)
    %dma_start3A_2865 = arith.constant 1 : i32
    %dma_start3A_2866 = arith.constant 0 : i32
    %dma_start3A_2867 = tpu.memref_slice %arg12[%dma_start3A_2865, %dma_start3A_2866] : memref<4x128xi32, #tpu.memory_space<vmem>> -> memref<1x128xi32, #tpu.memory_space<vmem>>
    %dma_start3A_2868 = tpu.memref_squeeze %dma_start3A_2867 : memref<1x128xi32, #tpu.memory_space<vmem>> -> memref<128xi32, #tpu.memory_space<vmem>>
    %dma_start3A_2869 = arith.constant 0 : i32
    %dma_start3A_2870 = arith.constant 0 : i32
    %dma_start3A_2871 = tpu.memref_slice %arg5[%dma_start3A_2869, %dma_start3A_2870] : memref<75776x128xf32, #tpu.memory_space<hbm>> -> memref<75776x128xf32, #tpu.memory_space<hbm>>
    tpu.enqueue_indirect_dma source(%dma_start3A_2871 : memref<75776x128xf32, #tpu.memory_space<hbm>>) target(%arg18 : memref<128x128xf32, #tpu.memory_space<vmem>>) offsets(%dma_start3A_2868 : memref<128xi32, #tpu.memory_space<vmem>>) semaphore(%arg20 : memref<!tpu.dma_semaphore, #tpu.memory_space<semaphore_mem>>)
    %add3A_2872 = arith.constant 0 : i32
    %add3A_2873 = arith.addi %mul3A_2, %add3A_2872 : i32
    %dma_start3A_2874 = arith.constant 0 : i32
    %dma_start3A_2875 = tpu.memref_slice %arg6[%add3A_2873, %dma_start3A_2874] : memref<16384x128xf32, #tpu.memory_space<hbm>> -> memref<128x128xf32, #tpu.memory_space<hbm>>
    %dma_start3A_2876 = arith.constant 0 : i32
    %dma_start3A_2877 = tpu.memref_slice %arg6[%add3A_2873, %dma_start3A_2876] : memref<16384x128xf32, #tpu.memory_space<hbm>> -> memref<128x128xf32, #tpu.memory_space<hbm>>
    tpu.enqueue_dma source(%arg13 : memref<128x128xf32, #tpu.memory_space<vmem>>) target(%dma_start3A_2877 : memref<128x128xf32, #tpu.memory_space<hbm>>) target_semaphore(%arg21 : memref<!tpu.dma_semaphore, #tpu.memory_space<semaphore_mem>>)
    %dma_start3A_2878 = arith.constant 0 : i32
    %dma_start3A_2879 = tpu.memref_slice %arg7[%add3A_2873, %dma_start3A_2878] : memref<16384x128xf32, #tpu.memory_space<hbm>> -> memref<128x128xf32, #tpu.memory_space<hbm>>
    %dma_start3A_2880 = arith.constant 0 : i32
    %dma_start3A_2881 = tpu.memref_slice %arg7[%add3A_2873, %dma_start3A_2880] : memref<16384x128xf32, #tpu.memory_space<hbm>> -> memref<128x128xf32, #tpu.memory_space<hbm>>
    tpu.enqueue_dma source(%arg14 : memref<128x128xf32, #tpu.memory_space<vmem>>) target(%dma_start3A_2881 : memref<128x128xf32, #tpu.memory_space<hbm>>) target_semaphore(%arg21 : memref<!tpu.dma_semaphore, #tpu.memory_space<semaphore_mem>>)
    %dma_start3A_2882 = arith.constant 0 : i32
    %dma_start3A_2883 = tpu.memref_slice %arg8[%add3A_2873, %dma_start3A_2882] : memref<16384x128xf32, #tpu.memory_space<hbm>> -> memref<128x128xf32, #tpu.memory_space<hbm>>
    %dma_start3A_2884 = arith.constant 0 : i32
    %dma_start3A_2885 = tpu.memref_slice %arg8[%add3A_2873, %dma_start3A_2884] : memref<16384x128xf32, #tpu.memory_space<hbm>> -> memref<128x128xf32, #tpu.memory_space<hbm>>
    tpu.enqueue_dma source(%arg15 : memref<128x128xf32, #tpu.memory_space<vmem>>) target(%dma_start3A_2885 : memref<128x128xf32, #tpu.memory_space<hbm>>) target_semaphore(%arg21 : memref<!tpu.dma_semaphore, #tpu.memory_space<semaphore_mem>>)
    %dma_wait3A_2886 = arith.constant 1 : i32
    %dma_wait3A_2887 = arith.constant 0 : i32
    %dma_wait3A_2888 = tpu.memref_slice %arg10[%dma_wait3A_2886, %dma_wait3A_2887] : memref<4x128xi32, #tpu.memory_space<vmem>> -> memref<1x128xi32, #tpu.memory_space<vmem>>
    %dma_wait3A_2889 = tpu.memref_squeeze %dma_wait3A_2888 : memref<1x128xi32, #tpu.memory_space<vmem>> -> memref<128xi32, #tpu.memory_space<vmem>>
    %dma_wait3A_2890 = arith.constant 0 : i32
    %dma_wait3A_2891 = arith.constant 0 : i32
    %dma_wait3A_2892 = tpu.memref_slice %arg3[%dma_wait3A_2890, %dma_wait3A_2891] : memref<53248x128xf32, #tpu.memory_space<hbm>> -> memref<53248x128xf32, #tpu.memory_space<hbm>>
    tpu.wait_indirect_dma semaphore(%arg20 : memref<!tpu.dma_semaphore, #tpu.memory_space<semaphore_mem>>) src(%dma_wait3A_2892 : memref<53248x128xf32, #tpu.memory_space<hbm>>) dst(%arg16 : memref<128x128xf32, #tpu.memory_space<vmem>>)
    %dma_wait3A_2893 = arith.constant 1 : i32
    %dma_wait3A_2894 = arith.constant 0 : i32
    %dma_wait3A_2895 = tpu.memref_slice %arg11[%dma_wait3A_2893, %dma_wait3A_2894] : memref<4x128xi32, #tpu.memory_space<vmem>> -> memref<1x128xi32, #tpu.memory_space<vmem>>
    %dma_wait3A_2896 = tpu.memref_squeeze %dma_wait3A_2895 : memref<1x128xi32, #tpu.memory_space<vmem>> -> memref<128xi32, #tpu.memory_space<vmem>>
    %dma_wait3A_2897 = arith.constant 0 : i32
    %dma_wait3A_2898 = arith.constant 0 : i32
    %dma_wait3A_2899 = tpu.memref_slice %arg4[%dma_wait3A_2897, %dma_wait3A_2898] : memref<75776x128xf32, #tpu.memory_space<hbm>> -> memref<75776x128xf32, #tpu.memory_space<hbm>>
    tpu.wait_indirect_dma semaphore(%arg20 : memref<!tpu.dma_semaphore, #tpu.memory_space<semaphore_mem>>) src(%dma_wait3A_2899 : memref<75776x128xf32, #tpu.memory_space<hbm>>) dst(%arg17 : memref<128x128xf32, #tpu.memory_space<vmem>>)
    %dma_wait3A_2900 = arith.constant 1 : i32
    %dma_wait3A_2901 = arith.constant 0 : i32
    %dma_wait3A_2902 = tpu.memref_slice %arg12[%dma_wait3A_2900, %dma_wait3A_2901] : memref<4x128xi32, #tpu.memory_space<vmem>> -> memref<1x128xi32, #tpu.memory_space<vmem>>
    %dma_wait3A_2903 = tpu.memref_squeeze %dma_wait3A_2902 : memref<1x128xi32, #tpu.memory_space<vmem>> -> memref<128xi32, #tpu.memory_space<vmem>>
    %dma_wait3A_2904 = arith.constant 0 : i32
    %dma_wait3A_2905 = arith.constant 0 : i32
    %dma_wait3A_2906 = tpu.memref_slice %arg5[%dma_wait3A_2904, %dma_wait3A_2905] : memref<75776x128xf32, #tpu.memory_space<hbm>> -> memref<75776x128xf32, #tpu.memory_space<hbm>>
    tpu.wait_indirect_dma semaphore(%arg20 : memref<!tpu.dma_semaphore, #tpu.memory_space<semaphore_mem>>) src(%dma_wait3A_2906 : memref<75776x128xf32, #tpu.memory_space<hbm>>) dst(%arg18 : memref<128x128xf32, #tpu.memory_space<vmem>>)
    %dma_wait3A_2907 = arith.constant 0 : i32
    %dma_wait3A_2908 = tpu.memref_slice %arg6[%add3A_2873, %dma_wait3A_2907] : memref<16384x128xf32, #tpu.memory_space<hbm>> -> memref<128x128xf32, #tpu.memory_space<hbm>>
    %dma_wait3A_2909 = arith.constant 0 : i32
    %dma_wait3A_2910 = tpu.memref_slice %arg6[%add3A_2873, %dma_wait3A_2909] : memref<16384x128xf32, #tpu.memory_space<hbm>> -> memref<128x128xf32, #tpu.memory_space<hbm>>
    tpu.wait_dma2 semaphore(%arg21 : memref<!tpu.dma_semaphore, #tpu.memory_space<semaphore_mem>>) src(%arg13 : memref<128x128xf32, #tpu.memory_space<vmem>>) dst(%dma_wait3A_2910 : memref<128x128xf32, #tpu.memory_space<hbm>>)
    %dma_wait3A_2911 = arith.constant 0 : i32
    %dma_wait3A_2912 = tpu.memref_slice %arg7[%add3A_2873, %dma_wait3A_2911] : memref<16384x128xf32, #tpu.memory_space<hbm>> -> memref<128x128xf32, #tpu.memory_space<hbm>>
    %dma_wait3A_2913 = arith.constant 0 : i32
    %dma_wait3A_2914 = tpu.memref_slice %arg7[%add3A_2873, %dma_wait3A_2913] : memref<16384x128xf32, #tpu.memory_space<hbm>> -> memref<128x128xf32, #tpu.memory_space<hbm>>
    tpu.wait_dma2 semaphore(%arg21 : memref<!tpu.dma_semaphore, #tpu.memory_space<semaphore_mem>>) src(%arg14 : memref<128x128xf32, #tpu.memory_space<vmem>>) dst(%dma_wait3A_2914 : memref<128x128xf32, #tpu.memory_space<hbm>>)
    %dma_wait3A_2915 = arith.constant 0 : i32
    %dma_wait3A_2916 = tpu.memref_slice %arg8[%add3A_2873, %dma_wait3A_2915] : memref<16384x128xf32, #tpu.memory_space<hbm>> -> memref<128x128xf32, #tpu.memory_space<hbm>>
    %dma_wait3A_2917 = arith.constant 0 : i32
    %dma_wait3A_2918 = tpu.memref_slice %arg8[%add3A_2873, %dma_wait3A_2917] : memref<16384x128xf32, #tpu.memory_space<hbm>> -> memref<128x128xf32, #tpu.memory_space<hbm>>
    tpu.wait_dma2 semaphore(%arg21 : memref<!tpu.dma_semaphore, #tpu.memory_space<semaphore_mem>>) src(%arg15 : memref<128x128xf32, #tpu.memory_space<vmem>>) dst(%dma_wait3A_2918 : memref<128x128xf32, #tpu.memory_space<hbm>>)
    %dma_start3A_2919 = arith.constant 2 : i32
    %dma_start3A_2920 = arith.constant 0 : i32
    %dma_start3A_2921 = tpu.memref_slice %arg10[%dma_start3A_2919, %dma_start3A_2920] : memref<4x128xi32, #tpu.memory_space<vmem>> -> memref<1x128xi32, #tpu.memory_space<vmem>>
    %dma_start3A_2922 = tpu.memref_squeeze %dma_start3A_2921 : memref<1x128xi32, #tpu.memory_space<vmem>> -> memref<128xi32, #tpu.memory_space<vmem>>
    %dma_start3A_2923 = arith.constant 0 : i32
    %dma_start3A_2924 = arith.constant 0 : i32
    %dma_start3A_2925 = tpu.memref_slice %arg3[%dma_start3A_2923, %dma_start3A_2924] : memref<53248x128xf32, #tpu.memory_space<hbm>> -> memref<53248x128xf32, #tpu.memory_space<hbm>>
    tpu.enqueue_indirect_dma source(%dma_start3A_2925 : memref<53248x128xf32, #tpu.memory_space<hbm>>) target(%arg13 : memref<128x128xf32, #tpu.memory_space<vmem>>) offsets(%dma_start3A_2922 : memref<128xi32, #tpu.memory_space<vmem>>) semaphore(%arg19 : memref<!tpu.dma_semaphore, #tpu.memory_space<semaphore_mem>>)
    %dma_start3A_2926 = arith.constant 2 : i32
    %dma_start3A_2927 = arith.constant 0 : i32
    %dma_start3A_2928 = tpu.memref_slice %arg11[%dma_start3A_2926, %dma_start3A_2927] : memref<4x128xi32, #tpu.memory_space<vmem>> -> memref<1x128xi32, #tpu.memory_space<vmem>>
    %dma_start3A_2929 = tpu.memref_squeeze %dma_start3A_2928 : memref<1x128xi32, #tpu.memory_space<vmem>> -> memref<128xi32, #tpu.memory_space<vmem>>
    %dma_start3A_2930 = arith.constant 0 : i32
    %dma_start3A_2931 = arith.constant 0 : i32
    %dma_start3A_2932 = tpu.memref_slice %arg4[%dma_start3A_2930, %dma_start3A_2931] : memref<75776x128xf32, #tpu.memory_space<hbm>> -> memref<75776x128xf32, #tpu.memory_space<hbm>>
    tpu.enqueue_indirect_dma source(%dma_start3A_2932 : memref<75776x128xf32, #tpu.memory_space<hbm>>) target(%arg14 : memref<128x128xf32, #tpu.memory_space<vmem>>) offsets(%dma_start3A_2929 : memref<128xi32, #tpu.memory_space<vmem>>) semaphore(%arg19 : memref<!tpu.dma_semaphore, #tpu.memory_space<semaphore_mem>>)
    %dma_start3A_2933 = arith.constant 2 : i32
    %dma_start3A_2934 = arith.constant 0 : i32
    %dma_start3A_2935 = tpu.memref_slice %arg12[%dma_start3A_2933, %dma_start3A_2934] : memref<4x128xi32, #tpu.memory_space<vmem>> -> memref<1x128xi32, #tpu.memory_space<vmem>>
    %dma_start3A_2936 = tpu.memref_squeeze %dma_start3A_2935 : memref<1x128xi32, #tpu.memory_space<vmem>> -> memref<128xi32, #tpu.memory_space<vmem>>
    %dma_start3A_2937 = arith.constant 0 : i32
    %dma_start3A_2938 = arith.constant 0 : i32
    %dma_start3A_2939 = tpu.memref_slice %arg5[%dma_start3A_2937, %dma_start3A_2938] : memref<75776x128xf32, #tpu.memory_space<hbm>> -> memref<75776x128xf32, #tpu.memory_space<hbm>>
    tpu.enqueue_indirect_dma source(%dma_start3A_2939 : memref<75776x128xf32, #tpu.memory_space<hbm>>) target(%arg15 : memref<128x128xf32, #tpu.memory_space<vmem>>) offsets(%dma_start3A_2936 : memref<128xi32, #tpu.memory_space<vmem>>) semaphore(%arg19 : memref<!tpu.dma_semaphore, #tpu.memory_space<semaphore_mem>>)
    %add3A_2940 = arith.constant 128 : i32
    %add3A_2941 = arith.addi %mul3A_2, %add3A_2940 : i32
    %dma_start3A_2942 = arith.constant 0 : i32
    %dma_start3A_2943 = tpu.memref_slice %arg6[%add3A_2941, %dma_start3A_2942] : memref<16384x128xf32, #tpu.memory_space<hbm>> -> memref<128x128xf32, #tpu.memory_space<hbm>>
    %dma_start3A_2944 = arith.constant 0 : i32
    %dma_start3A_2945 = tpu.memref_slice %arg6[%add3A_2941, %dma_start3A_2944] : memref<16384x128xf32, #tpu.memory_space<hbm>> -> memref<128x128xf32, #tpu.memory_space<hbm>>
    tpu.enqueue_dma source(%arg16 : memref<128x128xf32, #tpu.memory_space<vmem>>) target(%dma_start3A_2945 : memref<128x128xf32, #tpu.memory_space<hbm>>) target_semaphore(%arg22 : memref<!tpu.dma_semaphore, #tpu.memory_space<semaphore_mem>>)
    %dma_start3A_2946 = arith.constant 0 : i32
    %dma_start3A_2947 = tpu.memref_slice %arg7[%add3A_2941, %dma_start3A_2946] : memref<16384x128xf32, #tpu.memory_space<hbm>> -> memref<128x128xf32, #tpu.memory_space<hbm>>
    %dma_start3A_2948 = arith.constant 0 : i32
    %dma_start3A_2949 = tpu.memref_slice %arg7[%add3A_2941, %dma_start3A_2948] : memref<16384x128xf32, #tpu.memory_space<hbm>> -> memref<128x128xf32, #tpu.memory_space<hbm>>
    tpu.enqueue_dma source(%arg17 : memref<128x128xf32, #tpu.memory_space<vmem>>) target(%dma_start3A_2949 : memref<128x128xf32, #tpu.memory_space<hbm>>) target_semaphore(%arg22 : memref<!tpu.dma_semaphore, #tpu.memory_space<semaphore_mem>>)
    %dma_start3A_2950 = arith.constant 0 : i32
    %dma_start3A_2951 = tpu.memref_slice %arg8[%add3A_2941, %dma_start3A_2950] : memref<16384x128xf32, #tpu.memory_space<hbm>> -> memref<128x128xf32, #tpu.memory_space<hbm>>
    %dma_start3A_2952 = arith.constant 0 : i32
    %dma_start3A_2953 = tpu.memref_slice %arg8[%add3A_2941, %dma_start3A_2952] : memref<16384x128xf32, #tpu.memory_space<hbm>> -> memref<128x128xf32, #tpu.memory_space<hbm>>
    tpu.enqueue_dma source(%arg18 : memref<128x128xf32, #tpu.memory_space<vmem>>) target(%dma_start3A_2953 : memref<128x128xf32, #tpu.memory_space<hbm>>) target_semaphore(%arg22 : memref<!tpu.dma_semaphore, #tpu.memory_space<semaphore_mem>>)
    %dma_wait3A_2954 = arith.constant 2 : i32
    %dma_wait3A_2955 = arith.constant 0 : i32
    %dma_wait3A_2956 = tpu.memref_slice %arg10[%dma_wait3A_2954, %dma_wait3A_2955] : memref<4x128xi32, #tpu.memory_space<vmem>> -> memref<1x128xi32, #tpu.memory_space<vmem>>
    %dma_wait3A_2957 = tpu.memref_squeeze %dma_wait3A_2956 : memref<1x128xi32, #tpu.memory_space<vmem>> -> memref<128xi32, #tpu.memory_space<vmem>>
    %dma_wait3A_2958 = arith.constant 0 : i32
    %dma_wait3A_2959 = arith.constant 0 : i32
    %dma_wait3A_2960 = tpu.memref_slice %arg3[%dma_wait3A_2958, %dma_wait3A_2959] : memref<53248x128xf32, #tpu.memory_space<hbm>> -> memref<53248x128xf32, #tpu.memory_space<hbm>>
    tpu.wait_indirect_dma semaphore(%arg19 : memref<!tpu.dma_semaphore, #tpu.memory_space<semaphore_mem>>) src(%dma_wait3A_2960 : memref<53248x128xf32, #tpu.memory_space<hbm>>) dst(%arg13 : memref<128x128xf32, #tpu.memory_space<vmem>>)
    %dma_wait3A_2961 = arith.constant 2 : i32
    %dma_wait3A_2962 = arith.constant 0 : i32
    %dma_wait3A_2963 = tpu.memref_slice %arg11[%dma_wait3A_2961, %dma_wait3A_2962] : memref<4x128xi32, #tpu.memory_space<vmem>> -> memref<1x128xi32, #tpu.memory_space<vmem>>
    %dma_wait3A_2964 = tpu.memref_squeeze %dma_wait3A_2963 : memref<1x128xi32, #tpu.memory_space<vmem>> -> memref<128xi32, #tpu.memory_space<vmem>>
    %dma_wait3A_2965 = arith.constant 0 : i32
    %dma_wait3A_2966 = arith.constant 0 : i32
    %dma_wait3A_2967 = tpu.memref_slice %arg4[%dma_wait3A_2965, %dma_wait3A_2966] : memref<75776x128xf32, #tpu.memory_space<hbm>> -> memref<75776x128xf32, #tpu.memory_space<hbm>>
    tpu.wait_indirect_dma semaphore(%arg19 : memref<!tpu.dma_semaphore, #tpu.memory_space<semaphore_mem>>) src(%dma_wait3A_2967 : memref<75776x128xf32, #tpu.memory_space<hbm>>) dst(%arg14 : memref<128x128xf32, #tpu.memory_space<vmem>>)
    %dma_wait3A_2968 = arith.constant 2 : i32
    %dma_wait3A_2969 = arith.constant 0 : i32
    %dma_wait3A_2970 = tpu.memref_slice %arg12[%dma_wait3A_2968, %dma_wait3A_2969] : memref<4x128xi32, #tpu.memory_space<vmem>> -> memref<1x128xi32, #tpu.memory_space<vmem>>
    %dma_wait3A_2971 = tpu.memref_squeeze %dma_wait3A_2970 : memref<1x128xi32, #tpu.memory_space<vmem>> -> memref<128xi32, #tpu.memory_space<vmem>>
    %dma_wait3A_2972 = arith.constant 0 : i32
    %dma_wait3A_2973 = arith.constant 0 : i32
    %dma_wait3A_2974 = tpu.memref_slice %arg5[%dma_wait3A_2972, %dma_wait3A_2973] : memref<75776x128xf32, #tpu.memory_space<hbm>> -> memref<75776x128xf32, #tpu.memory_space<hbm>>
    tpu.wait_indirect_dma semaphore(%arg19 : memref<!tpu.dma_semaphore, #tpu.memory_space<semaphore_mem>>) src(%dma_wait3A_2974 : memref<75776x128xf32, #tpu.memory_space<hbm>>) dst(%arg15 : memref<128x128xf32, #tpu.memory_space<vmem>>)
    %dma_wait3A_2975 = arith.constant 0 : i32
    %dma_wait3A_2976 = tpu.memref_slice %arg6[%add3A_2941, %dma_wait3A_2975] : memref<16384x128xf32, #tpu.memory_space<hbm>> -> memref<128x128xf32, #tpu.memory_space<hbm>>
    %dma_wait3A_2977 = arith.constant 0 : i32
    %dma_wait3A_2978 = tpu.memref_slice %arg6[%add3A_2941, %dma_wait3A_2977] : memref<16384x128xf32, #tpu.memory_space<hbm>> -> memref<128x128xf32, #tpu.memory_space<hbm>>
    tpu.wait_dma2 semaphore(%arg22 : memref<!tpu.dma_semaphore, #tpu.memory_space<semaphore_mem>>) src(%arg16 : memref<128x128xf32, #tpu.memory_space<vmem>>) dst(%dma_wait3A_2978 : memref<128x128xf32, #tpu.memory_space<hbm>>)
    %dma_wait3A_2979 = arith.constant 0 : i32
    %dma_wait3A_2980 = tpu.memref_slice %arg7[%add3A_2941, %dma_wait3A_2979] : memref<16384x128xf32, #tpu.memory_space<hbm>> -> memref<128x128xf32, #tpu.memory_space<hbm>>
    %dma_wait3A_2981 = arith.constant 0 : i32
    %dma_wait3A_2982 = tpu.memref_slice %arg7[%add3A_2941, %dma_wait3A_2981] : memref<16384x128xf32, #tpu.memory_space<hbm>> -> memref<128x128xf32, #tpu.memory_space<hbm>>
    tpu.wait_dma2 semaphore(%arg22 : memref<!tpu.dma_semaphore, #tpu.memory_space<semaphore_mem>>) src(%arg17 : memref<128x128xf32, #tpu.memory_space<vmem>>) dst(%dma_wait3A_2982 : memref<128x128xf32, #tpu.memory_space<hbm>>)
    %dma_wait3A_2983 = arith.constant 0 : i32
    %dma_wait3A_2984 = tpu.memref_slice %arg8[%add3A_2941, %dma_wait3A_2983] : memref<16384x128xf32, #tpu.memory_space<hbm>> -> memref<128x128xf32, #tpu.memory_space<hbm>>
    %dma_wait3A_2985 = arith.constant 0 : i32
    %dma_wait3A_2986 = tpu.memref_slice %arg8[%add3A_2941, %dma_wait3A_2985] : memref<16384x128xf32, #tpu.memory_space<hbm>> -> memref<128x128xf32, #tpu.memory_space<hbm>>
    tpu.wait_dma2 semaphore(%arg22 : memref<!tpu.dma_semaphore, #tpu.memory_space<semaphore_mem>>) src(%arg18 : memref<128x128xf32, #tpu.memory_space<vmem>>) dst(%dma_wait3A_2986 : memref<128x128xf32, #tpu.memory_space<hbm>>)
    %dma_start3A_2987 = arith.constant 3 : i32
    %dma_start3A_2988 = arith.constant 0 : i32
    %dma_start3A_2989 = tpu.memref_slice %arg10[%dma_start3A_2987, %dma_start3A_2988] : memref<4x128xi32, #tpu.memory_space<vmem>> -> memref<1x128xi32, #tpu.memory_space<vmem>>
    %dma_start3A_2990 = tpu.memref_squeeze %dma_start3A_2989 : memref<1x128xi32, #tpu.memory_space<vmem>> -> memref<128xi32, #tpu.memory_space<vmem>>
    %dma_start3A_2991 = arith.constant 0 : i32
    %dma_start3A_2992 = arith.constant 0 : i32
    %dma_start3A_2993 = tpu.memref_slice %arg3[%dma_start3A_2991, %dma_start3A_2992] : memref<53248x128xf32, #tpu.memory_space<hbm>> -> memref<53248x128xf32, #tpu.memory_space<hbm>>
    tpu.enqueue_indirect_dma source(%dma_start3A_2993 : memref<53248x128xf32, #tpu.memory_space<hbm>>) target(%arg16 : memref<128x128xf32, #tpu.memory_space<vmem>>) offsets(%dma_start3A_2990 : memref<128xi32, #tpu.memory_space<vmem>>) semaphore(%arg20 : memref<!tpu.dma_semaphore, #tpu.memory_space<semaphore_mem>>)
    %dma_start3A_2994 = arith.constant 3 : i32
    %dma_start3A_2995 = arith.constant 0 : i32
    %dma_start3A_2996 = tpu.memref_slice %arg11[%dma_start3A_2994, %dma_start3A_2995] : memref<4x128xi32, #tpu.memory_space<vmem>> -> memref<1x128xi32, #tpu.memory_space<vmem>>
    %dma_start3A_2997 = tpu.memref_squeeze %dma_start3A_2996 : memref<1x128xi32, #tpu.memory_space<vmem>> -> memref<128xi32, #tpu.memory_space<vmem>>
    %dma_start3A_2998 = arith.constant 0 : i32
    %dma_start3A_2999 = arith.constant 0 : i32
    %dma_start3A_3000 = tpu.memref_slice %arg4[%dma_start3A_2998, %dma_start3A_2999] : memref<75776x128xf32, #tpu.memory_space<hbm>> -> memref<75776x128xf32, #tpu.memory_space<hbm>>
    tpu.enqueue_indirect_dma source(%dma_start3A_3000 : memref<75776x128xf32, #tpu.memory_space<hbm>>) target(%arg17 : memref<128x128xf32, #tpu.memory_space<vmem>>) offsets(%dma_start3A_2997 : memref<128xi32, #tpu.memory_space<vmem>>) semaphore(%arg20 : memref<!tpu.dma_semaphore, #tpu.memory_space<semaphore_mem>>)
    %dma_start3A_3001 = arith.constant 3 : i32
    %dma_start3A_3002 = arith.constant 0 : i32
    %dma_start3A_3003 = tpu.memref_slice %arg12[%dma_start3A_3001, %dma_start3A_3002] : memref<4x128xi32, #tpu.memory_space<vmem>> -> memref<1x128xi32, #tpu.memory_space<vmem>>
    %dma_start3A_3004 = tpu.memref_squeeze %dma_start3A_3003 : memref<1x128xi32, #tpu.memory_space<vmem>> -> memref<128xi32, #tpu.memory_space<vmem>>
    %dma_start3A_3005 = arith.constant 0 : i32
    %dma_start3A_3006 = arith.constant 0 : i32
    %dma_start3A_3007 = tpu.memref_slice %arg5[%dma_start3A_3005, %dma_start3A_3006] : memref<75776x128xf32, #tpu.memory_space<hbm>> -> memref<75776x128xf32, #tpu.memory_space<hbm>>
    tpu.enqueue_indirect_dma source(%dma_start3A_3007 : memref<75776x128xf32, #tpu.memory_space<hbm>>) target(%arg18 : memref<128x128xf32, #tpu.memory_space<vmem>>) offsets(%dma_start3A_3004 : memref<128xi32, #tpu.memory_space<vmem>>) semaphore(%arg20 : memref<!tpu.dma_semaphore, #tpu.memory_space<semaphore_mem>>)
    %add3A_3008 = arith.constant 256 : i32
    %add3A_3009 = arith.addi %mul3A_2, %add3A_3008 : i32
    %dma_start3A_3010 = arith.constant 0 : i32
    %dma_start3A_3011 = tpu.memref_slice %arg6[%add3A_3009, %dma_start3A_3010] : memref<16384x128xf32, #tpu.memory_space<hbm>> -> memref<128x128xf32, #tpu.memory_space<hbm>>
    %dma_start3A_3012 = arith.constant 0 : i32
    %dma_start3A_3013 = tpu.memref_slice %arg6[%add3A_3009, %dma_start3A_3012] : memref<16384x128xf32, #tpu.memory_space<hbm>> -> memref<128x128xf32, #tpu.memory_space<hbm>>
    tpu.enqueue_dma source(%arg13 : memref<128x128xf32, #tpu.memory_space<vmem>>) target(%dma_start3A_3013 : memref<128x128xf32, #tpu.memory_space<hbm>>) target_semaphore(%arg21 : memref<!tpu.dma_semaphore, #tpu.memory_space<semaphore_mem>>)
    %dma_start3A_3014 = arith.constant 0 : i32
    %dma_start3A_3015 = tpu.memref_slice %arg7[%add3A_3009, %dma_start3A_3014] : memref<16384x128xf32, #tpu.memory_space<hbm>> -> memref<128x128xf32, #tpu.memory_space<hbm>>
    %dma_start3A_3016 = arith.constant 0 : i32
    %dma_start3A_3017 = tpu.memref_slice %arg7[%add3A_3009, %dma_start3A_3016] : memref<16384x128xf32, #tpu.memory_space<hbm>> -> memref<128x128xf32, #tpu.memory_space<hbm>>
    tpu.enqueue_dma source(%arg14 : memref<128x128xf32, #tpu.memory_space<vmem>>) target(%dma_start3A_3017 : memref<128x128xf32, #tpu.memory_space<hbm>>) target_semaphore(%arg21 : memref<!tpu.dma_semaphore, #tpu.memory_space<semaphore_mem>>)
    %dma_start3A_3018 = arith.constant 0 : i32
    %dma_start3A_3019 = tpu.memref_slice %arg8[%add3A_3009, %dma_start3A_3018] : memref<16384x128xf32, #tpu.memory_space<hbm>> -> memref<128x128xf32, #tpu.memory_space<hbm>>
    %dma_start3A_3020 = arith.constant 0 : i32
    %dma_start3A_3021 = tpu.memref_slice %arg8[%add3A_3009, %dma_start3A_3020] : memref<16384x128xf32, #tpu.memory_space<hbm>> -> memref<128x128xf32, #tpu.memory_space<hbm>>
    tpu.enqueue_dma source(%arg15 : memref<128x128xf32, #tpu.memory_space<vmem>>) target(%dma_start3A_3021 : memref<128x128xf32, #tpu.memory_space<hbm>>) target_semaphore(%arg21 : memref<!tpu.dma_semaphore, #tpu.memory_space<semaphore_mem>>)
    %dma_wait3A_3022 = arith.constant 3 : i32
    %dma_wait3A_3023 = arith.constant 0 : i32
    %dma_wait3A_3024 = tpu.memref_slice %arg10[%dma_wait3A_3022, %dma_wait3A_3023] : memref<4x128xi32, #tpu.memory_space<vmem>> -> memref<1x128xi32, #tpu.memory_space<vmem>>
    %dma_wait3A_3025 = tpu.memref_squeeze %dma_wait3A_3024 : memref<1x128xi32, #tpu.memory_space<vmem>> -> memref<128xi32, #tpu.memory_space<vmem>>
    %dma_wait3A_3026 = arith.constant 0 : i32
    %dma_wait3A_3027 = arith.constant 0 : i32
    %dma_wait3A_3028 = tpu.memref_slice %arg3[%dma_wait3A_3026, %dma_wait3A_3027] : memref<53248x128xf32, #tpu.memory_space<hbm>> -> memref<53248x128xf32, #tpu.memory_space<hbm>>
    tpu.wait_indirect_dma semaphore(%arg20 : memref<!tpu.dma_semaphore, #tpu.memory_space<semaphore_mem>>) src(%dma_wait3A_3028 : memref<53248x128xf32, #tpu.memory_space<hbm>>) dst(%arg16 : memref<128x128xf32, #tpu.memory_space<vmem>>)
    %dma_wait3A_3029 = arith.constant 3 : i32
    %dma_wait3A_3030 = arith.constant 0 : i32
    %dma_wait3A_3031 = tpu.memref_slice %arg11[%dma_wait3A_3029, %dma_wait3A_3030] : memref<4x128xi32, #tpu.memory_space<vmem>> -> memref<1x128xi32, #tpu.memory_space<vmem>>
    %dma_wait3A_3032 = tpu.memref_squeeze %dma_wait3A_3031 : memref<1x128xi32, #tpu.memory_space<vmem>> -> memref<128xi32, #tpu.memory_space<vmem>>
    %dma_wait3A_3033 = arith.constant 0 : i32
    %dma_wait3A_3034 = arith.constant 0 : i32
    %dma_wait3A_3035 = tpu.memref_slice %arg4[%dma_wait3A_3033, %dma_wait3A_3034] : memref<75776x128xf32, #tpu.memory_space<hbm>> -> memref<75776x128xf32, #tpu.memory_space<hbm>>
    tpu.wait_indirect_dma semaphore(%arg20 : memref<!tpu.dma_semaphore, #tpu.memory_space<semaphore_mem>>) src(%dma_wait3A_3035 : memref<75776x128xf32, #tpu.memory_space<hbm>>) dst(%arg17 : memref<128x128xf32, #tpu.memory_space<vmem>>)
    %dma_wait3A_3036 = arith.constant 3 : i32
    %dma_wait3A_3037 = arith.constant 0 : i32
    %dma_wait3A_3038 = tpu.memref_slice %arg12[%dma_wait3A_3036, %dma_wait3A_3037] : memref<4x128xi32, #tpu.memory_space<vmem>> -> memref<1x128xi32, #tpu.memory_space<vmem>>
    %dma_wait3A_3039 = tpu.memref_squeeze %dma_wait3A_3038 : memref<1x128xi32, #tpu.memory_space<vmem>> -> memref<128xi32, #tpu.memory_space<vmem>>
    %dma_wait3A_3040 = arith.constant 0 : i32
    %dma_wait3A_3041 = arith.constant 0 : i32
    %dma_wait3A_3042 = tpu.memref_slice %arg5[%dma_wait3A_3040, %dma_wait3A_3041] : memref<75776x128xf32, #tpu.memory_space<hbm>> -> memref<75776x128xf32, #tpu.memory_space<hbm>>
    tpu.wait_indirect_dma semaphore(%arg20 : memref<!tpu.dma_semaphore, #tpu.memory_space<semaphore_mem>>) src(%dma_wait3A_3042 : memref<75776x128xf32, #tpu.memory_space<hbm>>) dst(%arg18 : memref<128x128xf32, #tpu.memory_space<vmem>>)
    %add3A_3043 = arith.constant 384 : i32
    %add3A_3044 = arith.addi %mul3A_2, %add3A_3043 : i32
    %dma_start3A_3045 = arith.constant 0 : i32
    %dma_start3A_3046 = tpu.memref_slice %arg6[%add3A_3044, %dma_start3A_3045] : memref<16384x128xf32, #tpu.memory_space<hbm>> -> memref<128x128xf32, #tpu.memory_space<hbm>>
    %dma_start3A_3047 = arith.constant 0 : i32
    %dma_start3A_3048 = tpu.memref_slice %arg6[%add3A_3044, %dma_start3A_3047] : memref<16384x128xf32, #tpu.memory_space<hbm>> -> memref<128x128xf32, #tpu.memory_space<hbm>>
    tpu.enqueue_dma source(%arg16 : memref<128x128xf32, #tpu.memory_space<vmem>>) target(%dma_start3A_3048 : memref<128x128xf32, #tpu.memory_space<hbm>>) target_semaphore(%arg22 : memref<!tpu.dma_semaphore, #tpu.memory_space<semaphore_mem>>)
    %dma_start3A_3049 = arith.constant 0 : i32
    %dma_start3A_3050 = tpu.memref_slice %arg7[%add3A_3044, %dma_start3A_3049] : memref<16384x128xf32, #tpu.memory_space<hbm>> -> memref<128x128xf32, #tpu.memory_space<hbm>>
    %dma_start3A_3051 = arith.constant 0 : i32
    %dma_start3A_3052 = tpu.memref_slice %arg7[%add3A_3044, %dma_start3A_3051] : memref<16384x128xf32, #tpu.memory_space<hbm>> -> memref<128x128xf32, #tpu.memory_space<hbm>>
    tpu.enqueue_dma source(%arg17 : memref<128x128xf32, #tpu.memory_space<vmem>>) target(%dma_start3A_3052 : memref<128x128xf32, #tpu.memory_space<hbm>>) target_semaphore(%arg22 : memref<!tpu.dma_semaphore, #tpu.memory_space<semaphore_mem>>)
    %dma_start3A_3053 = arith.constant 0 : i32
    %dma_start3A_3054 = tpu.memref_slice %arg8[%add3A_3044, %dma_start3A_3053] : memref<16384x128xf32, #tpu.memory_space<hbm>> -> memref<128x128xf32, #tpu.memory_space<hbm>>
    %dma_start3A_3055 = arith.constant 0 : i32
    %dma_start3A_3056 = tpu.memref_slice %arg8[%add3A_3044, %dma_start3A_3055] : memref<16384x128xf32, #tpu.memory_space<hbm>> -> memref<128x128xf32, #tpu.memory_space<hbm>>
    tpu.enqueue_dma source(%arg18 : memref<128x128xf32, #tpu.memory_space<vmem>>) target(%dma_start3A_3056 : memref<128x128xf32, #tpu.memory_space<hbm>>) target_semaphore(%arg22 : memref<!tpu.dma_semaphore, #tpu.memory_space<semaphore_mem>>)
    %dma_wait3A_3057 = arith.constant 0 : i32
    %dma_wait3A_3058 = tpu.memref_slice %arg6[%add3A_3009, %dma_wait3A_3057] : memref<16384x128xf32, #tpu.memory_space<hbm>> -> memref<128x128xf32, #tpu.memory_space<hbm>>
    %dma_wait3A_3059 = arith.constant 0 : i32
    %dma_wait3A_3060 = tpu.memref_slice %arg6[%add3A_3009, %dma_wait3A_3059] : memref<16384x128xf32, #tpu.memory_space<hbm>> -> memref<128x128xf32, #tpu.memory_space<hbm>>
    tpu.wait_dma2 semaphore(%arg21 : memref<!tpu.dma_semaphore, #tpu.memory_space<semaphore_mem>>) src(%arg13 : memref<128x128xf32, #tpu.memory_space<vmem>>) dst(%dma_wait3A_3060 : memref<128x128xf32, #tpu.memory_space<hbm>>)
    %dma_wait3A_3061 = arith.constant 0 : i32
    %dma_wait3A_3062 = tpu.memref_slice %arg7[%add3A_3009, %dma_wait3A_3061] : memref<16384x128xf32, #tpu.memory_space<hbm>> -> memref<128x128xf32, #tpu.memory_space<hbm>>
    %dma_wait3A_3063 = arith.constant 0 : i32
    %dma_wait3A_3064 = tpu.memref_slice %arg7[%add3A_3009, %dma_wait3A_3063] : memref<16384x128xf32, #tpu.memory_space<hbm>> -> memref<128x128xf32, #tpu.memory_space<hbm>>
    tpu.wait_dma2 semaphore(%arg21 : memref<!tpu.dma_semaphore, #tpu.memory_space<semaphore_mem>>) src(%arg14 : memref<128x128xf32, #tpu.memory_space<vmem>>) dst(%dma_wait3A_3064 : memref<128x128xf32, #tpu.memory_space<hbm>>)
    %dma_wait3A_3065 = arith.constant 0 : i32
    %dma_wait3A_3066 = tpu.memref_slice %arg8[%add3A_3009, %dma_wait3A_3065] : memref<16384x128xf32, #tpu.memory_space<hbm>> -> memref<128x128xf32, #tpu.memory_space<hbm>>
    %dma_wait3A_3067 = arith.constant 0 : i32
    %dma_wait3A_3068 = tpu.memref_slice %arg8[%add3A_3009, %dma_wait3A_3067] : memref<16384x128xf32, #tpu.memory_space<hbm>> -> memref<128x128xf32, #tpu.memory_space<hbm>>
    tpu.wait_dma2 semaphore(%arg21 : memref<!tpu.dma_semaphore, #tpu.memory_space<semaphore_mem>>) src(%arg15 : memref<128x128xf32, #tpu.memory_space<vmem>>) dst(%dma_wait3A_3068 : memref<128x128xf32, #tpu.memory_space<hbm>>)
    %dma_wait3A_3069 = arith.constant 0 : i32
    %dma_wait3A_3070 = tpu.memref_slice %arg6[%add3A_3044, %dma_wait3A_3069] : memref<16384x128xf32, #tpu.memory_space<hbm>> -> memref<128x128xf32, #tpu.memory_space<hbm>>
    %dma_wait3A_3071 = arith.constant 0 : i32
    %dma_wait3A_3072 = tpu.memref_slice %arg6[%add3A_3044, %dma_wait3A_3071] : memref<16384x128xf32, #tpu.memory_space<hbm>> -> memref<128x128xf32, #tpu.memory_space<hbm>>
    tpu.wait_dma2 semaphore(%arg22 : memref<!tpu.dma_semaphore, #tpu.memory_space<semaphore_mem>>) src(%arg16 : memref<128x128xf32, #tpu.memory_space<vmem>>) dst(%dma_wait3A_3072 : memref<128x128xf32, #tpu.memory_space<hbm>>)
    %dma_wait3A_3073 = arith.constant 0 : i32
    %dma_wait3A_3074 = tpu.memref_slice %arg7[%add3A_3044, %dma_wait3A_3073] : memref<16384x128xf32, #tpu.memory_space<hbm>> -> memref<128x128xf32, #tpu.memory_space<hbm>>
    %dma_wait3A_3075 = arith.constant 0 : i32
    %dma_wait3A_3076 = tpu.memref_slice %arg7[%add3A_3044, %dma_wait3A_3075] : memref<16384x128xf32, #tpu.memory_space<hbm>> -> memref<128x128xf32, #tpu.memory_space<hbm>>
    tpu.wait_dma2 semaphore(%arg22 : memref<!tpu.dma_semaphore, #tpu.memory_space<semaphore_mem>>) src(%arg17 : memref<128x128xf32, #tpu.memory_space<vmem>>) dst(%dma_wait3A_3076 : memref<128x128xf32, #tpu.memory_space<hbm>>)
    %dma_wait3A_3077 = arith.constant 0 : i32
    %dma_wait3A_3078 = tpu.memref_slice %arg8[%add3A_3044, %dma_wait3A_3077] : memref<16384x128xf32, #tpu.memory_space<hbm>> -> memref<128x128xf32, #tpu.memory_space<hbm>>
    %dma_wait3A_3079 = arith.constant 0 : i32
    %dma_wait3A_3080 = tpu.memref_slice %arg8[%add3A_3044, %dma_wait3A_3079] : memref<16384x128xf32, #tpu.memory_space<hbm>> -> memref<128x128xf32, #tpu.memory_space<hbm>>
    tpu.wait_dma2 semaphore(%arg22 : memref<!tpu.dma_semaphore, #tpu.memory_space<semaphore_mem>>) src(%arg18 : memref<128x128xf32, #tpu.memory_space<vmem>>) dst(%dma_wait3A_3080 : memref<128x128xf32, #tpu.memory_space<hbm>>)
    return
  }
}

module attributes {stable_mosaic.version = 14 : i64} {
  func.func @_fmt_body(%arg0: i32, %arg1: memref<64x8192xf32, #tpu.memory_space<vmem>>, %arg2: memref<128x128xf32, #tpu.memory_space<vmem>>, %arg3: memref<4096x128xf32, #tpu.memory_space<vmem>>) attributes {dimension_semantics = [#tpu.dimension_semantics<arbitrary>], iteration_bounds = array<i64: 13>, scalar_prefetch = 0 : i64, scratch_operands = 0 : i64, tpu.core_type = #tpu.core_type<tc>, window_params = [{transform_indices = @transform_0, window_bounds = array<i64: 64, 8192>}, {pipeline_mode = #tpu.pipeline_mode<synchronous>, transform_indices = @transform_1, window_bounds = array<i64: 128, 128>}, {transform_indices = @transform_2, window_bounds = array<i64: 4096, 128>}]} {
    %mul3A = arith.constant 8192 : i32
    %mul3A_0 = arith.muli %arg0, %mul3A : i32
    %iota3A = tpu.iota {dimensions = array<i32: 1>} : vector<64x8192xi32>
    %add3A = vector.broadcast %mul3A_0 : i32 to vector<64x8192xi32>
    %add3A_1 = arith.addi %add3A, %iota3A : vector<64x8192xi32>
    %lt3A = arith.constant 100001 : i32
    %lt3A_2 = vector.broadcast %lt3A : i32 to vector<64x8192xi32>
    %lt3A_3 = arith.cmpi slt, %add3A_1, %lt3A_2 : vector<64x8192xi32>
    %get3A = arith.constant 0 : index
    %get3A_4 = arith.constant 0 : index
    %get3A_5 = vector.load %arg1[%get3A, %get3A_4] : memref<64x8192xf32, #tpu.memory_space<vmem>>, vector<64x8192xf32>
    %jit3A = arith.constant 0.000000e+00 : f32
    %broadcast_in_dim3A = vector.broadcast %jit3A : f32 to vector<64x8192xf32>
    %select_n3A = arith.select %lt3A_3, %get3A_5, %broadcast_in_dim3A : vector<64x8192xi1>, vector<64x8192xf32>
    %reshape3A = vector.shape_cast %select_n3A : vector<64x8192xf32> to vector<128x4096xf32>
    %get3A_6 = arith.constant 0 : index
    %get3A_7 = arith.constant 0 : index
    %get3A_8 = vector.load %arg2[%get3A_6, %get3A_7] : memref<128x128xf32, #tpu.memory_space<vmem>>, vector<128x128xf32>
    %dot_general3A = arith.constant dense<0.000000e+00> : vector<4096x128xf32>
    %dot_general3A_9 = tpu.matmul %reshape3A, %get3A_8, %dot_general3A {dimension_numbers = #tpu.dot_dimension_numbers<[0], [0], [1], [1], [0, 1, 1, 1], [], []>, transpose_lhs_hint = false} : vector<128x4096xf32>, vector<128x128xf32>, vector<4096x128xf32> -> vector<4096x128xf32>
    %swap3A = arith.constant 0 : index
    %swap3A_10 = arith.constant 0 : index
    %swap3A_11 = vector.load %arg3[%swap3A, %swap3A_10] : memref<4096x128xf32, #tpu.memory_space<vmem>>, vector<4096x128xf32>
    tpu.vector_store %arg3[%swap3A, %swap3A_10], %dot_general3A_9 {strides = array<i32>} : memref<4096x128xf32, #tpu.memory_space<vmem>>, vector<4096x128xf32>,
    return
  }
  func.func @transform_0(%arg0: i32) -> (i32, i32) {
    %c0_i32 = arith.constant 0 : i32
    %c0_i32_0 = arith.constant 0 : i32
    return %c0_i32, %arg0 : i32, i32
  }
  func.func @transform_1(%arg0: i32) -> (i32, i32) {
    %c0_i32 = arith.constant 0 : i32
    %c0_i32_0 = arith.constant 0 : i32
    %c0_i32_1 = arith.constant 0 : i32
    return %c0_i32, %c0_i32_0 : i32, i32
  }
  func.func @transform_2(%arg0: i32) -> (i32, i32) {
    %c0_i32 = arith.constant 0 : i32
    %c0_i32_0 = arith.constant 0 : i32
    return %arg0, %c0_i32 : i32, i32
  }
}

module attributes {stable_mosaic.version = 14 : i64} {
  func.func @_fmt_body(%arg0: i32, %arg1: memref<16x8192xf32, #tpu.memory_space<vmem>>, %arg2: memref<128x128xf32, #tpu.memory_space<vmem>>, %arg3: memref<1024x128xf32, #tpu.memory_space<vmem>>) attributes {dimension_semantics = [#tpu.dimension_semantics<arbitrary>], iteration_bounds = array<i64: 74>, scalar_prefetch = 0 : i64, scratch_operands = 0 : i64, tpu.core_type = #tpu.core_type<tc>, window_params = [{transform_indices = @transform_0, window_bounds = array<i64: 16, 8192>}, {pipeline_mode = #tpu.pipeline_mode<synchronous>, transform_indices = @transform_1, window_bounds = array<i64: 128, 128>}, {transform_indices = @transform_2, window_bounds = array<i64: 1024, 128>}]} {
    %mul3A = arith.constant 8192 : i32
    %mul3A_0 = arith.muli %arg0, %mul3A : i32
    %iota3A = tpu.iota {dimensions = array<i32: 1>} : vector<16x8192xi32>
    %add3A = vector.broadcast %mul3A_0 : i32 to vector<16x8192xi32>
    %add3A_1 = arith.addi %add3A, %iota3A : vector<16x8192xi32>
    %lt3A = arith.constant 600001 : i32
    %lt3A_2 = vector.broadcast %lt3A : i32 to vector<16x8192xi32>
    %lt3A_3 = arith.cmpi slt, %add3A_1, %lt3A_2 : vector<16x8192xi32>
    %get3A = arith.constant 0 : index
    %get3A_4 = arith.constant 0 : index
    %get3A_5 = vector.load %arg1[%get3A, %get3A_4] : memref<16x8192xf32, #tpu.memory_space<vmem>>, vector<16x8192xf32>
    %jit3A = arith.constant 0.000000e+00 : f32
    %broadcast_in_dim3A = vector.broadcast %jit3A : f32 to vector<16x8192xf32>
    %select_n3A = arith.select %lt3A_3, %get3A_5, %broadcast_in_dim3A : vector<16x8192xi1>, vector<16x8192xf32>
    %reshape3A = vector.shape_cast %select_n3A : vector<16x8192xf32> to vector<128x1024xf32>
    %get3A_6 = arith.constant 0 : index
    %get3A_7 = arith.constant 0 : index
    %get3A_8 = vector.load %arg2[%get3A_6, %get3A_7] : memref<128x128xf32, #tpu.memory_space<vmem>>, vector<128x128xf32>
    %dot_general3A = arith.constant dense<0.000000e+00> : vector<1024x128xf32>
    %dot_general3A_9 = tpu.matmul %reshape3A, %get3A_8, %dot_general3A {dimension_numbers = #tpu.dot_dimension_numbers<[0], [0], [1], [1], [0, 1, 1, 1], [], []>, transpose_lhs_hint = false} : vector<128x1024xf32>, vector<128x128xf32>, vector<1024x128xf32> -> vector<1024x128xf32>
    %swap3A = arith.constant 0 : index
    %swap3A_10 = arith.constant 0 : index
    %swap3A_11 = vector.load %arg3[%swap3A, %swap3A_10] : memref<1024x128xf32, #tpu.memory_space<vmem>>, vector<1024x128xf32>
    tpu.vector_store %arg3[%swap3A, %swap3A_10], %dot_general3A_9 {strides = array<i32>} : memref<1024x128xf32, #tpu.memory_space<vmem>>, vector<1024x128xf32>,
    return
  }
  func.func @transform_0(%arg0: i32) -> (i32, i32) {
    %c0_i32 = arith.constant 0 : i32
    %c0_i32_0 = arith.constant 0 : i32
    return %c0_i32, %arg0 : i32, i32
  }
  func.func @transform_1(%arg0: i32) -> (i32, i32) {
    %c0_i32 = arith.constant 0 : i32
    %c0_i32_0 = arith.constant 0 : i32
    %c0_i32_1 = arith.constant 0 : i32
    return %c0_i32, %c0_i32_0 : i32, i32
  }
  func.func @transform_2(%arg0: i32) -> (i32, i32) {
    %c0_i32 = arith.constant 0 : i32
    %c0_i32_0 = arith.constant 0 : i32
    return %arg0, %c0_i32 : i32, i32
  }
}

module attributes {stable_mosaic.version = 14 : i64} {
  func.func @_fmt_body(%arg0: i32, %arg1: memref<32x8192xf32, #tpu.memory_space<vmem>>, %arg2: memref<128x128xf32, #tpu.memory_space<vmem>>, %arg3: memref<2048x128xf32, #tpu.memory_space<vmem>>) attributes {dimension_semantics = [#tpu.dimension_semantics<arbitrary>], iteration_bounds = array<i64: 37>, scalar_prefetch = 0 : i64, scratch_operands = 0 : i64, tpu.core_type = #tpu.core_type<tc>, window_params = [{transform_indices = @transform_0, window_bounds = array<i64: 32, 8192>}, {pipeline_mode = #tpu.pipeline_mode<synchronous>, transform_indices = @transform_1, window_bounds = array<i64: 128, 128>}, {transform_indices = @transform_2, window_bounds = array<i64: 2048, 128>}]} {
    %mul3A = arith.constant 8192 : i32
    %mul3A_0 = arith.muli %arg0, %mul3A : i32
    %iota3A = tpu.iota {dimensions = array<i32: 1>} : vector<32x8192xi32>
    %add3A = vector.broadcast %mul3A_0 : i32 to vector<32x8192xi32>
    %add3A_1 = arith.addi %add3A, %iota3A : vector<32x8192xi32>
    %lt3A = arith.constant 300001 : i32
    %lt3A_2 = vector.broadcast %lt3A : i32 to vector<32x8192xi32>
    %lt3A_3 = arith.cmpi slt, %add3A_1, %lt3A_2 : vector<32x8192xi32>
    %get3A = arith.constant 0 : index
    %get3A_4 = arith.constant 0 : index
    %get3A_5 = vector.load %arg1[%get3A, %get3A_4] : memref<32x8192xf32, #tpu.memory_space<vmem>>, vector<32x8192xf32>
    %jit3A = arith.constant 0.000000e+00 : f32
    %broadcast_in_dim3A = vector.broadcast %jit3A : f32 to vector<32x8192xf32>
    %select_n3A = arith.select %lt3A_3, %get3A_5, %broadcast_in_dim3A : vector<32x8192xi1>, vector<32x8192xf32>
    %reshape3A = vector.shape_cast %select_n3A : vector<32x8192xf32> to vector<128x2048xf32>
    %get3A_6 = arith.constant 0 : index
    %get3A_7 = arith.constant 0 : index
    %get3A_8 = vector.load %arg2[%get3A_6, %get3A_7] : memref<128x128xf32, #tpu.memory_space<vmem>>, vector<128x128xf32>
    %dot_general3A = arith.constant dense<0.000000e+00> : vector<2048x128xf32>
    %dot_general3A_9 = tpu.matmul %reshape3A, %get3A_8, %dot_general3A {dimension_numbers = #tpu.dot_dimension_numbers<[0], [0], [1], [1], [0, 1, 1, 1], [], []>, transpose_lhs_hint = false} : vector<128x2048xf32>, vector<128x128xf32>, vector<2048x128xf32> -> vector<2048x128xf32>
    %swap3A = arith.constant 0 : index
    %swap3A_10 = arith.constant 0 : index
    %swap3A_11 = vector.load %arg3[%swap3A, %swap3A_10] : memref<2048x128xf32, #tpu.memory_space<vmem>>, vector<2048x128xf32>
    tpu.vector_store %arg3[%swap3A, %swap3A_10], %dot_general3A_9 {strides = array<i32>} : memref<2048x128xf32, #tpu.memory_space<vmem>>, vector<2048x128xf32>,
    return
  }
  func.func @transform_0(%arg0: i32) -> (i32, i32) {
    %c0_i32 = arith.constant 0 : i32
    %c0_i32_0 = arith.constant 0 : i32
    return %c0_i32, %arg0 : i32, i32
  }
  func.func @transform_1(%arg0: i32) -> (i32, i32) {
    %c0_i32 = arith.constant 0 : i32
    %c0_i32_0 = arith.constant 0 : i32
    %c0_i32_1 = arith.constant 0 : i32
    return %c0_i32, %c0_i32_0 : i32, i32
  }
  func.func @transform_2(%arg0: i32) -> (i32, i32) {
    %c0_i32 = arith.constant 0 : i32
    %c0_i32_0 = arith.constant 0 : i32
    return %arg0, %c0_i32 : i32, i32
  }
}

module attributes {stable_mosaic.version = 14 : i64} {
  func.func @_proj_body(%arg0: i32, %arg1: memref<2048x1xi32, #tpu.memory_space<vmem>>, %arg2: memref<2048x128xf32, #tpu.memory_space<vmem>>, %arg3: memref<2048x128xf32, #tpu.memory_space<vmem>>, %arg4: memref<2048x128xf32, #tpu.memory_space<vmem>>, %arg5: memref<32x64xf32, #tpu.memory_space<vmem>>, %arg6: memref<1x64xf32, #tpu.memory_space<vmem>>, %arg7: memref<16x64xf32, #tpu.memory_space<vmem>>, %arg8: memref<1x64xf32, #tpu.memory_space<vmem>>, %arg9: memref<2048x64xf32, #tpu.memory_space<vmem>>) attributes {dimension_semantics = [#tpu.dimension_semantics<arbitrary>], iteration_bounds = array<i64: 8>, scalar_prefetch = 0 : i64, scratch_operands = 0 : i64, tpu.core_type = #tpu.core_type<tc>, window_params = [{transform_indices = @transform_0, window_bounds = array<i64: 2048, 1>}, {transform_indices = @transform_1, window_bounds = array<i64: 2048, 128>}, {transform_indices = @transform_2, window_bounds = array<i64: 2048, 128>}, {transform_indices = @transform_3, window_bounds = array<i64: 2048, 128>}, {pipeline_mode = #tpu.pipeline_mode<synchronous>, transform_indices = @transform_4, window_bounds = array<i64: 32, 64>}, {pipeline_mode = #tpu.pipeline_mode<synchronous>, transform_indices = @transform_5, window_bounds = array<i64: 1, 64>}, {pipeline_mode = #tpu.pipeline_mode<synchronous>, transform_indices = @transform_6, window_bounds = array<i64: 16, 64>}, {pipeline_mode = #tpu.pipeline_mode<synchronous>, transform_indices = @transform_7, window_bounds = array<i64: 1, 64>}, {transform_indices = @transform_8, window_bounds = array<i64: 2048, 64>}]} {
    %get3A = arith.constant 0 : index
    %get3A_0 = arith.constant 0 : index
    %get3A_1 = vector.load %arg1[%get3A, %get3A_0] : memref<2048x1xi32, #tpu.memory_space<vmem>>, vector<2048x1xi32>
    %lt3A = arith.constant 100000 : i32
    %lt3A_2 = vector.broadcast %lt3A : i32 to vector<2048x1xi32>
    %lt3A_3 = arith.cmpi slt, %get3A_1, %lt3A_2 : vector<2048x1xi32>
    %lt3A_4 = arith.constant 400000 : i32
    %lt3A_5 = vector.broadcast %lt3A_4 : i32 to vector<2048x1xi32>
    %lt3A_6 = arith.cmpi slt, %get3A_1, %lt3A_5 : vector<2048x1xi32>
    %add3A = arith.constant 1 : i32
    %add3A_7 = vector.broadcast %add3A : i32 to vector<2048x1xi32>
    %add3A_8 = arith.addi %get3A_1, %add3A_7 : vector<2048x1xi32>
    %shift_right_arithmetic3A = arith.constant 4 : i32
    %shift_right_arithmetic3A_9 = vector.broadcast %shift_right_arithmetic3A : i32 to vector<2048x1xi32>
    %shift_right_arithmetic3A_10 = arith.shrsi %get3A_1, %shift_right_arithmetic3A_9 : vector<2048x1xi32>
    %add3A_11 = arith.constant 1 : i32
    %add3A_12 = vector.broadcast %add3A_11 : i32 to vector<2048x1xi32>
    %add3A_13 = arith.addi %shift_right_arithmetic3A_10, %add3A_12 : vector<2048x1xi32>
    %select_n3A = arith.select %lt3A_3, %add3A_8, %add3A_13 : vector<2048x1xi1>, vector<2048x1xi32>
    %shift_right_arithmetic3A_14 = arith.constant 2 : i32
    %shift_right_arithmetic3A_15 = vector.broadcast %shift_right_arithmetic3A_14 : i32 to vector<2048x1xi32>
    %shift_right_arithmetic3A_16 = arith.shrsi %get3A_1, %shift_right_arithmetic3A_15 : vector<2048x1xi32>
    %add3A_17 = arith.constant 1 : i32
    %add3A_18 = vector.broadcast %add3A_17 : i32 to vector<2048x1xi32>
    %add3A_19 = arith.addi %shift_right_arithmetic3A_16, %add3A_18 : vector<2048x1xi32>
    %sub3A = arith.constant 99999 : i32
    %sub3A_20 = vector.broadcast %sub3A : i32 to vector<2048x1xi32>
    %sub3A_21 = arith.subi %get3A_1, %sub3A_20 : vector<2048x1xi32>
    %select_n3A_22 = arith.select %lt3A_6, %sub3A_21, %add3A_19 : vector<2048x1xi1>, vector<2048x1xi32>
    %select_n3A_23 = arith.select %lt3A_3, %add3A_19, %select_n3A_22 : vector<2048x1xi1>, vector<2048x1xi32>
    %shift_right_arithmetic3A_24 = arith.constant 1 : i32
    %shift_right_arithmetic3A_25 = vector.broadcast %shift_right_arithmetic3A_24 : i32 to vector<2048x1xi32>
    %shift_right_arithmetic3A_26 = arith.shrsi %get3A_1, %shift_right_arithmetic3A_25 : vector<2048x1xi32>
    %add3A_27 = arith.constant 1 : i32
    %add3A_28 = vector.broadcast %add3A_27 : i32 to vector<2048x1xi32>
    %add3A_29 = arith.addi %shift_right_arithmetic3A_26, %add3A_28 : vector<2048x1xi32>
    %sub3A_30 = arith.constant 399999 : i32
    %sub3A_31 = vector.broadcast %sub3A_30 : i32 to vector<2048x1xi32>
    %sub3A_32 = arith.subi %get3A_1, %sub3A_31 : vector<2048x1xi32>
    %select_n3A_33 = arith.select %lt3A_6, %add3A_29, %sub3A_32 : vector<2048x1xi1>, vector<2048x1xi32>
    %shift_right_arithmetic3A_34 = arith.constant 12 : i32
    %shift_right_arithmetic3A_35 = vector.broadcast %shift_right_arithmetic3A_34 : i32 to vector<2048x1xi32>
    %shift_right_arithmetic3A_36 = arith.shrsi %select_n3A, %shift_right_arithmetic3A_35 : vector<2048x1xi32>
    %and3A = arith.constant 1 : i32
    %and3A_37 = vector.broadcast %and3A : i32 to vector<2048x1xi32>
    %and3A_38 = arith.andi %shift_right_arithmetic3A_36, %and3A_37 : vector<2048x1xi32>
    %shift_right_arithmetic3A_39 = arith.constant 11 : i32
    %shift_right_arithmetic3A_40 = vector.broadcast %shift_right_arithmetic3A_39 : i32 to vector<2048x1xi32>
    %shift_right_arithmetic3A_41 = arith.shrsi %select_n3A_23, %shift_right_arithmetic3A_40 : vector<2048x1xi32>
    %and3A_42 = arith.constant 3 : i32
    %and3A_43 = vector.broadcast %and3A_42 : i32 to vector<2048x1xi32>
    %and3A_44 = arith.andi %shift_right_arithmetic3A_41, %and3A_43 : vector<2048x1xi32>
    %shift_right_arithmetic3A_45 = arith.constant 10 : i32
    %shift_right_arithmetic3A_46 = vector.broadcast %shift_right_arithmetic3A_45 : i32 to vector<2048x1xi32>
    %shift_right_arithmetic3A_47 = arith.shrsi %select_n3A_33, %shift_right_arithmetic3A_46 : vector<2048x1xi32>
    %and3A_48 = arith.constant 7 : i32
    %and3A_49 = vector.broadcast %and3A_48 : i32 to vector<2048x1xi32>
    %and3A_50 = arith.andi %shift_right_arithmetic3A_47, %and3A_49 : vector<2048x1xi32>
    %get3A_51 = arith.constant 0 : index
    %get3A_52 = arith.constant 0 : index
    %get3A_53 = vector.load %arg2[%get3A_51, %get3A_52] : memref<2048x128xf32, #tpu.memory_space<vmem>>, vector<2048x128xf32>
    %get3A_54 = arith.constant 0 : index
    %get3A_55 = arith.constant 0 : index
    %get3A_56 = vector.load %arg3[%get3A_54, %get3A_55] : memref<2048x128xf32, #tpu.memory_space<vmem>>, vector<2048x128xf32>
    %get3A_57 = arith.constant 0 : index
    %get3A_58 = arith.constant 0 : index
    %get3A_59 = vector.load %arg4[%get3A_57, %get3A_58] : memref<2048x128xf32, #tpu.memory_space<vmem>>, vector<2048x128xf32>
    %eq3A = arith.constant 0 : i32
    %eq3A_60 = vector.broadcast %eq3A : i32 to vector<2048x1xi32>
    %eq3A_61 = arith.cmpi eq, %and3A_38, %eq3A_60 : vector<2048x1xi32>
    %slice3A = vector.extract_strided_slice %get3A_53 {offsets = [0, 0], sizes = [2048, 64], strides = [1, 1]} : vector<2048x128xf32> to vector<2048x64xf32>
    %slice3A_62 = vector.extract_strided_slice %get3A_53 {offsets = [0, 64], sizes = [2048, 64], strides = [1, 1]} : vector<2048x128xf32> to vector<2048x64xf32>
    %broadcast_in_dim3A = vector.shape_cast %eq3A_61 : vector<2048x1xi1> to vector<2048x1xi1>
    %broadcast_in_dim3A_63 = vector.broadcast %broadcast_in_dim3A : vector<2048x1xi1> to vector<2048x64xi1>
    %select_n3A_64 = arith.select %broadcast_in_dim3A_63, %slice3A, %slice3A_62 : vector<2048x64xi1>, vector<2048x64xf32>
    %slice3A_65 = vector.extract_strided_slice %get3A_56 {offsets = [0, 0], sizes = [2048, 32], strides = [1, 1]} : vector<2048x128xf32> to vector<2048x32xf32>
    %eq3A_66 = arith.constant 1 : i32
    %eq3A_67 = vector.broadcast %eq3A_66 : i32 to vector<2048x1xi32>
    %eq3A_68 = arith.cmpi eq, %and3A_44, %eq3A_67 : vector<2048x1xi32>
    %slice3A_69 = vector.extract_strided_slice %get3A_56 {offsets = [0, 32], sizes = [2048, 32], strides = [1, 1]} : vector<2048x128xf32> to vector<2048x32xf32>
    %broadcast_in_dim3A_70 = vector.shape_cast %eq3A_68 : vector<2048x1xi1> to vector<2048x1xi1>
    %broadcast_in_dim3A_71 = vector.broadcast %broadcast_in_dim3A_70 : vector<2048x1xi1> to vector<2048x32xi1>
    %select_n3A_72 = arith.select %broadcast_in_dim3A_71, %slice3A_69, %slice3A_65 : vector<2048x32xi1>, vector<2048x32xf32>
    %eq3A_73 = arith.constant 2 : i32
    %eq3A_74 = vector.broadcast %eq3A_73 : i32 to vector<2048x1xi32>
    %eq3A_75 = arith.cmpi eq, %and3A_44, %eq3A_74 : vector<2048x1xi32>
    %slice3A_76 = vector.extract_strided_slice %get3A_56 {offsets = [0, 64], sizes = [2048, 32], strides = [1, 1]} : vector<2048x128xf32> to vector<2048x32xf32>
    %broadcast_in_dim3A_77 = vector.shape_cast %eq3A_75 : vector<2048x1xi1> to vector<2048x1xi1>
    %broadcast_in_dim3A_78 = vector.broadcast %broadcast_in_dim3A_77 : vector<2048x1xi1> to vector<2048x32xi1>
    %select_n3A_79 = arith.select %broadcast_in_dim3A_78, %slice3A_76, %select_n3A_72 : vector<2048x32xi1>, vector<2048x32xf32>
    %eq3A_80 = arith.constant 3 : i32
    %eq3A_81 = vector.broadcast %eq3A_80 : i32 to vector<2048x1xi32>
    %eq3A_82 = arith.cmpi eq, %and3A_44, %eq3A_81 : vector<2048x1xi32>
    %slice3A_83 = vector.extract_strided_slice %get3A_56 {offsets = [0, 96], sizes = [2048, 32], strides = [1, 1]} : vector<2048x128xf32> to vector<2048x32xf32>
    %broadcast_in_dim3A_84 = vector.shape_cast %eq3A_82 : vector<2048x1xi1> to vector<2048x1xi1>
    %broadcast_in_dim3A_85 = vector.broadcast %broadcast_in_dim3A_84 : vector<2048x1xi1> to vector<2048x32xi1>
    %select_n3A_86 = arith.select %broadcast_in_dim3A_85, %slice3A_83, %select_n3A_79 : vector<2048x32xi1>, vector<2048x32xf32>
    %slice3A_87 = vector.extract_strided_slice %get3A_59 {offsets = [0, 0], sizes = [2048, 16], strides = [1, 1]} : vector<2048x128xf32> to vector<2048x16xf32>
    %eq3A_88 = arith.constant 1 : i32
    %eq3A_89 = vector.broadcast %eq3A_88 : i32 to vector<2048x1xi32>
    %eq3A_90 = arith.cmpi eq, %and3A_50, %eq3A_89 : vector<2048x1xi32>
    %slice3A_91 = vector.extract_strided_slice %get3A_59 {offsets = [0, 16], sizes = [2048, 16], strides = [1, 1]} : vector<2048x128xf32> to vector<2048x16xf32>
    %broadcast_in_dim3A_92 = vector.shape_cast %eq3A_90 : vector<2048x1xi1> to vector<2048x1xi1>
    %broadcast_in_dim3A_93 = vector.broadcast %broadcast_in_dim3A_92 : vector<2048x1xi1> to vector<2048x16xi1>
    %select_n3A_94 = arith.select %broadcast_in_dim3A_93, %slice3A_91, %slice3A_87 : vector<2048x16xi1>, vector<2048x16xf32>
    %eq3A_95 = arith.constant 2 : i32
    %eq3A_96 = vector.broadcast %eq3A_95 : i32 to vector<2048x1xi32>
    %eq3A_97 = arith.cmpi eq, %and3A_50, %eq3A_96 : vector<2048x1xi32>
    %slice3A_98 = vector.extract_strided_slice %get3A_59 {offsets = [0, 32], sizes = [2048, 16], strides = [1, 1]} : vector<2048x128xf32> to vector<2048x16xf32>
    %broadcast_in_dim3A_99 = vector.shape_cast %eq3A_97 : vector<2048x1xi1> to vector<2048x1xi1>
    %broadcast_in_dim3A_100 = vector.broadcast %broadcast_in_dim3A_99 : vector<2048x1xi1> to vector<2048x16xi1>
    %select_n3A_101 = arith.select %broadcast_in_dim3A_100, %slice3A_98, %select_n3A_94 : vector<2048x16xi1>, vector<2048x16xf32>
    %eq3A_102 = arith.constant 3 : i32
    %eq3A_103 = vector.broadcast %eq3A_102 : i32 to vector<2048x1xi32>
    %eq3A_104 = arith.cmpi eq, %and3A_50, %eq3A_103 : vector<2048x1xi32>
    %slice3A_105 = vector.extract_strided_slice %get3A_59 {offsets = [0, 48], sizes = [2048, 16], strides = [1, 1]} : vector<2048x128xf32> to vector<2048x16xf32>
    %broadcast_in_dim3A_106 = vector.shape_cast %eq3A_104 : vector<2048x1xi1> to vector<2048x1xi1>
    %broadcast_in_dim3A_107 = vector.broadcast %broadcast_in_dim3A_106 : vector<2048x1xi1> to vector<2048x16xi1>
    %select_n3A_108 = arith.select %broadcast_in_dim3A_107, %slice3A_105, %select_n3A_101 : vector<2048x16xi1>, vector<2048x16xf32>
    %eq3A_109 = arith.constant 4 : i32
    %eq3A_110 = vector.broadcast %eq3A_109 : i32 to vector<2048x1xi32>
    %eq3A_111 = arith.cmpi eq, %and3A_50, %eq3A_110 : vector<2048x1xi32>
    %slice3A_112 = vector.extract_strided_slice %get3A_59 {offsets = [0, 64], sizes = [2048, 16], strides = [1, 1]} : vector<2048x128xf32> to vector<2048x16xf32>
    %broadcast_in_dim3A_113 = vector.shape_cast %eq3A_111 : vector<2048x1xi1> to vector<2048x1xi1>
    %broadcast_in_dim3A_114 = vector.broadcast %broadcast_in_dim3A_113 : vector<2048x1xi1> to vector<2048x16xi1>
    %select_n3A_115 = arith.select %broadcast_in_dim3A_114, %slice3A_112, %select_n3A_108 : vector<2048x16xi1>, vector<2048x16xf32>
    %eq3A_116 = arith.constant 5 : i32
    %eq3A_117 = vector.broadcast %eq3A_116 : i32 to vector<2048x1xi32>
    %eq3A_118 = arith.cmpi eq, %and3A_50, %eq3A_117 : vector<2048x1xi32>
    %slice3A_119 = vector.extract_strided_slice %get3A_59 {offsets = [0, 80], sizes = [2048, 16], strides = [1, 1]} : vector<2048x128xf32> to vector<2048x16xf32>
    %broadcast_in_dim3A_120 = vector.shape_cast %eq3A_118 : vector<2048x1xi1> to vector<2048x1xi1>
    %broadcast_in_dim3A_121 = vector.broadcast %broadcast_in_dim3A_120 : vector<2048x1xi1> to vector<2048x16xi1>
    %select_n3A_122 = arith.select %broadcast_in_dim3A_121, %slice3A_119, %select_n3A_115 : vector<2048x16xi1>, vector<2048x16xf32>
    %eq3A_123 = arith.constant 6 : i32
    %eq3A_124 = vector.broadcast %eq3A_123 : i32 to vector<2048x1xi32>
    %eq3A_125 = arith.cmpi eq, %and3A_50, %eq3A_124 : vector<2048x1xi32>
    %slice3A_126 = vector.extract_strided_slice %get3A_59 {offsets = [0, 96], sizes = [2048, 16], strides = [1, 1]} : vector<2048x128xf32> to vector<2048x16xf32>
    %broadcast_in_dim3A_127 = vector.shape_cast %eq3A_125 : vector<2048x1xi1> to vector<2048x1xi1>
    %broadcast_in_dim3A_128 = vector.broadcast %broadcast_in_dim3A_127 : vector<2048x1xi1> to vector<2048x16xi1>
    %select_n3A_129 = arith.select %broadcast_in_dim3A_128, %slice3A_126, %select_n3A_122 : vector<2048x16xi1>, vector<2048x16xf32>
    %eq3A_130 = arith.constant 7 : i32
    %eq3A_131 = vector.broadcast %eq3A_130 : i32 to vector<2048x1xi32>
    %eq3A_132 = arith.cmpi eq, %and3A_50, %eq3A_131 : vector<2048x1xi32>
    %slice3A_133 = vector.extract_strided_slice %get3A_59 {offsets = [0, 112], sizes = [2048, 16], strides = [1, 1]} : vector<2048x128xf32> to vector<2048x16xf32>
    %broadcast_in_dim3A_134 = vector.shape_cast %eq3A_132 : vector<2048x1xi1> to vector<2048x1xi1>
    %broadcast_in_dim3A_135 = vector.broadcast %broadcast_in_dim3A_134 : vector<2048x1xi1> to vector<2048x16xi1>
    %select_n3A_136 = arith.select %broadcast_in_dim3A_135, %slice3A_133, %select_n3A_129 : vector<2048x16xi1>, vector<2048x16xf32>
    %get3A_137 = arith.constant 0 : index
    %get3A_138 = arith.constant 0 : index
    %get3A_139 = vector.load %arg5[%get3A_137, %get3A_138] : memref<32x64xf32, #tpu.memory_space<vmem>>, vector<32x64xf32>
    %dot_general3A = arith.constant dense<0.000000e+00> : vector<2048x64xf32>
    %dot_general3A_140 = tpu.matmul %select_n3A_86, %get3A_139, %dot_general3A {dimension_numbers = #tpu.dot_dimension_numbers<[1], [0], [0], [1], [0, 0, 1, 1], [], []>, transpose_lhs_hint = false} : vector<2048x32xf32>, vector<32x64xf32>, vector<2048x64xf32> -> vector<2048x64xf32>
    %get3A_141 = arith.constant 0 : index
    %get3A_142 = arith.constant 0 : index
    %get3A_143 = vector.load %arg6[%get3A_141, %get3A_142] : memref<1x64xf32, #tpu.memory_space<vmem>>, vector<1x64xf32>
    %add3A_144 = vector.broadcast %get3A_143 : vector<1x64xf32> to vector<2048x64xf32>
    %add3A_145 = arith.addf %dot_general3A_140, %add3A_144 : vector<2048x64xf32>
    %get3A_146 = arith.constant 0 : index
    %get3A_147 = arith.constant 0 : index
    %get3A_148 = vector.load %arg7[%get3A_146, %get3A_147] : memref<16x64xf32, #tpu.memory_space<vmem>>, vector<16x64xf32>
    %dot_general3A_149 = arith.constant dense<0.000000e+00> : vector<2048x64xf32>
    %dot_general3A_150 = tpu.matmul %select_n3A_136, %get3A_148, %dot_general3A_149 {dimension_numbers = #tpu.dot_dimension_numbers<[1], [0], [0], [1], [0, 0, 1, 1], [], []>, transpose_lhs_hint = false} : vector<2048x16xf32>, vector<16x64xf32>, vector<2048x64xf32> -> vector<2048x64xf32>
    %get3A_151 = arith.constant 0 : index
    %get3A_152 = arith.constant 0 : index
    %get3A_153 = vector.load %arg8[%get3A_151, %get3A_152] : memref<1x64xf32, #tpu.memory_space<vmem>>, vector<1x64xf32>
    %add3A_154 = vector.broadcast %get3A_153 : vector<1x64xf32> to vector<2048x64xf32>
    %add3A_155 = arith.addf %dot_general3A_150, %add3A_154 : vector<2048x64xf32>
    %broadcast_in_dim3A_156 = vector.shape_cast %lt3A_6 : vector<2048x1xi1> to vector<2048x1xi1>
    %broadcast_in_dim3A_157 = vector.broadcast %broadcast_in_dim3A_156 : vector<2048x1xi1> to vector<2048x64xi1>
    %select_n3A_158 = arith.select %broadcast_in_dim3A_157, %add3A_145, %add3A_155 : vector<2048x64xi1>, vector<2048x64xf32>
    %broadcast_in_dim3A_159 = vector.shape_cast %lt3A_3 : vector<2048x1xi1> to vector<2048x1xi1>
    %broadcast_in_dim3A_160 = vector.broadcast %broadcast_in_dim3A_159 : vector<2048x1xi1> to vector<2048x64xi1>
    %select_n3A_161 = arith.select %broadcast_in_dim3A_160, %select_n3A_64, %select_n3A_158 : vector<2048x64xi1>, vector<2048x64xf32>
    %swap3A = arith.constant 0 : index
    %swap3A_162 = arith.constant 0 : index
    %swap3A_163 = vector.load %arg9[%swap3A, %swap3A_162] : memref<2048x64xf32, #tpu.memory_space<vmem>>, vector<2048x64xf32>
    tpu.vector_store %arg9[%swap3A, %swap3A_162], %select_n3A_161 {strides = array<i32>} : memref<2048x64xf32, #tpu.memory_space<vmem>>, vector<2048x64xf32>,
    return
  }
  func.func @transform_0(%arg0: i32) -> (i32, i32) {
    %c0_i32 = arith.constant 0 : i32
    %c0_i32_0 = arith.constant 0 : i32
    return %arg0, %c0_i32 : i32, i32
  }
  func.func @transform_1(%arg0: i32) -> (i32, i32) {
    %c0_i32 = arith.constant 0 : i32
    %c0_i32_0 = arith.constant 0 : i32
    return %arg0, %c0_i32 : i32, i32
  }
  func.func @transform_2(%arg0: i32) -> (i32, i32) {
    %c0_i32 = arith.constant 0 : i32
    %c0_i32_0 = arith.constant 0 : i32
    return %arg0, %c0_i32 : i32, i32
  }
  func.func @transform_3(%arg0: i32) -> (i32, i32) {
    %c0_i32 = arith.constant 0 : i32
    %c0_i32_0 = arith.constant 0 : i32
    return %arg0, %c0_i32 : i32, i32
  }
  func.func @transform_4(%arg0: i32) -> (i32, i32) {
    %c0_i32 = arith.constant 0 : i32
    %c0_i32_0 = arith.constant 0 : i32
    %c0_i32_1 = arith.constant 0 : i32
    return %c0_i32, %c0_i32_0 : i32, i32
  }
  func.func @transform_5(%arg0: i32) -> (i32, i32) {
    %c0_i32 = arith.constant 0 : i32
    %c0_i32_0 = arith.constant 0 : i32
    %c0_i32_1 = arith.constant 0 : i32
    return %c0_i32, %c0_i32_0 : i32, i32
  }
  func.func @transform_6(%arg0: i32) -> (i32, i32) {
    %c0_i32 = arith.constant 0 : i32
    %c0_i32_0 = arith.constant 0 : i32
    %c0_i32_1 = arith.constant 0 : i32
    return %c0_i32, %c0_i32_0 : i32, i32
  }
  func.func @transform_7(%arg0: i32) -> (i32, i32) {
    %c0_i32 = arith.constant 0 : i32
    %c0_i32_0 = arith.constant 0 : i32
    %c0_i32_1 = arith.constant 0 : i32
    return %c0_i32, %c0_i32_0 : i32, i32
  }
  func.func @transform_8(%arg0: i32) -> (i32, i32) {
    %c0_i32 = arith.constant 0 : i32
    %c0_i32_0 = arith.constant 0 : i32
    return %arg0, %c0_i32 : i32, i32
  }
}

</mosaic_0001>

<sc_bundles>
// kernel: kernel.7.cloned.1.call-start
scs
__scs_entry_jumppad:
0x0: {  	(pc) =	sbr.rel $0x88, $3  }
0x1: {  	(tag) =	ssettag $0x0;
	lr =	simm.s32 $0x1  }
0x2: {  	[smem:$0x3F99] =	sst lr;
	_ =	strace $0xD0000000  }
0x3: {  	_ = 	snop  }
0x4: {  	_ = 	snop  }
0x5: {  	_ = 	snop  }
0x6: {  	_ = 	snop  }
0x7: {  	_ = 	snop  }
__scs_overlays_trampoline_lowered:
0x8: {  	[smem:$0x3FA8] =	sst s0  }
0x9: {  	[smem:$0x3FA9] =	sst s1  }
0xa: {  	[smem:$0x3FAA] =	sst s2  }
0xb: {  	[smem:$0x3FAB] =	sst s3  }
0xc: {  	[smem:$0x3FAC] =	sst s4  }
0xd: {  	[smem:$0x3FAD] =	sst s5  }
0xe: {  	[smem:$0x3FAE] =	sst s6  }
0xf: {  	[smem:$0x3FAF] =	sst s7  }
0x10: {  	[smem:$0x3FB0] =	sst s8  }
0x11: {  	[smem:$0x3FB1] =	sst s9;
	s0 =	simm.s32 @!p0 $0x0  }
0x12: {  	s1 =	sld [smem:$0x3F97];
	s0 =	simm.s32 @p0 $0x1  }
0x13: {  	[smem:$0x3FB2] =	sst s0;
	s0 =	simm.s32 @!p1 $0x0  }
0x14: {  	s2 =	sld [smem:$0x3F96];
	s0 =	simm.s32 @p1 $0x1  }
0x15: {  	[smem:$0x3FB3] =	sst s0;
	s0 =	simm.s32 @!p2 $0x0  }
0x16: {  	s3 =	sld [smem:$0x3FDB];
	s0 =	simm.s32 @p2 $0x1  }
0x17: {  	s4 =	simm.s32 $0x1BF5;
	[smem:$0x3FB5] =	sst s0  }
0x18: {  	s0 =	sld [smem:$0x3F98];
	_ =	swait.ge [sflag:s4], $0x0  }
0x19: {  	s7 =	sld [smem:$0x3F99]  }
0x1a: {  	s8 =	sadd.s32 $0xFFFFE003, lr  }
0x1b: {  	s9 =	sadd.s32 $0xFFFFFEF7, lr;
	s5 =	simm.s32 $0xFFFFFFFF;
	p2 =	slt.u32 s8, $0xFFFFF086  }
0x1c: {  	p1 =	slt.u32 s9, $0xF7A;
	s5 =	simm.s32 @!p2 $0x0  }
0x1d: {  	s5 =	simm.s32 @p1 $0x1;
	p0 =	seq.s32 s7, s2  }
0x1e: {  	s7 =	smul.u32 @!p0 $0xF7A, s2;
	p2 =	seq.s32 @!p0 s5, $0x0  }
0x1f: {  	s9 =	smul.u32 $0xF7A, s1;
	s8 =	simm.s32 @!p0 $0x1BF5;
	p2 =	por !p2, p0  }
0x20: {  	[sflag:s8] =	ssyncset.s32 @!p0 $0xFFFFF086;
	s6 =	sadd.s32 @!p0 s3, s7;
	s7 =	simm.s32 @!p0 $0x108  }
0x21: {  	s3 =	sadd.s32 s3, s9;
	s6 =	sadd.s32 @!p0 $0x88, s6;
	s7 =	simm.s32 @p2 $0x1082  }
0x22: {  	[simem:s7], [sflag:s8] =	dma.local @!p0 [hbm:s6], $0xF7A  }
0x23: {  	s9 =	sor.u32 $0xD0000000, s2;
	s6 =	simm.s32 $0x108;
	_ =	swait.ge @!p0 [sflag:s8], $0x0  }
0x24: {  	s3 =	sadd.s32 $0x88, s3;
	s6 =	simm.s32 @!p1 $0x1082;
	[sflag:s4] =	ssyncset.s32 $0xFFFFF086  }
0x25: {  	[simem:s6], [sflag:s4] =	dma.local [hbm:s3], $0xF7A  }
0x26: {  	[smem:$0x3F99] =	sst s1;
	(tag) =	ssettag s2;
	_ =	strace s9  }
0x27: {  	s1 =	sld [smem:$0x3FA9]  }
0x28: {  	s2 =	sld [smem:$0x3FAA]  }
0x29: {  	s4 =	sld [smem:$0x3FAC]  }
0x2a: {  	p0 =	seq.s32 s5, $0x0;
	s5 =	sld [smem:$0x3FAD]  }
0x2b: {  	s6 =	sld [smem:$0x3FAE]  }
0x2c: {  	s7 =	sld [smem:$0x3FAF]  }
0x2d: {  	s3 =	simm.s32 $0x108;
	s8 =	sld [smem:$0x3FB0]  }
0x2e: {  	s3 =	simm.s32 @!p0 $0x1082;
	s9 =	sld [smem:$0x3FB1]  }
0x2f: {  	lr =	sadd.s32 s0, s3;
	s0 =	sld [smem:$0x3FA8]  }
0x30: {  	s3 =	sld [smem:$0x3FAB]  }
0x31: {  	[smem:$0x3FB4] =	sst s10  }
0x32: {  	s10 =	sld [smem:$0x3FB2];
	_ =	sdelay $0x3  }
0x33: {  	p0 =	seq.s32 s10, $0x1;
	s10 =	sld [smem:$0x3FB4];
	_ =	sdelay $0x3  }
0x34: {  	[smem:$0x3FB4] =	sst s10  }
0x35: {  	s10 =	sld [smem:$0x3FB3];
	_ =	sdelay $0x3  }
0x36: {  	p1 =	seq.s32 s10, $0x1;
	s10 =	sld [smem:$0x3FB4];
	_ =	sdelay $0x3  }
0x37: {  	[smem:$0x3FB4] =	sst s10  }
0x38: {  	s10 =	sld [smem:$0x3FB5]  }
0x39: {  	_ = 	snop;
	(pc) =	sbr.ind lr, $3  }
0x3a: {  	_ = 	snop  }
0x3b: {  	_ = 	snop  }
0x3c: {  	p2 =	seq.s32 s10, $0x1;
	s10 =	sld [smem:$0x3FB4]  }
0x3d: {  	_ =	shalt  }
0x3e: {  	_ =	shalt  }
0x3f: {  	_ =	shalt  }
0x40: {  	_ =	shalt  }
0x41: {  	_ =	shalt  }
0x42: {  	_ =	shalt  }
0x43: {  	_ =	shalt  }
0x44: {  	_ =	shalt  }
0x45: {  	_ =	shalt  }
0x46: {  	_ =	shalt  }
0x47: {  	_ =	shalt  }
0x48: {  	_ =	shalt  }
0x49: {  	_ =	shalt  }
0x4a: {  	_ =	shalt  }
0x4b: {  	_ =	shalt  }
0x4c: {  	_ =	shalt  }
0x4d: {  	_ =	shalt  }
0x4e: {  	_ =	shalt  }
0x4f: {  	_ =	shalt  }
0x50: {  	_ =	shalt  }
0x51: {  	_ =	shalt  }
0x52: {  	_ =	shalt  }
0x53: {  	_ =	shalt  }
0x54: {  	_ =	shalt  }
0x55: {  	_ =	shalt  }
0x56: {  	_ =	shalt  }
0x57: {  	_ =	shalt  }
0x58: {  	_ =	shalt  }
0x59: {  	_ =	shalt  }
0x5a: {  	_ =	shalt  }
0x5b: {  	_ =	shalt  }
0x5c: {  	_ =	shalt  }
0x5d: {  	_ =	shalt  }
0x5e: {  	_ =	shalt  }
0x5f: {  	_ =	shalt  }
0x60: {  	_ =	shalt  }
0x61: {  	_ =	shalt  }
0x62: {  	_ =	shalt  }
0x63: {  	_ =	shalt  }
0x64: {  	_ =	shalt  }
0x65: {  	_ =	shalt  }
0x66: {  	_ =	shalt  }
0x67: {  	_ =	shalt  }
0x68: {  	_ =	shalt  }
0x69: {  	_ =	shalt  }
0x6a: {  	_ =	shalt  }
0x6b: {  	_ =	shalt  }
0x6c: {  	_ =	shalt  }
0x6d: {  	_ =	shalt  }
0x6e: {  	_ =	shalt  }
0x6f: {  	_ =	shalt  }
0x70: {  	_ =	shalt  }
0x71: {  	_ =	shalt  }
0x72: {  	_ =	shalt  }
0x73: {  	_ =	shalt  }
0x74: {  	_ =	shalt  }
0x75: {  	_ =	shalt  }
0x76: {  	_ =	shalt  }
0x77: {  	_ =	shalt  }
0x78: {  	_ =	shalt  }
0x79: {  	_ =	shalt  }
0x7a: {  	_ =	shalt  }
0x7b: {  	_ =	shalt  }
0x7c: {  	_ =	shalt  }
0x7d: {  	_ =	shalt  }
0x7e: {  	_ =	shalt  }
0x7f: {  	_ =	shalt  }
0x80: {  	_ =	shalt  }
0x81: {  	_ =	shalt  }
0x82: {  	_ =	shalt  }
0x83: {  	_ =	shalt  }
0x84: {  	_ =	shalt  }
0x85: {  	_ =	shalt  }
0x86: {  	_ =	shalt  }
0x87: {  	_ =	shalt  }
.Lfunc_end0:
.L_simem_size_0:
called_computation_lowered:
.L_overlay_start_0:
0x88: {  	s2 =	sld [smem:$0x3FD9]  }
0x89: {  	s3 =	sld [smem:$0x3FFE];
	_ =	sdelay $0x1  }
0x8a: {  	s1 =	srdreg.scid  }
0x8b: {  	s0 =	sand.u32 $0x1, s1  }
0x8c: {  	s17 =	sshll.u32 s0, $0xA;
	s2 =	sadd.s32 s3, s2  }
0x8d: {  	s2 =	sadd.s32 s2, s17  }
0x8e: {  	[smem:$0x3FC0] =	sst s2  }
0x8f: {  	_ = 	snop  }
0x90: {  	s2 =	sld [smem:$0x3FC9];
	(tm) =	ssettm $0x1  }
0x91: {  	s18 =	sld [smem:$0x3FFB];
	_ =	sdelay $0x3  }
0x92: {  	_ =	strace s18  }
0x93: {  	s3 =	sld [smem:$0x3FFC];
	_ =	sdelay $0x3  }
0x94: {  	_ =	strace s3  }
0x95: {  	s3 =	sld [smem:$0x3FFD];
	_ =	sdelay $0x3  }
0x96: {  	_ =	strace s3  }
0x97: {  	_ =	strace $0x8FFFFFFF  }
0x98: {  	s19 =	sld [smem:$0x3FDB];
	_ =	sdelay $0x1  }
0x99: {  	s4 =	simm.s32 $_scs_section_size  }
0x9a: {  	s5 =	simm.s32 $_size__tile_overlayer_lowered;
	s6 =	simm.s32 $_tile_overlayer_lowered  }
0x9b: {  	s22 =	simm.s32 $0x1BFF;
	s21 =	sshll.u32 s6, $0x1;
	s3 =	sadd.s32 s4, s19  }
0x9c: {  	s7 =	simm.s32 $0x0;
	s20 =	sshll.u32 s5, $0x1;
	s5 =	sadd.s32 s21, s3  }
0x9d: {  	[timem:s7], [sflag:s22] =	dma.local [hbm:s5], s20  }
0x9e: {  	_ =	swait.ge [sflag:s22], s20  }
0x9f: {  	s4 =	ssub.s32 $0x0, s20;
	[sflag:s22] =	ssyncset.done $0x0  }
0xa0: {  	[sflag:s22] =	ssyncadd.s32 s4;
	_ =	sdelay $0x1  }
0xa1: {  	s23 =	simm.s32 $0x1B8B  }
0xa2: {  	_ =	swait.ge [sflag:s23], $0x1  }
0xa3: {  	[sflag:s23] =	ssyncset.done $0x0  }
0xa4: {  	s25 =	simm.s32 $0x1B8E;
	s24 =	sld [smem:$0x3FFE];
	[sflag:s23] =	ssyncadd.s32 $0xFFFFFFFF  }
0xa5: {  	s26 =	simm.s32 $execute0_lowered;
	[smem:$0x3FD2] =	sst s25  }
0xa6: {  	s5 =	sshll.u32 s26, $0x1;
	_ =	strace $0x80000046;
	[dreg:$0x1] =	wrdreg $0xFFFFFFFF  }
0xa7: {  	s28 =	simm.s32 $_size_execute0_lowered;
	s3 =	sadd.s32 s3, s5;
	[dreg:$0x0] =	wrdreg $0x0  }
0xa8: {  	s5 =	sshll.u32 s28, $0x1;
	[dreg:$0x2] =	wrdreg s3  }
0xa9: {  	[dreg:$0x3] =	wrdreg s5  }
0xaa: {  	[dreg:$0x4] =	wrdreg $0xC0  }
0xab: {  	_ =	task [dreg:s7], $0x5FFFF  }
0xac: {  	[dreg:$0x1] =	wrdreg $0xFFFFFFFF  }
0xad: {  	[dreg:$0x0] =	wrdreg $0x60  }
0xae: {  	[dreg:$0x2] =	wrdreg s2  }
0xaf: {  	[dreg:$0x3] =	wrdreg s24  }
0xb0: {  	[dreg:$0x4] =	wrdreg $0x9  }
0xb1: {  	_ =	task.clear_ibuf [dreg:s7], $0x5FFFF;
	_ =	strace $0x90000046  }
0xb2: {  	s29 =	simm.s32 $0x9;
	_ =	strace $0x80000048  }
0xb3: {  	_ =	swait.ge [sflag:s29], $0x1  }
0xb4: {  	[sflag:s29] =	ssyncadd.s32 $0xFFFFFFFF  }
0xb5: {  	_ =	strace $0x90000048  }
0xb6: {  	_ =	sfence  }
0xb7: {  	s30 =	sld [smem:$0x0];
	_ =	sdelay $0x2  }
0xb8: {  	s31 =	sshll.u32 s1, $0xD;
	s1 =	sshrl.u32 s1, $0x2  }
0xb9: {  	s3 =	sand.u32 $0x4000, s31;
	s1 =	sadd.s32 s1, s30  }
0xba: {  	s0 =	sor.u32 s3, s0;
	s1 =	sshll.u32 s1, $0x11  }
0xbb: {  	s0 =	sor.u32 s1, s0  }
0xbc: {  	s0 =	sadd.s32 $0x8F2B, s0  }
0xbd: {  	[sflag:s0] =	ssyncadd.remote.s32 $0x1  }
0xbe: {  	_ =	sfence.sel $0xFFFF  }
0xbf: {  	[dreg:$0x0] =	wrdreg $0xFFFFFFFF;
	(pc) =	sbr.abs _section_cstart, $3  }
0xc0: {  	[dreg:$0x1] =	wrdreg $0xFFFFFFFF  }
0xc1: {  	_ =	task.clear_ibuf [dreg:s7], $0x2FFFF;
	_ =	strace $0x9FFFFFFF  }
0xc2: {  	(tm) =	ssettm $0x7FFFFFFF  }
0xc3: {  	_ =	shalt  }
tec
execute0_lowered:
.L_overlay_start_1:
0x0: {  	(tag) =	ssettag $0x1  }
0x1: {  	s0 =	rddreg [dreg:$0x0]  }
0x2: {  	s5 =	rddreg [dreg:$0x1]  }
0x3: {  	s2 =	srdreg.scid;
	s1 =	stileid.u32;
	s12 =	simm.s32 $0x400  }
0x4: {  	s28 =	simm.s32 $0x700;
	s29 =	simm.s32 $0x4;
	s30 =	simm.s32 $0x380  }
0x5: {  	s31 =	simm.s32 $0x580;
	s6 =	sand.u32 $0x1, s2;
	s3 =	sshll.u32 s1, $0xA  }
0x6: {  	s2 =	simm.s32 $0x0;
	s7 =	sadd.s32 $0x320800, s5;
	s9 =	sadd.s32 $0x360800, s5  }
0x7: {  	s10 =	sadd.s32 $0x3A0800, s5;
	s4 =	sshll.u32 s6, $0x9;
	[smem:$0x7FF] =	sst s2  }
0x8: {  	s6 =	ssub.s32 $0x2, s6;
	s3 =	sor.u32 s4, s3;
	_ =	strace $0x80000047  }
0x9: {  	s23 =	sshrl.u32 s6, $0x1;
	s4 =	sshrl.u32 s3, $0x3;
	s8 =	sshll.u32 s3, $0x4  }
0xa: {  	s3 =	sadd.s32 $0x250800, s5;
	s25 =	ssub.s32 s6, s23;
	s23 =	simm.s32 $0x2  }
0xb: {  	s0 =	sadd.s32 s0, s4;
	s13 =	sadd.s32 s7, s8;
	s14 =	sadd.s32 s9, s8  }
0xc: {  	s15 =	sadd.s32 s10, s8;
	s11 =	sor.u32 $0x800, s8;
	[dreg:$0x3] =	wrdreg s0  }
0xd: {  	s4 =	sadd.s32 $0x128800, s5;
	s19 =	sor.u32 $0x1000, s8;
	[dreg:$0x4] =	wrdreg s13  }
0xe: {  	s5 =	sadd.s32 $0x800, s5;
	s8 =	sor.u32 $0x1800, s8;
	[dreg:$0x5] =	wrdreg s14  }
0xf: {  	[dreg:$0x6] =	wrdreg s15;
	s16 =	sadd.s32 s7, s11;
	s17 =	sadd.s32 s9, s11  }
0x10: {  	s18 =	sadd.s32 s10, s11;
	s20 =	sadd.s32 s7, s19;
	s21 =	sadd.s32 s9, s19  }
0x11: {  	s22 =	sadd.s32 s10, s19;
	s24 =	sadd.s32 s7, s8;
	[dreg:$0x7] =	wrdreg s16  }
0x12: {  	s26 =	sadd.s32 s9, s8;
	s6 =	sadd.s32 s10, s8;
	[dreg:$0x8] =	wrdreg s17  }
0x13: {  	s7 =	smax.u32 s25, $0x1;
	s8 =	simm.s32 $0x5;
	[dreg:$0x9] =	wrdreg s18  }
0x14: {  	s9 =	simm.s32 $0x80;
	s11 =	simm.s32 $0x800;
	[dreg:$0xa] =	wrdreg s20  }
0x15: {  	s13 =	simm.s32 $0x4800;
	s14 =	simm.s32 $0x600;
	[dreg:$0xb] =	wrdreg s21  }
0x16: {  	s15 =	simm.s32 $0x8800;
	s19 =	simm.s32 $0x480;
	[dreg:$0xc] =	wrdreg s22  }
0x17: {  	s25 =	simm.s32 $0x300;
	s0 =	simm.s32 $0x780;
	[dreg:$0xd] =	wrdreg s24  }
0x18: {  	[dreg:$0xe] =	wrdreg s26;
	s16 =	simm.s32 $0x1;
	s17 =	simm.s32 $0x280  }
0x19: {  	s18 =	simm.s32 $0xC800;
	s20 =	simm.s32 $0x10800;
	s21 =	simm.s32 $0x680  }
0x1a: {  	s22 =	simm.s32 $0x14800;
	s24 =	simm.s32 $0x3;
	s26 =	simm.s32 $0x500  }
.LBB2_1:
0x1b: {  	s1 =	rddreg [dreg:$0x3]  }
0x1c: {  	[tilespmem:s2], [sflag:$0x5] =	stream.linear.gather [hbm4b:s1+s2], $0x200, $0x38;
	[tilespmem:$0x18800] =	vst v63  }
0x1d: {  	_ =	swait.ge [sflag:s8], $0x200  }
0x1e: {  	[sflag:s8] =	ssyncset.done $0x0  }
0x1f: {  	[sflag:s8] =	ssyncadd.s32 $0xFFFFFE00  }
0x20: {  	v0 =	vld [tilespmem:$0x0];
	_ =	sdelay $0x1  }
0x21: {  	v5 =	vld [tilespmem:$0x10];
	_ =	sdelay $0x2  }
0x22: {  	v8 =	vld [tilespmem:$0x20];
	vm0 =	vlt.s32 v0, $0x186A0;
	v1 =	vshra.s32 v0, $0x4  }
0x23: {  	vm1 =	vgt.s32 v0, $0x61A7F;
	v2 =	vshra.s32 v0, $0x2;
	v3 =	vadd.s32 $0xFFF9E580, v0  }
0x24: {  	v11 =	vld [tilespmem:$0x30];
	v4 =	vadd.s32 $0xFFFE7961, v0;
	v39 =	vshra.s32 v0, $0x1;
	vm7 =	vlt.s32 v5, $0x186A0  }
0x25: {  	v14 =	vld [tilespmem:$0x40];
	v47 =	vshra.s32 v5, $0x4;
	vm8 =	vgt.s32 v5, $0x61A7F;
	v48 =	vshra.s32 v5, $0x2  }
0x26: {  	v6 =	vadd.s32 $0xFFF9E580, v5;
	v7 =	vadd.s32 $0xFFFE7961, v5;
	v49 =	vshra.s32 v5, $0x1  }
0x27: {  	vm10 =	vlt.s32 v8, $0x186A0;
	v57 =	vshra.s32 v8, $0x4;
	vm11 =	vgt.s32 v8, $0x61A7F  }
0x28: {  	v58 =	vshra.s32 v8, $0x2;
	v9 =	vadd.s32 $0xFFF9E580, v8;
	v10 =	vadd.s32 $0xFFFE7961, v8  }
0x29: {  	v59 =	vshra.s32 v8, $0x1;
	vm13 =	vlt.s32 v11, $0x186A0;
	vm14 =	vgt.s32 v11, $0x61A7F  }
0x2a: {  	v12 =	vadd.s32 $0xFFF9E580, v11;
	v13 =	vadd.s32 $0xFFFE7961, v11;
	vm4 =	vlt.s32 v14, $0x186A0  }
0x2b: {  	v17 =	vshra.s32 v14, $0x4;
	vm5 =	vgt.s32 v14, $0x61A7F;
	v18 =	vshra.s32 v14, $0x2  }
0x2c: {  	v15 =	vadd.s32 $0xFFF9E580, v14;
	v19 =	vshra.s32 v14, $0x1;
	v1 =	vsel vm0, v0, v1  }
0x2d: {  	v2 =	vadd.s32 $0x1, v2;
	vm6 =	vlt.u32 v3, $0xFFFB6C20;
	v3 =	vadd.s32 $0x1, v39  }
0x2e: {  	v0 =	vadd.s32 $0xFFF9E581, v0;
	vm9 =	vlt.u32 v6, $0xFFFB6C20;
	v6 =	vadd.s32 $0x1, v49  }
0x2f: {  	vm12 =	vlt.u32 v9, $0xFFFB6C20;
	v9 =	vadd.s32 $0x1, v59;
	vm15 =	vlt.u32 v12, $0xFFFB6C20  }
0x30: {  	v1 =	vadd.s32 $0x1, v1;
	v2 =	vsel vm6, v2, v4;
	v3 =	vsel vm1, v0, v3  }
0x31: {  	v0 =	vshra.s32 v11, $0x4;
	vm6 =	vlt.u32 v15, $0xFFFB6C20;
	v15 =	vadd.s32 $0x1, v19  }
0x32: {  	v40 =	vshra.s32 v1, $0x1;
	v1 =	vand.u32 $0xFFF, v1;
	v42 =	vshra.s32 v2, $0x2  }
0x33: {  	v2 =	vand.u32 $0x7FF, v2;
	v43 =	vshra.s32 v3, $0x3;
	v4 =	vand.u32 $0xFFFFF000, v40  }
0x34: {  	v3 =	vand.u32 $0x3FF, v3;
	v45 =	vand.u32 $0xFFFFFC00, v43;
	v41 =	vor.u32 v1, v4  }
0x35: {  	v1 =	vand.u32 $0xFFFFF800, v42;
	v46 =	vor.u32 v3, v45;
	v3 =	vsel vm7, v5, v47  }
0x36: {  	v4 =	vadd.s32 $0x1, v48;
	v5 =	vadd.s32 $0xFFF9E581, v5;
	v44 =	vor.u32 v2, v1  }
0x37: {  	v3 =	vadd.s32 $0x1, v3;
	v4 =	vsel vm9, v4, v7;
	v6 =	vsel vm8, v5, v6  }
0x38: {  	v1 =	vshra.s32 v11, $0x2;
	v2 =	vshra.s32 v11, $0x1;
	v50 =	vshra.s32 v3, $0x1  }
0x39: {  	v3 =	vand.u32 $0xFFF, v3;
	v52 =	vshra.s32 v4, $0x2;
	v4 =	vand.u32 $0x7FF, v4  }
0x3a: {  	v53 =	vshra.s32 v6, $0x3;
	v6 =	vand.u32 $0x3FF, v6;
	v12 =	vadd.s32 $0x1, v2  }
0x3b: {  	v7 =	vand.u32 $0xFFFFF000, v50;
	v5 =	vand.u32 $0xFFFFF800, v52;
	v55 =	vand.u32 $0xFFFFFC00, v53  }
0x3c: {  	v51 =	vor.u32 v3, v7;
	v54 =	vor.u32 v4, v5;
	v56 =	vor.u32 v6, v55  }
0x3d: {  	v6 =	vsel vm10, v8, v57;
	v7 =	vadd.s32 $0x1, v58;
	v8 =	vadd.s32 $0xFFF9E581, v8  }
0x3e: {  	v6 =	vadd.s32 $0x1, v6;
	v7 =	vsel vm12, v7, v10;
	v9 =	vsel vm11, v8, v9  }
0x3f: {  	v60 =	vshra.s32 v6, $0x1;
	v6 =	vand.u32 $0xFFF, v6;
	v61 =	vshra.s32 v7, $0x2  }
0x40: {  	v7 =	vand.u32 $0x7FF, v7;
	v62 =	vshra.s32 v9, $0x3;
	v9 =	vand.u32 $0x3FF, v9  }
0x41: {  	v10 =	vand.u32 $0xFFFFF000, v60;
	v8 =	vand.u32 $0xFFFFF800, v61;
	v63 =	vand.u32 $0xFFFFFC00, v62  }
0x42: {  	v5 =	vor.u32 v6, v10;
	v8 =	vor.u32 v7, v8;
	v7 =	vor.u32 v9, v63  }
0x43: {  	v9 =	vsel vm13, v11, v0;
	v10 =	vadd.s32 $0x1, v1;
	v11 =	vadd.s32 $0xFFF9E581, v11  }
0x44: {  	v9 =	vadd.s32 $0x1, v9;
	v10 =	vsel vm15, v10, v13;
	v12 =	vsel vm14, v11, v12  }
0x45: {  	v3 =	vshra.s32 v9, $0x1;
	v9 =	vand.u32 $0xFFF, v9;
	v4 =	vshra.s32 v10, $0x2  }
0x46: {  	v10 =	vand.u32 $0x7FF, v10;
	v6 =	vshra.s32 v12, $0x3;
	v12 =	vand.u32 $0x3FF, v12  }
0x47: {  	v13 =	vand.u32 $0xFFFFF000, v3;
	v11 =	vand.u32 $0xFFFFF800, v4;
	v16 =	vand.u32 $0xFFFFFC00, v6  }
0x48: {  	v9 =	vor.u32 v9, v13;
	v11 =	vor.u32 v10, v11;
	v10 =	vor.u32 v12, v16  }
0x49: {  	v12 =	vsel vm4, v14, v17;
	v13 =	vadd.s32 $0x1, v18;
	v16 =	vadd.s32 $0xFFFE7961, v14  }
0x4a: {  	v17 =	vld [tilespmem:$0x50];
	v14 =	vadd.s32 $0xFFF9E581, v14;
	v12 =	vadd.s32 $0x1, v12;
	v13 =	vsel vm6, v13, v16  }
0x4b: {  	v15 =	vsel vm5, v14, v15;
	v20 =	vshra.s32 v12, $0x1;
	v12 =	vand.u32 $0xFFF, v12  }
0x4c: {  	v21 =	vshra.s32 v13, $0x2;
	v13 =	vand.u32 $0x7FF, v13;
	v22 =	vshra.s32 v15, $0x3  }
0x4d: {  	v15 =	vand.u32 $0x3FF, v15;
	v16 =	vand.u32 $0xFFFFF000, v20;
	v14 =	vand.u32 $0xFFFFF800, v21  }
0x4e: {  	v23 =	vand.u32 $0xFFFFFC00, v22;
	v12 =	vor.u32 v12, v16;
	v14 =	vor.u32 v13, v14  }
0x4f: {  	v13 =	vor.u32 v15, v23;
	vm7 =	vlt.s32 v17, $0x186A0;
	v24 =	vshra.s32 v17, $0x4  }
0x50: {  	vm8 =	vgt.s32 v17, $0x61A7F;
	v25 =	vshra.s32 v17, $0x2;
	v18 =	vadd.s32 $0xFFF9E580, v17  }
0x51: {  	v20 =	vld [tilespmem:$0x60];
	v19 =	vadd.s32 $0xFFFE7961, v17;
	v26 =	vshra.s32 v17, $0x1;
	v15 =	vsel vm7, v17, v24  }
0x52: {  	v16 =	vadd.s32 $0x1, v25;
	vm9 =	vlt.u32 v18, $0xFFFB6C20;
	v18 =	vadd.s32 $0x1, v26  }
0x53: {  	v17 =	vadd.s32 $0xFFF9E581, v17;
	v15 =	vadd.s32 $0x1, v15;
	v16 =	vsel vm9, v16, v19  }
0x54: {  	v18 =	vsel vm8, v17, v18;
	v27 =	vshra.s32 v15, $0x1;
	v15 =	vand.u32 $0xFFF, v15  }
0x55: {  	v23 =	vld [tilespmem:$0x70];
	v28 =	vshra.s32 v16, $0x2;
	v16 =	vand.u32 $0x7FF, v16;
	v29 =	vshra.s32 v18, $0x3  }
0x56: {  	v18 =	vand.u32 $0x3FF, v18;
	vm10 =	vlt.s32 v20, $0x186A0;
	v31 =	vshra.s32 v20, $0x4  }
0x57: {  	vm11 =	vgt.s32 v20, $0x61A7F;
	v32 =	vshra.s32 v20, $0x2;
	v21 =	vadd.s32 $0xFFF9E580, v20  }
0x58: {  	v22 =	vadd.s32 $0xFFFE7961, v20;
	v33 =	vshra.s32 v20, $0x1;
	v19 =	vand.u32 $0xFFFFF000, v27  }
0x59: {  	v17 =	vand.u32 $0xFFFFF800, v28;
	v30 =	vand.u32 $0xFFFFFC00, v29;
	vm12 =	vlt.u32 v21, $0xFFFB6C20  }
0x5a: {  	v21 =	vadd.s32 $0x1, v33;
	vm13 =	vlt.s32 v23, $0x186A0;
	v38 =	vshra.s32 v23, $0x4  }
0x5b: {  	v26 =	vld [tilespmem:$0x80];
	vm14 =	vgt.s32 v23, $0x61A7F;
	v39 =	vshra.s32 v23, $0x2;
	v24 =	vadd.s32 $0xFFF9E580, v23  }
0x5c: {  	v25 =	vadd.s32 $0xFFFE7961, v23;
	v40 =	vshra.s32 v23, $0x1;
	v15 =	vor.u32 v15, v19  }
0x5d: {  	v17 =	vor.u32 v16, v17;
	v6 =	vor.u32 v18, v30;
	v18 =	vsel vm10, v20, v31  }
0x5e: {  	v19 =	vadd.s32 $0x1, v32;
	v20 =	vadd.s32 $0xFFF9E581, v20;
	vm15 =	vlt.u32 v24, $0xFFFB6C20  }
0x5f: {  	v24 =	vadd.s32 $0x1, v40;
	v18 =	vadd.s32 $0x1, v18;
	v19 =	vsel vm12, v19, v22  }
0x60: {  	v21 =	vsel vm11, v20, v21;
	vm4 =	vlt.s32 v26, $0x186A0;
	v45 =	vshra.s32 v26, $0x4  }
0x61: {  	[tilespmem:$0x1FFC0] =	vst v46;
	vm5 =	vgt.s32 v26, $0x61A7F;
	v46 =	vshra.s32 v26, $0x2;
	v27 =	vadd.s32 $0xFFF9E580, v26  }
0x62: {  	v28 =	vadd.s32 $0xFFFE7961, v26;
	v47 =	vshra.s32 v26, $0x1;
	v34 =	vshra.s32 v18, $0x1  }
0x63: {  	v29 =	vld [tilespmem:$0x90];
	v18 =	vand.u32 $0xFFF, v18;
	v35 =	vshra.s32 v19, $0x2;
	v19 =	vand.u32 $0x7FF, v19  }
0x64: {  	v36 =	vshra.s32 v21, $0x3;
	v21 =	vand.u32 $0x3FF, v21;
	vm6 =	vlt.u32 v27, $0xFFFB6C20  }
0x65: {  	v27 =	vadd.s32 $0x1, v47;
	v22 =	vand.u32 $0xFFFFF000, v34;
	v20 =	vand.u32 $0xFFFFF800, v35  }
0x66: {  	v37 =	vand.u32 $0xFFFFFC00, v36;
	v18 =	vor.u32 v18, v22;
	v20 =	vor.u32 v19, v20  }
0x67: {  	v32 =	vld [tilespmem:$0xA0];
	v19 =	vor.u32 v21, v37;
	v21 =	vsel vm13, v23, v38;
	v22 =	vadd.s32 $0x1, v39  }
0x68: {  	v23 =	vadd.s32 $0xFFF9E581, v23;
	vm7 =	vlt.s32 v29, $0x186A0;
	v52 =	vshra.s32 v29, $0x4  }
0x69: {  	vm8 =	vgt.s32 v29, $0x61A7F;
	v53 =	vshra.s32 v29, $0x2;
	v30 =	vadd.s32 $0xFFF9E580, v29  }
0x6a: {  	[tilespmem:$0x1FFE0] =	vst v54;
	v31 =	vadd.s32 $0xFFFE7961, v29;
	v54 =	vshra.s32 v29, $0x1;
	v21 =	vadd.s32 $0x1, v21  }
0x6b: {  	v22 =	vsel vm15, v22, v25;
	v24 =	vsel vm14, v23, v24;
	vm9 =	vlt.u32 v30, $0xFFFB6C20  }
0x6c: {  	v30 =	vadd.s32 $0x1, v54;
	vm10 =	vlt.s32 v32, $0x186A0;
	v59 =	vshra.s32 v32, $0x4  }
0x6d: {  	vm11 =	vgt.s32 v32, $0x61A7F;
	v60 =	vshra.s32 v32, $0x2;
	v33 =	vadd.s32 $0xFFF9E580, v32  }
0x6e: {  	[tilespmem:$0x1FFA0] =	vst v41;
	v34 =	vadd.s32 $0xFFFE7961, v32;
	v61 =	vshra.s32 v32, $0x1;
	v41 =	vshra.s32 v21, $0x1  }
0x6f: {  	v35 =	vld [tilespmem:$0xB0];
	v21 =	vand.u32 $0xFFF, v21;
	v42 =	vshra.s32 v22, $0x2;
	v22 =	vand.u32 $0x7FF, v22  }
0x70: {  	v43 =	vshra.s32 v24, $0x3;
	v24 =	vand.u32 $0x3FF, v24;
	vm12 =	vlt.u32 v33, $0xFFFB6C20  }
0x71: {  	v33 =	vadd.s32 $0x1, v61;
	v25 =	vand.u32 $0xFFFFF000, v41;
	v23 =	vand.u32 $0xFFFFF800, v42  }
0x72: {  	[tilespmem:$0x1FFB0] =	vst v44;
	v44 =	vand.u32 $0xFFFFFC00, v43;
	v21 =	vor.u32 v21, v25;
	v23 =	vor.u32 v22, v23  }
0x73: {  	v38 =	vld [tilespmem:$0xC0];
	v22 =	vor.u32 v24, v44;
	v24 =	vsel vm4, v26, v45;
	v25 =	vadd.s32 $0x1, v46  }
0x74: {  	v26 =	vadd.s32 $0xFFF9E581, v26;
	vm13 =	vlt.s32 v35, $0x186A0;
	v2 =	vshra.s32 v35, $0x4  }
0x75: {  	vm14 =	vgt.s32 v35, $0x61A7F;
	v3 =	vshra.s32 v35, $0x2;
	v36 =	vadd.s32 $0xFFF9E580, v35  }
0x76: {  	v37 =	vadd.s32 $0xFFFE7961, v35;
	v4 =	vshra.s32 v35, $0x1;
	v24 =	vadd.s32 $0x1, v24  }
0x77: {  	v25 =	vsel vm6, v25, v28;
	v27 =	vsel vm5, v26, v27;
	vm15 =	vlt.u32 v36, $0xFFFB6C20  }
0x78: {  	v36 =	vadd.s32 $0x1, v4;
	vm4 =	vlt.s32 v38, $0x186A0;
	v43 =	vshra.s32 v38, $0x4  }
0x79: {  	vm5 =	vgt.s32 v38, $0x61A7F;
	v44 =	vshra.s32 v38, $0x2;
	v39 =	vadd.s32 $0xFFF9E580, v38  }
0x7a: {  	v45 =	vshra.s32 v38, $0x1;
	v48 =	vshra.s32 v24, $0x1;
	v24 =	vand.u32 $0xFFF, v24  }
0x7b: {  	v49 =	vshra.s32 v25, $0x2;
	v25 =	vand.u32 $0x7FF, v25;
	v50 =	vshra.s32 v27, $0x3  }
0x7c: {  	v27 =	vand.u32 $0x3FF, v27;
	vm6 =	vlt.u32 v39, $0xFFFB6C20;
	v39 =	vadd.s32 $0x1, v45  }
0x7d: {  	[tilespmem:$0x1FFD0] =	vst v51;
	v28 =	vand.u32 $0xFFFFF000, v48;
	v26 =	vand.u32 $0xFFFFF800, v49;
	v51 =	vand.u32 $0xFFFFFC00, v50  }
0x7e: {  	v24 =	vor.u32 v24, v28;
	v26 =	vor.u32 v25, v26;
	v25 =	vor.u32 v27, v51  }
0x7f: {  	v27 =	vsel vm7, v29, v52;
	v28 =	vadd.s32 $0x1, v53;
	v29 =	vadd.s32 $0xFFF9E581, v29  }
0x80: {  	v27 =	vadd.s32 $0x1, v27;
	v28 =	vsel vm9, v28, v31;
	v30 =	vsel vm8, v29, v30  }
0x81: {  	[tilespmem:$0x1FFF0] =	vst v56;
	v55 =	vshra.s32 v27, $0x1;
	v27 =	vand.u32 $0xFFF, v27;
	v56 =	vshra.s32 v28, $0x2  }
0x82: {  	v28 =	vand.u32 $0x7FF, v28;
	v57 =	vshra.s32 v30, $0x3;
	v30 =	vand.u32 $0x3FF, v30  }
0x83: {  	v31 =	vand.u32 $0xFFFFF000, v55;
	v29 =	vand.u32 $0xFFFFF800, v56;
	v58 =	vand.u32 $0xFFFFFC00, v57  }
0x84: {  	v27 =	vor.u32 v27, v31;
	v29 =	vor.u32 v28, v29;
	v28 =	vor.u32 v30, v58  }
0x85: {  	v30 =	vsel vm10, v32, v59;
	v31 =	vadd.s32 $0x1, v60;
	v32 =	vadd.s32 $0xFFF9E581, v32  }
0x86: {  	v30 =	vadd.s32 $0x1, v30;
	v31 =	vsel vm12, v31, v34;
	v33 =	vsel vm11, v32, v33  }
0x87: {  	v62 =	vshra.s32 v30, $0x1;
	v30 =	vand.u32 $0xFFF, v30;
	v63 =	vshra.s32 v31, $0x2  }
0x88: {  	v31 =	vand.u32 $0x7FF, v31;
	v0 =	vshra.s32 v33, $0x3;
	v33 =	vand.u32 $0x3FF, v33  }
0x89: {  	v34 =	vand.u32 $0xFFFFF000, v62;
	v32 =	vand.u32 $0xFFFFF800, v63;
	v1 =	vand.u32 $0xFFFFFC00, v0  }
0x8a: {  	v30 =	vor.u32 v30, v34;
	v32 =	vor.u32 v31, v32;
	v31 =	vor.u32 v33, v1  }
0x8b: {  	v33 =	vsel vm13, v35, v2;
	v34 =	vadd.s32 $0x1, v3;
	v35 =	vadd.s32 $0xFFF9E581, v35  }
0x8c: {  	v33 =	vadd.s32 $0x1, v33;
	v34 =	vsel vm15, v34, v37;
	v36 =	vsel vm14, v35, v36  }
0x8d: {  	v16 =	vshra.s32 v33, $0x1;
	v33 =	vand.u32 $0xFFF, v33;
	v40 =	vshra.s32 v34, $0x2  }
0x8e: {  	v34 =	vand.u32 $0x7FF, v34;
	v41 =	vshra.s32 v36, $0x3;
	v36 =	vand.u32 $0x3FF, v36  }
0x8f: {  	v37 =	vand.u32 $0xFFFFF000, v16;
	v35 =	vand.u32 $0xFFFFF800, v40;
	v42 =	vand.u32 $0xFFFFFC00, v41  }
0x90: {  	v40 =	vadd.s32 $0xFFFE7961, v38;
	v33 =	vor.u32 v33, v37;
	v35 =	vor.u32 v34, v35  }
0x91: {  	v34 =	vor.u32 v36, v42;
	v36 =	vsel vm4, v38, v43;
	v37 =	vadd.s32 $0x1, v44  }
0x92: {  	v41 =	vld [tilespmem:$0xD0];
	v38 =	vadd.s32 $0xFFF9E581, v38;
	v36 =	vadd.s32 $0x1, v36;
	v37 =	vsel vm6, v37, v40  }
0x93: {  	v39 =	vsel vm5, v38, v39;
	v46 =	vshra.s32 v36, $0x1;
	v36 =	vand.u32 $0xFFF, v36  }
0x94: {  	v47 =	vshra.s32 v37, $0x2;
	v37 =	vand.u32 $0x7FF, v37;
	v48 =	vshra.s32 v39, $0x3  }
0x95: {  	v39 =	vand.u32 $0x3FF, v39;
	v40 =	vand.u32 $0xFFFFF000, v46;
	v38 =	vand.u32 $0xFFFFF800, v47  }
0x96: {  	v44 =	vld [tilespmem:$0xE0];
	v49 =	vand.u32 $0xFFFFFC00, v48;
	v36 =	vor.u32 v36, v40;
	v38 =	vor.u32 v37, v38  }
0x97: {  	v37 =	vor.u32 v39, v49;
	vm7 =	vlt.s32 v41, $0x186A0;
	v50 =	vshra.s32 v41, $0x4  }
0x98: {  	vm8 =	vgt.s32 v41, $0x61A7F;
	v51 =	vshra.s32 v41, $0x2;
	v42 =	vadd.s32 $0xFFF9E580, v41  }
0x99: {  	v43 =	vadd.s32 $0xFFFE7961, v41;
	v52 =	vshra.s32 v41, $0x1;
	v39 =	vsel vm7, v41, v50  }
0x9a: {  	v40 =	vadd.s32 $0x1, v51;
	vm9 =	vlt.u32 v42, $0xFFFB6C20;
	v42 =	vadd.s32 $0x1, v52  }
0x9b: {  	v41 =	vadd.s32 $0xFFF9E581, v41;
	vm10 =	vlt.s32 v44, $0x186A0;
	v57 =	vshra.s32 v44, $0x4  }
0x9c: {  	vm11 =	vgt.s32 v44, $0x61A7F;
	v58 =	vshra.s32 v44, $0x2;
	v45 =	vadd.s32 $0xFFF9E580, v44  }
0x9d: {  	v47 =	vld [tilespmem:$0xF0];
	v46 =	vadd.s32 $0xFFFE7961, v44;
	v59 =	vshra.s32 v44, $0x1;
	v39 =	vadd.s32 $0x1, v39  }
0x9e: {  	v40 =	vsel vm9, v40, v43;
	v42 =	vsel vm8, v41, v42;
	vm12 =	vlt.u32 v45, $0xFFFB6C20  }
0x9f: {  	v45 =	vadd.s32 $0x1, v59;
	v53 =	vshra.s32 v39, $0x1;
	v39 =	vand.u32 $0xFFF, v39  }
0xa0: {  	v54 =	vshra.s32 v40, $0x2;
	v40 =	vand.u32 $0x7FF, v40;
	v55 =	vshra.s32 v42, $0x3  }
0xa1: {  	v42 =	vand.u32 $0x3FF, v42;
	v43 =	vand.u32 $0xFFFFF000, v53;
	v41 =	vand.u32 $0xFFFFF800, v54  }
0xa2: {  	v56 =	vand.u32 $0xFFFFFC00, v55;
	vm13 =	vlt.s32 v47, $0x186A0;
	v0 =	vshra.s32 v47, $0x4  }
0xa3: {  	v50 =	vld [tilespmem:$0x100];
	vm14 =	vgt.s32 v47, $0x61A7F;
	v1 =	vshra.s32 v47, $0x2;
	v48 =	vadd.s32 $0xFFF9E580, v47  }
0xa4: {  	v49 =	vadd.s32 $0xFFFE7961, v47;
	v2 =	vshra.s32 v47, $0x1;
	v39 =	vor.u32 v39, v43  }
0xa5: {  	v41 =	vor.u32 v40, v41;
	v40 =	vor.u32 v42, v56;
	v42 =	vsel vm10, v44, v57  }
0xa6: {  	v43 =	vadd.s32 $0x1, v58;
	v44 =	vadd.s32 $0xFFF9E581, v44;
	vm15 =	vlt.u32 v48, $0xFFFB6C20  }
0xa7: {  	v48 =	vadd.s32 $0x1, v2;
	v42 =	vadd.s32 $0x1, v42;
	v43 =	vsel vm12, v43, v46  }
0xa8: {  	v45 =	vsel vm11, v44, v45;
	vm4 =	vlt.s32 v50, $0x186A0;
	v53 =	vshra.s32 v50, $0x4  }
0xa9: {  	vm5 =	vgt.s32 v50, $0x61A7F;
	v54 =	vshra.s32 v50, $0x2;
	v51 =	vadd.s32 $0xFFF9E580, v50  }
0xaa: {  	v55 =	vshra.s32 v50, $0x1;
	v60 =	vshra.s32 v42, $0x1;
	v42 =	vand.u32 $0xFFF, v42  }
0xab: {  	v61 =	vshra.s32 v43, $0x2;
	v43 =	vand.u32 $0x7FF, v43;
	v62 =	vshra.s32 v45, $0x3  }
0xac: {  	v45 =	vand.u32 $0x3FF, v45;
	vm6 =	vlt.u32 v51, $0xFFFB6C20;
	v51 =	vadd.s32 $0x1, v55  }
0xad: {  	v46 =	vand.u32 $0xFFFFF000, v60;
	v44 =	vand.u32 $0xFFFFF800, v61;
	v63 =	vand.u32 $0xFFFFFC00, v62  }
0xae: {  	v42 =	vor.u32 v42, v46;
	v44 =	vor.u32 v43, v44;
	v43 =	vor.u32 v45, v63  }
0xaf: {  	v45 =	vsel vm13, v47, v0;
	v46 =	vadd.s32 $0x1, v1;
	v47 =	vadd.s32 $0xFFF9E581, v47  }
0xb0: {  	v45 =	vadd.s32 $0x1, v45;
	v46 =	vsel vm15, v46, v49;
	v48 =	vsel vm14, v47, v48  }
0xb1: {  	v3 =	vshra.s32 v45, $0x1;
	v45 =	vand.u32 $0xFFF, v45;
	v4 =	vshra.s32 v46, $0x2  }
0xb2: {  	v46 =	vand.u32 $0x7FF, v46;
	v16 =	vshra.s32 v48, $0x3;
	v48 =	vand.u32 $0x3FF, v48  }
0xb3: {  	v49 =	vand.u32 $0xFFFFF000, v3;
	v47 =	vand.u32 $0xFFFFF800, v4;
	v52 =	vand.u32 $0xFFFFFC00, v16  }
0xb4: {  	v45 =	vor.u32 v45, v49;
	v47 =	vor.u32 v46, v47;
	v46 =	vor.u32 v48, v52  }
0xb5: {  	v48 =	vsel vm4, v50, v53;
	v49 =	vadd.s32 $0x1, v54;
	v52 =	vadd.s32 $0xFFFE7961, v50  }
0xb6: {  	v53 =	vld [tilespmem:$0x110];
	v50 =	vadd.s32 $0xFFF9E581, v50;
	v48 =	vadd.s32 $0x1, v48;
	v49 =	vsel vm6, v49, v52  }
0xb7: {  	v51 =	vsel vm5, v50, v51;
	v56 =	vshra.s32 v48, $0x1;
	v48 =	vand.u32 $0xFFF, v48  }
0xb8: {  	v57 =	vshra.s32 v49, $0x2;
	v49 =	vand.u32 $0x7FF, v49;
	v58 =	vshra.s32 v51, $0x3  }
0xb9: {  	v51 =	vand.u32 $0x3FF, v51;
	v52 =	vand.u32 $0xFFFFF000, v56;
	v50 =	vand.u32 $0xFFFFF800, v57  }
0xba: {  	v59 =	vand.u32 $0xFFFFFC00, v58;
	v48 =	vor.u32 v48, v52;
	v50 =	vor.u32 v49, v50  }
0xbb: {  	v49 =	vor.u32 v51, v59;
	vm7 =	vlt.s32 v53, $0x186A0;
	v60 =	vshra.s32 v53, $0x4  }
0xbc: {  	vm8 =	vgt.s32 v53, $0x61A7F;
	v61 =	vshra.s32 v53, $0x2;
	v54 =	vadd.s32 $0xFFF9E580, v53  }
0xbd: {  	v56 =	vld [tilespmem:$0x120];
	v55 =	vadd.s32 $0xFFFE7961, v53;
	v62 =	vshra.s32 v53, $0x1;
	v51 =	vsel vm7, v53, v60  }
0xbe: {  	v52 =	vadd.s32 $0x1, v61;
	vm9 =	vlt.u32 v54, $0xFFFB6C20;
	v54 =	vadd.s32 $0x1, v62  }
0xbf: {  	v53 =	vadd.s32 $0xFFF9E581, v53;
	v51 =	vadd.s32 $0x1, v51;
	v52 =	vsel vm9, v52, v55  }
0xc0: {  	v54 =	vsel vm8, v53, v54;
	v63 =	vshra.s32 v51, $0x1;
	v51 =	vand.u32 $0xFFF, v51  }
0xc1: {  	v59 =	vld [tilespmem:$0x130];
	v0 =	vshra.s32 v52, $0x2;
	v52 =	vand.u32 $0x7FF, v52;
	v1 =	vshra.s32 v54, $0x3  }
0xc2: {  	v54 =	vand.u32 $0x3FF, v54;
	vm10 =	vlt.s32 v56, $0x186A0;
	v3 =	vshra.s32 v56, $0x4  }
0xc3: {  	vm11 =	vgt.s32 v56, $0x61A7F;
	v4 =	vshra.s32 v56, $0x2;
	v57 =	vadd.s32 $0xFFF9E580, v56  }
0xc4: {  	v58 =	vadd.s32 $0xFFFE7961, v56;
	v16 =	vshra.s32 v56, $0x1;
	v55 =	vand.u32 $0xFFFFF000, v63  }
0xc5: {  	v53 =	vand.u32 $0xFFFFF800, v0;
	v2 =	vand.u32 $0xFFFFFC00, v1;
	vm12 =	vlt.u32 v57, $0xFFFB6C20  }
0xc6: {  	v57 =	vadd.s32 $0x1, v16;
	vm13 =	vlt.s32 v59, $0x186A0;
	v0 =	vshra.s32 v59, $0x4  }
0xc7: {  	vm14 =	vgt.s32 v59, $0x61A7F;
	v1 =	vshra.s32 v59, $0x2;
	v51 =	vor.u32 v51, v55  }
0xc8: {  	v53 =	vor.u32 v52, v53;
	v52 =	vor.u32 v54, v2;
	v54 =	vsel vm10, v56, v3  }
0xc9: {  	v55 =	vadd.s32 $0x1, v4;
	v56 =	vadd.s32 $0xFFF9E581, v56;
	v2 =	vshra.s32 v59, $0x1  }
0xca: {  	v54 =	vadd.s32 $0x1, v54;
	v55 =	vsel vm12, v55, v58;
	v57 =	vsel vm11, v56, v57  }
0xcb: {  	v60 =	vshra.s32 v54, $0x1;
	v54 =	vand.u32 $0xFFF, v54;
	v61 =	vshra.s32 v55, $0x2  }
0xcc: {  	v55 =	vand.u32 $0x7FF, v55;
	v62 =	vshra.s32 v57, $0x3;
	v57 =	vand.u32 $0x3FF, v57  }
0xcd: {  	v58 =	vand.u32 $0xFFFFF000, v60;
	v56 =	vand.u32 $0xFFFFF800, v61;
	v63 =	vand.u32 $0xFFFFFC00, v62  }
0xce: {  	v60 =	vadd.s32 $0xFFF9E580, v59;
	v61 =	vadd.s32 $0xFFFE7961, v59;
	v54 =	vor.u32 v54, v58  }
0xcf: {  	v56 =	vor.u32 v55, v56;
	v55 =	vor.u32 v57, v63;
	v57 =	vsel vm13, v59, v0  }
0xd0: {  	v58 =	vadd.s32 $0x1, v1;
	vm15 =	vlt.u32 v60, $0xFFFB6C20;
	v60 =	vadd.s32 $0x1, v2  }
0xd1: {  	v62 =	vld [tilespmem:$0x140];
	v59 =	vadd.s32 $0xFFF9E581, v59;
	v57 =	vadd.s32 $0x1, v57;
	v58 =	vsel vm15, v58, v61  }
0xd2: {  	v60 =	vsel vm14, v59, v60;
	v3 =	vshra.s32 v57, $0x1;
	v57 =	vand.u32 $0xFFF, v57  }
0xd3: {  	v4 =	vshra.s32 v58, $0x2;
	v58 =	vand.u32 $0x7FF, v58;
	v16 =	vshra.s32 v60, $0x3  }
0xd4: {  	v60 =	vand.u32 $0x3FF, v60;
	v61 =	vand.u32 $0xFFFFF000, v3;
	v59 =	vand.u32 $0xFFFFF800, v4  }
0xd5: {  	v0 =	vand.u32 $0xFFFFFC00, v16;
	v57 =	vor.u32 v57, v61;
	v59 =	vor.u32 v58, v59  }
0xd6: {  	v58 =	vor.u32 v60, v0;
	vm4 =	vlt.s32 v62, $0x186A0;
	v1 =	vshra.s32 v62, $0x4  }
0xd7: {  	v2 =	vshra.s32 v62, $0x2;
	v63 =	vadd.s32 $0xFFF9E580, v62;
	v3 =	vadd.s32 $0xFFFE7961, v62;
	v0 =	vld [tilespmem:$0x150]  }
0xd8: {  	v4 =	vshra.s32 v62, $0x1;
	vm6 =	vgt.s32 v62, $0x61A7F;
	v60 =	vsel vm4, v62, v1  }
0xd9: {  	v61 =	vadd.s32 $0x1, v2;
	vm5 =	vlt.u32 v63, $0xFFFB6C20;
	v63 =	vadd.s32 $0x1, v4  }
0xda: {  	v62 =	vadd.s32 $0xFFF9E581, v62;
	v60 =	vadd.s32 $0x1, v60;
	v61 =	vsel vm5, v61, v3  }
0xdb: {  	v62 =	vsel vm6, v62, v63;
	v16 =	vshra.s32 v60, $0x1;
	v63 =	vshra.s32 v61, $0x2  }
0xdc: {  	v61 =	vand.u32 $0x7FF, v61;
	v1 =	vand.u32 $0xFFFFF000, v16;
	v16 =	vadd.s32 $0xFFF9E580, v0  }
0xdd: {  	[tilespmem:$0x620] =	vst v7;
	v4 =	vand.u32 $0x3FF, v62;
	vm7 =	vlt.u32 v16, $0xFFFB6C20;
	v16 =	vshra.s32 v0, $0x2  }
0xde: {  	[tilespmem:$0x240] =	vst v12;
	v3 =	vand.u32 $0xFFFFF800, v63;
	v2 =	vadd.s32 $0x1, v16;
	v16 =	vshra.s32 v0, $0x1  }
0xdf: {  	[tilespmem:$0x440] =	vst v14;
	v63 =	vshra.s32 v62, $0x3;
	v62 =	vor.u32 v61, v3;
	v3 =	vadd.s32 $0x1, v16;
	v16 =	vld [tilespmem:$0x1FFA0]  }
0xe0: {  	[tilespmem:$0x640] =	vst v13  }
0xe1: {  	[tilespmem:$0x250] =	vst v15  }
0xe2: {  	[tilespmem:$0x490] =	vst v29  }
0xe3: {  	[tilespmem:$0x4B0] =	vst v35;
	v60 =	vand.u32 $0xFFF, v60;
	v63 =	vand.u32 $0xFFFFFC00, v63  }
0xe4: {  	vm8 =	vlt.s32 v0, $0x186A0;
	v61 =	vor.u32 v4, v63;
	v4 =	vshra.s32 v0, $0x4;
	[tilespmem:$0x200] =	vst v16;
	v16 =	vld [tilespmem:$0x1FFB0]  }
0xe5: {  	[tilespmem:$0x2C0] =	vst v36;
	v60 =	vor.u32 v60, v1;
	v63 =	vadd.s32 $0xFFFE7961, v0;
	v1 =	vsel vm8, v0, v4  }
0xe6: {  	[tilespmem:$0x4C0] =	vst v38;
	v4 =	vsel vm7, v2, v63;
	v2 =	vadd.s32 $0x1, v1  }
0xe7: {  	[tilespmem:$0x6C0] =	vst v37;
	v63 =	vshra.s32 v2, $0x1  }
0xe8: {  	v7 =	vld [tilespmem:$0x170];
	[tilespmem:$0x2D0] =	vst v39;
	v2 =	vand.u32 $0xFFF, v2;
	v63 =	vand.u32 $0xFFFFF000, v63  }
0xe9: {  	[tilespmem:$0x400] =	vst v16;
	v16 =	vor.u32 v2, v63;
	v63 =	vld [tilespmem:$0x1FFC0]  }
0xea: {  	[tilespmem:$0x4D0] =	vst v41  }
0xeb: {  	v29 =	vld [tilespmem:$0x1A0];
	[tilespmem:$0x2F0] =	vst v45  }
0xec: {  	[tilespmem:$0x4F0] =	vst v47  }
0xed: {  	[tilespmem:$0x6F0] =	vst v46  }
0xee: {  	v12 =	vshra.s32 v7, $0x4;
	[tilespmem:$0x600] =	vst v63;
	v63 =	vld [tilespmem:$0x1FFD0]  }
0xef: {  	v14 =	vshra.s32 v7, $0x2;
	v13 =	vshra.s32 v7, $0x1;
	v15 =	vadd.s32 $0xFFF9E580, v7;
	v41 =	vld [tilespmem:$0x1B0];
	[tilespmem:$0x300] =	vst v48  }
0xf0: {  	v35 =	vshra.s32 v29, $0x4;
	v36 =	vshra.s32 v29, $0x2;
	v37 =	vadd.s32 $0xFFF9E580, v29;
	[tilespmem:$0x700] =	vst v49  }
0xf1: {  	[tilespmem:$0x310] =	vst v51;
	vm9 =	vgt.s32 v0, $0x61A7F;
	v0 =	vadd.s32 $0xFFF9E581, v0;
	v2 =	vshra.s32 v4, $0x2  }
0xf2: {  	v51 =	vld [tilespmem:$0x1C0];
	[tilespmem:$0x520] =	vst v56;
	v3 =	vsel vm9, v0, v3;
	v4 =	vand.u32 $0x7FF, v4;
	v2 =	vand.u32 $0xFFFFF800, v2  }
0xf3: {  	v0 =	vshra.s32 v3, $0x3;
	[tilespmem:$0x210] =	vst v63;
	v63 =	vor.u32 v4, v2;
	v2 =	vand.u32 $0x3FF, v3;
	v3 =	vld [tilespmem:$0x1FFE0]  }
0xf4: {  	v38 =	vadd.s32 $0xFFFE7961, v29;
	v39 =	vshra.s32 v29, $0x1;
	v45 =	vshra.s32 v41, $0x4;
	[tilespmem:$0x720] =	vst v55;
	v1 =	vld [tilespmem:$0x160]  }
0xf5: {  	v46 =	vshra.s32 v41, $0x2;
	v47 =	vadd.s32 $0xFFF9E580, v41;
	v48 =	vadd.s32 $0xFFFE7961, v41;
	[tilespmem:$0x330] =	vst v57  }
0xf6: {  	v49 =	vshra.s32 v41, $0x1;
	vm13 =	vlt.s32 v7, $0x186A0;
	vm14 =	vgt.s32 v7, $0x61A7F;
	[tilespmem:$0x530] =	vst v59  }
0xf7: {  	vm15 =	vlt.u32 v15, $0xFFFB6C20;
	v55 =	vshra.s32 v51, $0x4;
	v56 =	vshra.s32 v51, $0x2;
	[tilespmem:$0x730] =	vst v58  }
0xf8: {  	v57 =	vadd.s32 $0xFFF9E580, v51;
	v58 =	vadd.s32 $0xFFFE7961, v51;
	v59 =	vshra.s32 v51, $0x1;
	[tilespmem:$0x410] =	vst v3;
	v3 =	vld [tilespmem:$0x1FFF0]  }
0xf9: {  	[tilespmem:$0x540] =	vst v62;
	v62 =	vadd.s32 $0xFFF9E581, v51;
	v0 =	vand.u32 $0xFFFFFC00, v0;
	vm10 =	vlt.s32 v1, $0x186A0  }
0xfa: {  	vm11 =	vgt.s32 v1, $0x61A7F;
	v2 =	vor.u32 v2, v0;
	v0 =	vshra.s32 v1, $0x4  }
0xfb: {  	[tilespmem:$0x220] =	vst v5;
	v5 =	vadd.s32 $0xFFFE7961, v1;
	v4 =	vadd.s32 $0xFFF9E580, v1;
	v0 =	vsel vm10, v1, v0  }
0xfc: {  	[tilespmem:$0x420] =	vst v8;
	v8 =	vshra.s32 v1, $0x1;
	vm12 =	vlt.u32 v4, $0xFFFB6C20;
	v0 =	vadd.s32 $0x1, v0  }
0xfd: {  	vm10 =	vlt.s32 v29, $0x186A0;
	v4 =	vshra.s32 v0, $0x1;
	[tilespmem:$0x610] =	vst v3;
	v3 =	vshra.s32 v1, $0x2  }
0xfe: {  	v0 =	vand.u32 $0xFFF, v0;
	v4 =	vand.u32 $0xFFFFF000, v4;
	v3 =	vadd.s32 $0x1, v3  }
0xff: {  	v1 =	vadd.s32 $0xFFF9E581, v1;
	v5 =	vsel vm12, v3, v5;
	v3 =	vadd.s32 $0x1, v8  }
0x100: {  	vm12 =	vlt.u32 v37, $0xFFFB6C20;
	v1 =	vsel vm11, v1, v3;
	v3 =	vor.u32 v0, v4  }
0x101: {  	[tilespmem:$0x230] =	vst v9;
	v8 =	vshra.s32 v5, $0x2;
	v9 =	vand.u32 $0x7FF, v5;
	vm11 =	vgt.s32 v29, $0x61A7F  }
0x102: {  	[tilespmem:$0x630] =	vst v10;
	v0 =	vand.u32 $0xFFFFF800, v8;
	v10 =	vshra.s32 v1, $0x3;
	v1 =	vand.u32 $0x3FF, v1  }
0x103: {  	[tilespmem:$0x430] =	vst v11;
	v4 =	vor.u32 v9, v0;
	v11 =	vand.u32 $0xFFFFFC00, v10;
	v0 =	vsel vm13, v7, v12  }
0x104: {  	v12 =	vadd.s32 $0xFFFE7961, v7;
	v7 =	vadd.s32 $0xFFF9E581, v7;
	vm13 =	vlt.s32 v41, $0x186A0  }
0x105: {  	v5 =	vor.u32 v1, v11;
	v0 =	vadd.s32 $0x1, v0;
	v1 =	vadd.s32 $0x1, v14  }
0x106: {  	v9 =	vld [tilespmem:$0x180];
	v14 =	vadd.s32 $0x1, v13;
	v1 =	vsel vm15, v1, v12;
	v15 =	vshra.s32 v0, $0x1  }
0x107: {  	[tilespmem:$0x450] =	vst v17;
	v0 =	vand.u32 $0xFFF, v0;
	v17 =	vsel vm14, v7, v14;
	vm14 =	vgt.s32 v41, $0x61A7F  }
0x108: {  	[tilespmem:$0x260] =	vst v18;
	vm15 =	vlt.u32 v47, $0xFFFB6C20;
	v8 =	vand.u32 $0xFFFFF000, v15;
	v18 =	vshra.s32 v1, $0x2  }
0x109: {  	[tilespmem:$0x460] =	vst v20;
	v1 =	vand.u32 $0x7FF, v1;
	v20 =	vshra.s32 v17, $0x3;
	v10 =	vand.u32 $0x3FF, v17  }
0x10a: {  	[tilespmem:$0x650] =	vst v6;
	v6 =	vor.u32 v0, v8;
	v0 =	vand.u32 $0xFFFFF800, v18;
	v8 =	vand.u32 $0xFFFFFC00, v20  }
0x10b: {  	v37 =	vld [tilespmem:$0x1E0];
	v7 =	vor.u32 v1, v0;
	v8 =	vor.u32 v10, v8;
	vm4 =	vlt.s32 v9, $0x186A0  }
0x10c: {  	v11 =	vshra.s32 v9, $0x4;
	vm5 =	vgt.s32 v9, $0x61A7F;
	v12 =	vshra.s32 v9, $0x2  }
0x10d: {  	v13 =	vadd.s32 $0xFFF9E580, v9;
	v14 =	vadd.s32 $0xFFFE7961, v9;
	v15 =	vshra.s32 v9, $0x1  }
0x10e: {  	v0 =	vsel vm4, v9, v11;
	v1 =	vadd.s32 $0x1, v12;
	vm6 =	vlt.u32 v13, $0xFFFB6C20  }
0x10f: {  	[tilespmem:$0x660] =	vst v19;
	v10 =	vadd.s32 $0x1, v15;
	v9 =	vadd.s32 $0xFFF9E581, v9;
	v15 =	vadd.s32 $0xFFF9E581, v29  }
0x110: {  	vm4 =	vlt.s32 v51, $0x186A0;
	[tilespmem:$0x770] =	vst v8;
	v8 =	vadd.s32 $0xFFF9E581, v37;
	v0 =	vadd.s32 $0x1, v0  }
0x111: {  	[tilespmem:$0x270] =	vst v21;
	v1 =	vsel vm6, v1, v14;
	v18 =	vsel vm5, v9, v10;
	vm5 =	vgt.s32 v51, $0x61A7F  }
0x112: {  	[tilespmem:$0x470] =	vst v23;
	vm6 =	vlt.u32 v57, $0xFFFB6C20;
	v17 =	vshra.s32 v0, $0x1;
	v0 =	vand.u32 $0xFFF, v0  }
0x113: {  	[tilespmem:$0x670] =	vst v22;
	v12 =	vld [tilespmem:$0x190];
	v19 =	vshra.s32 v1, $0x2;
	v1 =	vand.u32 $0x7FF, v1;
	v20 =	vshra.s32 v18, $0x3  }
0x114: {  	[tilespmem:$0x280] =	vst v24;
	v22 =	vand.u32 $0x3FF, v18;
	v11 =	vand.u32 $0xFFFFF000, v17;
	v21 =	vand.u32 $0xFFFFFC00, v20  }
0x115: {  	[tilespmem:$0x480] =	vst v26;
	v17 =	vadd.s32 $0x1, v39;
	v20 =	vadd.s32 $0x1, v49;
	v9 =	vor.u32 v0, v11  }
0x116: {  	[tilespmem:$0x680] =	vst v25;
	v0 =	vand.u32 $0xFFFFF800, v19;
	v11 =	vor.u32 v22, v21;
	v17 =	vsel vm11, v15, v17  }
0x117: {  	[tilespmem:$0x290] =	vst v27;
	v19 =	vadd.s32 $0xFFF9E581, v41;
	vm11 =	vgt.s32 v37, $0x61A7F;
	v10 =	vor.u32 v1, v0  }
0x118: {  	[tilespmem:$0x690] =	vst v28;
	vm7 =	vlt.s32 v12, $0x186A0;
	v23 =	vshra.s32 v12, $0x4;
	vm8 =	vgt.s32 v12, $0x61A7F  }
0x119: {  	[tilespmem:$0x740] =	vst v61;
	v61 =	vld [tilespmem:$0x1D0];
	v24 =	vshra.s32 v12, $0x2;
	v25 =	vadd.s32 $0xFFF9E580, v12;
	v26 =	vadd.s32 $0xFFFE7961, v12  }
0x11a: {  	[tilespmem:$0x6E0] =	vst v43;
	v27 =	vshra.s32 v12, $0x1;
	v43 =	vshra.s32 v17, $0x3;
	v17 =	vand.u32 $0x3FF, v17  }
0x11b: {  	[tilespmem:$0x2A0] =	vst v30;
	v19 =	vsel vm14, v19, v20;
	v0 =	vsel vm7, v12, v23;
	v1 =	vadd.s32 $0x1, v24  }
0x11c: {  	[tilespmem:$0x4E0] =	vst v44;
	vm9 =	vlt.u32 v25, $0xFFFB6C20;
	v13 =	vadd.s32 $0x1, v27;
	v12 =	vadd.s32 $0xFFF9E581, v12  }
0x11d: {  	[tilespmem:$0x510] =	vst v53;
	v44 =	vand.u32 $0xFFFFFC00, v43;
	v53 =	vshra.s32 v19, $0x3;
	v19 =	vand.u32 $0x3FF, v19  }
0x11e: {  	[tilespmem:$0x4A0] =	vst v32;
	v23 =	vadd.s32 $0x1, v59;
	vm7 =	vlt.s32 v61, $0x186A0;
	v43 =	vadd.s32 $0xFFF9E580, v37  }
0x11f: {  	[tilespmem:$0x320] =	vst v54;
	v0 =	vadd.s32 $0x1, v0;
	v1 =	vsel vm9, v1, v26;
	v30 =	vsel vm8, v12, v13  }
0x120: {  	[tilespmem:$0x350] =	vst v16;
	v54 =	vand.u32 $0xFFFFFC00, v53;
	v16 =	vsel vm5, v62, v23;
	vm8 =	vgt.s32 v61, $0x61A7F  }
0x121: {  	[tilespmem:$0x6A0] =	vst v31;
	v28 =	vshra.s32 v0, $0x1;
	v0 =	vand.u32 $0xFFF, v0;
	v31 =	vshra.s32 v1, $0x2  }
0x122: {  	[tilespmem:$0x6B0] =	vst v34;
	v1 =	vand.u32 $0x7FF, v1;
	v32 =	vshra.s32 v30, $0x3;
	v34 =	vand.u32 $0x3FF, v30  }
0x123: {  	[tilespmem:$0x2B0] =	vst v33;
	v19 =	vor.u32 v19, v54;
	v14 =	vand.u32 $0xFFFFF000, v28;
	v33 =	vand.u32 $0xFFFFFC00, v32  }
0x124: {  	v32 =	vshra.s32 v61, $0x2;
	v12 =	vor.u32 v0, v14;
	v0 =	vand.u32 $0xFFFFF800, v31  }
0x125: {  	[tilespmem:$0x760] =	vst v5;
	v14 =	vor.u32 v34, v33;
	v31 =	vshra.s32 v61, $0x4;
	v5 =	vadd.s32 $0x1, v32  }
0x126: {  	v33 =	vadd.s32 $0xFFF9E580, v61;
	v34 =	vadd.s32 $0xFFFE7961, v61;
	v13 =	vor.u32 v1, v0  }
0x127: {  	v0 =	vsel vm10, v29, v35;
	v1 =	vadd.s32 $0x1, v36;
	v29 =	vshra.s32 v16, $0x3  }
0x128: {  	[tilespmem:$0x560] =	vst v4;
	v16 =	vand.u32 $0x3FF, v16;
	v4 =	vsel vm7, v61, v31;
	vm9 =	vlt.u32 v33, $0xFFFB6C20  }
0x129: {  	v35 =	vshra.s32 v61, $0x1;
	vm10 =	vlt.s32 v37, $0x186A0;
	v0 =	vadd.s32 $0x1, v0  }
0x12a: {  	[tilespmem:$0x6D0] =	vst v40;
	v1 =	vsel vm12, v1, v38;
	v30 =	vand.u32 $0xFFFFFC00, v29;
	v4 =	vadd.s32 $0x1, v4  }
0x12b: {  	[tilespmem:$0x370] =	vst v6;
	v5 =	vsel vm9, v5, v34;
	v6 =	vadd.s32 $0x1, v35;
	v38 =	vadd.s32 $0xFFF9E581, v61  }
0x12c: {  	[tilespmem:$0x2E0] =	vst v42;
	vm12 =	vlt.u32 v43, $0xFFFB6C20;
	v40 =	vshra.s32 v0, $0x1;
	v0 =	vand.u32 $0xFFF, v0  }
0x12d: {  	[tilespmem:$0x360] =	vst v3;
	v42 =	vshra.s32 v1, $0x2;
	v1 =	vand.u32 $0x7FF, v1;
	v3 =	vor.u32 v16, v30  }
0x12e: {  	v36 =	vshra.s32 v4, $0x1;
	v4 =	vand.u32 $0xFFF, v4;
	v6 =	vsel vm8, v38, v6  }
0x12f: {  	[tilespmem:$0x570] =	vst v7;
	v39 =	vshra.s32 v5, $0x2;
	v5 =	vand.u32 $0x7FF, v5;
	v18 =	vand.u32 $0xFFFFF000, v40  }
0x130: {  	[tilespmem:$0x380] =	vst v9;
	v7 =	vand.u32 $0xFFFFF000, v36;
	v9 =	vshra.s32 v6, $0x3;
	v6 =	vand.u32 $0x3FF, v6  }
0x131: {  	v15 =	vor.u32 v0, v18;
	v0 =	vand.u32 $0xFFFFF800, v42;
	v18 =	vadd.s32 $0x1, v46  }
0x132: {  	[tilespmem:$0x500] =	vst v50;
	v4 =	vor.u32 v4, v7;
	v7 =	vand.u32 $0xFFFFF800, v39;
	v40 =	vand.u32 $0xFFFFFC00, v9  }
0x133: {  	[tilespmem:$0x710] =	vst v52;
	v42 =	vshra.s32 v37, $0x2;
	v0 =	vor.u32 v1, v0;
	v1 =	vor.u32 v17, v44  }
0x134: {  	[tilespmem:$0x340] =	vst v60;
	v17 =	vsel vm13, v41, v45;
	v18 =	vsel vm15, v18, v48;
	v5 =	vor.u32 v5, v7  }
0x135: {  	[tilespmem:$0x550] =	vst v63;
	v6 =	vor.u32 v6, v40;
	v41 =	vshra.s32 v37, $0x4;
	v9 =	vadd.s32 $0x1, v42  }
0x136: {  	[tilespmem:$0x750] =	vst v2;
	v44 =	vadd.s32 $0xFFFE7961, v37;
	v45 =	vshra.s32 v37, $0x1;
	v17 =	vadd.s32 $0x1, v17  }
0x137: {  	[tilespmem:$0x780] =	vst v11;
	v52 =	vshra.s32 v18, $0x2;
	v18 =	vand.u32 $0x7FF, v18;
	v7 =	vsel vm10, v37, v41  }
0x138: {  	[tilespmem:$0x5A0] =	vst v0;
	v0 =	vsel vm12, v9, v44;
	v46 =	vadd.s32 $0x1, v45;
	v50 =	vshra.s32 v17, $0x1  }
0x139: {  	[tilespmem:$0x580] =	vst v10;
	v17 =	vand.u32 $0xFFF, v17;
	v20 =	vand.u32 $0xFFFFF800, v52;
	v7 =	vadd.s32 $0x1, v7  }
0x13a: {  	[tilespmem:$0x7A0] =	vst v1;
	v1 =	vsel vm11, v8, v46;
	v49 =	vshra.s32 v0, $0x2;
	v0 =	vand.u32 $0x7FF, v0  }
0x13b: {  	[tilespmem:$0x7B0] =	vst v19;
	v21 =	vand.u32 $0xFFFFF000, v50;
	v18 =	vor.u32 v18, v20;
	v20 =	vsel vm4, v51, v55  }
0x13c: {  	[tilespmem:$0x390] =	vst v12;
	v48 =	vld [tilespmem:$0x1F0];
	v47 =	vshra.s32 v7, $0x1;
	v7 =	vand.u32 $0xFFF, v7;
	v8 =	vand.u32 $0xFFFFF800, v49  }
0x13d: {  	[tilespmem:$0x790] =	vst v14;
	v50 =	vshra.s32 v1, $0x3;
	v1 =	vand.u32 $0x3FF, v1;
	v17 =	vor.u32 v17, v21  }
0x13e: {  	[tilespmem:$0x590] =	vst v13;
	v20 =	vadd.s32 $0x1, v20;
	v21 =	vadd.s32 $0x1, v56;
	v9 =	vand.u32 $0xFFFFF000, v47  }
0x13f: {  	[tilespmem:$0x7C0] =	vst v3;
	v0 =	vor.u32 v0, v8;
	v51 =	vand.u32 $0xFFFFFC00, v50;
	v21 =	vsel vm6, v21, v58  }
0x140: {  	[tilespmem:$0x3A0] =	vst v15;
	v60 =	vshra.s32 v20, $0x1;
	v20 =	vand.u32 $0xFFF, v20;
	v7 =	vor.u32 v7, v9  }
0x141: {  	[tilespmem:$0x3D0] =	vst v4;
	v1 =	vor.u32 v1, v51;
	vm13 =	vlt.s32 v48, $0x186A0;
	v52 =	vshra.s32 v48, $0x4  }
0x142: {  	[tilespmem:$0x5D0] =	vst v5;
	v53 =	vshra.s32 v48, $0x2;
	v54 =	vadd.s32 $0xFFF9E580, v48;
	v55 =	vadd.s32 $0xFFFE7961, v48  }
0x143: {  	[tilespmem:$0x7D0] =	vst v6;
	v56 =	vshra.s32 v48, $0x1;
	vm15 =	vgt.s32 v48, $0x61A7F;
	v58 =	vadd.s32 $0xFFF9E581, v48  }
0x144: {  	[tilespmem:$0x5B0] =	vst v18;
	v26 =	vand.u32 $0xFFFFF000, v60;
	v27 =	vshra.s32 v21, $0x2;
	v21 =	vand.u32 $0x7FF, v21  }
0x145: {  	[tilespmem:$0x3B0] =	vst v17;
	v3 =	vadd.s32 $0x1, v53;
	vm14 =	vlt.u32 v54, $0xFFFB6C20;
	v4 =	vadd.s32 $0x1, v56  }
0x146: {  	[tilespmem:$0x5E0] =	vst v0;
	v20 =	vor.u32 v20, v26;
	v28 =	vand.u32 $0xFFFFF800, v27;
	v3 =	vsel vm14, v3, v55  }
0x147: {  	[tilespmem:$0x3E0] =	vst v7;
	v59 =	vsel vm15, v58, v4;
	v2 =	vor.u32 v21, v28;
	v60 =	vshra.s32 v3, $0x2  }
0x148: {  	v3 =	vand.u32 $0x7FF, v3;
	v62 =	vshra.s32 v59, $0x3;
	[tilespmem:$0x5C0] =	vst v2;
	v2 =	vsel vm13, v48, v52  }
0x149: {  	[tilespmem:$0x7E0] =	vst v1;
	v0 =	vand.u32 $0x3FF, v59;
	v61 =	vand.u32 $0xFFFFF800, v60;
	v2 =	vadd.s32 $0x1, v2  }
0x14a: {  	[tilespmem:$0x3C0] =	vst v20;
	v63 =	vand.u32 $0xFFFFFC00, v62;
	v1 =	vor.u32 v3, v61;
	v57 =	vshra.s32 v2, $0x1  }
0x14b: {  	v0 =	vor.u32 v0, v63;
	v2 =	vand.u32 $0xFFF, v2;
	[tilespmem:$0x5F0] =	vst v1;
	v5 =	vand.u32 $0xFFFFF000, v57  }
0x14c: {  	[tilespmem:$0x7F0] =	vst v0;
	v2 =	vor.u32 v2, v5  }
0x14d: {  	s10 =	simm.s32 $0x200;
	[tilespmem:$0x3F0] =	vst v2  }
0x14e: {  	[tilespmem:s11], [sflag:$0x1] =	stream.indirect.gather [hbm4b:s3+s9], $0x80, s10, s9, $0xb8;
	[tilespmem:$0x18800] =	vst v63  }
0x14f: {  	_ = 	snop  }
0x150: {  	[tilespmem:s13], [sflag:$0x1] =	stream.indirect.gather [hbm4b:s4+s9], $0x80, s12, s9, $0xb8;
	[tilespmem:$0x18800] =	vst v63  }
0x151: {  	_ = 	snop  }
0x152: {  	[tilespmem:s15], [sflag:$0x1] =	stream.indirect.gather [hbm4b:s5+s9], $0x80, s14, s9, $0xb8;
	[tilespmem:$0x18800] =	vst v63  }
0x153: {  	_ =	swait.ge [sflag:s16], $0x4000  }
0x154: {  	[sflag:s16] =	ssyncset.done $0x0  }
0x155: {  	[sflag:s16] =	ssyncadd.s32 $0xFFFFC000  }
0x156: {  	_ =	swait.ge [sflag:s16], $0x4000  }
0x157: {  	[sflag:s16] =	ssyncset.done $0x0  }
0x158: {  	[sflag:s16] =	ssyncadd.s32 $0xFFFFC000  }
0x159: {  	_ =	swait.ge [sflag:s16], $0x4000  }
0x15a: {  	[sflag:s16] =	ssyncset.done $0x0  }
0x15b: {  	[sflag:s16] =	ssyncadd.s32 $0xFFFFC000  }
0x15c: {  	[tilespmem:s18], [sflag:$0x2] =	stream.indirect.gather [hbm4b:s3+s9], $0x80, s17, s9, $0xb8;
	[tilespmem:$0x18800] =	vst v63  }
0x15d: {  	_ = 	snop  }
0x15e: {  	[tilespmem:s20], [sflag:$0x2] =	stream.indirect.gather [hbm4b:s4+s9], $0x80, s19, s9, $0xb8;
	[tilespmem:$0x18800] =	vst v63  }
0x15f: {  	_ = 	snop  }
0x160: {  	[tilespmem:s22], [sflag:$0x2] =	stream.indirect.gather [hbm4b:s5+s9], $0x80, s21, s9, $0xb8;
	[tilespmem:$0x18800] =	vst v63  }
0x161: {  	s1 =	rddreg [dreg:$0x4]  }
0x162: {  	[hbm4b:s1+s2] =	stream.linear.scatter [tilespmem:s11], [sflag:$0x3], $0x4000, $0x38;
	[tilespmem:$0x18800] =	vst v63  }
0x163: {  	s10 =	rddreg [dreg:$0x5]  }
0x164: {  	[hbm4b:s10+s2] =	stream.linear.scatter [tilespmem:s13], [sflag:$0x3], $0x4000, $0x38;
	[tilespmem:$0x18800] =	vst v63  }
0x165: {  	s1 =	rddreg [dreg:$0x6]  }
0x166: {  	[hbm4b:s1+s2] =	stream.linear.scatter [tilespmem:s15], [sflag:$0x3], $0x4000, $0x38;
	[tilespmem:$0x18800] =	vst v63  }
0x167: {  	_ =	swait.ge [sflag:s23], $0x4000  }
0x168: {  	[sflag:s23] =	ssyncset.done $0x0  }
0x169: {  	[sflag:s23] =	ssyncadd.s32 $0xFFFFC000  }
0x16a: {  	_ =	swait.ge [sflag:s23], $0x4000  }
0x16b: {  	[sflag:s23] =	ssyncset.done $0x0  }
0x16c: {  	[sflag:s23] =	ssyncadd.s32 $0xFFFFC000  }
0x16d: {  	_ =	swait.ge [sflag:s23], $0x4000  }
0x16e: {  	[sflag:s23] =	ssyncset.done $0x0  }
0x16f: {  	[sflag:s23] =	ssyncadd.s32 $0xFFFFC000  }
0x170: {  	_ =	swait.ge [sflag:s24], $0x4000  }
0x171: {  	[sflag:s24] =	ssyncset.done $0x0  }
0x172: {  	[sflag:s24] =	ssyncadd.s32 $0xFFFFC000  }
0x173: {  	_ =	swait.ge [sflag:s24], $0x4000  }
0x174: {  	[sflag:s24] =	ssyncset.done $0x0  }
0x175: {  	[sflag:s24] =	ssyncadd.s32 $0xFFFFC000  }
0x176: {  	_ =	swait.ge [sflag:s24], $0x4000  }
0x177: {  	[sflag:s24] =	ssyncset.done $0x0  }
0x178: {  	[sflag:s24] =	ssyncadd.s32 $0xFFFFC000  }
0x179: {  	[tilespmem:s11], [sflag:$0x1] =	stream.indirect.gather [hbm4b:s3+s9], $0x80, s25, s9, $0xb8;
	[tilespmem:$0x18800] =	vst v63  }
0x17a: {  	_ = 	snop  }
0x17b: {  	[tilespmem:s13], [sflag:$0x1] =	stream.indirect.gather [hbm4b:s4+s9], $0x80, s26, s9, $0xb8;
	[tilespmem:$0x18800] =	vst v63  }
0x17c: {  	_ = 	snop  }
0x17d: {  	[tilespmem:s15], [sflag:$0x1] =	stream.indirect.gather [hbm4b:s5+s9], $0x80, s28, s9, $0xb8;
	[tilespmem:$0x18800] =	vst v63  }
0x17e: {  	s1 =	rddreg [dreg:$0x7]  }
0x17f: {  	[hbm4b:s1+s2] =	stream.linear.scatter [tilespmem:s18], [sflag:$0x4], $0x4000, $0x38;
	[tilespmem:$0x18800] =	vst v63  }
0x180: {  	s10 =	rddreg [dreg:$0x8]  }
0x181: {  	[hbm4b:s10+s2] =	stream.linear.scatter [tilespmem:s20], [sflag:$0x4], $0x4000, $0x38;
	[tilespmem:$0x18800] =	vst v63  }
0x182: {  	s1 =	rddreg [dreg:$0x9]  }
0x183: {  	[hbm4b:s1+s2] =	stream.linear.scatter [tilespmem:s22], [sflag:$0x4], $0x4000, $0x38;
	[tilespmem:$0x18800] =	vst v63  }
0x184: {  	_ =	swait.ge [sflag:s16], $0x4000  }
0x185: {  	[sflag:s16] =	ssyncset.done $0x0  }
0x186: {  	[sflag:s16] =	ssyncadd.s32 $0xFFFFC000  }
0x187: {  	_ =	swait.ge [sflag:s16], $0x4000  }
0x188: {  	[sflag:s16] =	ssyncset.done $0x0  }
0x189: {  	[sflag:s16] =	ssyncadd.s32 $0xFFFFC000  }
0x18a: {  	_ =	swait.ge [sflag:s16], $0x4000  }
0x18b: {  	[sflag:s16] =	ssyncset.done $0x0  }
0x18c: {  	[sflag:s16] =	ssyncadd.s32 $0xFFFFC000  }
0x18d: {  	_ =	swait.ge [sflag:s29], $0x4000  }
0x18e: {  	[sflag:s29] =	ssyncset.done $0x0  }
0x18f: {  	[sflag:s29] =	ssyncadd.s32 $0xFFFFC000  }
0x190: {  	_ =	swait.ge [sflag:s29], $0x4000  }
0x191: {  	[sflag:s29] =	ssyncset.done $0x0  }
0x192: {  	[sflag:s29] =	ssyncadd.s32 $0xFFFFC000  }
0x193: {  	_ =	swait.ge [sflag:s29], $0x4000  }
0x194: {  	[sflag:s29] =	ssyncset.done $0x0  }
0x195: {  	[sflag:s29] =	ssyncadd.s32 $0xFFFFC000  }
0x196: {  	[tilespmem:s18], [sflag:$0x2] =	stream.indirect.gather [hbm4b:s3+s9], $0x80, s30, s9, $0xb8;
	[tilespmem:$0x18800] =	vst v63  }
0x197: {  	_ = 	snop  }
0x198: {  	[tilespmem:s20], [sflag:$0x2] =	stream.indirect.gather [hbm4b:s4+s9], $0x80, s31, s9, $0xb8;
	[tilespmem:$0x18800] =	vst v63  }
0x199: {  	_ = 	snop  }
0x19a: {  	[tilespmem:s22], [sflag:$0x2] =	stream.indirect.gather [hbm4b:s5+s9], $0x80, s0, s9, $0xb8;
	[tilespmem:$0x18800] =	vst v63  }
0x19b: {  	s1 =	rddreg [dreg:$0xa]  }
0x19c: {  	[hbm4b:s1+s2] =	stream.linear.scatter [tilespmem:s11], [sflag:$0x3], $0x4000, $0x38;
	[tilespmem:$0x18800] =	vst v63  }
0x19d: {  	s10 =	rddreg [dreg:$0xb]  }
0x19e: {  	[hbm4b:s10+s2] =	stream.linear.scatter [tilespmem:s13], [sflag:$0x3], $0x4000, $0x38;
	[tilespmem:$0x18800] =	vst v63  }
0x19f: {  	s1 =	rddreg [dreg:$0xc]  }
0x1a0: {  	[hbm4b:s1+s2] =	stream.linear.scatter [tilespmem:s15], [sflag:$0x3], $0x4000, $0x38;
	[tilespmem:$0x18800] =	vst v63  }
0x1a1: {  	_ =	swait.ge [sflag:s23], $0x4000  }
0x1a2: {  	[sflag:s23] =	ssyncset.done $0x0  }
0x1a3: {  	[sflag:s23] =	ssyncadd.s32 $0xFFFFC000  }
0x1a4: {  	_ =	swait.ge [sflag:s23], $0x4000  }
0x1a5: {  	[sflag:s23] =	ssyncset.done $0x0  }
0x1a6: {  	[sflag:s23] =	ssyncadd.s32 $0xFFFFC000  }
0x1a7: {  	_ =	swait.ge [sflag:s23], $0x4000  }
0x1a8: {  	[sflag:s23] =	ssyncset.done $0x0  }
0x1a9: {  	s1 =	rddreg [dreg:$0xd];
	[sflag:s23] =	ssyncadd.s32 $0xFFFFC000  }
0x1aa: {  	[hbm4b:s1+s2] =	stream.linear.scatter [tilespmem:s18], [sflag:$0x4], $0x4000, $0x38;
	[tilespmem:$0x18800] =	vst v63  }
0x1ab: {  	s10 =	rddreg [dreg:$0xe]  }
0x1ac: {  	[hbm4b:s10+s2] =	stream.linear.scatter [tilespmem:s20], [sflag:$0x4], $0x4000, $0x38;
	[tilespmem:$0x18800] =	vst v63  }
0x1ad: {  	_ = 	snop  }
0x1ae: {  	[hbm4b:s6+s2] =	stream.linear.scatter [tilespmem:s22], [sflag:$0x4], $0x4000, $0x38;
	[tilespmem:$0x18800] =	vst v63  }
0x1af: {  	_ =	swait.ge [sflag:s24], $0x4000  }
0x1b0: {  	[sflag:s24] =	ssyncset.done $0x0  }
0x1b1: {  	[sflag:s24] =	ssyncadd.s32 $0xFFFFC000  }
0x1b2: {  	_ =	swait.ge [sflag:s24], $0x4000  }
0x1b3: {  	[sflag:s24] =	ssyncset.done $0x0  }
0x1b4: {  	[sflag:s24] =	ssyncadd.s32 $0xFFFFC000  }
0x1b5: {  	_ =	swait.ge [sflag:s24], $0x4000  }
0x1b6: {  	[sflag:s24] =	ssyncset.done $0x0  }
0x1b7: {  	[sflag:s24] =	ssyncadd.s32 $0xFFFFC000  }
0x1b8: {  	_ =	swait.ge [sflag:s29], $0x4000  }
0x1b9: {  	[sflag:s29] =	ssyncset.done $0x0  }
0x1ba: {  	[sflag:s29] =	ssyncadd.s32 $0xFFFFC000  }
0x1bb: {  	p0 =	sne.s32 s7, $0x1;
	_ =	swait.ge [sflag:s29], $0x4000  }
.Ltmp0:
0x1bc: {  	[sflag:s29] =	ssyncset.done $0x0;
	(pc) =	sbr.rel @p0 .LBB2_1-.Ltmp0, $4  }
0x1bd: {  	[sflag:s29] =	ssyncadd.s32 $0xFFFFC000  }
0x1be: {  	_ =	swait.ge [sflag:s29], $0x4000  }
0x1bf: {  	[sflag:s29] =	ssyncset.done $0x0  }
0x1c0: {  	s7 =	sadd.s32 $0xFFFFFFFF, s7;
	[sflag:s29] =	ssyncadd.s32 $0xFFFFC000  }
0x1c1: {  	_ =	sfence.sel $0x180000  }
0x1c2: {  	[bflag:$0x0] =	sbarrier.arrive $0xFFFF  }
0x1c3: {  	_ =	strace $0x90000047  }
0x1c4: {  	s0 =	stileid.u32;
	[bflag:$0x2] =	sbarrier.arrive $0xFFFF  }
0x1c5: {  	p0 =	sne.s32 s0, $0x0;
	s0 =	rddreg [dreg:$0x2]  }
0x1c6: {  	s0 =	sadd.s32 @!p0 $0x100000, s0  }
0x1c7: {  	[sflag:s0] =	ssyncadd.tile.s32 @!p0 $0x1;
	_ =	shalt  }
.Lfunc_end2:
_tile_overlayer_lowered:
.L_overlay_start_2:
0x1c8: {  	(tag) =	ssettag $0x2  }
0x1c9: {  	s0 =	rddreg [dreg:$0x0];
	s2 =	stileid.u32  }
0x1ca: {  	s1 =	rddreg [dreg:$0x1];
	p0 =	sne.s32 s2, $0x0  }
0x1cb: {  	s3 =	rddreg [dreg:$0x2];
	[bflag:$0x3] =	sbarrier.arrive $0xFFFF;
	s2 =	simm.s32 @!p0 $0x1C05  }
0x1cc: {  	[timem:s3], [sflag:s2] =	dma.local @!p0 [hbm:s0], s1  }
0x1cd: {  	s0 =	simm.s32 @!p0 $0x5  }
0x1ce: {  	_ =	swait.ge @!p0 [sflag:s0], s1  }
0x1cf: {  	s1 =	ssub.s32 @!p0 $0x0, s1;
	[sflag:s0] =	ssyncset.done @!p0 $0x0  }
0x1d0: {  	[sflag:s0] =	ssyncadd.s32 @!p0 s1  }
0x1d1: {  	[bflag:$0x3] =	sbarrier.arrive $0xFFFF  }
0x1d2: {  	_ =	shalt  }

</sc_bundles>
